<compile_context>
chip_gen: v7x
topology: tpu7x:2x2x1
jax: 0.10.2.dev20260603
libtpu: 0.0.44.dev20260713+nightly
codegen_flags: <defaults>
</compile_context>

<pallas_src>
import functools

import jax
import jax.numpy as jnp
from jax import lax
from jax.experimental import pallas as pl
from jax.experimental.pallas import tpu as pltpu
from jax.experimental.pallas import tpu_sc as plsc

N = 10000
E = 320000
D_IN = 128
H = 32
G = 64
D_OUT = 128

NC = 2
NS = 16
NW = NC * NS

CHUNK = 128
OPS_PER_TILE = 80
REAL_CHUNKS = E // CHUNK
LAST_REAL = REAL_CHUNKS - (NW - 1) * OPS_PER_TILE
PAD_OPS = OPS_PER_TILE - LAST_REAL
NP = 10240
ROWS_PER_TILE = NP // NS


_sc_mesh = plsc.VectorSubcoreMesh(core_axis_name="c", subcore_axis_name="s")


@functools.partial(
    pl.kernel,
    out_type=jax.ShapeDtypeStruct((NC * NP, H), jnp.float32),
    mesh=_sc_mesh,
    scratch_types=[
        pltpu.VMEM((OPS_PER_TILE, CHUNK), jnp.int32),
        pltpu.VMEM((OPS_PER_TILE, CHUNK), jnp.int32),
        pltpu.VMEM((CHUNK, H), jnp.float32),
        pltpu.VMEM((CHUNK, H), jnp.float32),
        pltpu.VMEM((CHUNK, H), jnp.float32),
        pltpu.VMEM((CHUNK, H), jnp.float32),
        pltpu.VMEM_SHARED((NP, H), jnp.float32),
        pltpu.VMEM_SHARED((NP, H), jnp.float32),
        pltpu.SemaphoreType.DMA,
        pltpu.SemaphoreType.DMA,
        pltpu.SemaphoreType.DMA,
        pltpu.SemaphoreType.DMA,
        pltpu.SemaphoreType.DMA,
        pltpu.SemaphoreType.DMA,
        pltpu.SemaphoreType.DMA,
        pltpu.SemaphoreType.DMA,
    ],
    compiler_params=pltpu.CompilerParams(use_tc_tiling_on_sc=False),
)
def _sc_segment_sum(z_hbm, src_hbm, dst_hbm, zeros_hbm, pad_hbm, out_hbm,
                    sidx, didx, rb0, rb1, rb2, rb3, zsp, acc,
                    g0, g1, g2, g3, s0, s1, s2, s3):
    c = lax.axis_index("c")
    s = lax.axis_index("s")
    wid = s * NC + c
    r0 = s * ROWS_PER_TILE

    st_z = pltpu.make_async_copy(z_hbm.at[pl.ds(r0, ROWS_PER_TILE)],
                                 zsp.at[pl.ds(r0, ROWS_PER_TILE)], g2)
    st_acc = pltpu.make_async_copy(zeros_hbm.at[pl.ds(r0, ROWS_PER_TILE)],
                                   acc.at[pl.ds(r0, ROWS_PER_TILE)], g3)
    st_z.start()
    st_acc.start()

    @pl.when(wid < NW - 1)
    def _():
        a = pltpu.make_async_copy(
            src_hbm.at[pl.ds(wid * OPS_PER_TILE, OPS_PER_TILE)], sidx, g0)
        b = pltpu.make_async_copy(
            dst_hbm.at[pl.ds(wid * OPS_PER_TILE, OPS_PER_TILE)], didx, g1)
        a.start()
        b.start()
        a.wait()
        b.wait()

    @pl.when(wid == NW - 1)
    def _():
        a = pltpu.make_async_copy(
            src_hbm.at[pl.ds((NW - 1) * OPS_PER_TILE, LAST_REAL)],
            sidx.at[pl.ds(0, LAST_REAL)], g0)
        b = pltpu.make_async_copy(
            dst_hbm.at[pl.ds((NW - 1) * OPS_PER_TILE, LAST_REAL)],
            didx.at[pl.ds(0, LAST_REAL)], g1)
        cpad = pltpu.make_async_copy(
            pad_hbm, sidx.at[pl.ds(LAST_REAL, PAD_OPS)], s0)
        dpad = pltpu.make_async_copy(
            pad_hbm, didx.at[pl.ds(LAST_REAL, PAD_OPS)], s1)
        a.start()
        b.start()
        cpad.start()
        dpad.start()
        a.wait()
        b.wait()
        cpad.wait()
        dpad.wait()

    st_z.wait()
    st_acc.wait()
    plsc.subcore_barrier()

    bufs = (rb0, rb1, rb2, rb3)
    gsem = (g0, g1, g2, g3)
    ssem = (s0, s1, s2, s3)

    def _drain(j, sems):
        pltpu.make_async_copy(z_hbm.at[pl.ds(0, CHUNK)], bufs[j],
                              sems[j]).wait()

    def _gat(k, j):
        pltpu.async_copy(zsp.at[sidx.at[k]], bufs[j], gsem[j])

    def _scat(k, j):
        pltpu.async_copy(bufs[j], acc.at[didx.at[k]], ssem[j], add=True)

    def _step(k, j, lookahead):
        _drain(j, gsem)
        _scat(k, j)
        if lookahead:
            _drain((j + 2) % 4, ssem)
            _gat(k + 2, (j + 2) % 4)

    _gat(0, 0)
    _gat(1, 1)
    _drain(0, gsem); _scat(0, 0); _gat(2, 2)
    _drain(1, gsem); _scat(1, 1); _gat(3, 3)
    _step(2, 2, True)
    _step(3, 3, True)

    def body(b, carry):
        k = 4 * b
        _step(k, 0, True)
        _step(k + 1, 1, True)
        _step(k + 2, 2, True)
        _step(k + 3, 3, True)
        return carry

    lax.fori_loop(1, OPS_PER_TILE // 4 - 1, body, 0)

    _step(OPS_PER_TILE - 4, 0, True)
    _step(OPS_PER_TILE - 3, 1, True)
    _drain(2, gsem); _scat(OPS_PER_TILE - 2, 2)
    _drain(3, gsem); _scat(OPS_PER_TILE - 1, 3)
    _drain(0, ssem)
    _drain(1, ssem)
    _drain(2, ssem)
    _drain(3, ssem)
    plsc.subcore_barrier()

    pltpu.sync_copy(acc.at[pl.ds(r0, ROWS_PER_TILE)],
                    out_hbm.at[pl.ds(c * NP + r0, ROWS_PER_TILE)])


NPR = NP // 4
NRR = N // 4
PW = 4 * H


def _fold4(v):
    return v[:, 0:H] + v[:, H:2 * H] + v[:, 2 * H:3 * H] + v[:, 3 * H:4 * H]


def _tile4(v):
    return jnp.concatenate([v, v, v, v], axis=1)


def _proj_body(x_ref, w_ref, o_ref):
    o_ref[:NRR, :] = jnp.dot(x_ref[...], w_ref[...],
                             preferred_element_type=jnp.float32)
    o_ref[NRR:, :] = jnp.zeros((NPR - NRR, PW), jnp.float32)


def _proj(x4, w1bd):
    return pl.pallas_call(
        _proj_body,
        out_shape=jax.ShapeDtypeStruct((NPR, PW), jnp.float32),
    )(x4, w1bd)


def _bn_tail(pre, gamma_ref, beta_ref, w2bd_ref, b2_ref):
    s1 = _fold4(jnp.sum(pre, axis=0, keepdims=True)) / N
    s2 = _fold4(jnp.sum(pre * pre, axis=0, keepdims=True)) / N
    mean = _tile4(s1)
    var = _tile4(s2 - s1 * s1)
    hn = (pre - mean) * lax.rsqrt(var + 1e-5) * gamma_ref[...] + beta_ref[...]
    hn = jnp.maximum(hn, 0.0)
    h2 = jnp.dot(hn, w2bd_ref[...],
                 preferred_element_type=jnp.float32) + b2_ref[...]
    return jnp.maximum(h2, 0.0)


def _mid_body(z_ref, part_ref, b1_ref, gamma_ref, beta_ref, w2bd_ref, b2_ref,
              wnbd_ref, o_ref):
    pre = (z_ref[:NRR, :] + part_ref[:NRR, :]
           + part_ref[NPR:NPR + NRR, :] + b1_ref[...])
    h2 = _bn_tail(pre, gamma_ref, beta_ref, w2bd_ref, b2_ref)
    o_ref[:NRR, :] = jnp.dot(h2, wnbd_ref[...],
                             preferred_element_type=jnp.float32)
    o_ref[NRR:, :] = jnp.zeros((NPR - NRR, PW), jnp.float32)


def _mid(z, partp, pp):
    return pl.pallas_call(
        _mid_body,
        out_shape=jax.ShapeDtypeStruct((NPR, PW), jnp.float32),
    )(z, partp, pp["b1"], pp["gamma"], pp["beta"], pp["W2bd"], pp["b2"],
      pp["Wnbd"])


def _last_body(z_ref, part_ref, b1_ref, gamma_ref, beta_ref, w2bd_ref, b2_ref,
               hw1bd_ref, batch_ref, hb1_ref, hw2_ref, hb2_ref, o_ref):
    pre = (z_ref[:NRR, :] + part_ref[:NRR, :]
           + part_ref[NPR:NPR + NRR, :] + b1_ref[...])
    h2 = _bn_tail(pre, gamma_ref, beta_ref, w2bd_ref, b2_ref)
    hz = jnp.dot(h2, hw1bd_ref[...], preferred_element_type=jnp.float32)
    gids = lax.broadcasted_iota(jnp.int32, (G, NRR), 0)
    pooled = jnp.zeros((G, H), jnp.float32)
    for j in range(4):
        onehot = jnp.where(gids == batch_ref[j:j + 1, :NRR], 1.0, 0.0)
        pooled = pooled + jnp.dot(onehot, hz[:, j * H:(j + 1) * H],
                                  preferred_element_type=jnp.float32)
    hh = jnp.maximum(pooled + hb1_ref[...], 0.0)
    o_ref[...] = jnp.dot(hh, hw2_ref[...],
                         preferred_element_type=jnp.float32) + hb2_ref[...]


def _last(z, partp, pp, head, batchp):
    return pl.pallas_call(
        _last_body,
        out_shape=jax.ShapeDtypeStruct((G, D_OUT), jnp.float32),
    )(z, partp, pp["b1"], pp["gamma"], pp["beta"], pp["W2bd"], pp["b2"],
      jnp.kron(jnp.eye(4, dtype=jnp.float32), head["W1"]), batchp,
      head["b1"].reshape(1, H), head["W2"], head["b2"].reshape(1, D_OUT))


def _pack_params(p, w_next):
    eye4 = jnp.eye(4, dtype=jnp.float32)
    return {
        "b1": _tile4(p["b1"].reshape(1, H)),
        "gamma": _tile4(p["gamma"].reshape(1, H)),
        "beta": _tile4(p["beta"].reshape(1, H)),
        "W2bd": jnp.kron(eye4, p["W2"]),
        "b2": _tile4(p["b2"].reshape(1, H)),
        "Wnbd": None if w_next is None else jnp.kron(eye4, w_next),
    }


def kernel(x, edge_index, batch, params):
    src = edge_index[0].reshape(REAL_CHUNKS, CHUNK)
    dst = edge_index[1].reshape(REAL_CHUNKS, CHUNK)
    convs = params["convs"]
    zeros = jnp.zeros((NP, H), jnp.float32)
    pad_idx = jnp.full((PAD_OPS, CHUNK), N, jnp.int32)
    w1bd0 = jnp.kron(jnp.eye(4, dtype=jnp.float32), convs[0]["W1"])
    batchp = jnp.concatenate(
        [batch, jnp.full((NP - N,), G, jnp.int32)]).reshape(NPR, 4).T
    z = _proj(x.reshape(NRR, 4 * D_IN), w1bd0)
    for l in range(5):
        part = _sc_segment_sum(z.reshape(NP, H), src, dst, zeros, pad_idx)
        partp = part.reshape(2 * NPR, PW)
        if l < 4:
            z = _mid(z, partp, _pack_params(convs[l], convs[l + 1]["W1"]))
        else:
            out = _last(z, partp, _pack_params(convs[4], None),
                        params["head"], batchp)
    return out

# --- scband reference (transcript-rebuilt; emitter-appended) ---
"""Pipeline reference for scband-gin-87978110091556 (READ-ONLY COPY).

The authoritative reference and input builder live on the scoring server;
editing this copy changes nothing except your own understanding.
"""

import jax, jax.numpy as jnp
import numpy as np

N = 10000
E = 320000
D_IN = 128
H = 32
G = 64
D_OUT = 128

def _linear_init(key, din, dout):
    k1, k2 = jax.random.split(key)
    bound = float(1.0 / np.sqrt(din))
    W = jax.random.uniform(k1, (din, dout), minval=-bound, maxval=bound, dtype=jnp.float32)
    b = jax.random.uniform(k2, (dout,), minval=-bound, maxval=bound, dtype=jnp.float32)
    return W, b

def setup_inputs(seed: int = 0):
    key = jax.random.key(seed)
    ks = jax.random.split(key, 20)
    x = jax.random.normal(ks[0], (N, D_IN), dtype=jnp.float32)
    edge_index = jax.random.randint(ks[1], (2, E), 0, N, dtype=jnp.int32)
    batch = jnp.sort(jax.random.randint(ks[2], (N,), 0, G, dtype=jnp.int32))
    convs = []
    din = D_IN
    for i in range(5):
        kk = jax.random.split(ks[3 + i], 2)
        W1, b1 = _linear_init(kk[0], din, H)
        W2, b2 = _linear_init(kk[1], H, H)
        convs.append({"W1": W1, "b1": b1,
                      "gamma": jnp.ones((H,), jnp.float32),
                      "beta": jnp.zeros((H,), jnp.float32),
                      "W2": W2, "b2": b2})
        din = H
    hk = jax.random.split(ks[10], 2)
    hW1, hb1 = _linear_init(hk[0], H, H)
    hW2, hb2 = _linear_init(hk[1], H, D_OUT)
    params = {"convs": convs, "head": {"W1": hW1, "b1": hb1, "W2": hW2, "b2": hb2}}
    return {"x": x, "edge_index": edge_index, "batch": batch, "params": params}

def _conv_mlp(p, h):
    # PyG MLP([din, 32, 32]): Linear -> BatchNorm (train-mode batch stats) -> ReLU -> Linear (plain last)
    h = h @ p["W1"] + p["b1"]
    mean = jnp.mean(h, axis=0)
    var = jnp.var(h, axis=0)
    h = (h - mean) / jnp.sqrt(var + 1e-5) * p["gamma"] + p["beta"]
    h = jax.nn.relu(h)
    h = h @ p["W2"] + p["b2"]
    return h

def _forward(x, params, edge_index, batch):
    src = edge_index[0]
    dst = edge_index[1]
    h = x
    for p in params["convs"]:
        # GINConv (eps=0): mlp((1+eps)*x + sum_{j in N(i)} x_j)
        agg = jax.ops.segment_sum(h[src], dst, num_segments=N)
        h = _conv_mlp(p, h + agg)
        h = jax.nn.relu(h)
    pooled = jax.ops.segment_sum(h, batch, num_segments=G)
    # head MLP([32, 32, out], norm=None): Linear -> ReLU -> (dropout: identity in eval) -> Linear
    hh = jax.nn.relu(pooled @ params["head"]["W1"] + params["head"]["b1"])
    return hh @ params["head"]["W2"] + params["head"]["b2"]

def reference(x, edge_index, batch, params):
    return _forward(x, params, edge_index, batch)

if __name__ == "__main__":
    import jax
    _d = setup_inputs()
    print(jax.jit(kernel)(*tuple(_d.values())))

</pallas_src>

<mosaic_0001>
#map = affine_map<(d0, d1) -> (0, 0)>
module attributes {stable_mosaic.version = 14 : i64} {
  func.func @_sc_segment_sum(%arg0: i32, %arg1: i32, %arg2: memref<10240x32xf32, #tpu.memory_space<hbm>>, %arg3: memref<2500x128xi32, #tpu.memory_space<hbm>>, %arg4: memref<2500x128xi32, #tpu.memory_space<hbm>>, %arg5: memref<10240x32xf32, #tpu.memory_space<hbm>>, %arg6: memref<60x128xi32, #tpu.memory_space<hbm>>, %arg7: memref<20480x32xf32, #tpu.memory_space<hbm>>, %arg8: memref<80x128xi32, #tpu.memory_space<vmem>>, %arg9: memref<80x128xi32, #tpu.memory_space<vmem>>, %arg10: memref<128x32xf32, #tpu.memory_space<vmem>>, %arg11: memref<128x32xf32, #tpu.memory_space<vmem>>, %arg12: memref<128x32xf32, #tpu.memory_space<vmem>>, %arg13: memref<128x32xf32, #tpu.memory_space<vmem>>, %arg14: memref<10240x32xf32, #tpu.memory_space<vmem_shared>>, %arg15: memref<10240x32xf32, #tpu.memory_space<vmem_shared>>, %arg16: memref<!tpu.dma_semaphore, #tpu.memory_space<semaphore_mem>>, %arg17: memref<!tpu.dma_semaphore, #tpu.memory_space<semaphore_mem>>, %arg18: memref<!tpu.dma_semaphore, #tpu.memory_space<semaphore_mem>>, %arg19: memref<!tpu.dma_semaphore, #tpu.memory_space<semaphore_mem>>, %arg20: memref<!tpu.dma_semaphore, #tpu.memory_space<semaphore_mem>>, %arg21: memref<!tpu.dma_semaphore, #tpu.memory_space<semaphore_mem>>, %arg22: memref<!tpu.dma_semaphore, #tpu.memory_space<semaphore_mem>>, %arg23: memref<!tpu.dma_semaphore, #tpu.memory_space<semaphore_mem>>) attributes {dimension_semantics = [#tpu.dimension_semantics<core_parallel>, #tpu.dimension_semantics<subcore_parallel>], iteration_bounds = array<i64: 2, 16>, scalar_prefetch = 0 : i64, scratch_operands = 16 : i64, tpu.core_type = #tpu.core_type<sc_vector_subcore>, window_params = [{transform_indices = #map}, {transform_indices = #map}, {transform_indices = #map}, {transform_indices = #map}, {transform_indices = #map}, {transform_indices = #map}]} {
    %mul3A = arith.constant 2 : i32
    %mul3A_0 = arith.muli %arg1, %mul3A : i32
    %add3A = arith.addi %mul3A_0, %arg0 : i32
    %mul3A_1 = arith.constant 640 : i32
    %mul3A_2 = arith.muli %arg1, %mul3A_1 : i32
    %dma_start3A = arith.constant 0 : i32
    %dma_start3A_3 = tpu.memref_slice %arg14[%mul3A_2, %dma_start3A] : memref<10240x32xf32, #tpu.memory_space<vmem_shared>> -> memref<640x32xf32, #tpu.memory_space<vmem_shared>>
    %dma_start3A_4 = arith.constant 0 : i32
    %dma_start3A_5 = tpu.memref_slice %arg2[%mul3A_2, %dma_start3A_4] : memref<10240x32xf32, #tpu.memory_space<hbm>> -> memref<640x32xf32, #tpu.memory_space<hbm>>
    tpu.enqueue_dma source(%dma_start3A_5 : memref<640x32xf32, #tpu.memory_space<hbm>>) target(%dma_start3A_3 : memref<640x32xf32, #tpu.memory_space<vmem_shared>>) target_semaphore(%arg18 : memref<!tpu.dma_semaphore, #tpu.memory_space<semaphore_mem>>)
    %dma_start3A_6 = arith.constant 0 : i32
    %dma_start3A_7 = tpu.memref_slice %arg15[%mul3A_2, %dma_start3A_6] : memref<10240x32xf32, #tpu.memory_space<vmem_shared>> -> memref<640x32xf32, #tpu.memory_space<vmem_shared>>
    %dma_start3A_8 = arith.constant 0 : i32
    %dma_start3A_9 = tpu.memref_slice %arg5[%mul3A_2, %dma_start3A_8] : memref<10240x32xf32, #tpu.memory_space<hbm>> -> memref<640x32xf32, #tpu.memory_space<hbm>>
    tpu.enqueue_dma source(%dma_start3A_9 : memref<640x32xf32, #tpu.memory_space<hbm>>) target(%dma_start3A_7 : memref<640x32xf32, #tpu.memory_space<vmem_shared>>) target_semaphore(%arg19 : memref<!tpu.dma_semaphore, #tpu.memory_space<semaphore_mem>>)
    %lt3A = arith.constant 31 : i32
    %lt3A_10 = arith.cmpi slt, %add3A, %lt3A : i32
    %convert_element_type3A = arith.extui %lt3A_10 : i1 to i32
    %cond3A = arith.constant 0 : i32
    %cond3A_11 = arith.cmpi ne, %convert_element_type3A, %cond3A : i32
    scf.if %cond3A_11 {
      %mul3A_240 = arith.constant 80 : i32
      %mul3A_241 = arith.muli %add3A, %mul3A_240 : i32
      %mul3A_242 = arith.constant 80 : i32
      %mul3A_243 = arith.muli %add3A, %mul3A_242 : i32
      %dma_start3A_244 = arith.constant 0 : i32
      %dma_start3A_245 = tpu.memref_slice %arg3[%mul3A_241, %dma_start3A_244] : memref<2500x128xi32, #tpu.memory_space<hbm>> -> memref<80x128xi32, #tpu.memory_space<hbm>>
      %dma_start3A_246 = arith.constant 0 : i32
      %dma_start3A_247 = tpu.memref_slice %arg3[%mul3A_241, %dma_start3A_246] : memref<2500x128xi32, #tpu.memory_space<hbm>> -> memref<80x128xi32, #tpu.memory_space<hbm>>
      tpu.enqueue_dma source(%dma_start3A_247 : memref<80x128xi32, #tpu.memory_space<hbm>>) target(%arg8 : memref<80x128xi32, #tpu.memory_space<vmem>>) target_semaphore(%arg16 : memref<!tpu.dma_semaphore, #tpu.memory_space<semaphore_mem>>)
      %dma_start3A_248 = arith.constant 0 : i32
      %dma_start3A_249 = tpu.memref_slice %arg4[%mul3A_243, %dma_start3A_248] : memref<2500x128xi32, #tpu.memory_space<hbm>> -> memref<80x128xi32, #tpu.memory_space<hbm>>
      %dma_start3A_250 = arith.constant 0 : i32
      %dma_start3A_251 = tpu.memref_slice %arg4[%mul3A_243, %dma_start3A_250] : memref<2500x128xi32, #tpu.memory_space<hbm>> -> memref<80x128xi32, #tpu.memory_space<hbm>>
      tpu.enqueue_dma source(%dma_start3A_251 : memref<80x128xi32, #tpu.memory_space<hbm>>) target(%arg9 : memref<80x128xi32, #tpu.memory_space<vmem>>) target_semaphore(%arg17 : memref<!tpu.dma_semaphore, #tpu.memory_space<semaphore_mem>>)
      %dma_wait3A_252 = arith.constant 0 : i32
      %dma_wait3A_253 = tpu.memref_slice %arg3[%mul3A_241, %dma_wait3A_252] : memref<2500x128xi32, #tpu.memory_space<hbm>> -> memref<80x128xi32, #tpu.memory_space<hbm>>
      %dma_wait3A_254 = arith.constant 0 : i32
      %dma_wait3A_255 = tpu.memref_slice %arg3[%mul3A_241, %dma_wait3A_254] : memref<2500x128xi32, #tpu.memory_space<hbm>> -> memref<80x128xi32, #tpu.memory_space<hbm>>
      tpu.wait_dma2 semaphore(%arg16 : memref<!tpu.dma_semaphore, #tpu.memory_space<semaphore_mem>>) src(%dma_wait3A_255 : memref<80x128xi32, #tpu.memory_space<hbm>>) dst(%arg8 : memref<80x128xi32, #tpu.memory_space<vmem>>)
      %dma_wait3A_256 = arith.constant 0 : i32
      %dma_wait3A_257 = tpu.memref_slice %arg4[%mul3A_243, %dma_wait3A_256] : memref<2500x128xi32, #tpu.memory_space<hbm>> -> memref<80x128xi32, #tpu.memory_space<hbm>>
      %dma_wait3A_258 = arith.constant 0 : i32
      %dma_wait3A_259 = tpu.memref_slice %arg4[%mul3A_243, %dma_wait3A_258] : memref<2500x128xi32, #tpu.memory_space<hbm>> -> memref<80x128xi32, #tpu.memory_space<hbm>>
      tpu.wait_dma2 semaphore(%arg17 : memref<!tpu.dma_semaphore, #tpu.memory_space<semaphore_mem>>) src(%dma_wait3A_259 : memref<80x128xi32, #tpu.memory_space<hbm>>) dst(%arg9 : memref<80x128xi32, #tpu.memory_space<vmem>>)
    } else {
    }
    %eq3A = arith.constant 31 : i32
    %eq3A_12 = arith.cmpi eq, %add3A, %eq3A : i32
    %convert_element_type3A_13 = arith.extui %eq3A_12 : i1 to i32
    %cond3A_14 = arith.constant 0 : i32
    %cond3A_15 = arith.cmpi ne, %convert_element_type3A_13, %cond3A_14 : i32
    scf.if %cond3A_15 {
      %dma_start3A_240 = arith.constant 0 : i32
      %dma_start3A_241 = arith.constant 0 : i32
      %dma_start3A_242 = tpu.memref_slice %arg8[%dma_start3A_240, %dma_start3A_241] : memref<80x128xi32, #tpu.memory_space<vmem>> -> memref<20x128xi32, #tpu.memory_space<vmem>>
      %dma_start3A_243 = arith.constant 2480 : i32
      %dma_start3A_244 = arith.constant 0 : i32
      %dma_start3A_245 = tpu.memref_slice %arg3[%dma_start3A_243, %dma_start3A_244] : memref<2500x128xi32, #tpu.memory_space<hbm>> -> memref<20x128xi32, #tpu.memory_space<hbm>>
      %dma_start3A_246 = arith.constant 0 : i32
      %dma_start3A_247 = arith.constant 0 : i32
      %dma_start3A_248 = tpu.memref_slice %arg8[%dma_start3A_246, %dma_start3A_247] : memref<80x128xi32, #tpu.memory_space<vmem>> -> memref<20x128xi32, #tpu.memory_space<vmem>>
      %dma_start3A_249 = arith.constant 2480 : i32
      %dma_start3A_250 = arith.constant 0 : i32
      %dma_start3A_251 = tpu.memref_slice %arg3[%dma_start3A_249, %dma_start3A_250] : memref<2500x128xi32, #tpu.memory_space<hbm>> -> memref<20x128xi32, #tpu.memory_space<hbm>>
      tpu.enqueue_dma source(%dma_start3A_251 : memref<20x128xi32, #tpu.memory_space<hbm>>) target(%dma_start3A_248 : memref<20x128xi32, #tpu.memory_space<vmem>>) target_semaphore(%arg16 : memref<!tpu.dma_semaphore, #tpu.memory_space<semaphore_mem>>)
      %dma_start3A_252 = arith.constant 0 : i32
      %dma_start3A_253 = arith.constant 0 : i32
      %dma_start3A_254 = tpu.memref_slice %arg9[%dma_start3A_252, %dma_start3A_253] : memref<80x128xi32, #tpu.memory_space<vmem>> -> memref<20x128xi32, #tpu.memory_space<vmem>>
      %dma_start3A_255 = arith.constant 2480 : i32
      %dma_start3A_256 = arith.constant 0 : i32
      %dma_start3A_257 = tpu.memref_slice %arg4[%dma_start3A_255, %dma_start3A_256] : memref<2500x128xi32, #tpu.memory_space<hbm>> -> memref<20x128xi32, #tpu.memory_space<hbm>>
      %dma_start3A_258 = arith.constant 0 : i32
      %dma_start3A_259 = arith.constant 0 : i32
      %dma_start3A_260 = tpu.memref_slice %arg9[%dma_start3A_258, %dma_start3A_259] : memref<80x128xi32, #tpu.memory_space<vmem>> -> memref<20x128xi32, #tpu.memory_space<vmem>>
      %dma_start3A_261 = arith.constant 2480 : i32
      %dma_start3A_262 = arith.constant 0 : i32
      %dma_start3A_263 = tpu.memref_slice %arg4[%dma_start3A_261, %dma_start3A_262] : memref<2500x128xi32, #tpu.memory_space<hbm>> -> memref<20x128xi32, #tpu.memory_space<hbm>>
      tpu.enqueue_dma source(%dma_start3A_263 : memref<20x128xi32, #tpu.memory_space<hbm>>) target(%dma_start3A_260 : memref<20x128xi32, #tpu.memory_space<vmem>>) target_semaphore(%arg17 : memref<!tpu.dma_semaphore, #tpu.memory_space<semaphore_mem>>)
      %dma_start3A_264 = arith.constant 20 : i32
      %dma_start3A_265 = arith.constant 0 : i32
      %dma_start3A_266 = tpu.memref_slice %arg8[%dma_start3A_264, %dma_start3A_265] : memref<80x128xi32, #tpu.memory_space<vmem>> -> memref<60x128xi32, #tpu.memory_space<vmem>>
      %dma_start3A_267 = arith.constant 20 : i32
      %dma_start3A_268 = arith.constant 0 : i32
      %dma_start3A_269 = tpu.memref_slice %arg8[%dma_start3A_267, %dma_start3A_268] : memref<80x128xi32, #tpu.memory_space<vmem>> -> memref<60x128xi32, #tpu.memory_space<vmem>>
      tpu.enqueue_dma source(%arg6 : memref<60x128xi32, #tpu.memory_space<hbm>>) target(%dma_start3A_269 : memref<60x128xi32, #tpu.memory_space<vmem>>) target_semaphore(%arg20 : memref<!tpu.dma_semaphore, #tpu.memory_space<semaphore_mem>>)
      %dma_start3A_270 = arith.constant 20 : i32
      %dma_start3A_271 = arith.constant 0 : i32
      %dma_start3A_272 = tpu.memref_slice %arg9[%dma_start3A_270, %dma_start3A_271] : memref<80x128xi32, #tpu.memory_space<vmem>> -> memref<60x128xi32, #tpu.memory_space<vmem>>
      %dma_start3A_273 = arith.constant 20 : i32
      %dma_start3A_274 = arith.constant 0 : i32
      %dma_start3A_275 = tpu.memref_slice %arg9[%dma_start3A_273, %dma_start3A_274] : memref<80x128xi32, #tpu.memory_space<vmem>> -> memref<60x128xi32, #tpu.memory_space<vmem>>
      tpu.enqueue_dma source(%arg6 : memref<60x128xi32, #tpu.memory_space<hbm>>) target(%dma_start3A_275 : memref<60x128xi32, #tpu.memory_space<vmem>>) target_semaphore(%arg21 : memref<!tpu.dma_semaphore, #tpu.memory_space<semaphore_mem>>)
      %dma_wait3A_276 = arith.constant 0 : i32
      %dma_wait3A_277 = arith.constant 0 : i32
      %dma_wait3A_278 = tpu.memref_slice %arg8[%dma_wait3A_276, %dma_wait3A_277] : memref<80x128xi32, #tpu.memory_space<vmem>> -> memref<20x128xi32, #tpu.memory_space<vmem>>
      %dma_wait3A_279 = arith.constant 2480 : i32
      %dma_wait3A_280 = arith.constant 0 : i32
      %dma_wait3A_281 = tpu.memref_slice %arg3[%dma_wait3A_279, %dma_wait3A_280] : memref<2500x128xi32, #tpu.memory_space<hbm>> -> memref<20x128xi32, #tpu.memory_space<hbm>>
      %dma_wait3A_282 = arith.constant 0 : i32
      %dma_wait3A_283 = arith.constant 0 : i32
      %dma_wait3A_284 = tpu.memref_slice %arg8[%dma_wait3A_282, %dma_wait3A_283] : memref<80x128xi32, #tpu.memory_space<vmem>> -> memref<20x128xi32, #tpu.memory_space<vmem>>
      %dma_wait3A_285 = arith.constant 2480 : i32
      %dma_wait3A_286 = arith.constant 0 : i32
      %dma_wait3A_287 = tpu.memref_slice %arg3[%dma_wait3A_285, %dma_wait3A_286] : memref<2500x128xi32, #tpu.memory_space<hbm>> -> memref<20x128xi32, #tpu.memory_space<hbm>>
      tpu.wait_dma2 semaphore(%arg16 : memref<!tpu.dma_semaphore, #tpu.memory_space<semaphore_mem>>) src(%dma_wait3A_287 : memref<20x128xi32, #tpu.memory_space<hbm>>) dst(%dma_wait3A_284 : memref<20x128xi32, #tpu.memory_space<vmem>>)
      %dma_wait3A_288 = arith.constant 0 : i32
      %dma_wait3A_289 = arith.constant 0 : i32
      %dma_wait3A_290 = tpu.memref_slice %arg9[%dma_wait3A_288, %dma_wait3A_289] : memref<80x128xi32, #tpu.memory_space<vmem>> -> memref<20x128xi32, #tpu.memory_space<vmem>>
      %dma_wait3A_291 = arith.constant 2480 : i32
      %dma_wait3A_292 = arith.constant 0 : i32
      %dma_wait3A_293 = tpu.memref_slice %arg4[%dma_wait3A_291, %dma_wait3A_292] : memref<2500x128xi32, #tpu.memory_space<hbm>> -> memref<20x128xi32, #tpu.memory_space<hbm>>
      %dma_wait3A_294 = arith.constant 0 : i32
      %dma_wait3A_295 = arith.constant 0 : i32
      %dma_wait3A_296 = tpu.memref_slice %arg9[%dma_wait3A_294, %dma_wait3A_295] : memref<80x128xi32, #tpu.memory_space<vmem>> -> memref<20x128xi32, #tpu.memory_space<vmem>>
      %dma_wait3A_297 = arith.constant 2480 : i32
      %dma_wait3A_298 = arith.constant 0 : i32
      %dma_wait3A_299 = tpu.memref_slice %arg4[%dma_wait3A_297, %dma_wait3A_298] : memref<2500x128xi32, #tpu.memory_space<hbm>> -> memref<20x128xi32, #tpu.memory_space<hbm>>
      tpu.wait_dma2 semaphore(%arg17 : memref<!tpu.dma_semaphore, #tpu.memory_space<semaphore_mem>>) src(%dma_wait3A_299 : memref<20x128xi32, #tpu.memory_space<hbm>>) dst(%dma_wait3A_296 : memref<20x128xi32, #tpu.memory_space<vmem>>)
      %dma_wait3A_300 = arith.constant 20 : i32
      %dma_wait3A_301 = arith.constant 0 : i32
      %dma_wait3A_302 = tpu.memref_slice %arg8[%dma_wait3A_300, %dma_wait3A_301] : memref<80x128xi32, #tpu.memory_space<vmem>> -> memref<60x128xi32, #tpu.memory_space<vmem>>
      %dma_wait3A_303 = arith.constant 20 : i32
      %dma_wait3A_304 = arith.constant 0 : i32
      %dma_wait3A_305 = tpu.memref_slice %arg8[%dma_wait3A_303, %dma_wait3A_304] : memref<80x128xi32, #tpu.memory_space<vmem>> -> memref<60x128xi32, #tpu.memory_space<vmem>>
      tpu.wait_dma2 semaphore(%arg20 : memref<!tpu.dma_semaphore, #tpu.memory_space<semaphore_mem>>) src(%arg6 : memref<60x128xi32, #tpu.memory_space<hbm>>) dst(%dma_wait3A_305 : memref<60x128xi32, #tpu.memory_space<vmem>>)
      %dma_wait3A_306 = arith.constant 20 : i32
      %dma_wait3A_307 = arith.constant 0 : i32
      %dma_wait3A_308 = tpu.memref_slice %arg9[%dma_wait3A_306, %dma_wait3A_307] : memref<80x128xi32, #tpu.memory_space<vmem>> -> memref<60x128xi32, #tpu.memory_space<vmem>>
      %dma_wait3A_309 = arith.constant 20 : i32
      %dma_wait3A_310 = arith.constant 0 : i32
      %dma_wait3A_311 = tpu.memref_slice %arg9[%dma_wait3A_309, %dma_wait3A_310] : memref<80x128xi32, #tpu.memory_space<vmem>> -> memref<60x128xi32, #tpu.memory_space<vmem>>
      tpu.wait_dma2 semaphore(%arg21 : memref<!tpu.dma_semaphore, #tpu.memory_space<semaphore_mem>>) src(%arg6 : memref<60x128xi32, #tpu.memory_space<hbm>>) dst(%dma_wait3A_311 : memref<60x128xi32, #tpu.memory_space<vmem>>)
    } else {
    }
    %dma_wait3A = arith.constant 0 : i32
    %dma_wait3A_16 = tpu.memref_slice %arg14[%mul3A_2, %dma_wait3A] : memref<10240x32xf32, #tpu.memory_space<vmem_shared>> -> memref<640x32xf32, #tpu.memory_space<vmem_shared>>
    %dma_wait3A_17 = arith.constant 0 : i32
    %dma_wait3A_18 = tpu.memref_slice %arg2[%mul3A_2, %dma_wait3A_17] : memref<10240x32xf32, #tpu.memory_space<hbm>> -> memref<640x32xf32, #tpu.memory_space<hbm>>
    tpu.wait_dma2 semaphore(%arg18 : memref<!tpu.dma_semaphore, #tpu.memory_space<semaphore_mem>>) src(%dma_wait3A_18 : memref<640x32xf32, #tpu.memory_space<hbm>>) dst(%dma_wait3A_16 : memref<640x32xf32, #tpu.memory_space<vmem_shared>>)
    %dma_wait3A_19 = arith.constant 0 : i32
    %dma_wait3A_20 = tpu.memref_slice %arg15[%mul3A_2, %dma_wait3A_19] : memref<10240x32xf32, #tpu.memory_space<vmem_shared>> -> memref<640x32xf32, #tpu.memory_space<vmem_shared>>
    %dma_wait3A_21 = arith.constant 0 : i32
    %dma_wait3A_22 = tpu.memref_slice %arg5[%mul3A_2, %dma_wait3A_21] : memref<10240x32xf32, #tpu.memory_space<hbm>> -> memref<640x32xf32, #tpu.memory_space<hbm>>
    tpu.wait_dma2 semaphore(%arg19 : memref<!tpu.dma_semaphore, #tpu.memory_space<semaphore_mem>>) src(%dma_wait3A_22 : memref<640x32xf32, #tpu.memory_space<hbm>>) dst(%dma_wait3A_20 : memref<640x32xf32, #tpu.memory_space<vmem_shared>>)
    %barrier3A = arith.constant 0 : index
    tpu.barrier barrier_id(%barrier3A)
    %dma_start3A_23 = arith.constant 0 : i32
    %dma_start3A_24 = arith.constant 0 : i32
    %dma_start3A_25 = tpu.memref_slice %arg8[%dma_start3A_23, %dma_start3A_24] : memref<80x128xi32, #tpu.memory_space<vmem>> -> memref<1x128xi32, #tpu.memory_space<vmem>>
    %dma_start3A_26 = tpu.memref_squeeze %dma_start3A_25 : memref<1x128xi32, #tpu.memory_space<vmem>> -> memref<128xi32, #tpu.memory_space<vmem>>
    %dma_start3A_27 = arith.constant 0 : i32
    %dma_start3A_28 = arith.constant 0 : i32
    %dma_start3A_29 = tpu.memref_slice %arg14[%dma_start3A_27, %dma_start3A_28] : memref<10240x32xf32, #tpu.memory_space<vmem_shared>> -> memref<10240x32xf32, #tpu.memory_space<vmem_shared>>
    tpu.enqueue_indirect_dma source(%dma_start3A_29 : memref<10240x32xf32, #tpu.memory_space<vmem_shared>>) target(%arg10 : memref<128x32xf32, #tpu.memory_space<vmem>>) offsets(%dma_start3A_26 : memref<128xi32, #tpu.memory_space<vmem>>) semaphore(%arg16 : memref<!tpu.dma_semaphore, #tpu.memory_space<semaphore_mem>>)
    %dma_start3A_30 = arith.constant 1 : i32
    %dma_start3A_31 = arith.constant 0 : i32
    %dma_start3A_32 = tpu.memref_slice %arg8[%dma_start3A_30, %dma_start3A_31] : memref<80x128xi32, #tpu.memory_space<vmem>> -> memref<1x128xi32, #tpu.memory_space<vmem>>
    %dma_start3A_33 = tpu.memref_squeeze %dma_start3A_32 : memref<1x128xi32, #tpu.memory_space<vmem>> -> memref<128xi32, #tpu.memory_space<vmem>>
    %dma_start3A_34 = arith.constant 0 : i32
    %dma_start3A_35 = arith.constant 0 : i32
    %dma_start3A_36 = tpu.memref_slice %arg14[%dma_start3A_34, %dma_start3A_35] : memref<10240x32xf32, #tpu.memory_space<vmem_shared>> -> memref<10240x32xf32, #tpu.memory_space<vmem_shared>>
    tpu.enqueue_indirect_dma source(%dma_start3A_36 : memref<10240x32xf32, #tpu.memory_space<vmem_shared>>) target(%arg11 : memref<128x32xf32, #tpu.memory_space<vmem>>) offsets(%dma_start3A_33 : memref<128xi32, #tpu.memory_space<vmem>>) semaphore(%arg17 : memref<!tpu.dma_semaphore, #tpu.memory_space<semaphore_mem>>)
    %dma_wait3A_37 = arith.constant 0 : i32
    %dma_wait3A_38 = arith.constant 0 : i32
    %dma_wait3A_39 = tpu.memref_slice %arg2[%dma_wait3A_37, %dma_wait3A_38] : memref<10240x32xf32, #tpu.memory_space<hbm>> -> memref<128x32xf32, #tpu.memory_space<hbm>>
    %dma_wait3A_40 = arith.constant 0 : i32
    %dma_wait3A_41 = arith.constant 0 : i32
    %dma_wait3A_42 = tpu.memref_slice %arg2[%dma_wait3A_40, %dma_wait3A_41] : memref<10240x32xf32, #tpu.memory_space<hbm>> -> memref<128x32xf32, #tpu.memory_space<hbm>>
    tpu.wait_dma2 semaphore(%arg16 : memref<!tpu.dma_semaphore, #tpu.memory_space<semaphore_mem>>) src(%dma_wait3A_42 : memref<128x32xf32, #tpu.memory_space<hbm>>) dst(%arg10 : memref<128x32xf32, #tpu.memory_space<vmem>>)
    %dma_start3A_43 = arith.constant 0 : i32
    %dma_start3A_44 = arith.constant 0 : i32
    %dma_start3A_45 = tpu.memref_slice %arg9[%dma_start3A_43, %dma_start3A_44] : memref<80x128xi32, #tpu.memory_space<vmem>> -> memref<1x128xi32, #tpu.memory_space<vmem>>
    %dma_start3A_46 = tpu.memref_squeeze %dma_start3A_45 : memref<1x128xi32, #tpu.memory_space<vmem>> -> memref<128xi32, #tpu.memory_space<vmem>>
    %dma_start3A_47 = arith.constant 0 : i32
    %dma_start3A_48 = arith.constant 0 : i32
    %dma_start3A_49 = tpu.memref_slice %arg15[%dma_start3A_47, %dma_start3A_48] : memref<10240x32xf32, #tpu.memory_space<vmem_shared>> -> memref<10240x32xf32, #tpu.memory_space<vmem_shared>>
    tpu.enqueue_indirect_dma source(%arg10 : memref<128x32xf32, #tpu.memory_space<vmem>>) target(%dma_start3A_49 : memref<10240x32xf32, #tpu.memory_space<vmem_shared>>) offsets(%dma_start3A_46 : memref<128xi32, #tpu.memory_space<vmem>>) semaphore(%arg20 : memref<!tpu.dma_semaphore, #tpu.memory_space<semaphore_mem>>) {add = true}
    %dma_start3A_50 = arith.constant 2 : i32
    %dma_start3A_51 = arith.constant 0 : i32
    %dma_start3A_52 = tpu.memref_slice %arg8[%dma_start3A_50, %dma_start3A_51] : memref<80x128xi32, #tpu.memory_space<vmem>> -> memref<1x128xi32, #tpu.memory_space<vmem>>
    %dma_start3A_53 = tpu.memref_squeeze %dma_start3A_52 : memref<1x128xi32, #tpu.memory_space<vmem>> -> memref<128xi32, #tpu.memory_space<vmem>>
    %dma_start3A_54 = arith.constant 0 : i32
    %dma_start3A_55 = arith.constant 0 : i32
    %dma_start3A_56 = tpu.memref_slice %arg14[%dma_start3A_54, %dma_start3A_55] : memref<10240x32xf32, #tpu.memory_space<vmem_shared>> -> memref<10240x32xf32, #tpu.memory_space<vmem_shared>>
    tpu.enqueue_indirect_dma source(%dma_start3A_56 : memref<10240x32xf32, #tpu.memory_space<vmem_shared>>) target(%arg12 : memref<128x32xf32, #tpu.memory_space<vmem>>) offsets(%dma_start3A_53 : memref<128xi32, #tpu.memory_space<vmem>>) semaphore(%arg18 : memref<!tpu.dma_semaphore, #tpu.memory_space<semaphore_mem>>)
    %dma_wait3A_57 = arith.constant 0 : i32
    %dma_wait3A_58 = arith.constant 0 : i32
    %dma_wait3A_59 = tpu.memref_slice %arg2[%dma_wait3A_57, %dma_wait3A_58] : memref<10240x32xf32, #tpu.memory_space<hbm>> -> memref<128x32xf32, #tpu.memory_space<hbm>>
    %dma_wait3A_60 = arith.constant 0 : i32
    %dma_wait3A_61 = arith.constant 0 : i32
    %dma_wait3A_62 = tpu.memref_slice %arg2[%dma_wait3A_60, %dma_wait3A_61] : memref<10240x32xf32, #tpu.memory_space<hbm>> -> memref<128x32xf32, #tpu.memory_space<hbm>>
    tpu.wait_dma2 semaphore(%arg17 : memref<!tpu.dma_semaphore, #tpu.memory_space<semaphore_mem>>) src(%dma_wait3A_62 : memref<128x32xf32, #tpu.memory_space<hbm>>) dst(%arg11 : memref<128x32xf32, #tpu.memory_space<vmem>>)
    %dma_start3A_63 = arith.constant 1 : i32
    %dma_start3A_64 = arith.constant 0 : i32
    %dma_start3A_65 = tpu.memref_slice %arg9[%dma_start3A_63, %dma_start3A_64] : memref<80x128xi32, #tpu.memory_space<vmem>> -> memref<1x128xi32, #tpu.memory_space<vmem>>
    %dma_start3A_66 = tpu.memref_squeeze %dma_start3A_65 : memref<1x128xi32, #tpu.memory_space<vmem>> -> memref<128xi32, #tpu.memory_space<vmem>>
    %dma_start3A_67 = arith.constant 0 : i32
    %dma_start3A_68 = arith.constant 0 : i32
    %dma_start3A_69 = tpu.memref_slice %arg15[%dma_start3A_67, %dma_start3A_68] : memref<10240x32xf32, #tpu.memory_space<vmem_shared>> -> memref<10240x32xf32, #tpu.memory_space<vmem_shared>>
    tpu.enqueue_indirect_dma source(%arg11 : memref<128x32xf32, #tpu.memory_space<vmem>>) target(%dma_start3A_69 : memref<10240x32xf32, #tpu.memory_space<vmem_shared>>) offsets(%dma_start3A_66 : memref<128xi32, #tpu.memory_space<vmem>>) semaphore(%arg21 : memref<!tpu.dma_semaphore, #tpu.memory_space<semaphore_mem>>) {add = true}
    %dma_start3A_70 = arith.constant 3 : i32
    %dma_start3A_71 = arith.constant 0 : i32
    %dma_start3A_72 = tpu.memref_slice %arg8[%dma_start3A_70, %dma_start3A_71] : memref<80x128xi32, #tpu.memory_space<vmem>> -> memref<1x128xi32, #tpu.memory_space<vmem>>
    %dma_start3A_73 = tpu.memref_squeeze %dma_start3A_72 : memref<1x128xi32, #tpu.memory_space<vmem>> -> memref<128xi32, #tpu.memory_space<vmem>>
    %dma_start3A_74 = arith.constant 0 : i32
    %dma_start3A_75 = arith.constant 0 : i32
    %dma_start3A_76 = tpu.memref_slice %arg14[%dma_start3A_74, %dma_start3A_75] : memref<10240x32xf32, #tpu.memory_space<vmem_shared>> -> memref<10240x32xf32, #tpu.memory_space<vmem_shared>>
    tpu.enqueue_indirect_dma source(%dma_start3A_76 : memref<10240x32xf32, #tpu.memory_space<vmem_shared>>) target(%arg13 : memref<128x32xf32, #tpu.memory_space<vmem>>) offsets(%dma_start3A_73 : memref<128xi32, #tpu.memory_space<vmem>>) semaphore(%arg19 : memref<!tpu.dma_semaphore, #tpu.memory_space<semaphore_mem>>)
    %dma_wait3A_77 = arith.constant 0 : i32
    %dma_wait3A_78 = arith.constant 0 : i32
    %dma_wait3A_79 = tpu.memref_slice %arg2[%dma_wait3A_77, %dma_wait3A_78] : memref<10240x32xf32, #tpu.memory_space<hbm>> -> memref<128x32xf32, #tpu.memory_space<hbm>>
    %dma_wait3A_80 = arith.constant 0 : i32
    %dma_wait3A_81 = arith.constant 0 : i32
    %dma_wait3A_82 = tpu.memref_slice %arg2[%dma_wait3A_80, %dma_wait3A_81] : memref<10240x32xf32, #tpu.memory_space<hbm>> -> memref<128x32xf32, #tpu.memory_space<hbm>>
    tpu.wait_dma2 semaphore(%arg18 : memref<!tpu.dma_semaphore, #tpu.memory_space<semaphore_mem>>) src(%dma_wait3A_82 : memref<128x32xf32, #tpu.memory_space<hbm>>) dst(%arg12 : memref<128x32xf32, #tpu.memory_space<vmem>>)
    %dma_start3A_83 = arith.constant 2 : i32
    %dma_start3A_84 = arith.constant 0 : i32
    %dma_start3A_85 = tpu.memref_slice %arg9[%dma_start3A_83, %dma_start3A_84] : memref<80x128xi32, #tpu.memory_space<vmem>> -> memref<1x128xi32, #tpu.memory_space<vmem>>
    %dma_start3A_86 = tpu.memref_squeeze %dma_start3A_85 : memref<1x128xi32, #tpu.memory_space<vmem>> -> memref<128xi32, #tpu.memory_space<vmem>>
    %dma_start3A_87 = arith.constant 0 : i32
    %dma_start3A_88 = arith.constant 0 : i32
    %dma_start3A_89 = tpu.memref_slice %arg15[%dma_start3A_87, %dma_start3A_88] : memref<10240x32xf32, #tpu.memory_space<vmem_shared>> -> memref<10240x32xf32, #tpu.memory_space<vmem_shared>>
    tpu.enqueue_indirect_dma source(%arg12 : memref<128x32xf32, #tpu.memory_space<vmem>>) target(%dma_start3A_89 : memref<10240x32xf32, #tpu.memory_space<vmem_shared>>) offsets(%dma_start3A_86 : memref<128xi32, #tpu.memory_space<vmem>>) semaphore(%arg22 : memref<!tpu.dma_semaphore, #tpu.memory_space<semaphore_mem>>) {add = true}
    %dma_wait3A_90 = arith.constant 0 : i32
    %dma_wait3A_91 = arith.constant 0 : i32
    %dma_wait3A_92 = tpu.memref_slice %arg2[%dma_wait3A_90, %dma_wait3A_91] : memref<10240x32xf32, #tpu.memory_space<hbm>> -> memref<128x32xf32, #tpu.memory_space<hbm>>
    %dma_wait3A_93 = arith.constant 0 : i32
    %dma_wait3A_94 = arith.constant 0 : i32
    %dma_wait3A_95 = tpu.memref_slice %arg2[%dma_wait3A_93, %dma_wait3A_94] : memref<10240x32xf32, #tpu.memory_space<hbm>> -> memref<128x32xf32, #tpu.memory_space<hbm>>
    tpu.wait_dma2 semaphore(%arg20 : memref<!tpu.dma_semaphore, #tpu.memory_space<semaphore_mem>>) src(%dma_wait3A_95 : memref<128x32xf32, #tpu.memory_space<hbm>>) dst(%arg10 : memref<128x32xf32, #tpu.memory_space<vmem>>)
    %dma_start3A_96 = arith.constant 4 : i32
    %dma_start3A_97 = arith.constant 0 : i32
    %dma_start3A_98 = tpu.memref_slice %arg8[%dma_start3A_96, %dma_start3A_97] : memref<80x128xi32, #tpu.memory_space<vmem>> -> memref<1x128xi32, #tpu.memory_space<vmem>>
    %dma_start3A_99 = tpu.memref_squeeze %dma_start3A_98 : memref<1x128xi32, #tpu.memory_space<vmem>> -> memref<128xi32, #tpu.memory_space<vmem>>
    %dma_start3A_100 = arith.constant 0 : i32
    %dma_start3A_101 = arith.constant 0 : i32
    %dma_start3A_102 = tpu.memref_slice %arg14[%dma_start3A_100, %dma_start3A_101] : memref<10240x32xf32, #tpu.memory_space<vmem_shared>> -> memref<10240x32xf32, #tpu.memory_space<vmem_shared>>
    tpu.enqueue_indirect_dma source(%dma_start3A_102 : memref<10240x32xf32, #tpu.memory_space<vmem_shared>>) target(%arg10 : memref<128x32xf32, #tpu.memory_space<vmem>>) offsets(%dma_start3A_99 : memref<128xi32, #tpu.memory_space<vmem>>) semaphore(%arg16 : memref<!tpu.dma_semaphore, #tpu.memory_space<semaphore_mem>>)
    %dma_wait3A_103 = arith.constant 0 : i32
    %dma_wait3A_104 = arith.constant 0 : i32
    %dma_wait3A_105 = tpu.memref_slice %arg2[%dma_wait3A_103, %dma_wait3A_104] : memref<10240x32xf32, #tpu.memory_space<hbm>> -> memref<128x32xf32, #tpu.memory_space<hbm>>
    %dma_wait3A_106 = arith.constant 0 : i32
    %dma_wait3A_107 = arith.constant 0 : i32
    %dma_wait3A_108 = tpu.memref_slice %arg2[%dma_wait3A_106, %dma_wait3A_107] : memref<10240x32xf32, #tpu.memory_space<hbm>> -> memref<128x32xf32, #tpu.memory_space<hbm>>
    tpu.wait_dma2 semaphore(%arg19 : memref<!tpu.dma_semaphore, #tpu.memory_space<semaphore_mem>>) src(%dma_wait3A_108 : memref<128x32xf32, #tpu.memory_space<hbm>>) dst(%arg13 : memref<128x32xf32, #tpu.memory_space<vmem>>)
    %dma_start3A_109 = arith.constant 3 : i32
    %dma_start3A_110 = arith.constant 0 : i32
    %dma_start3A_111 = tpu.memref_slice %arg9[%dma_start3A_109, %dma_start3A_110] : memref<80x128xi32, #tpu.memory_space<vmem>> -> memref<1x128xi32, #tpu.memory_space<vmem>>
    %dma_start3A_112 = tpu.memref_squeeze %dma_start3A_111 : memref<1x128xi32, #tpu.memory_space<vmem>> -> memref<128xi32, #tpu.memory_space<vmem>>
    %dma_start3A_113 = arith.constant 0 : i32
    %dma_start3A_114 = arith.constant 0 : i32
    %dma_start3A_115 = tpu.memref_slice %arg15[%dma_start3A_113, %dma_start3A_114] : memref<10240x32xf32, #tpu.memory_space<vmem_shared>> -> memref<10240x32xf32, #tpu.memory_space<vmem_shared>>
    tpu.enqueue_indirect_dma source(%arg13 : memref<128x32xf32, #tpu.memory_space<vmem>>) target(%dma_start3A_115 : memref<10240x32xf32, #tpu.memory_space<vmem_shared>>) offsets(%dma_start3A_112 : memref<128xi32, #tpu.memory_space<vmem>>) semaphore(%arg23 : memref<!tpu.dma_semaphore, #tpu.memory_space<semaphore_mem>>) {add = true}
    %dma_wait3A_116 = arith.constant 0 : i32
    %dma_wait3A_117 = arith.constant 0 : i32
    %dma_wait3A_118 = tpu.memref_slice %arg2[%dma_wait3A_116, %dma_wait3A_117] : memref<10240x32xf32, #tpu.memory_space<hbm>> -> memref<128x32xf32, #tpu.memory_space<hbm>>
    %dma_wait3A_119 = arith.constant 0 : i32
    %dma_wait3A_120 = arith.constant 0 : i32
    %dma_wait3A_121 = tpu.memref_slice %arg2[%dma_wait3A_119, %dma_wait3A_120] : memref<10240x32xf32, #tpu.memory_space<hbm>> -> memref<128x32xf32, #tpu.memory_space<hbm>>
    tpu.wait_dma2 semaphore(%arg21 : memref<!tpu.dma_semaphore, #tpu.memory_space<semaphore_mem>>) src(%dma_wait3A_121 : memref<128x32xf32, #tpu.memory_space<hbm>>) dst(%arg11 : memref<128x32xf32, #tpu.memory_space<vmem>>)
    %dma_start3A_122 = arith.constant 5 : i32
    %dma_start3A_123 = arith.constant 0 : i32
    %dma_start3A_124 = tpu.memref_slice %arg8[%dma_start3A_122, %dma_start3A_123] : memref<80x128xi32, #tpu.memory_space<vmem>> -> memref<1x128xi32, #tpu.memory_space<vmem>>
    %dma_start3A_125 = tpu.memref_squeeze %dma_start3A_124 : memref<1x128xi32, #tpu.memory_space<vmem>> -> memref<128xi32, #tpu.memory_space<vmem>>
    %dma_start3A_126 = arith.constant 0 : i32
    %dma_start3A_127 = arith.constant 0 : i32
    %dma_start3A_128 = tpu.memref_slice %arg14[%dma_start3A_126, %dma_start3A_127] : memref<10240x32xf32, #tpu.memory_space<vmem_shared>> -> memref<10240x32xf32, #tpu.memory_space<vmem_shared>>
    tpu.enqueue_indirect_dma source(%dma_start3A_128 : memref<10240x32xf32, #tpu.memory_space<vmem_shared>>) target(%arg11 : memref<128x32xf32, #tpu.memory_space<vmem>>) offsets(%dma_start3A_125 : memref<128xi32, #tpu.memory_space<vmem>>) semaphore(%arg17 : memref<!tpu.dma_semaphore, #tpu.memory_space<semaphore_mem>>)
    %scan3A = arith.constant 0 : i32
    %scan3A_129 = arith.constant 1 : i32
    %scan3A_130 = arith.constant 18 : i32
    %scan3A_131 = arith.addi %scan3A_129, %scan3A_130 : i32
    %scan3A_132 = arith.constant 1 : i32
    scf.for %scan3A_240 = %scan3A_129 to %scan3A_131 step %scan3A_132  : i32 {
      %mul3A_241 = arith.constant 4 : i32
      %mul3A_242 = arith.muli %mul3A_241, %scan3A_240 : i32
      %dma_wait3A_243 = arith.constant 0 : i32
      %dma_wait3A_244 = arith.constant 0 : i32
      %dma_wait3A_245 = tpu.memref_slice %arg2[%dma_wait3A_243, %dma_wait3A_244] : memref<10240x32xf32, #tpu.memory_space<hbm>> -> memref<128x32xf32, #tpu.memory_space<hbm>>
      %dma_wait3A_246 = arith.constant 0 : i32
      %dma_wait3A_247 = arith.constant 0 : i32
      %dma_wait3A_248 = tpu.memref_slice %arg2[%dma_wait3A_246, %dma_wait3A_247] : memref<10240x32xf32, #tpu.memory_space<hbm>> -> memref<128x32xf32, #tpu.memory_space<hbm>>
      tpu.wait_dma2 semaphore(%arg16 : memref<!tpu.dma_semaphore, #tpu.memory_space<semaphore_mem>>) src(%dma_wait3A_248 : memref<128x32xf32, #tpu.memory_space<hbm>>) dst(%arg10 : memref<128x32xf32, #tpu.memory_space<vmem>>)
      %dma_start3A_249 = arith.constant 0 : i32
      %dma_start3A_250 = tpu.memref_slice %arg9[%mul3A_242, %dma_start3A_249] : memref<80x128xi32, #tpu.memory_space<vmem>> -> memref<1x128xi32, #tpu.memory_space<vmem>>
      %dma_start3A_251 = tpu.memref_squeeze %dma_start3A_250 : memref<1x128xi32, #tpu.memory_space<vmem>> -> memref<128xi32, #tpu.memory_space<vmem>>
      %dma_start3A_252 = arith.constant 0 : i32
      %dma_start3A_253 = arith.constant 0 : i32
      %dma_start3A_254 = tpu.memref_slice %arg15[%dma_start3A_252, %dma_start3A_253] : memref<10240x32xf32, #tpu.memory_space<vmem_shared>> -> memref<10240x32xf32, #tpu.memory_space<vmem_shared>>
      tpu.enqueue_indirect_dma source(%arg10 : memref<128x32xf32, #tpu.memory_space<vmem>>) target(%dma_start3A_254 : memref<10240x32xf32, #tpu.memory_space<vmem_shared>>) offsets(%dma_start3A_251 : memref<128xi32, #tpu.memory_space<vmem>>) semaphore(%arg20 : memref<!tpu.dma_semaphore, #tpu.memory_space<semaphore_mem>>) {add = true}
      %dma_wait3A_255 = arith.constant 0 : i32
      %dma_wait3A_256 = arith.constant 0 : i32
      %dma_wait3A_257 = tpu.memref_slice %arg2[%dma_wait3A_255, %dma_wait3A_256] : memref<10240x32xf32, #tpu.memory_space<hbm>> -> memref<128x32xf32, #tpu.memory_space<hbm>>
      %dma_wait3A_258 = arith.constant 0 : i32
      %dma_wait3A_259 = arith.constant 0 : i32
      %dma_wait3A_260 = tpu.memref_slice %arg2[%dma_wait3A_258, %dma_wait3A_259] : memref<10240x32xf32, #tpu.memory_space<hbm>> -> memref<128x32xf32, #tpu.memory_space<hbm>>
      tpu.wait_dma2 semaphore(%arg22 : memref<!tpu.dma_semaphore, #tpu.memory_space<semaphore_mem>>) src(%dma_wait3A_260 : memref<128x32xf32, #tpu.memory_space<hbm>>) dst(%arg12 : memref<128x32xf32, #tpu.memory_space<vmem>>)
      %add3A_261 = arith.constant 2 : i32
      %add3A_262 = arith.addi %mul3A_242, %add3A_261 : i32
      %dma_start3A_263 = arith.constant 0 : i32
      %dma_start3A_264 = tpu.memref_slice %arg8[%add3A_262, %dma_start3A_263] : memref<80x128xi32, #tpu.memory_space<vmem>> -> memref<1x128xi32, #tpu.memory_space<vmem>>
      %dma_start3A_265 = tpu.memref_squeeze %dma_start3A_264 : memref<1x128xi32, #tpu.memory_space<vmem>> -> memref<128xi32, #tpu.memory_space<vmem>>
      %dma_start3A_266 = arith.constant 0 : i32
      %dma_start3A_267 = arith.constant 0 : i32
      %dma_start3A_268 = tpu.memref_slice %arg14[%dma_start3A_266, %dma_start3A_267] : memref<10240x32xf32, #tpu.memory_space<vmem_shared>> -> memref<10240x32xf32, #tpu.memory_space<vmem_shared>>
      tpu.enqueue_indirect_dma source(%dma_start3A_268 : memref<10240x32xf32, #tpu.memory_space<vmem_shared>>) target(%arg12 : memref<128x32xf32, #tpu.memory_space<vmem>>) offsets(%dma_start3A_265 : memref<128xi32, #tpu.memory_space<vmem>>) semaphore(%arg18 : memref<!tpu.dma_semaphore, #tpu.memory_space<semaphore_mem>>)
      %add3A_269 = arith.constant 1 : i32
      %add3A_270 = arith.addi %mul3A_242, %add3A_269 : i32
      %dma_wait3A_271 = arith.constant 0 : i32
      %dma_wait3A_272 = arith.constant 0 : i32
      %dma_wait3A_273 = tpu.memref_slice %arg2[%dma_wait3A_271, %dma_wait3A_272] : memref<10240x32xf32, #tpu.memory_space<hbm>> -> memref<128x32xf32, #tpu.memory_space<hbm>>
      %dma_wait3A_274 = arith.constant 0 : i32
      %dma_wait3A_275 = arith.constant 0 : i32
      %dma_wait3A_276 = tpu.memref_slice %arg2[%dma_wait3A_274, %dma_wait3A_275] : memref<10240x32xf32, #tpu.memory_space<hbm>> -> memref<128x32xf32, #tpu.memory_space<hbm>>
      tpu.wait_dma2 semaphore(%arg17 : memref<!tpu.dma_semaphore, #tpu.memory_space<semaphore_mem>>) src(%dma_wait3A_276 : memref<128x32xf32, #tpu.memory_space<hbm>>) dst(%arg11 : memref<128x32xf32, #tpu.memory_space<vmem>>)
      %dma_start3A_277 = arith.constant 0 : i32
      %dma_start3A_278 = tpu.memref_slice %arg9[%add3A_270, %dma_start3A_277] : memref<80x128xi32, #tpu.memory_space<vmem>> -> memref<1x128xi32, #tpu.memory_space<vmem>>
      %dma_start3A_279 = tpu.memref_squeeze %dma_start3A_278 : memref<1x128xi32, #tpu.memory_space<vmem>> -> memref<128xi32, #tpu.memory_space<vmem>>
      %dma_start3A_280 = arith.constant 0 : i32
      %dma_start3A_281 = arith.constant 0 : i32
      %dma_start3A_282 = tpu.memref_slice %arg15[%dma_start3A_280, %dma_start3A_281] : memref<10240x32xf32, #tpu.memory_space<vmem_shared>> -> memref<10240x32xf32, #tpu.memory_space<vmem_shared>>
      tpu.enqueue_indirect_dma source(%arg11 : memref<128x32xf32, #tpu.memory_space<vmem>>) target(%dma_start3A_282 : memref<10240x32xf32, #tpu.memory_space<vmem_shared>>) offsets(%dma_start3A_279 : memref<128xi32, #tpu.memory_space<vmem>>) semaphore(%arg21 : memref<!tpu.dma_semaphore, #tpu.memory_space<semaphore_mem>>) {add = true}
      %dma_wait3A_283 = arith.constant 0 : i32
      %dma_wait3A_284 = arith.constant 0 : i32
      %dma_wait3A_285 = tpu.memref_slice %arg2[%dma_wait3A_283, %dma_wait3A_284] : memref<10240x32xf32, #tpu.memory_space<hbm>> -> memref<128x32xf32, #tpu.memory_space<hbm>>
      %dma_wait3A_286 = arith.constant 0 : i32
      %dma_wait3A_287 = arith.constant 0 : i32
      %dma_wait3A_288 = tpu.memref_slice %arg2[%dma_wait3A_286, %dma_wait3A_287] : memref<10240x32xf32, #tpu.memory_space<hbm>> -> memref<128x32xf32, #tpu.memory_space<hbm>>
      tpu.wait_dma2 semaphore(%arg23 : memref<!tpu.dma_semaphore, #tpu.memory_space<semaphore_mem>>) src(%dma_wait3A_288 : memref<128x32xf32, #tpu.memory_space<hbm>>) dst(%arg13 : memref<128x32xf32, #tpu.memory_space<vmem>>)
      %add3A_289 = arith.constant 2 : i32
      %add3A_290 = arith.addi %add3A_270, %add3A_289 : i32
      %dma_start3A_291 = arith.constant 0 : i32
      %dma_start3A_292 = tpu.memref_slice %arg8[%add3A_290, %dma_start3A_291] : memref<80x128xi32, #tpu.memory_space<vmem>> -> memref<1x128xi32, #tpu.memory_space<vmem>>
      %dma_start3A_293 = tpu.memref_squeeze %dma_start3A_292 : memref<1x128xi32, #tpu.memory_space<vmem>> -> memref<128xi32, #tpu.memory_space<vmem>>
      %dma_start3A_294 = arith.constant 0 : i32
      %dma_start3A_295 = arith.constant 0 : i32
      %dma_start3A_296 = tpu.memref_slice %arg14[%dma_start3A_294, %dma_start3A_295] : memref<10240x32xf32, #tpu.memory_space<vmem_shared>> -> memref<10240x32xf32, #tpu.memory_space<vmem_shared>>
      tpu.enqueue_indirect_dma source(%dma_start3A_296 : memref<10240x32xf32, #tpu.memory_space<vmem_shared>>) target(%arg13 : memref<128x32xf32, #tpu.memory_space<vmem>>) offsets(%dma_start3A_293 : memref<128xi32, #tpu.memory_space<vmem>>) semaphore(%arg19 : memref<!tpu.dma_semaphore, #tpu.memory_space<semaphore_mem>>)
      %add3A_297 = arith.constant 2 : i32
      %add3A_298 = arith.addi %mul3A_242, %add3A_297 : i32
      %dma_wait3A_299 = arith.constant 0 : i32
      %dma_wait3A_300 = arith.constant 0 : i32
      %dma_wait3A_301 = tpu.memref_slice %arg2[%dma_wait3A_299, %dma_wait3A_300] : memref<10240x32xf32, #tpu.memory_space<hbm>> -> memref<128x32xf32, #tpu.memory_space<hbm>>
      %dma_wait3A_302 = arith.constant 0 : i32
      %dma_wait3A_303 = arith.constant 0 : i32
      %dma_wait3A_304 = tpu.memref_slice %arg2[%dma_wait3A_302, %dma_wait3A_303] : memref<10240x32xf32, #tpu.memory_space<hbm>> -> memref<128x32xf32, #tpu.memory_space<hbm>>
      tpu.wait_dma2 semaphore(%arg18 : memref<!tpu.dma_semaphore, #tpu.memory_space<semaphore_mem>>) src(%dma_wait3A_304 : memref<128x32xf32, #tpu.memory_space<hbm>>) dst(%arg12 : memref<128x32xf32, #tpu.memory_space<vmem>>)
      %dma_start3A_305 = arith.constant 0 : i32
      %dma_start3A_306 = tpu.memref_slice %arg9[%add3A_298, %dma_start3A_305] : memref<80x128xi32, #tpu.memory_space<vmem>> -> memref<1x128xi32, #tpu.memory_space<vmem>>
      %dma_start3A_307 = tpu.memref_squeeze %dma_start3A_306 : memref<1x128xi32, #tpu.memory_space<vmem>> -> memref<128xi32, #tpu.memory_space<vmem>>
      %dma_start3A_308 = arith.constant 0 : i32
      %dma_start3A_309 = arith.constant 0 : i32
      %dma_start3A_310 = tpu.memref_slice %arg15[%dma_start3A_308, %dma_start3A_309] : memref<10240x32xf32, #tpu.memory_space<vmem_shared>> -> memref<10240x32xf32, #tpu.memory_space<vmem_shared>>
      tpu.enqueue_indirect_dma source(%arg12 : memref<128x32xf32, #tpu.memory_space<vmem>>) target(%dma_start3A_310 : memref<10240x32xf32, #tpu.memory_space<vmem_shared>>) offsets(%dma_start3A_307 : memref<128xi32, #tpu.memory_space<vmem>>) semaphore(%arg22 : memref<!tpu.dma_semaphore, #tpu.memory_space<semaphore_mem>>) {add = true}
      %dma_wait3A_311 = arith.constant 0 : i32
      %dma_wait3A_312 = arith.constant 0 : i32
      %dma_wait3A_313 = tpu.memref_slice %arg2[%dma_wait3A_311, %dma_wait3A_312] : memref<10240x32xf32, #tpu.memory_space<hbm>> -> memref<128x32xf32, #tpu.memory_space<hbm>>
      %dma_wait3A_314 = arith.constant 0 : i32
      %dma_wait3A_315 = arith.constant 0 : i32
      %dma_wait3A_316 = tpu.memref_slice %arg2[%dma_wait3A_314, %dma_wait3A_315] : memref<10240x32xf32, #tpu.memory_space<hbm>> -> memref<128x32xf32, #tpu.memory_space<hbm>>
      tpu.wait_dma2 semaphore(%arg20 : memref<!tpu.dma_semaphore, #tpu.memory_space<semaphore_mem>>) src(%dma_wait3A_316 : memref<128x32xf32, #tpu.memory_space<hbm>>) dst(%arg10 : memref<128x32xf32, #tpu.memory_space<vmem>>)
      %add3A_317 = arith.constant 2 : i32
      %add3A_318 = arith.addi %add3A_298, %add3A_317 : i32
      %dma_start3A_319 = arith.constant 0 : i32
      %dma_start3A_320 = tpu.memref_slice %arg8[%add3A_318, %dma_start3A_319] : memref<80x128xi32, #tpu.memory_space<vmem>> -> memref<1x128xi32, #tpu.memory_space<vmem>>
      %dma_start3A_321 = tpu.memref_squeeze %dma_start3A_320 : memref<1x128xi32, #tpu.memory_space<vmem>> -> memref<128xi32, #tpu.memory_space<vmem>>
      %dma_start3A_322 = arith.constant 0 : i32
      %dma_start3A_323 = arith.constant 0 : i32
      %dma_start3A_324 = tpu.memref_slice %arg14[%dma_start3A_322, %dma_start3A_323] : memref<10240x32xf32, #tpu.memory_space<vmem_shared>> -> memref<10240x32xf32, #tpu.memory_space<vmem_shared>>
      tpu.enqueue_indirect_dma source(%dma_start3A_324 : memref<10240x32xf32, #tpu.memory_space<vmem_shared>>) target(%arg10 : memref<128x32xf32, #tpu.memory_space<vmem>>) offsets(%dma_start3A_321 : memref<128xi32, #tpu.memory_space<vmem>>) semaphore(%arg16 : memref<!tpu.dma_semaphore, #tpu.memory_space<semaphore_mem>>)
      %add3A_325 = arith.constant 3 : i32
      %add3A_326 = arith.addi %mul3A_242, %add3A_325 : i32
      %dma_wait3A_327 = arith.constant 0 : i32
      %dma_wait3A_328 = arith.constant 0 : i32
      %dma_wait3A_329 = tpu.memref_slice %arg2[%dma_wait3A_327, %dma_wait3A_328] : memref<10240x32xf32, #tpu.memory_space<hbm>> -> memref<128x32xf32, #tpu.memory_space<hbm>>
      %dma_wait3A_330 = arith.constant 0 : i32
      %dma_wait3A_331 = arith.constant 0 : i32
      %dma_wait3A_332 = tpu.memref_slice %arg2[%dma_wait3A_330, %dma_wait3A_331] : memref<10240x32xf32, #tpu.memory_space<hbm>> -> memref<128x32xf32, #tpu.memory_space<hbm>>
      tpu.wait_dma2 semaphore(%arg19 : memref<!tpu.dma_semaphore, #tpu.memory_space<semaphore_mem>>) src(%dma_wait3A_332 : memref<128x32xf32, #tpu.memory_space<hbm>>) dst(%arg13 : memref<128x32xf32, #tpu.memory_space<vmem>>)
      %dma_start3A_333 = arith.constant 0 : i32
      %dma_start3A_334 = tpu.memref_slice %arg9[%add3A_326, %dma_start3A_333] : memref<80x128xi32, #tpu.memory_space<vmem>> -> memref<1x128xi32, #tpu.memory_space<vmem>>
      %dma_start3A_335 = tpu.memref_squeeze %dma_start3A_334 : memref<1x128xi32, #tpu.memory_space<vmem>> -> memref<128xi32, #tpu.memory_space<vmem>>
      %dma_start3A_336 = arith.constant 0 : i32
      %dma_start3A_337 = arith.constant 0 : i32
      %dma_start3A_338 = tpu.memref_slice %arg15[%dma_start3A_336, %dma_start3A_337] : memref<10240x32xf32, #tpu.memory_space<vmem_shared>> -> memref<10240x32xf32, #tpu.memory_space<vmem_shared>>
      tpu.enqueue_indirect_dma source(%arg13 : memref<128x32xf32, #tpu.memory_space<vmem>>) target(%dma_start3A_338 : memref<10240x32xf32, #tpu.memory_space<vmem_shared>>) offsets(%dma_start3A_335 : memref<128xi32, #tpu.memory_space<vmem>>) semaphore(%arg23 : memref<!tpu.dma_semaphore, #tpu.memory_space<semaphore_mem>>) {add = true}
      %dma_wait3A_339 = arith.constant 0 : i32
      %dma_wait3A_340 = arith.constant 0 : i32
      %dma_wait3A_341 = tpu.memref_slice %arg2[%dma_wait3A_339, %dma_wait3A_340] : memref<10240x32xf32, #tpu.memory_space<hbm>> -> memref<128x32xf32, #tpu.memory_space<hbm>>
      %dma_wait3A_342 = arith.constant 0 : i32
      %dma_wait3A_343 = arith.constant 0 : i32
      %dma_wait3A_344 = tpu.memref_slice %arg2[%dma_wait3A_342, %dma_wait3A_343] : memref<10240x32xf32, #tpu.memory_space<hbm>> -> memref<128x32xf32, #tpu.memory_space<hbm>>
      tpu.wait_dma2 semaphore(%arg21 : memref<!tpu.dma_semaphore, #tpu.memory_space<semaphore_mem>>) src(%dma_wait3A_344 : memref<128x32xf32, #tpu.memory_space<hbm>>) dst(%arg11 : memref<128x32xf32, #tpu.memory_space<vmem>>)
      %add3A_345 = arith.constant 2 : i32
      %add3A_346 = arith.addi %add3A_326, %add3A_345 : i32
      %dma_start3A_347 = arith.constant 0 : i32
      %dma_start3A_348 = tpu.memref_slice %arg8[%add3A_346, %dma_start3A_347] : memref<80x128xi32, #tpu.memory_space<vmem>> -> memref<1x128xi32, #tpu.memory_space<vmem>>
      %dma_start3A_349 = tpu.memref_squeeze %dma_start3A_348 : memref<1x128xi32, #tpu.memory_space<vmem>> -> memref<128xi32, #tpu.memory_space<vmem>>
      %dma_start3A_350 = arith.constant 0 : i32
      %dma_start3A_351 = arith.constant 0 : i32
      %dma_start3A_352 = tpu.memref_slice %arg14[%dma_start3A_350, %dma_start3A_351] : memref<10240x32xf32, #tpu.memory_space<vmem_shared>> -> memref<10240x32xf32, #tpu.memory_space<vmem_shared>>
      tpu.enqueue_indirect_dma source(%dma_start3A_352 : memref<10240x32xf32, #tpu.memory_space<vmem_shared>>) target(%arg11 : memref<128x32xf32, #tpu.memory_space<vmem>>) offsets(%dma_start3A_349 : memref<128xi32, #tpu.memory_space<vmem>>) semaphore(%arg17 : memref<!tpu.dma_semaphore, #tpu.memory_space<semaphore_mem>>)
    }
    %scan3A_133 = arith.constant 18 : i32
    %dma_wait3A_134 = arith.constant 0 : i32
    %dma_wait3A_135 = arith.constant 0 : i32
    %dma_wait3A_136 = tpu.memref_slice %arg2[%dma_wait3A_134, %dma_wait3A_135] : memref<10240x32xf32, #tpu.memory_space<hbm>> -> memref<128x32xf32, #tpu.memory_space<hbm>>
    %dma_wait3A_137 = arith.constant 0 : i32
    %dma_wait3A_138 = arith.constant 0 : i32
    %dma_wait3A_139 = tpu.memref_slice %arg2[%dma_wait3A_137, %dma_wait3A_138] : memref<10240x32xf32, #tpu.memory_space<hbm>> -> memref<128x32xf32, #tpu.memory_space<hbm>>
    tpu.wait_dma2 semaphore(%arg16 : memref<!tpu.dma_semaphore, #tpu.memory_space<semaphore_mem>>) src(%dma_wait3A_139 : memref<128x32xf32, #tpu.memory_space<hbm>>) dst(%arg10 : memref<128x32xf32, #tpu.memory_space<vmem>>)
    %dma_start3A_140 = arith.constant 76 : i32
    %dma_start3A_141 = arith.constant 0 : i32
    %dma_start3A_142 = tpu.memref_slice %arg9[%dma_start3A_140, %dma_start3A_141] : memref<80x128xi32, #tpu.memory_space<vmem>> -> memref<1x128xi32, #tpu.memory_space<vmem>>
    %dma_start3A_143 = tpu.memref_squeeze %dma_start3A_142 : memref<1x128xi32, #tpu.memory_space<vmem>> -> memref<128xi32, #tpu.memory_space<vmem>>
    %dma_start3A_144 = arith.constant 0 : i32
    %dma_start3A_145 = arith.constant 0 : i32
    %dma_start3A_146 = tpu.memref_slice %arg15[%dma_start3A_144, %dma_start3A_145] : memref<10240x32xf32, #tpu.memory_space<vmem_shared>> -> memref<10240x32xf32, #tpu.memory_space<vmem_shared>>
    tpu.enqueue_indirect_dma source(%arg10 : memref<128x32xf32, #tpu.memory_space<vmem>>) target(%dma_start3A_146 : memref<10240x32xf32, #tpu.memory_space<vmem_shared>>) offsets(%dma_start3A_143 : memref<128xi32, #tpu.memory_space<vmem>>) semaphore(%arg20 : memref<!tpu.dma_semaphore, #tpu.memory_space<semaphore_mem>>) {add = true}
    %dma_wait3A_147 = arith.constant 0 : i32
    %dma_wait3A_148 = arith.constant 0 : i32
    %dma_wait3A_149 = tpu.memref_slice %arg2[%dma_wait3A_147, %dma_wait3A_148] : memref<10240x32xf32, #tpu.memory_space<hbm>> -> memref<128x32xf32, #tpu.memory_space<hbm>>
    %dma_wait3A_150 = arith.constant 0 : i32
    %dma_wait3A_151 = arith.constant 0 : i32
    %dma_wait3A_152 = tpu.memref_slice %arg2[%dma_wait3A_150, %dma_wait3A_151] : memref<10240x32xf32, #tpu.memory_space<hbm>> -> memref<128x32xf32, #tpu.memory_space<hbm>>
    tpu.wait_dma2 semaphore(%arg22 : memref<!tpu.dma_semaphore, #tpu.memory_space<semaphore_mem>>) src(%dma_wait3A_152 : memref<128x32xf32, #tpu.memory_space<hbm>>) dst(%arg12 : memref<128x32xf32, #tpu.memory_space<vmem>>)
    %dma_start3A_153 = arith.constant 78 : i32
    %dma_start3A_154 = arith.constant 0 : i32
    %dma_start3A_155 = tpu.memref_slice %arg8[%dma_start3A_153, %dma_start3A_154] : memref<80x128xi32, #tpu.memory_space<vmem>> -> memref<1x128xi32, #tpu.memory_space<vmem>>
    %dma_start3A_156 = tpu.memref_squeeze %dma_start3A_155 : memref<1x128xi32, #tpu.memory_space<vmem>> -> memref<128xi32, #tpu.memory_space<vmem>>
    %dma_start3A_157 = arith.constant 0 : i32
    %dma_start3A_158 = arith.constant 0 : i32
    %dma_start3A_159 = tpu.memref_slice %arg14[%dma_start3A_157, %dma_start3A_158] : memref<10240x32xf32, #tpu.memory_space<vmem_shared>> -> memref<10240x32xf32, #tpu.memory_space<vmem_shared>>
    tpu.enqueue_indirect_dma source(%dma_start3A_159 : memref<10240x32xf32, #tpu.memory_space<vmem_shared>>) target(%arg12 : memref<128x32xf32, #tpu.memory_space<vmem>>) offsets(%dma_start3A_156 : memref<128xi32, #tpu.memory_space<vmem>>) semaphore(%arg18 : memref<!tpu.dma_semaphore, #tpu.memory_space<semaphore_mem>>)
    %dma_wait3A_160 = arith.constant 0 : i32
    %dma_wait3A_161 = arith.constant 0 : i32
    %dma_wait3A_162 = tpu.memref_slice %arg2[%dma_wait3A_160, %dma_wait3A_161] : memref<10240x32xf32, #tpu.memory_space<hbm>> -> memref<128x32xf32, #tpu.memory_space<hbm>>
    %dma_wait3A_163 = arith.constant 0 : i32
    %dma_wait3A_164 = arith.constant 0 : i32
    %dma_wait3A_165 = tpu.memref_slice %arg2[%dma_wait3A_163, %dma_wait3A_164] : memref<10240x32xf32, #tpu.memory_space<hbm>> -> memref<128x32xf32, #tpu.memory_space<hbm>>
    tpu.wait_dma2 semaphore(%arg17 : memref<!tpu.dma_semaphore, #tpu.memory_space<semaphore_mem>>) src(%dma_wait3A_165 : memref<128x32xf32, #tpu.memory_space<hbm>>) dst(%arg11 : memref<128x32xf32, #tpu.memory_space<vmem>>)
    %dma_start3A_166 = arith.constant 77 : i32
    %dma_start3A_167 = arith.constant 0 : i32
    %dma_start3A_168 = tpu.memref_slice %arg9[%dma_start3A_166, %dma_start3A_167] : memref<80x128xi32, #tpu.memory_space<vmem>> -> memref<1x128xi32, #tpu.memory_space<vmem>>
    %dma_start3A_169 = tpu.memref_squeeze %dma_start3A_168 : memref<1x128xi32, #tpu.memory_space<vmem>> -> memref<128xi32, #tpu.memory_space<vmem>>
    %dma_start3A_170 = arith.constant 0 : i32
    %dma_start3A_171 = arith.constant 0 : i32
    %dma_start3A_172 = tpu.memref_slice %arg15[%dma_start3A_170, %dma_start3A_171] : memref<10240x32xf32, #tpu.memory_space<vmem_shared>> -> memref<10240x32xf32, #tpu.memory_space<vmem_shared>>
    tpu.enqueue_indirect_dma source(%arg11 : memref<128x32xf32, #tpu.memory_space<vmem>>) target(%dma_start3A_172 : memref<10240x32xf32, #tpu.memory_space<vmem_shared>>) offsets(%dma_start3A_169 : memref<128xi32, #tpu.memory_space<vmem>>) semaphore(%arg21 : memref<!tpu.dma_semaphore, #tpu.memory_space<semaphore_mem>>) {add = true}
    %dma_wait3A_173 = arith.constant 0 : i32
    %dma_wait3A_174 = arith.constant 0 : i32
    %dma_wait3A_175 = tpu.memref_slice %arg2[%dma_wait3A_173, %dma_wait3A_174] : memref<10240x32xf32, #tpu.memory_space<hbm>> -> memref<128x32xf32, #tpu.memory_space<hbm>>
    %dma_wait3A_176 = arith.constant 0 : i32
    %dma_wait3A_177 = arith.constant 0 : i32
    %dma_wait3A_178 = tpu.memref_slice %arg2[%dma_wait3A_176, %dma_wait3A_177] : memref<10240x32xf32, #tpu.memory_space<hbm>> -> memref<128x32xf32, #tpu.memory_space<hbm>>
    tpu.wait_dma2 semaphore(%arg23 : memref<!tpu.dma_semaphore, #tpu.memory_space<semaphore_mem>>) src(%dma_wait3A_178 : memref<128x32xf32, #tpu.memory_space<hbm>>) dst(%arg13 : memref<128x32xf32, #tpu.memory_space<vmem>>)
    %dma_start3A_179 = arith.constant 79 : i32
    %dma_start3A_180 = arith.constant 0 : i32
    %dma_start3A_181 = tpu.memref_slice %arg8[%dma_start3A_179, %dma_start3A_180] : memref<80x128xi32, #tpu.memory_space<vmem>> -> memref<1x128xi32, #tpu.memory_space<vmem>>
    %dma_start3A_182 = tpu.memref_squeeze %dma_start3A_181 : memref<1x128xi32, #tpu.memory_space<vmem>> -> memref<128xi32, #tpu.memory_space<vmem>>
    %dma_start3A_183 = arith.constant 0 : i32
    %dma_start3A_184 = arith.constant 0 : i32
    %dma_start3A_185 = tpu.memref_slice %arg14[%dma_start3A_183, %dma_start3A_184] : memref<10240x32xf32, #tpu.memory_space<vmem_shared>> -> memref<10240x32xf32, #tpu.memory_space<vmem_shared>>
    tpu.enqueue_indirect_dma source(%dma_start3A_185 : memref<10240x32xf32, #tpu.memory_space<vmem_shared>>) target(%arg13 : memref<128x32xf32, #tpu.memory_space<vmem>>) offsets(%dma_start3A_182 : memref<128xi32, #tpu.memory_space<vmem>>) semaphore(%arg19 : memref<!tpu.dma_semaphore, #tpu.memory_space<semaphore_mem>>)
    %dma_wait3A_186 = arith.constant 0 : i32
    %dma_wait3A_187 = arith.constant 0 : i32
    %dma_wait3A_188 = tpu.memref_slice %arg2[%dma_wait3A_186, %dma_wait3A_187] : memref<10240x32xf32, #tpu.memory_space<hbm>> -> memref<128x32xf32, #tpu.memory_space<hbm>>
    %dma_wait3A_189 = arith.constant 0 : i32
    %dma_wait3A_190 = arith.constant 0 : i32
    %dma_wait3A_191 = tpu.memref_slice %arg2[%dma_wait3A_189, %dma_wait3A_190] : memref<10240x32xf32, #tpu.memory_space<hbm>> -> memref<128x32xf32, #tpu.memory_space<hbm>>
    tpu.wait_dma2 semaphore(%arg18 : memref<!tpu.dma_semaphore, #tpu.memory_space<semaphore_mem>>) src(%dma_wait3A_191 : memref<128x32xf32, #tpu.memory_space<hbm>>) dst(%arg12 : memref<128x32xf32, #tpu.memory_space<vmem>>)
    %dma_start3A_192 = arith.constant 78 : i32
    %dma_start3A_193 = arith.constant 0 : i32
    %dma_start3A_194 = tpu.memref_slice %arg9[%dma_start3A_192, %dma_start3A_193] : memref<80x128xi32, #tpu.memory_space<vmem>> -> memref<1x128xi32, #tpu.memory_space<vmem>>
    %dma_start3A_195 = tpu.memref_squeeze %dma_start3A_194 : memref<1x128xi32, #tpu.memory_space<vmem>> -> memref<128xi32, #tpu.memory_space<vmem>>
    %dma_start3A_196 = arith.constant 0 : i32
    %dma_start3A_197 = arith.constant 0 : i32
    %dma_start3A_198 = tpu.memref_slice %arg15[%dma_start3A_196, %dma_start3A_197] : memref<10240x32xf32, #tpu.memory_space<vmem_shared>> -> memref<10240x32xf32, #tpu.memory_space<vmem_shared>>
    tpu.enqueue_indirect_dma source(%arg12 : memref<128x32xf32, #tpu.memory_space<vmem>>) target(%dma_start3A_198 : memref<10240x32xf32, #tpu.memory_space<vmem_shared>>) offsets(%dma_start3A_195 : memref<128xi32, #tpu.memory_space<vmem>>) semaphore(%arg22 : memref<!tpu.dma_semaphore, #tpu.memory_space<semaphore_mem>>) {add = true}
    %dma_wait3A_199 = arith.constant 0 : i32
    %dma_wait3A_200 = arith.constant 0 : i32
    %dma_wait3A_201 = tpu.memref_slice %arg2[%dma_wait3A_199, %dma_wait3A_200] : memref<10240x32xf32, #tpu.memory_space<hbm>> -> memref<128x32xf32, #tpu.memory_space<hbm>>
    %dma_wait3A_202 = arith.constant 0 : i32
    %dma_wait3A_203 = arith.constant 0 : i32
    %dma_wait3A_204 = tpu.memref_slice %arg2[%dma_wait3A_202, %dma_wait3A_203] : memref<10240x32xf32, #tpu.memory_space<hbm>> -> memref<128x32xf32, #tpu.memory_space<hbm>>
    tpu.wait_dma2 semaphore(%arg19 : memref<!tpu.dma_semaphore, #tpu.memory_space<semaphore_mem>>) src(%dma_wait3A_204 : memref<128x32xf32, #tpu.memory_space<hbm>>) dst(%arg13 : memref<128x32xf32, #tpu.memory_space<vmem>>)
    %dma_start3A_205 = arith.constant 79 : i32
    %dma_start3A_206 = arith.constant 0 : i32
    %dma_start3A_207 = tpu.memref_slice %arg9[%dma_start3A_205, %dma_start3A_206] : memref<80x128xi32, #tpu.memory_space<vmem>> -> memref<1x128xi32, #tpu.memory_space<vmem>>
    %dma_start3A_208 = tpu.memref_squeeze %dma_start3A_207 : memref<1x128xi32, #tpu.memory_space<vmem>> -> memref<128xi32, #tpu.memory_space<vmem>>
    %dma_start3A_209 = arith.constant 0 : i32
    %dma_start3A_210 = arith.constant 0 : i32
    %dma_start3A_211 = tpu.memref_slice %arg15[%dma_start3A_209, %dma_start3A_210] : memref<10240x32xf32, #tpu.memory_space<vmem_shared>> -> memref<10240x32xf32, #tpu.memory_space<vmem_shared>>
    tpu.enqueue_indirect_dma source(%arg13 : memref<128x32xf32, #tpu.memory_space<vmem>>) target(%dma_start3A_211 : memref<10240x32xf32, #tpu.memory_space<vmem_shared>>) offsets(%dma_start3A_208 : memref<128xi32, #tpu.memory_space<vmem>>) semaphore(%arg23 : memref<!tpu.dma_semaphore, #tpu.memory_space<semaphore_mem>>) {add = true}
    %dma_wait3A_212 = arith.constant 0 : i32
    %dma_wait3A_213 = arith.constant 0 : i32
    %dma_wait3A_214 = tpu.memref_slice %arg2[%dma_wait3A_212, %dma_wait3A_213] : memref<10240x32xf32, #tpu.memory_space<hbm>> -> memref<128x32xf32, #tpu.memory_space<hbm>>
    %dma_wait3A_215 = arith.constant 0 : i32
    %dma_wait3A_216 = arith.constant 0 : i32
    %dma_wait3A_217 = tpu.memref_slice %arg2[%dma_wait3A_215, %dma_wait3A_216] : memref<10240x32xf32, #tpu.memory_space<hbm>> -> memref<128x32xf32, #tpu.memory_space<hbm>>
    tpu.wait_dma2 semaphore(%arg20 : memref<!tpu.dma_semaphore, #tpu.memory_space<semaphore_mem>>) src(%dma_wait3A_217 : memref<128x32xf32, #tpu.memory_space<hbm>>) dst(%arg10 : memref<128x32xf32, #tpu.memory_space<vmem>>)
    %dma_wait3A_218 = arith.constant 0 : i32
    %dma_wait3A_219 = arith.constant 0 : i32
    %dma_wait3A_220 = tpu.memref_slice %arg2[%dma_wait3A_218, %dma_wait3A_219] : memref<10240x32xf32, #tpu.memory_space<hbm>> -> memref<128x32xf32, #tpu.memory_space<hbm>>
    %dma_wait3A_221 = arith.constant 0 : i32
    %dma_wait3A_222 = arith.constant 0 : i32
    %dma_wait3A_223 = tpu.memref_slice %arg2[%dma_wait3A_221, %dma_wait3A_222] : memref<10240x32xf32, #tpu.memory_space<hbm>> -> memref<128x32xf32, #tpu.memory_space<hbm>>
    tpu.wait_dma2 semaphore(%arg21 : memref<!tpu.dma_semaphore, #tpu.memory_space<semaphore_mem>>) src(%dma_wait3A_223 : memref<128x32xf32, #tpu.memory_space<hbm>>) dst(%arg11 : memref<128x32xf32, #tpu.memory_space<vmem>>)
    %dma_wait3A_224 = arith.constant 0 : i32
    %dma_wait3A_225 = arith.constant 0 : i32
    %dma_wait3A_226 = tpu.memref_slice %arg2[%dma_wait3A_224, %dma_wait3A_225] : memref<10240x32xf32, #tpu.memory_space<hbm>> -> memref<128x32xf32, #tpu.memory_space<hbm>>
    %dma_wait3A_227 = arith.constant 0 : i32
    %dma_wait3A_228 = arith.constant 0 : i32
    %dma_wait3A_229 = tpu.memref_slice %arg2[%dma_wait3A_227, %dma_wait3A_228] : memref<10240x32xf32, #tpu.memory_space<hbm>> -> memref<128x32xf32, #tpu.memory_space<hbm>>
    tpu.wait_dma2 semaphore(%arg22 : memref<!tpu.dma_semaphore, #tpu.memory_space<semaphore_mem>>) src(%dma_wait3A_229 : memref<128x32xf32, #tpu.memory_space<hbm>>) dst(%arg12 : memref<128x32xf32, #tpu.memory_space<vmem>>)
    %dma_wait3A_230 = arith.constant 0 : i32
    %dma_wait3A_231 = arith.constant 0 : i32
    %dma_wait3A_232 = tpu.memref_slice %arg2[%dma_wait3A_230, %dma_wait3A_231] : memref<10240x32xf32, #tpu.memory_space<hbm>> -> memref<128x32xf32, #tpu.memory_space<hbm>>
    %dma_wait3A_233 = arith.constant 0 : i32
    %dma_wait3A_234 = arith.constant 0 : i32
    %dma_wait3A_235 = tpu.memref_slice %arg2[%dma_wait3A_233, %dma_wait3A_234] : memref<10240x32xf32, #tpu.memory_space<hbm>> -> memref<128x32xf32, #tpu.memory_space<hbm>>
    tpu.wait_dma2 semaphore(%arg23 : memref<!tpu.dma_semaphore, #tpu.memory_space<semaphore_mem>>) src(%dma_wait3A_235 : memref<128x32xf32, #tpu.memory_space<hbm>>) dst(%arg13 : memref<128x32xf32, #tpu.memory_space<vmem>>)
    %barrier3A_236 = arith.constant 0 : index
    tpu.barrier barrier_id(%barrier3A_236)
    %mul3A_237 = arith.constant 10240 : i32
    %mul3A_238 = arith.muli %arg0, %mul3A_237 : i32
    %add3A_239 = arith.addi %mul3A_238, %mul3A_2 : i32
    "tpu.region"() ({
      %run_scoped3A = tpu.sem_alloc : memref<!tpu.dma_semaphore, #tpu.memory_space<semaphore_mem>>
      %dma_start3A_240 = arith.constant 0 : i32
      %dma_start3A_241 = tpu.memref_slice %arg7[%add3A_239, %dma_start3A_240] : memref<20480x32xf32, #tpu.memory_space<hbm>> -> memref<640x32xf32, #tpu.memory_space<hbm>>
      %dma_start3A_242 = arith.constant 0 : i32
      %dma_start3A_243 = tpu.memref_slice %arg15[%mul3A_2, %dma_start3A_242] : memref<10240x32xf32, #tpu.memory_space<vmem_shared>> -> memref<640x32xf32, #tpu.memory_space<vmem_shared>>
      tpu.enqueue_dma source(%dma_start3A_243 : memref<640x32xf32, #tpu.memory_space<vmem_shared>>) target(%dma_start3A_241 : memref<640x32xf32, #tpu.memory_space<hbm>>) target_semaphore(%run_scoped3A : memref<!tpu.dma_semaphore, #tpu.memory_space<semaphore_mem>>)
      %dma_wait3A_244 = arith.constant 0 : i32
      %dma_wait3A_245 = tpu.memref_slice %arg7[%add3A_239, %dma_wait3A_244] : memref<20480x32xf32, #tpu.memory_space<hbm>> -> memref<640x32xf32, #tpu.memory_space<hbm>>
      %dma_wait3A_246 = arith.constant 0 : i32
      %dma_wait3A_247 = tpu.memref_slice %arg15[%mul3A_2, %dma_wait3A_246] : memref<10240x32xf32, #tpu.memory_space<vmem_shared>> -> memref<640x32xf32, #tpu.memory_space<vmem_shared>>
      tpu.wait_dma2 semaphore(%run_scoped3A : memref<!tpu.dma_semaphore, #tpu.memory_space<semaphore_mem>>) src(%dma_wait3A_247 : memref<640x32xf32, #tpu.memory_space<vmem_shared>>) dst(%dma_wait3A_245 : memref<640x32xf32, #tpu.memory_space<hbm>>)
      tpu.yield
    }) : () -> ()
    return
  }
}

#map = affine_map<(d0, d1) -> (0, 0)>
module attributes {stable_mosaic.version = 14 : i64} {
  func.func @_sc_segment_sum(%arg0: i32, %arg1: i32, %arg2: memref<10240x32xf32, #tpu.memory_space<hbm>>, %arg3: memref<2500x128xi32, #tpu.memory_space<hbm>>, %arg4: memref<2500x128xi32, #tpu.memory_space<hbm>>, %arg5: memref<10240x32xf32, #tpu.memory_space<hbm>>, %arg6: memref<60x128xi32, #tpu.memory_space<hbm>>, %arg7: memref<20480x32xf32, #tpu.memory_space<hbm>>, %arg8: memref<80x128xi32, #tpu.memory_space<vmem>>, %arg9: memref<80x128xi32, #tpu.memory_space<vmem>>, %arg10: memref<128x32xf32, #tpu.memory_space<vmem>>, %arg11: memref<128x32xf32, #tpu.memory_space<vmem>>, %arg12: memref<128x32xf32, #tpu.memory_space<vmem>>, %arg13: memref<128x32xf32, #tpu.memory_space<vmem>>, %arg14: memref<10240x32xf32, #tpu.memory_space<vmem_shared>>, %arg15: memref<10240x32xf32, #tpu.memory_space<vmem_shared>>, %arg16: memref<!tpu.dma_semaphore, #tpu.memory_space<semaphore_mem>>, %arg17: memref<!tpu.dma_semaphore, #tpu.memory_space<semaphore_mem>>, %arg18: memref<!tpu.dma_semaphore, #tpu.memory_space<semaphore_mem>>, %arg19: memref<!tpu.dma_semaphore, #tpu.memory_space<semaphore_mem>>, %arg20: memref<!tpu.dma_semaphore, #tpu.memory_space<semaphore_mem>>, %arg21: memref<!tpu.dma_semaphore, #tpu.memory_space<semaphore_mem>>, %arg22: memref<!tpu.dma_semaphore, #tpu.memory_space<semaphore_mem>>, %arg23: memref<!tpu.dma_semaphore, #tpu.memory_space<semaphore_mem>>) attributes {dimension_semantics = [#tpu.dimension_semantics<core_parallel>, #tpu.dimension_semantics<subcore_parallel>], iteration_bounds = array<i64: 2, 16>, scalar_prefetch = 0 : i64, scratch_operands = 16 : i64, tpu.core_type = #tpu.core_type<sc_vector_subcore>, window_params = [{transform_indices = #map}, {transform_indices = #map}, {transform_indices = #map}, {transform_indices = #map}, {transform_indices = #map}, {transform_indices = #map}]} {
    %mul3A = arith.constant 2 : i32
    %mul3A_0 = arith.muli %arg1, %mul3A : i32
    %add3A = arith.addi %mul3A_0, %arg0 : i32
    %mul3A_1 = arith.constant 640 : i32
    %mul3A_2 = arith.muli %arg1, %mul3A_1 : i32
    %dma_start3A = arith.constant 0 : i32
    %dma_start3A_3 = tpu.memref_slice %arg14[%mul3A_2, %dma_start3A] : memref<10240x32xf32, #tpu.memory_space<vmem_shared>> -> memref<640x32xf32, #tpu.memory_space<vmem_shared>>
    %dma_start3A_4 = arith.constant 0 : i32
    %dma_start3A_5 = tpu.memref_slice %arg2[%mul3A_2, %dma_start3A_4] : memref<10240x32xf32, #tpu.memory_space<hbm>> -> memref<640x32xf32, #tpu.memory_space<hbm>>
    tpu.enqueue_dma source(%dma_start3A_5 : memref<640x32xf32, #tpu.memory_space<hbm>>) target(%dma_start3A_3 : memref<640x32xf32, #tpu.memory_space<vmem_shared>>) target_semaphore(%arg18 : memref<!tpu.dma_semaphore, #tpu.memory_space<semaphore_mem>>)
    %dma_start3A_6 = arith.constant 0 : i32
    %dma_start3A_7 = tpu.memref_slice %arg15[%mul3A_2, %dma_start3A_6] : memref<10240x32xf32, #tpu.memory_space<vmem_shared>> -> memref<640x32xf32, #tpu.memory_space<vmem_shared>>
    %dma_start3A_8 = arith.constant 0 : i32
    %dma_start3A_9 = tpu.memref_slice %arg5[%mul3A_2, %dma_start3A_8] : memref<10240x32xf32, #tpu.memory_space<hbm>> -> memref<640x32xf32, #tpu.memory_space<hbm>>
    tpu.enqueue_dma source(%dma_start3A_9 : memref<640x32xf32, #tpu.memory_space<hbm>>) target(%dma_start3A_7 : memref<640x32xf32, #tpu.memory_space<vmem_shared>>) target_semaphore(%arg19 : memref<!tpu.dma_semaphore, #tpu.memory_space<semaphore_mem>>)
    %lt3A = arith.constant 31 : i32
    %lt3A_10 = arith.cmpi slt, %add3A, %lt3A : i32
    %convert_element_type3A = arith.extui %lt3A_10 : i1 to i32
    %cond3A = arith.constant 0 : i32
    %cond3A_11 = arith.cmpi ne, %convert_element_type3A, %cond3A : i32
    scf.if %cond3A_11 {
      %mul3A_240 = arith.constant 80 : i32
      %mul3A_241 = arith.muli %add3A, %mul3A_240 : i32
      %mul3A_242 = arith.constant 80 : i32
      %mul3A_243 = arith.muli %add3A, %mul3A_242 : i32
      %dma_start3A_244 = arith.constant 0 : i32
      %dma_start3A_245 = tpu.memref_slice %arg3[%mul3A_241, %dma_start3A_244] : memref<2500x128xi32, #tpu.memory_space<hbm>> -> memref<80x128xi32, #tpu.memory_space<hbm>>
      %dma_start3A_246 = arith.constant 0 : i32
      %dma_start3A_247 = tpu.memref_slice %arg3[%mul3A_241, %dma_start3A_246] : memref<2500x128xi32, #tpu.memory_space<hbm>> -> memref<80x128xi32, #tpu.memory_space<hbm>>
      tpu.enqueue_dma source(%dma_start3A_247 : memref<80x128xi32, #tpu.memory_space<hbm>>) target(%arg8 : memref<80x128xi32, #tpu.memory_space<vmem>>) target_semaphore(%arg16 : memref<!tpu.dma_semaphore, #tpu.memory_space<semaphore_mem>>)
      %dma_start3A_248 = arith.constant 0 : i32
      %dma_start3A_249 = tpu.memref_slice %arg4[%mul3A_243, %dma_start3A_248] : memref<2500x128xi32, #tpu.memory_space<hbm>> -> memref<80x128xi32, #tpu.memory_space<hbm>>
      %dma_start3A_250 = arith.constant 0 : i32
      %dma_start3A_251 = tpu.memref_slice %arg4[%mul3A_243, %dma_start3A_250] : memref<2500x128xi32, #tpu.memory_space<hbm>> -> memref<80x128xi32, #tpu.memory_space<hbm>>
      tpu.enqueue_dma source(%dma_start3A_251 : memref<80x128xi32, #tpu.memory_space<hbm>>) target(%arg9 : memref<80x128xi32, #tpu.memory_space<vmem>>) target_semaphore(%arg17 : memref<!tpu.dma_semaphore, #tpu.memory_space<semaphore_mem>>)
      %dma_wait3A_252 = arith.constant 0 : i32
      %dma_wait3A_253 = tpu.memref_slice %arg3[%mul3A_241, %dma_wait3A_252] : memref<2500x128xi32, #tpu.memory_space<hbm>> -> memref<80x128xi32, #tpu.memory_space<hbm>>
      %dma_wait3A_254 = arith.constant 0 : i32
      %dma_wait3A_255 = tpu.memref_slice %arg3[%mul3A_241, %dma_wait3A_254] : memref<2500x128xi32, #tpu.memory_space<hbm>> -> memref<80x128xi32, #tpu.memory_space<hbm>>
      tpu.wait_dma2 semaphore(%arg16 : memref<!tpu.dma_semaphore, #tpu.memory_space<semaphore_mem>>) src(%dma_wait3A_255 : memref<80x128xi32, #tpu.memory_space<hbm>>) dst(%arg8 : memref<80x128xi32, #tpu.memory_space<vmem>>)
      %dma_wait3A_256 = arith.constant 0 : i32
      %dma_wait3A_257 = tpu.memref_slice %arg4[%mul3A_243, %dma_wait3A_256] : memref<2500x128xi32, #tpu.memory_space<hbm>> -> memref<80x128xi32, #tpu.memory_space<hbm>>
      %dma_wait3A_258 = arith.constant 0 : i32
      %dma_wait3A_259 = tpu.memref_slice %arg4[%mul3A_243, %dma_wait3A_258] : memref<2500x128xi32, #tpu.memory_space<hbm>> -> memref<80x128xi32, #tpu.memory_space<hbm>>
      tpu.wait_dma2 semaphore(%arg17 : memref<!tpu.dma_semaphore, #tpu.memory_space<semaphore_mem>>) src(%dma_wait3A_259 : memref<80x128xi32, #tpu.memory_space<hbm>>) dst(%arg9 : memref<80x128xi32, #tpu.memory_space<vmem>>)
    } else {
    }
    %eq3A = arith.constant 31 : i32
    %eq3A_12 = arith.cmpi eq, %add3A, %eq3A : i32
    %convert_element_type3A_13 = arith.extui %eq3A_12 : i1 to i32
    %cond3A_14 = arith.constant 0 : i32
    %cond3A_15 = arith.cmpi ne, %convert_element_type3A_13, %cond3A_14 : i32
    scf.if %cond3A_15 {
      %dma_start3A_240 = arith.constant 0 : i32
      %dma_start3A_241 = arith.constant 0 : i32
      %dma_start3A_242 = tpu.memref_slice %arg8[%dma_start3A_240, %dma_start3A_241] : memref<80x128xi32, #tpu.memory_space<vmem>> -> memref<20x128xi32, #tpu.memory_space<vmem>>
      %dma_start3A_243 = arith.constant 2480 : i32
      %dma_start3A_244 = arith.constant 0 : i32
      %dma_start3A_245 = tpu.memref_slice %arg3[%dma_start3A_243, %dma_start3A_244] : memref<2500x128xi32, #tpu.memory_space<hbm>> -> memref<20x128xi32, #tpu.memory_space<hbm>>
      %dma_start3A_246 = arith.constant 0 : i32
      %dma_start3A_247 = arith.constant 0 : i32
      %dma_start3A_248 = tpu.memref_slice %arg8[%dma_start3A_246, %dma_start3A_247] : memref<80x128xi32, #tpu.memory_space<vmem>> -> memref<20x128xi32, #tpu.memory_space<vmem>>
      %dma_start3A_249 = arith.constant 2480 : i32
      %dma_start3A_250 = arith.constant 0 : i32
      %dma_start3A_251 = tpu.memref_slice %arg3[%dma_start3A_249, %dma_start3A_250] : memref<2500x128xi32, #tpu.memory_space<hbm>> -> memref<20x128xi32, #tpu.memory_space<hbm>>
      tpu.enqueue_dma source(%dma_start3A_251 : memref<20x128xi32, #tpu.memory_space<hbm>>) target(%dma_start3A_248 : memref<20x128xi32, #tpu.memory_space<vmem>>) target_semaphore(%arg16 : memref<!tpu.dma_semaphore, #tpu.memory_space<semaphore_mem>>)
      %dma_start3A_252 = arith.constant 0 : i32
      %dma_start3A_253 = arith.constant 0 : i32
      %dma_start3A_254 = tpu.memref_slice %arg9[%dma_start3A_252, %dma_start3A_253] : memref<80x128xi32, #tpu.memory_space<vmem>> -> memref<20x128xi32, #tpu.memory_space<vmem>>
      %dma_start3A_255 = arith.constant 2480 : i32
      %dma_start3A_256 = arith.constant 0 : i32
      %dma_start3A_257 = tpu.memref_slice %arg4[%dma_start3A_255, %dma_start3A_256] : memref<2500x128xi32, #tpu.memory_space<hbm>> -> memref<20x128xi32, #tpu.memory_space<hbm>>
      %dma_start3A_258 = arith.constant 0 : i32
      %dma_start3A_259 = arith.constant 0 : i32
      %dma_start3A_260 = tpu.memref_slice %arg9[%dma_start3A_258, %dma_start3A_259] : memref<80x128xi32, #tpu.memory_space<vmem>> -> memref<20x128xi32, #tpu.memory_space<vmem>>
      %dma_start3A_261 = arith.constant 2480 : i32
      %dma_start3A_262 = arith.constant 0 : i32
      %dma_start3A_263 = tpu.memref_slice %arg4[%dma_start3A_261, %dma_start3A_262] : memref<2500x128xi32, #tpu.memory_space<hbm>> -> memref<20x128xi32, #tpu.memory_space<hbm>>
      tpu.enqueue_dma source(%dma_start3A_263 : memref<20x128xi32, #tpu.memory_space<hbm>>) target(%dma_start3A_260 : memref<20x128xi32, #tpu.memory_space<vmem>>) target_semaphore(%arg17 : memref<!tpu.dma_semaphore, #tpu.memory_space<semaphore_mem>>)
      %dma_start3A_264 = arith.constant 20 : i32
      %dma_start3A_265 = arith.constant 0 : i32
      %dma_start3A_266 = tpu.memref_slice %arg8[%dma_start3A_264, %dma_start3A_265] : memref<80x128xi32, #tpu.memory_space<vmem>> -> memref<60x128xi32, #tpu.memory_space<vmem>>
      %dma_start3A_267 = arith.constant 20 : i32
      %dma_start3A_268 = arith.constant 0 : i32
      %dma_start3A_269 = tpu.memref_slice %arg8[%dma_start3A_267, %dma_start3A_268] : memref<80x128xi32, #tpu.memory_space<vmem>> -> memref<60x128xi32, #tpu.memory_space<vmem>>
      tpu.enqueue_dma source(%arg6 : memref<60x128xi32, #tpu.memory_space<hbm>>) target(%dma_start3A_269 : memref<60x128xi32, #tpu.memory_space<vmem>>) target_semaphore(%arg20 : memref<!tpu.dma_semaphore, #tpu.memory_space<semaphore_mem>>)
      %dma_start3A_270 = arith.constant 20 : i32
      %dma_start3A_271 = arith.constant 0 : i32
      %dma_start3A_272 = tpu.memref_slice %arg9[%dma_start3A_270, %dma_start3A_271] : memref<80x128xi32, #tpu.memory_space<vmem>> -> memref<60x128xi32, #tpu.memory_space<vmem>>
      %dma_start3A_273 = arith.constant 20 : i32
      %dma_start3A_274 = arith.constant 0 : i32
      %dma_start3A_275 = tpu.memref_slice %arg9[%dma_start3A_273, %dma_start3A_274] : memref<80x128xi32, #tpu.memory_space<vmem>> -> memref<60x128xi32, #tpu.memory_space<vmem>>
      tpu.enqueue_dma source(%arg6 : memref<60x128xi32, #tpu.memory_space<hbm>>) target(%dma_start3A_275 : memref<60x128xi32, #tpu.memory_space<vmem>>) target_semaphore(%arg21 : memref<!tpu.dma_semaphore, #tpu.memory_space<semaphore_mem>>)
      %dma_wait3A_276 = arith.constant 0 : i32
      %dma_wait3A_277 = arith.constant 0 : i32
      %dma_wait3A_278 = tpu.memref_slice %arg8[%dma_wait3A_276, %dma_wait3A_277] : memref<80x128xi32, #tpu.memory_space<vmem>> -> memref<20x128xi32, #tpu.memory_space<vmem>>
      %dma_wait3A_279 = arith.constant 2480 : i32
      %dma_wait3A_280 = arith.constant 0 : i32
      %dma_wait3A_281 = tpu.memref_slice %arg3[%dma_wait3A_279, %dma_wait3A_280] : memref<2500x128xi32, #tpu.memory_space<hbm>> -> memref<20x128xi32, #tpu.memory_space<hbm>>
      %dma_wait3A_282 = arith.constant 0 : i32
      %dma_wait3A_283 = arith.constant 0 : i32
      %dma_wait3A_284 = tpu.memref_slice %arg8[%dma_wait3A_282, %dma_wait3A_283] : memref<80x128xi32, #tpu.memory_space<vmem>> -> memref<20x128xi32, #tpu.memory_space<vmem>>
      %dma_wait3A_285 = arith.constant 2480 : i32
      %dma_wait3A_286 = arith.constant 0 : i32
      %dma_wait3A_287 = tpu.memref_slice %arg3[%dma_wait3A_285, %dma_wait3A_286] : memref<2500x128xi32, #tpu.memory_space<hbm>> -> memref<20x128xi32, #tpu.memory_space<hbm>>
      tpu.wait_dma2 semaphore(%arg16 : memref<!tpu.dma_semaphore, #tpu.memory_space<semaphore_mem>>) src(%dma_wait3A_287 : memref<20x128xi32, #tpu.memory_space<hbm>>) dst(%dma_wait3A_284 : memref<20x128xi32, #tpu.memory_space<vmem>>)
      %dma_wait3A_288 = arith.constant 0 : i32
      %dma_wait3A_289 = arith.constant 0 : i32
      %dma_wait3A_290 = tpu.memref_slice %arg9[%dma_wait3A_288, %dma_wait3A_289] : memref<80x128xi32, #tpu.memory_space<vmem>> -> memref<20x128xi32, #tpu.memory_space<vmem>>
      %dma_wait3A_291 = arith.constant 2480 : i32
      %dma_wait3A_292 = arith.constant 0 : i32
      %dma_wait3A_293 = tpu.memref_slice %arg4[%dma_wait3A_291, %dma_wait3A_292] : memref<2500x128xi32, #tpu.memory_space<hbm>> -> memref<20x128xi32, #tpu.memory_space<hbm>>
      %dma_wait3A_294 = arith.constant 0 : i32
      %dma_wait3A_295 = arith.constant 0 : i32
      %dma_wait3A_296 = tpu.memref_slice %arg9[%dma_wait3A_294, %dma_wait3A_295] : memref<80x128xi32, #tpu.memory_space<vmem>> -> memref<20x128xi32, #tpu.memory_space<vmem>>
      %dma_wait3A_297 = arith.constant 2480 : i32
      %dma_wait3A_298 = arith.constant 0 : i32
      %dma_wait3A_299 = tpu.memref_slice %arg4[%dma_wait3A_297, %dma_wait3A_298] : memref<2500x128xi32, #tpu.memory_space<hbm>> -> memref<20x128xi32, #tpu.memory_space<hbm>>
      tpu.wait_dma2 semaphore(%arg17 : memref<!tpu.dma_semaphore, #tpu.memory_space<semaphore_mem>>) src(%dma_wait3A_299 : memref<20x128xi32, #tpu.memory_space<hbm>>) dst(%dma_wait3A_296 : memref<20x128xi32, #tpu.memory_space<vmem>>)
      %dma_wait3A_300 = arith.constant 20 : i32
      %dma_wait3A_301 = arith.constant 0 : i32
      %dma_wait3A_302 = tpu.memref_slice %arg8[%dma_wait3A_300, %dma_wait3A_301] : memref<80x128xi32, #tpu.memory_space<vmem>> -> memref<60x128xi32, #tpu.memory_space<vmem>>
      %dma_wait3A_303 = arith.constant 20 : i32
      %dma_wait3A_304 = arith.constant 0 : i32
      %dma_wait3A_305 = tpu.memref_slice %arg8[%dma_wait3A_303, %dma_wait3A_304] : memref<80x128xi32, #tpu.memory_space<vmem>> -> memref<60x128xi32, #tpu.memory_space<vmem>>
      tpu.wait_dma2 semaphore(%arg20 : memref<!tpu.dma_semaphore, #tpu.memory_space<semaphore_mem>>) src(%arg6 : memref<60x128xi32, #tpu.memory_space<hbm>>) dst(%dma_wait3A_305 : memref<60x128xi32, #tpu.memory_space<vmem>>)
      %dma_wait3A_306 = arith.constant 20 : i32
      %dma_wait3A_307 = arith.constant 0 : i32
      %dma_wait3A_308 = tpu.memref_slice %arg9[%dma_wait3A_306, %dma_wait3A_307] : memref<80x128xi32, #tpu.memory_space<vmem>> -> memref<60x128xi32, #tpu.memory_space<vmem>>
      %dma_wait3A_309 = arith.constant 20 : i32
      %dma_wait3A_310 = arith.constant 0 : i32
      %dma_wait3A_311 = tpu.memref_slice %arg9[%dma_wait3A_309, %dma_wait3A_310] : memref<80x128xi32, #tpu.memory_space<vmem>> -> memref<60x128xi32, #tpu.memory_space<vmem>>
      tpu.wait_dma2 semaphore(%arg21 : memref<!tpu.dma_semaphore, #tpu.memory_space<semaphore_mem>>) src(%arg6 : memref<60x128xi32, #tpu.memory_space<hbm>>) dst(%dma_wait3A_311 : memref<60x128xi32, #tpu.memory_space<vmem>>)
    } else {
    }
    %dma_wait3A = arith.constant 0 : i32
    %dma_wait3A_16 = tpu.memref_slice %arg14[%mul3A_2, %dma_wait3A] : memref<10240x32xf32, #tpu.memory_space<vmem_shared>> -> memref<640x32xf32, #tpu.memory_space<vmem_shared>>
    %dma_wait3A_17 = arith.constant 0 : i32
    %dma_wait3A_18 = tpu.memref_slice %arg2[%mul3A_2, %dma_wait3A_17] : memref<10240x32xf32, #tpu.memory_space<hbm>> -> memref<640x32xf32, #tpu.memory_space<hbm>>
    tpu.wait_dma2 semaphore(%arg18 : memref<!tpu.dma_semaphore, #tpu.memory_space<semaphore_mem>>) src(%dma_wait3A_18 : memref<640x32xf32, #tpu.memory_space<hbm>>) dst(%dma_wait3A_16 : memref<640x32xf32, #tpu.memory_space<vmem_shared>>)
    %dma_wait3A_19 = arith.constant 0 : i32
    %dma_wait3A_20 = tpu.memref_slice %arg15[%mul3A_2, %dma_wait3A_19] : memref<10240x32xf32, #tpu.memory_space<vmem_shared>> -> memref<640x32xf32, #tpu.memory_space<vmem_shared>>
    %dma_wait3A_21 = arith.constant 0 : i32
    %dma_wait3A_22 = tpu.memref_slice %arg5[%mul3A_2, %dma_wait3A_21] : memref<10240x32xf32, #tpu.memory_space<hbm>> -> memref<640x32xf32, #tpu.memory_space<hbm>>
    tpu.wait_dma2 semaphore(%arg19 : memref<!tpu.dma_semaphore, #tpu.memory_space<semaphore_mem>>) src(%dma_wait3A_22 : memref<640x32xf32, #tpu.memory_space<hbm>>) dst(%dma_wait3A_20 : memref<640x32xf32, #tpu.memory_space<vmem_shared>>)
    %barrier3A = arith.constant 0 : index
    tpu.barrier barrier_id(%barrier3A)
    %dma_start3A_23 = arith.constant 0 : i32
    %dma_start3A_24 = arith.constant 0 : i32
    %dma_start3A_25 = tpu.memref_slice %arg8[%dma_start3A_23, %dma_start3A_24] : memref<80x128xi32, #tpu.memory_space<vmem>> -> memref<1x128xi32, #tpu.memory_space<vmem>>
    %dma_start3A_26 = tpu.memref_squeeze %dma_start3A_25 : memref<1x128xi32, #tpu.memory_space<vmem>> -> memref<128xi32, #tpu.memory_space<vmem>>
    %dma_start3A_27 = arith.constant 0 : i32
    %dma_start3A_28 = arith.constant 0 : i32
    %dma_start3A_29 = tpu.memref_slice %arg14[%dma_start3A_27, %dma_start3A_28] : memref<10240x32xf32, #tpu.memory_space<vmem_shared>> -> memref<10240x32xf32, #tpu.memory_space<vmem_shared>>
    tpu.enqueue_indirect_dma source(%dma_start3A_29 : memref<10240x32xf32, #tpu.memory_space<vmem_shared>>) target(%arg10 : memref<128x32xf32, #tpu.memory_space<vmem>>) offsets(%dma_start3A_26 : memref<128xi32, #tpu.memory_space<vmem>>) semaphore(%arg16 : memref<!tpu.dma_semaphore, #tpu.memory_space<semaphore_mem>>)
    %dma_start3A_30 = arith.constant 1 : i32
    %dma_start3A_31 = arith.constant 0 : i32
    %dma_start3A_32 = tpu.memref_slice %arg8[%dma_start3A_30, %dma_start3A_31] : memref<80x128xi32, #tpu.memory_space<vmem>> -> memref<1x128xi32, #tpu.memory_space<vmem>>
    %dma_start3A_33 = tpu.memref_squeeze %dma_start3A_32 : memref<1x128xi32, #tpu.memory_space<vmem>> -> memref<128xi32, #tpu.memory_space<vmem>>
    %dma_start3A_34 = arith.constant 0 : i32
    %dma_start3A_35 = arith.constant 0 : i32
    %dma_start3A_36 = tpu.memref_slice %arg14[%dma_start3A_34, %dma_start3A_35] : memref<10240x32xf32, #tpu.memory_space<vmem_shared>> -> memref<10240x32xf32, #tpu.memory_space<vmem_shared>>
    tpu.enqueue_indirect_dma source(%dma_start3A_36 : memref<10240x32xf32, #tpu.memory_space<vmem_shared>>) target(%arg11 : memref<128x32xf32, #tpu.memory_space<vmem>>) offsets(%dma_start3A_33 : memref<128xi32, #tpu.memory_space<vmem>>) semaphore(%arg17 : memref<!tpu.dma_semaphore, #tpu.memory_space<semaphore_mem>>)
    %dma_wait3A_37 = arith.constant 0 : i32
    %dma_wait3A_38 = arith.constant 0 : i32
    %dma_wait3A_39 = tpu.memref_slice %arg2[%dma_wait3A_37, %dma_wait3A_38] : memref<10240x32xf32, #tpu.memory_space<hbm>> -> memref<128x32xf32, #tpu.memory_space<hbm>>
    %dma_wait3A_40 = arith.constant 0 : i32
    %dma_wait3A_41 = arith.constant 0 : i32
    %dma_wait3A_42 = tpu.memref_slice %arg2[%dma_wait3A_40, %dma_wait3A_41] : memref<10240x32xf32, #tpu.memory_space<hbm>> -> memref<128x32xf32, #tpu.memory_space<hbm>>
    tpu.wait_dma2 semaphore(%arg16 : memref<!tpu.dma_semaphore, #tpu.memory_space<semaphore_mem>>) src(%dma_wait3A_42 : memref<128x32xf32, #tpu.memory_space<hbm>>) dst(%arg10 : memref<128x32xf32, #tpu.memory_space<vmem>>)
    %dma_start3A_43 = arith.constant 0 : i32
    %dma_start3A_44 = arith.constant 0 : i32
    %dma_start3A_45 = tpu.memref_slice %arg9[%dma_start3A_43, %dma_start3A_44] : memref<80x128xi32, #tpu.memory_space<vmem>> -> memref<1x128xi32, #tpu.memory_space<vmem>>
    %dma_start3A_46 = tpu.memref_squeeze %dma_start3A_45 : memref<1x128xi32, #tpu.memory_space<vmem>> -> memref<128xi32, #tpu.memory_space<vmem>>
    %dma_start3A_47 = arith.constant 0 : i32
    %dma_start3A_48 = arith.constant 0 : i32
    %dma_start3A_49 = tpu.memref_slice %arg15[%dma_start3A_47, %dma_start3A_48] : memref<10240x32xf32, #tpu.memory_space<vmem_shared>> -> memref<10240x32xf32, #tpu.memory_space<vmem_shared>>
    tpu.enqueue_indirect_dma source(%arg10 : memref<128x32xf32, #tpu.memory_space<vmem>>) target(%dma_start3A_49 : memref<10240x32xf32, #tpu.memory_space<vmem_shared>>) offsets(%dma_start3A_46 : memref<128xi32, #tpu.memory_space<vmem>>) semaphore(%arg20 : memref<!tpu.dma_semaphore, #tpu.memory_space<semaphore_mem>>) {add = true}
    %dma_start3A_50 = arith.constant 2 : i32
    %dma_start3A_51 = arith.constant 0 : i32
    %dma_start3A_52 = tpu.memref_slice %arg8[%dma_start3A_50, %dma_start3A_51] : memref<80x128xi32, #tpu.memory_space<vmem>> -> memref<1x128xi32, #tpu.memory_space<vmem>>
    %dma_start3A_53 = tpu.memref_squeeze %dma_start3A_52 : memref<1x128xi32, #tpu.memory_space<vmem>> -> memref<128xi32, #tpu.memory_space<vmem>>
    %dma_start3A_54 = arith.constant 0 : i32
    %dma_start3A_55 = arith.constant 0 : i32
    %dma_start3A_56 = tpu.memref_slice %arg14[%dma_start3A_54, %dma_start3A_55] : memref<10240x32xf32, #tpu.memory_space<vmem_shared>> -> memref<10240x32xf32, #tpu.memory_space<vmem_shared>>
    tpu.enqueue_indirect_dma source(%dma_start3A_56 : memref<10240x32xf32, #tpu.memory_space<vmem_shared>>) target(%arg12 : memref<128x32xf32, #tpu.memory_space<vmem>>) offsets(%dma_start3A_53 : memref<128xi32, #tpu.memory_space<vmem>>) semaphore(%arg18 : memref<!tpu.dma_semaphore, #tpu.memory_space<semaphore_mem>>)
    %dma_wait3A_57 = arith.constant 0 : i32
    %dma_wait3A_58 = arith.constant 0 : i32
    %dma_wait3A_59 = tpu.memref_slice %arg2[%dma_wait3A_57, %dma_wait3A_58] : memref<10240x32xf32, #tpu.memory_space<hbm>> -> memref<128x32xf32, #tpu.memory_space<hbm>>
    %dma_wait3A_60 = arith.constant 0 : i32
    %dma_wait3A_61 = arith.constant 0 : i32
    %dma_wait3A_62 = tpu.memref_slice %arg2[%dma_wait3A_60, %dma_wait3A_61] : memref<10240x32xf32, #tpu.memory_space<hbm>> -> memref<128x32xf32, #tpu.memory_space<hbm>>
    tpu.wait_dma2 semaphore(%arg17 : memref<!tpu.dma_semaphore, #tpu.memory_space<semaphore_mem>>) src(%dma_wait3A_62 : memref<128x32xf32, #tpu.memory_space<hbm>>) dst(%arg11 : memref<128x32xf32, #tpu.memory_space<vmem>>)
    %dma_start3A_63 = arith.constant 1 : i32
    %dma_start3A_64 = arith.constant 0 : i32
    %dma_start3A_65 = tpu.memref_slice %arg9[%dma_start3A_63, %dma_start3A_64] : memref<80x128xi32, #tpu.memory_space<vmem>> -> memref<1x128xi32, #tpu.memory_space<vmem>>
    %dma_start3A_66 = tpu.memref_squeeze %dma_start3A_65 : memref<1x128xi32, #tpu.memory_space<vmem>> -> memref<128xi32, #tpu.memory_space<vmem>>
    %dma_start3A_67 = arith.constant 0 : i32
    %dma_start3A_68 = arith.constant 0 : i32
    %dma_start3A_69 = tpu.memref_slice %arg15[%dma_start3A_67, %dma_start3A_68] : memref<10240x32xf32, #tpu.memory_space<vmem_shared>> -> memref<10240x32xf32, #tpu.memory_space<vmem_shared>>
    tpu.enqueue_indirect_dma source(%arg11 : memref<128x32xf32, #tpu.memory_space<vmem>>) target(%dma_start3A_69 : memref<10240x32xf32, #tpu.memory_space<vmem_shared>>) offsets(%dma_start3A_66 : memref<128xi32, #tpu.memory_space<vmem>>) semaphore(%arg21 : memref<!tpu.dma_semaphore, #tpu.memory_space<semaphore_mem>>) {add = true}
    %dma_start3A_70 = arith.constant 3 : i32
    %dma_start3A_71 = arith.constant 0 : i32
    %dma_start3A_72 = tpu.memref_slice %arg8[%dma_start3A_70, %dma_start3A_71] : memref<80x128xi32, #tpu.memory_space<vmem>> -> memref<1x128xi32, #tpu.memory_space<vmem>>
    %dma_start3A_73 = tpu.memref_squeeze %dma_start3A_72 : memref<1x128xi32, #tpu.memory_space<vmem>> -> memref<128xi32, #tpu.memory_space<vmem>>
    %dma_start3A_74 = arith.constant 0 : i32
    %dma_start3A_75 = arith.constant 0 : i32
    %dma_start3A_76 = tpu.memref_slice %arg14[%dma_start3A_74, %dma_start3A_75] : memref<10240x32xf32, #tpu.memory_space<vmem_shared>> -> memref<10240x32xf32, #tpu.memory_space<vmem_shared>>
    tpu.enqueue_indirect_dma source(%dma_start3A_76 : memref<10240x32xf32, #tpu.memory_space<vmem_shared>>) target(%arg13 : memref<128x32xf32, #tpu.memory_space<vmem>>) offsets(%dma_start3A_73 : memref<128xi32, #tpu.memory_space<vmem>>) semaphore(%arg19 : memref<!tpu.dma_semaphore, #tpu.memory_space<semaphore_mem>>)
    %dma_wait3A_77 = arith.constant 0 : i32
    %dma_wait3A_78 = arith.constant 0 : i32
    %dma_wait3A_79 = tpu.memref_slice %arg2[%dma_wait3A_77, %dma_wait3A_78] : memref<10240x32xf32, #tpu.memory_space<hbm>> -> memref<128x32xf32, #tpu.memory_space<hbm>>
    %dma_wait3A_80 = arith.constant 0 : i32
    %dma_wait3A_81 = arith.constant 0 : i32
    %dma_wait3A_82 = tpu.memref_slice %arg2[%dma_wait3A_80, %dma_wait3A_81] : memref<10240x32xf32, #tpu.memory_space<hbm>> -> memref<128x32xf32, #tpu.memory_space<hbm>>
    tpu.wait_dma2 semaphore(%arg18 : memref<!tpu.dma_semaphore, #tpu.memory_space<semaphore_mem>>) src(%dma_wait3A_82 : memref<128x32xf32, #tpu.memory_space<hbm>>) dst(%arg12 : memref<128x32xf32, #tpu.memory_space<vmem>>)
    %dma_start3A_83 = arith.constant 2 : i32
    %dma_start3A_84 = arith.constant 0 : i32
    %dma_start3A_85 = tpu.memref_slice %arg9[%dma_start3A_83, %dma_start3A_84] : memref<80x128xi32, #tpu.memory_space<vmem>> -> memref<1x128xi32, #tpu.memory_space<vmem>>
    %dma_start3A_86 = tpu.memref_squeeze %dma_start3A_85 : memref<1x128xi32, #tpu.memory_space<vmem>> -> memref<128xi32, #tpu.memory_space<vmem>>
    %dma_start3A_87 = arith.constant 0 : i32
    %dma_start3A_88 = arith.constant 0 : i32
    %dma_start3A_89 = tpu.memref_slice %arg15[%dma_start3A_87, %dma_start3A_88] : memref<10240x32xf32, #tpu.memory_space<vmem_shared>> -> memref<10240x32xf32, #tpu.memory_space<vmem_shared>>
    tpu.enqueue_indirect_dma source(%arg12 : memref<128x32xf32, #tpu.memory_space<vmem>>) target(%dma_start3A_89 : memref<10240x32xf32, #tpu.memory_space<vmem_shared>>) offsets(%dma_start3A_86 : memref<128xi32, #tpu.memory_space<vmem>>) semaphore(%arg22 : memref<!tpu.dma_semaphore, #tpu.memory_space<semaphore_mem>>) {add = true}
    %dma_wait3A_90 = arith.constant 0 : i32
    %dma_wait3A_91 = arith.constant 0 : i32
    %dma_wait3A_92 = tpu.memref_slice %arg2[%dma_wait3A_90, %dma_wait3A_91] : memref<10240x32xf32, #tpu.memory_space<hbm>> -> memref<128x32xf32, #tpu.memory_space<hbm>>
    %dma_wait3A_93 = arith.constant 0 : i32
    %dma_wait3A_94 = arith.constant 0 : i32
    %dma_wait3A_95 = tpu.memref_slice %arg2[%dma_wait3A_93, %dma_wait3A_94] : memref<10240x32xf32, #tpu.memory_space<hbm>> -> memref<128x32xf32, #tpu.memory_space<hbm>>
    tpu.wait_dma2 semaphore(%arg20 : memref<!tpu.dma_semaphore, #tpu.memory_space<semaphore_mem>>) src(%dma_wait3A_95 : memref<128x32xf32, #tpu.memory_space<hbm>>) dst(%arg10 : memref<128x32xf32, #tpu.memory_space<vmem>>)
    %dma_start3A_96 = arith.constant 4 : i32
    %dma_start3A_97 = arith.constant 0 : i32
    %dma_start3A_98 = tpu.memref_slice %arg8[%dma_start3A_96, %dma_start3A_97] : memref<80x128xi32, #tpu.memory_space<vmem>> -> memref<1x128xi32, #tpu.memory_space<vmem>>
    %dma_start3A_99 = tpu.memref_squeeze %dma_start3A_98 : memref<1x128xi32, #tpu.memory_space<vmem>> -> memref<128xi32, #tpu.memory_space<vmem>>
    %dma_start3A_100 = arith.constant 0 : i32
    %dma_start3A_101 = arith.constant 0 : i32
    %dma_start3A_102 = tpu.memref_slice %arg14[%dma_start3A_100, %dma_start3A_101] : memref<10240x32xf32, #tpu.memory_space<vmem_shared>> -> memref<10240x32xf32, #tpu.memory_space<vmem_shared>>
    tpu.enqueue_indirect_dma source(%dma_start3A_102 : memref<10240x32xf32, #tpu.memory_space<vmem_shared>>) target(%arg10 : memref<128x32xf32, #tpu.memory_space<vmem>>) offsets(%dma_start3A_99 : memref<128xi32, #tpu.memory_space<vmem>>) semaphore(%arg16 : memref<!tpu.dma_semaphore, #tpu.memory_space<semaphore_mem>>)
    %dma_wait3A_103 = arith.constant 0 : i32
    %dma_wait3A_104 = arith.constant 0 : i32
    %dma_wait3A_105 = tpu.memref_slice %arg2[%dma_wait3A_103, %dma_wait3A_104] : memref<10240x32xf32, #tpu.memory_space<hbm>> -> memref<128x32xf32, #tpu.memory_space<hbm>>
    %dma_wait3A_106 = arith.constant 0 : i32
    %dma_wait3A_107 = arith.constant 0 : i32
    %dma_wait3A_108 = tpu.memref_slice %arg2[%dma_wait3A_106, %dma_wait3A_107] : memref<10240x32xf32, #tpu.memory_space<hbm>> -> memref<128x32xf32, #tpu.memory_space<hbm>>
    tpu.wait_dma2 semaphore(%arg19 : memref<!tpu.dma_semaphore, #tpu.memory_space<semaphore_mem>>) src(%dma_wait3A_108 : memref<128x32xf32, #tpu.memory_space<hbm>>) dst(%arg13 : memref<128x32xf32, #tpu.memory_space<vmem>>)
    %dma_start3A_109 = arith.constant 3 : i32
    %dma_start3A_110 = arith.constant 0 : i32
    %dma_start3A_111 = tpu.memref_slice %arg9[%dma_start3A_109, %dma_start3A_110] : memref<80x128xi32, #tpu.memory_space<vmem>> -> memref<1x128xi32, #tpu.memory_space<vmem>>
    %dma_start3A_112 = tpu.memref_squeeze %dma_start3A_111 : memref<1x128xi32, #tpu.memory_space<vmem>> -> memref<128xi32, #tpu.memory_space<vmem>>
    %dma_start3A_113 = arith.constant 0 : i32
    %dma_start3A_114 = arith.constant 0 : i32
    %dma_start3A_115 = tpu.memref_slice %arg15[%dma_start3A_113, %dma_start3A_114] : memref<10240x32xf32, #tpu.memory_space<vmem_shared>> -> memref<10240x32xf32, #tpu.memory_space<vmem_shared>>
    tpu.enqueue_indirect_dma source(%arg13 : memref<128x32xf32, #tpu.memory_space<vmem>>) target(%dma_start3A_115 : memref<10240x32xf32, #tpu.memory_space<vmem_shared>>) offsets(%dma_start3A_112 : memref<128xi32, #tpu.memory_space<vmem>>) semaphore(%arg23 : memref<!tpu.dma_semaphore, #tpu.memory_space<semaphore_mem>>) {add = true}
    %dma_wait3A_116 = arith.constant 0 : i32
    %dma_wait3A_117 = arith.constant 0 : i32
    %dma_wait3A_118 = tpu.memref_slice %arg2[%dma_wait3A_116, %dma_wait3A_117] : memref<10240x32xf32, #tpu.memory_space<hbm>> -> memref<128x32xf32, #tpu.memory_space<hbm>>
    %dma_wait3A_119 = arith.constant 0 : i32
    %dma_wait3A_120 = arith.constant 0 : i32
    %dma_wait3A_121 = tpu.memref_slice %arg2[%dma_wait3A_119, %dma_wait3A_120] : memref<10240x32xf32, #tpu.memory_space<hbm>> -> memref<128x32xf32, #tpu.memory_space<hbm>>
    tpu.wait_dma2 semaphore(%arg21 : memref<!tpu.dma_semaphore, #tpu.memory_space<semaphore_mem>>) src(%dma_wait3A_121 : memref<128x32xf32, #tpu.memory_space<hbm>>) dst(%arg11 : memref<128x32xf32, #tpu.memory_space<vmem>>)
    %dma_start3A_122 = arith.constant 5 : i32
    %dma_start3A_123 = arith.constant 0 : i32
    %dma_start3A_124 = tpu.memref_slice %arg8[%dma_start3A_122, %dma_start3A_123] : memref<80x128xi32, #tpu.memory_space<vmem>> -> memref<1x128xi32, #tpu.memory_space<vmem>>
    %dma_start3A_125 = tpu.memref_squeeze %dma_start3A_124 : memref<1x128xi32, #tpu.memory_space<vmem>> -> memref<128xi32, #tpu.memory_space<vmem>>
    %dma_start3A_126 = arith.constant 0 : i32
    %dma_start3A_127 = arith.constant 0 : i32
    %dma_start3A_128 = tpu.memref_slice %arg14[%dma_start3A_126, %dma_start3A_127] : memref<10240x32xf32, #tpu.memory_space<vmem_shared>> -> memref<10240x32xf32, #tpu.memory_space<vmem_shared>>
    tpu.enqueue_indirect_dma source(%dma_start3A_128 : memref<10240x32xf32, #tpu.memory_space<vmem_shared>>) target(%arg11 : memref<128x32xf32, #tpu.memory_space<vmem>>) offsets(%dma_start3A_125 : memref<128xi32, #tpu.memory_space<vmem>>) semaphore(%arg17 : memref<!tpu.dma_semaphore, #tpu.memory_space<semaphore_mem>>)
    %scan3A = arith.constant 0 : i32
    %scan3A_129 = arith.constant 1 : i32
    %scan3A_130 = arith.constant 18 : i32
    %scan3A_131 = arith.addi %scan3A_129, %scan3A_130 : i32
    %scan3A_132 = arith.constant 1 : i32
    scf.for %scan3A_240 = %scan3A_129 to %scan3A_131 step %scan3A_132  : i32 {
      %mul3A_241 = arith.constant 4 : i32
      %mul3A_242 = arith.muli %mul3A_241, %scan3A_240 : i32
      %dma_wait3A_243 = arith.constant 0 : i32
      %dma_wait3A_244 = arith.constant 0 : i32
      %dma_wait3A_245 = tpu.memref_slice %arg2[%dma_wait3A_243, %dma_wait3A_244] : memref<10240x32xf32, #tpu.memory_space<hbm>> -> memref<128x32xf32, #tpu.memory_space<hbm>>
      %dma_wait3A_246 = arith.constant 0 : i32
      %dma_wait3A_247 = arith.constant 0 : i32
      %dma_wait3A_248 = tpu.memref_slice %arg2[%dma_wait3A_246, %dma_wait3A_247] : memref<10240x32xf32, #tpu.memory_space<hbm>> -> memref<128x32xf32, #tpu.memory_space<hbm>>
      tpu.wait_dma2 semaphore(%arg16 : memref<!tpu.dma_semaphore, #tpu.memory_space<semaphore_mem>>) src(%dma_wait3A_248 : memref<128x32xf32, #tpu.memory_space<hbm>>) dst(%arg10 : memref<128x32xf32, #tpu.memory_space<vmem>>)
      %dma_start3A_249 = arith.constant 0 : i32
      %dma_start3A_250 = tpu.memref_slice %arg9[%mul3A_242, %dma_start3A_249] : memref<80x128xi32, #tpu.memory_space<vmem>> -> memref<1x128xi32, #tpu.memory_space<vmem>>
      %dma_start3A_251 = tpu.memref_squeeze %dma_start3A_250 : memref<1x128xi32, #tpu.memory_space<vmem>> -> memref<128xi32, #tpu.memory_space<vmem>>
      %dma_start3A_252 = arith.constant 0 : i32
      %dma_start3A_253 = arith.constant 0 : i32
      %dma_start3A_254 = tpu.memref_slice %arg15[%dma_start3A_252, %dma_start3A_253] : memref<10240x32xf32, #tpu.memory_space<vmem_shared>> -> memref<10240x32xf32, #tpu.memory_space<vmem_shared>>
      tpu.enqueue_indirect_dma source(%arg10 : memref<128x32xf32, #tpu.memory_space<vmem>>) target(%dma_start3A_254 : memref<10240x32xf32, #tpu.memory_space<vmem_shared>>) offsets(%dma_start3A_251 : memref<128xi32, #tpu.memory_space<vmem>>) semaphore(%arg20 : memref<!tpu.dma_semaphore, #tpu.memory_space<semaphore_mem>>) {add = true}
      %dma_wait3A_255 = arith.constant 0 : i32
      %dma_wait3A_256 = arith.constant 0 : i32
      %dma_wait3A_257 = tpu.memref_slice %arg2[%dma_wait3A_255, %dma_wait3A_256] : memref<10240x32xf32, #tpu.memory_space<hbm>> -> memref<128x32xf32, #tpu.memory_space<hbm>>
      %dma_wait3A_258 = arith.constant 0 : i32
      %dma_wait3A_259 = arith.constant 0 : i32
      %dma_wait3A_260 = tpu.memref_slice %arg2[%dma_wait3A_258, %dma_wait3A_259] : memref<10240x32xf32, #tpu.memory_space<hbm>> -> memref<128x32xf32, #tpu.memory_space<hbm>>
      tpu.wait_dma2 semaphore(%arg22 : memref<!tpu.dma_semaphore, #tpu.memory_space<semaphore_mem>>) src(%dma_wait3A_260 : memref<128x32xf32, #tpu.memory_space<hbm>>) dst(%arg12 : memref<128x32xf32, #tpu.memory_space<vmem>>)
      %add3A_261 = arith.constant 2 : i32
      %add3A_262 = arith.addi %mul3A_242, %add3A_261 : i32
      %dma_start3A_263 = arith.constant 0 : i32
      %dma_start3A_264 = tpu.memref_slice %arg8[%add3A_262, %dma_start3A_263] : memref<80x128xi32, #tpu.memory_space<vmem>> -> memref<1x128xi32, #tpu.memory_space<vmem>>
      %dma_start3A_265 = tpu.memref_squeeze %dma_start3A_264 : memref<1x128xi32, #tpu.memory_space<vmem>> -> memref<128xi32, #tpu.memory_space<vmem>>
      %dma_start3A_266 = arith.constant 0 : i32
      %dma_start3A_267 = arith.constant 0 : i32
      %dma_start3A_268 = tpu.memref_slice %arg14[%dma_start3A_266, %dma_start3A_267] : memref<10240x32xf32, #tpu.memory_space<vmem_shared>> -> memref<10240x32xf32, #tpu.memory_space<vmem_shared>>
      tpu.enqueue_indirect_dma source(%dma_start3A_268 : memref<10240x32xf32, #tpu.memory_space<vmem_shared>>) target(%arg12 : memref<128x32xf32, #tpu.memory_space<vmem>>) offsets(%dma_start3A_265 : memref<128xi32, #tpu.memory_space<vmem>>) semaphore(%arg18 : memref<!tpu.dma_semaphore, #tpu.memory_space<semaphore_mem>>)
      %add3A_269 = arith.constant 1 : i32
      %add3A_270 = arith.addi %mul3A_242, %add3A_269 : i32
      %dma_wait3A_271 = arith.constant 0 : i32
      %dma_wait3A_272 = arith.constant 0 : i32
      %dma_wait3A_273 = tpu.memref_slice %arg2[%dma_wait3A_271, %dma_wait3A_272] : memref<10240x32xf32, #tpu.memory_space<hbm>> -> memref<128x32xf32, #tpu.memory_space<hbm>>
      %dma_wait3A_274 = arith.constant 0 : i32
      %dma_wait3A_275 = arith.constant 0 : i32
      %dma_wait3A_276 = tpu.memref_slice %arg2[%dma_wait3A_274, %dma_wait3A_275] : memref<10240x32xf32, #tpu.memory_space<hbm>> -> memref<128x32xf32, #tpu.memory_space<hbm>>
      tpu.wait_dma2 semaphore(%arg17 : memref<!tpu.dma_semaphore, #tpu.memory_space<semaphore_mem>>) src(%dma_wait3A_276 : memref<128x32xf32, #tpu.memory_space<hbm>>) dst(%arg11 : memref<128x32xf32, #tpu.memory_space<vmem>>)
      %dma_start3A_277 = arith.constant 0 : i32
      %dma_start3A_278 = tpu.memref_slice %arg9[%add3A_270, %dma_start3A_277] : memref<80x128xi32, #tpu.memory_space<vmem>> -> memref<1x128xi32, #tpu.memory_space<vmem>>
      %dma_start3A_279 = tpu.memref_squeeze %dma_start3A_278 : memref<1x128xi32, #tpu.memory_space<vmem>> -> memref<128xi32, #tpu.memory_space<vmem>>
      %dma_start3A_280 = arith.constant 0 : i32
      %dma_start3A_281 = arith.constant 0 : i32
      %dma_start3A_282 = tpu.memref_slice %arg15[%dma_start3A_280, %dma_start3A_281] : memref<10240x32xf32, #tpu.memory_space<vmem_shared>> -> memref<10240x32xf32, #tpu.memory_space<vmem_shared>>
      tpu.enqueue_indirect_dma source(%arg11 : memref<128x32xf32, #tpu.memory_space<vmem>>) target(%dma_start3A_282 : memref<10240x32xf32, #tpu.memory_space<vmem_shared>>) offsets(%dma_start3A_279 : memref<128xi32, #tpu.memory_space<vmem>>) semaphore(%arg21 : memref<!tpu.dma_semaphore, #tpu.memory_space<semaphore_mem>>) {add = true}
      %dma_wait3A_283 = arith.constant 0 : i32
      %dma_wait3A_284 = arith.constant 0 : i32
      %dma_wait3A_285 = tpu.memref_slice %arg2[%dma_wait3A_283, %dma_wait3A_284] : memref<10240x32xf32, #tpu.memory_space<hbm>> -> memref<128x32xf32, #tpu.memory_space<hbm>>
      %dma_wait3A_286 = arith.constant 0 : i32
      %dma_wait3A_287 = arith.constant 0 : i32
      %dma_wait3A_288 = tpu.memref_slice %arg2[%dma_wait3A_286, %dma_wait3A_287] : memref<10240x32xf32, #tpu.memory_space<hbm>> -> memref<128x32xf32, #tpu.memory_space<hbm>>
      tpu.wait_dma2 semaphore(%arg23 : memref<!tpu.dma_semaphore, #tpu.memory_space<semaphore_mem>>) src(%dma_wait3A_288 : memref<128x32xf32, #tpu.memory_space<hbm>>) dst(%arg13 : memref<128x32xf32, #tpu.memory_space<vmem>>)
      %add3A_289 = arith.constant 2 : i32
      %add3A_290 = arith.addi %add3A_270, %add3A_289 : i32
      %dma_start3A_291 = arith.constant 0 : i32
      %dma_start3A_292 = tpu.memref_slice %arg8[%add3A_290, %dma_start3A_291] : memref<80x128xi32, #tpu.memory_space<vmem>> -> memref<1x128xi32, #tpu.memory_space<vmem>>
      %dma_start3A_293 = tpu.memref_squeeze %dma_start3A_292 : memref<1x128xi32, #tpu.memory_space<vmem>> -> memref<128xi32, #tpu.memory_space<vmem>>
      %dma_start3A_294 = arith.constant 0 : i32
      %dma_start3A_295 = arith.constant 0 : i32
      %dma_start3A_296 = tpu.memref_slice %arg14[%dma_start3A_294, %dma_start3A_295] : memref<10240x32xf32, #tpu.memory_space<vmem_shared>> -> memref<10240x32xf32, #tpu.memory_space<vmem_shared>>
      tpu.enqueue_indirect_dma source(%dma_start3A_296 : memref<10240x32xf32, #tpu.memory_space<vmem_shared>>) target(%arg13 : memref<128x32xf32, #tpu.memory_space<vmem>>) offsets(%dma_start3A_293 : memref<128xi32, #tpu.memory_space<vmem>>) semaphore(%arg19 : memref<!tpu.dma_semaphore, #tpu.memory_space<semaphore_mem>>)
      %add3A_297 = arith.constant 2 : i32
      %add3A_298 = arith.addi %mul3A_242, %add3A_297 : i32
      %dma_wait3A_299 = arith.constant 0 : i32
      %dma_wait3A_300 = arith.constant 0 : i32
      %dma_wait3A_301 = tpu.memref_slice %arg2[%dma_wait3A_299, %dma_wait3A_300] : memref<10240x32xf32, #tpu.memory_space<hbm>> -> memref<128x32xf32, #tpu.memory_space<hbm>>
      %dma_wait3A_302 = arith.constant 0 : i32
      %dma_wait3A_303 = arith.constant 0 : i32
      %dma_wait3A_304 = tpu.memref_slice %arg2[%dma_wait3A_302, %dma_wait3A_303] : memref<10240x32xf32, #tpu.memory_space<hbm>> -> memref<128x32xf32, #tpu.memory_space<hbm>>
      tpu.wait_dma2 semaphore(%arg18 : memref<!tpu.dma_semaphore, #tpu.memory_space<semaphore_mem>>) src(%dma_wait3A_304 : memref<128x32xf32, #tpu.memory_space<hbm>>) dst(%arg12 : memref<128x32xf32, #tpu.memory_space<vmem>>)
      %dma_start3A_305 = arith.constant 0 : i32
      %dma_start3A_306 = tpu.memref_slice %arg9[%add3A_298, %dma_start3A_305] : memref<80x128xi32, #tpu.memory_space<vmem>> -> memref<1x128xi32, #tpu.memory_space<vmem>>
      %dma_start3A_307 = tpu.memref_squeeze %dma_start3A_306 : memref<1x128xi32, #tpu.memory_space<vmem>> -> memref<128xi32, #tpu.memory_space<vmem>>
      %dma_start3A_308 = arith.constant 0 : i32
      %dma_start3A_309 = arith.constant 0 : i32
      %dma_start3A_310 = tpu.memref_slice %arg15[%dma_start3A_308, %dma_start3A_309] : memref<10240x32xf32, #tpu.memory_space<vmem_shared>> -> memref<10240x32xf32, #tpu.memory_space<vmem_shared>>
      tpu.enqueue_indirect_dma source(%arg12 : memref<128x32xf32, #tpu.memory_space<vmem>>) target(%dma_start3A_310 : memref<10240x32xf32, #tpu.memory_space<vmem_shared>>) offsets(%dma_start3A_307 : memref<128xi32, #tpu.memory_space<vmem>>) semaphore(%arg22 : memref<!tpu.dma_semaphore, #tpu.memory_space<semaphore_mem>>) {add = true}
      %dma_wait3A_311 = arith.constant 0 : i32
      %dma_wait3A_312 = arith.constant 0 : i32
      %dma_wait3A_313 = tpu.memref_slice %arg2[%dma_wait3A_311, %dma_wait3A_312] : memref<10240x32xf32, #tpu.memory_space<hbm>> -> memref<128x32xf32, #tpu.memory_space<hbm>>
      %dma_wait3A_314 = arith.constant 0 : i32
      %dma_wait3A_315 = arith.constant 0 : i32
      %dma_wait3A_316 = tpu.memref_slice %arg2[%dma_wait3A_314, %dma_wait3A_315] : memref<10240x32xf32, #tpu.memory_space<hbm>> -> memref<128x32xf32, #tpu.memory_space<hbm>>
      tpu.wait_dma2 semaphore(%arg20 : memref<!tpu.dma_semaphore, #tpu.memory_space<semaphore_mem>>) src(%dma_wait3A_316 : memref<128x32xf32, #tpu.memory_space<hbm>>) dst(%arg10 : memref<128x32xf32, #tpu.memory_space<vmem>>)
      %add3A_317 = arith.constant 2 : i32
      %add3A_318 = arith.addi %add3A_298, %add3A_317 : i32
      %dma_start3A_319 = arith.constant 0 : i32
      %dma_start3A_320 = tpu.memref_slice %arg8[%add3A_318, %dma_start3A_319] : memref<80x128xi32, #tpu.memory_space<vmem>> -> memref<1x128xi32, #tpu.memory_space<vmem>>
      %dma_start3A_321 = tpu.memref_squeeze %dma_start3A_320 : memref<1x128xi32, #tpu.memory_space<vmem>> -> memref<128xi32, #tpu.memory_space<vmem>>
      %dma_start3A_322 = arith.constant 0 : i32
      %dma_start3A_323 = arith.constant 0 : i32
      %dma_start3A_324 = tpu.memref_slice %arg14[%dma_start3A_322, %dma_start3A_323] : memref<10240x32xf32, #tpu.memory_space<vmem_shared>> -> memref<10240x32xf32, #tpu.memory_space<vmem_shared>>
      tpu.enqueue_indirect_dma source(%dma_start3A_324 : memref<10240x32xf32, #tpu.memory_space<vmem_shared>>) target(%arg10 : memref<128x32xf32, #tpu.memory_space<vmem>>) offsets(%dma_start3A_321 : memref<128xi32, #tpu.memory_space<vmem>>) semaphore(%arg16 : memref<!tpu.dma_semaphore, #tpu.memory_space<semaphore_mem>>)
      %add3A_325 = arith.constant 3 : i32
      %add3A_326 = arith.addi %mul3A_242, %add3A_325 : i32
      %dma_wait3A_327 = arith.constant 0 : i32
      %dma_wait3A_328 = arith.constant 0 : i32
      %dma_wait3A_329 = tpu.memref_slice %arg2[%dma_wait3A_327, %dma_wait3A_328] : memref<10240x32xf32, #tpu.memory_space<hbm>> -> memref<128x32xf32, #tpu.memory_space<hbm>>
      %dma_wait3A_330 = arith.constant 0 : i32
      %dma_wait3A_331 = arith.constant 0 : i32
      %dma_wait3A_332 = tpu.memref_slice %arg2[%dma_wait3A_330, %dma_wait3A_331] : memref<10240x32xf32, #tpu.memory_space<hbm>> -> memref<128x32xf32, #tpu.memory_space<hbm>>
      tpu.wait_dma2 semaphore(%arg19 : memref<!tpu.dma_semaphore, #tpu.memory_space<semaphore_mem>>) src(%dma_wait3A_332 : memref<128x32xf32, #tpu.memory_space<hbm>>) dst(%arg13 : memref<128x32xf32, #tpu.memory_space<vmem>>)
      %dma_start3A_333 = arith.constant 0 : i32
      %dma_start3A_334 = tpu.memref_slice %arg9[%add3A_326, %dma_start3A_333] : memref<80x128xi32, #tpu.memory_space<vmem>> -> memref<1x128xi32, #tpu.memory_space<vmem>>
      %dma_start3A_335 = tpu.memref_squeeze %dma_start3A_334 : memref<1x128xi32, #tpu.memory_space<vmem>> -> memref<128xi32, #tpu.memory_space<vmem>>
      %dma_start3A_336 = arith.constant 0 : i32
      %dma_start3A_337 = arith.constant 0 : i32
      %dma_start3A_338 = tpu.memref_slice %arg15[%dma_start3A_336, %dma_start3A_337] : memref<10240x32xf32, #tpu.memory_space<vmem_shared>> -> memref<10240x32xf32, #tpu.memory_space<vmem_shared>>
      tpu.enqueue_indirect_dma source(%arg13 : memref<128x32xf32, #tpu.memory_space<vmem>>) target(%dma_start3A_338 : memref<10240x32xf32, #tpu.memory_space<vmem_shared>>) offsets(%dma_start3A_335 : memref<128xi32, #tpu.memory_space<vmem>>) semaphore(%arg23 : memref<!tpu.dma_semaphore, #tpu.memory_space<semaphore_mem>>) {add = true}
      %dma_wait3A_339 = arith.constant 0 : i32
      %dma_wait3A_340 = arith.constant 0 : i32
      %dma_wait3A_341 = tpu.memref_slice %arg2[%dma_wait3A_339, %dma_wait3A_340] : memref<10240x32xf32, #tpu.memory_space<hbm>> -> memref<128x32xf32, #tpu.memory_space<hbm>>
      %dma_wait3A_342 = arith.constant 0 : i32
      %dma_wait3A_343 = arith.constant 0 : i32
      %dma_wait3A_344 = tpu.memref_slice %arg2[%dma_wait3A_342, %dma_wait3A_343] : memref<10240x32xf32, #tpu.memory_space<hbm>> -> memref<128x32xf32, #tpu.memory_space<hbm>>
      tpu.wait_dma2 semaphore(%arg21 : memref<!tpu.dma_semaphore, #tpu.memory_space<semaphore_mem>>) src(%dma_wait3A_344 : memref<128x32xf32, #tpu.memory_space<hbm>>) dst(%arg11 : memref<128x32xf32, #tpu.memory_space<vmem>>)
      %add3A_345 = arith.constant 2 : i32
      %add3A_346 = arith.addi %add3A_326, %add3A_345 : i32
      %dma_start3A_347 = arith.constant 0 : i32
      %dma_start3A_348 = tpu.memref_slice %arg8[%add3A_346, %dma_start3A_347] : memref<80x128xi32, #tpu.memory_space<vmem>> -> memref<1x128xi32, #tpu.memory_space<vmem>>
      %dma_start3A_349 = tpu.memref_squeeze %dma_start3A_348 : memref<1x128xi32, #tpu.memory_space<vmem>> -> memref<128xi32, #tpu.memory_space<vmem>>
      %dma_start3A_350 = arith.constant 0 : i32
      %dma_start3A_351 = arith.constant 0 : i32
      %dma_start3A_352 = tpu.memref_slice %arg14[%dma_start3A_350, %dma_start3A_351] : memref<10240x32xf32, #tpu.memory_space<vmem_shared>> -> memref<10240x32xf32, #tpu.memory_space<vmem_shared>>
      tpu.enqueue_indirect_dma source(%dma_start3A_352 : memref<10240x32xf32, #tpu.memory_space<vmem_shared>>) target(%arg11 : memref<128x32xf32, #tpu.memory_space<vmem>>) offsets(%dma_start3A_349 : memref<128xi32, #tpu.memory_space<vmem>>) semaphore(%arg17 : memref<!tpu.dma_semaphore, #tpu.memory_space<semaphore_mem>>)
    }
    %scan3A_133 = arith.constant 18 : i32
    %dma_wait3A_134 = arith.constant 0 : i32
    %dma_wait3A_135 = arith.constant 0 : i32
    %dma_wait3A_136 = tpu.memref_slice %arg2[%dma_wait3A_134, %dma_wait3A_135] : memref<10240x32xf32, #tpu.memory_space<hbm>> -> memref<128x32xf32, #tpu.memory_space<hbm>>
    %dma_wait3A_137 = arith.constant 0 : i32
    %dma_wait3A_138 = arith.constant 0 : i32
    %dma_wait3A_139 = tpu.memref_slice %arg2[%dma_wait3A_137, %dma_wait3A_138] : memref<10240x32xf32, #tpu.memory_space<hbm>> -> memref<128x32xf32, #tpu.memory_space<hbm>>
    tpu.wait_dma2 semaphore(%arg16 : memref<!tpu.dma_semaphore, #tpu.memory_space<semaphore_mem>>) src(%dma_wait3A_139 : memref<128x32xf32, #tpu.memory_space<hbm>>) dst(%arg10 : memref<128x32xf32, #tpu.memory_space<vmem>>)
    %dma_start3A_140 = arith.constant 76 : i32
    %dma_start3A_141 = arith.constant 0 : i32
    %dma_start3A_142 = tpu.memref_slice %arg9[%dma_start3A_140, %dma_start3A_141] : memref<80x128xi32, #tpu.memory_space<vmem>> -> memref<1x128xi32, #tpu.memory_space<vmem>>
    %dma_start3A_143 = tpu.memref_squeeze %dma_start3A_142 : memref<1x128xi32, #tpu.memory_space<vmem>> -> memref<128xi32, #tpu.memory_space<vmem>>
    %dma_start3A_144 = arith.constant 0 : i32
    %dma_start3A_145 = arith.constant 0 : i32
    %dma_start3A_146 = tpu.memref_slice %arg15[%dma_start3A_144, %dma_start3A_145] : memref<10240x32xf32, #tpu.memory_space<vmem_shared>> -> memref<10240x32xf32, #tpu.memory_space<vmem_shared>>
    tpu.enqueue_indirect_dma source(%arg10 : memref<128x32xf32, #tpu.memory_space<vmem>>) target(%dma_start3A_146 : memref<10240x32xf32, #tpu.memory_space<vmem_shared>>) offsets(%dma_start3A_143 : memref<128xi32, #tpu.memory_space<vmem>>) semaphore(%arg20 : memref<!tpu.dma_semaphore, #tpu.memory_space<semaphore_mem>>) {add = true}
    %dma_wait3A_147 = arith.constant 0 : i32
    %dma_wait3A_148 = arith.constant 0 : i32
    %dma_wait3A_149 = tpu.memref_slice %arg2[%dma_wait3A_147, %dma_wait3A_148] : memref<10240x32xf32, #tpu.memory_space<hbm>> -> memref<128x32xf32, #tpu.memory_space<hbm>>
    %dma_wait3A_150 = arith.constant 0 : i32
    %dma_wait3A_151 = arith.constant 0 : i32
    %dma_wait3A_152 = tpu.memref_slice %arg2[%dma_wait3A_150, %dma_wait3A_151] : memref<10240x32xf32, #tpu.memory_space<hbm>> -> memref<128x32xf32, #tpu.memory_space<hbm>>
    tpu.wait_dma2 semaphore(%arg22 : memref<!tpu.dma_semaphore, #tpu.memory_space<semaphore_mem>>) src(%dma_wait3A_152 : memref<128x32xf32, #tpu.memory_space<hbm>>) dst(%arg12 : memref<128x32xf32, #tpu.memory_space<vmem>>)
    %dma_start3A_153 = arith.constant 78 : i32
    %dma_start3A_154 = arith.constant 0 : i32
    %dma_start3A_155 = tpu.memref_slice %arg8[%dma_start3A_153, %dma_start3A_154] : memref<80x128xi32, #tpu.memory_space<vmem>> -> memref<1x128xi32, #tpu.memory_space<vmem>>
    %dma_start3A_156 = tpu.memref_squeeze %dma_start3A_155 : memref<1x128xi32, #tpu.memory_space<vmem>> -> memref<128xi32, #tpu.memory_space<vmem>>
    %dma_start3A_157 = arith.constant 0 : i32
    %dma_start3A_158 = arith.constant 0 : i32
    %dma_start3A_159 = tpu.memref_slice %arg14[%dma_start3A_157, %dma_start3A_158] : memref<10240x32xf32, #tpu.memory_space<vmem_shared>> -> memref<10240x32xf32, #tpu.memory_space<vmem_shared>>
    tpu.enqueue_indirect_dma source(%dma_start3A_159 : memref<10240x32xf32, #tpu.memory_space<vmem_shared>>) target(%arg12 : memref<128x32xf32, #tpu.memory_space<vmem>>) offsets(%dma_start3A_156 : memref<128xi32, #tpu.memory_space<vmem>>) semaphore(%arg18 : memref<!tpu.dma_semaphore, #tpu.memory_space<semaphore_mem>>)
    %dma_wait3A_160 = arith.constant 0 : i32
    %dma_wait3A_161 = arith.constant 0 : i32
    %dma_wait3A_162 = tpu.memref_slice %arg2[%dma_wait3A_160, %dma_wait3A_161] : memref<10240x32xf32, #tpu.memory_space<hbm>> -> memref<128x32xf32, #tpu.memory_space<hbm>>
    %dma_wait3A_163 = arith.constant 0 : i32
    %dma_wait3A_164 = arith.constant 0 : i32
    %dma_wait3A_165 = tpu.memref_slice %arg2[%dma_wait3A_163, %dma_wait3A_164] : memref<10240x32xf32, #tpu.memory_space<hbm>> -> memref<128x32xf32, #tpu.memory_space<hbm>>
    tpu.wait_dma2 semaphore(%arg17 : memref<!tpu.dma_semaphore, #tpu.memory_space<semaphore_mem>>) src(%dma_wait3A_165 : memref<128x32xf32, #tpu.memory_space<hbm>>) dst(%arg11 : memref<128x32xf32, #tpu.memory_space<vmem>>)
    %dma_start3A_166 = arith.constant 77 : i32
    %dma_start3A_167 = arith.constant 0 : i32
    %dma_start3A_168 = tpu.memref_slice %arg9[%dma_start3A_166, %dma_start3A_167] : memref<80x128xi32, #tpu.memory_space<vmem>> -> memref<1x128xi32, #tpu.memory_space<vmem>>
    %dma_start3A_169 = tpu.memref_squeeze %dma_start3A_168 : memref<1x128xi32, #tpu.memory_space<vmem>> -> memref<128xi32, #tpu.memory_space<vmem>>
    %dma_start3A_170 = arith.constant 0 : i32
    %dma_start3A_171 = arith.constant 0 : i32
    %dma_start3A_172 = tpu.memref_slice %arg15[%dma_start3A_170, %dma_start3A_171] : memref<10240x32xf32, #tpu.memory_space<vmem_shared>> -> memref<10240x32xf32, #tpu.memory_space<vmem_shared>>
    tpu.enqueue_indirect_dma source(%arg11 : memref<128x32xf32, #tpu.memory_space<vmem>>) target(%dma_start3A_172 : memref<10240x32xf32, #tpu.memory_space<vmem_shared>>) offsets(%dma_start3A_169 : memref<128xi32, #tpu.memory_space<vmem>>) semaphore(%arg21 : memref<!tpu.dma_semaphore, #tpu.memory_space<semaphore_mem>>) {add = true}
    %dma_wait3A_173 = arith.constant 0 : i32
    %dma_wait3A_174 = arith.constant 0 : i32
    %dma_wait3A_175 = tpu.memref_slice %arg2[%dma_wait3A_173, %dma_wait3A_174] : memref<10240x32xf32, #tpu.memory_space<hbm>> -> memref<128x32xf32, #tpu.memory_space<hbm>>
    %dma_wait3A_176 = arith.constant 0 : i32
    %dma_wait3A_177 = arith.constant 0 : i32
    %dma_wait3A_178 = tpu.memref_slice %arg2[%dma_wait3A_176, %dma_wait3A_177] : memref<10240x32xf32, #tpu.memory_space<hbm>> -> memref<128x32xf32, #tpu.memory_space<hbm>>
    tpu.wait_dma2 semaphore(%arg23 : memref<!tpu.dma_semaphore, #tpu.memory_space<semaphore_mem>>) src(%dma_wait3A_178 : memref<128x32xf32, #tpu.memory_space<hbm>>) dst(%arg13 : memref<128x32xf32, #tpu.memory_space<vmem>>)
    %dma_start3A_179 = arith.constant 79 : i32
    %dma_start3A_180 = arith.constant 0 : i32
    %dma_start3A_181 = tpu.memref_slice %arg8[%dma_start3A_179, %dma_start3A_180] : memref<80x128xi32, #tpu.memory_space<vmem>> -> memref<1x128xi32, #tpu.memory_space<vmem>>
    %dma_start3A_182 = tpu.memref_squeeze %dma_start3A_181 : memref<1x128xi32, #tpu.memory_space<vmem>> -> memref<128xi32, #tpu.memory_space<vmem>>
    %dma_start3A_183 = arith.constant 0 : i32
    %dma_start3A_184 = arith.constant 0 : i32
    %dma_start3A_185 = tpu.memref_slice %arg14[%dma_start3A_183, %dma_start3A_184] : memref<10240x32xf32, #tpu.memory_space<vmem_shared>> -> memref<10240x32xf32, #tpu.memory_space<vmem_shared>>
    tpu.enqueue_indirect_dma source(%dma_start3A_185 : memref<10240x32xf32, #tpu.memory_space<vmem_shared>>) target(%arg13 : memref<128x32xf32, #tpu.memory_space<vmem>>) offsets(%dma_start3A_182 : memref<128xi32, #tpu.memory_space<vmem>>) semaphore(%arg19 : memref<!tpu.dma_semaphore, #tpu.memory_space<semaphore_mem>>)
    %dma_wait3A_186 = arith.constant 0 : i32
    %dma_wait3A_187 = arith.constant 0 : i32
    %dma_wait3A_188 = tpu.memref_slice %arg2[%dma_wait3A_186, %dma_wait3A_187] : memref<10240x32xf32, #tpu.memory_space<hbm>> -> memref<128x32xf32, #tpu.memory_space<hbm>>
    %dma_wait3A_189 = arith.constant 0 : i32
    %dma_wait3A_190 = arith.constant 0 : i32
    %dma_wait3A_191 = tpu.memref_slice %arg2[%dma_wait3A_189, %dma_wait3A_190] : memref<10240x32xf32, #tpu.memory_space<hbm>> -> memref<128x32xf32, #tpu.memory_space<hbm>>
    tpu.wait_dma2 semaphore(%arg18 : memref<!tpu.dma_semaphore, #tpu.memory_space<semaphore_mem>>) src(%dma_wait3A_191 : memref<128x32xf32, #tpu.memory_space<hbm>>) dst(%arg12 : memref<128x32xf32, #tpu.memory_space<vmem>>)
    %dma_start3A_192 = arith.constant 78 : i32
    %dma_start3A_193 = arith.constant 0 : i32
    %dma_start3A_194 = tpu.memref_slice %arg9[%dma_start3A_192, %dma_start3A_193] : memref<80x128xi32, #tpu.memory_space<vmem>> -> memref<1x128xi32, #tpu.memory_space<vmem>>
    %dma_start3A_195 = tpu.memref_squeeze %dma_start3A_194 : memref<1x128xi32, #tpu.memory_space<vmem>> -> memref<128xi32, #tpu.memory_space<vmem>>
    %dma_start3A_196 = arith.constant 0 : i32
    %dma_start3A_197 = arith.constant 0 : i32
    %dma_start3A_198 = tpu.memref_slice %arg15[%dma_start3A_196, %dma_start3A_197] : memref<10240x32xf32, #tpu.memory_space<vmem_shared>> -> memref<10240x32xf32, #tpu.memory_space<vmem_shared>>
    tpu.enqueue_indirect_dma source(%arg12 : memref<128x32xf32, #tpu.memory_space<vmem>>) target(%dma_start3A_198 : memref<10240x32xf32, #tpu.memory_space<vmem_shared>>) offsets(%dma_start3A_195 : memref<128xi32, #tpu.memory_space<vmem>>) semaphore(%arg22 : memref<!tpu.dma_semaphore, #tpu.memory_space<semaphore_mem>>) {add = true}
    %dma_wait3A_199 = arith.constant 0 : i32
    %dma_wait3A_200 = arith.constant 0 : i32
    %dma_wait3A_201 = tpu.memref_slice %arg2[%dma_wait3A_199, %dma_wait3A_200] : memref<10240x32xf32, #tpu.memory_space<hbm>> -> memref<128x32xf32, #tpu.memory_space<hbm>>
    %dma_wait3A_202 = arith.constant 0 : i32
    %dma_wait3A_203 = arith.constant 0 : i32
    %dma_wait3A_204 = tpu.memref_slice %arg2[%dma_wait3A_202, %dma_wait3A_203] : memref<10240x32xf32, #tpu.memory_space<hbm>> -> memref<128x32xf32, #tpu.memory_space<hbm>>
    tpu.wait_dma2 semaphore(%arg19 : memref<!tpu.dma_semaphore, #tpu.memory_space<semaphore_mem>>) src(%dma_wait3A_204 : memref<128x32xf32, #tpu.memory_space<hbm>>) dst(%arg13 : memref<128x32xf32, #tpu.memory_space<vmem>>)
    %dma_start3A_205 = arith.constant 79 : i32
    %dma_start3A_206 = arith.constant 0 : i32
    %dma_start3A_207 = tpu.memref_slice %arg9[%dma_start3A_205, %dma_start3A_206] : memref<80x128xi32, #tpu.memory_space<vmem>> -> memref<1x128xi32, #tpu.memory_space<vmem>>
    %dma_start3A_208 = tpu.memref_squeeze %dma_start3A_207 : memref<1x128xi32, #tpu.memory_space<vmem>> -> memref<128xi32, #tpu.memory_space<vmem>>
    %dma_start3A_209 = arith.constant 0 : i32
    %dma_start3A_210 = arith.constant 0 : i32
    %dma_start3A_211 = tpu.memref_slice %arg15[%dma_start3A_209, %dma_start3A_210] : memref<10240x32xf32, #tpu.memory_space<vmem_shared>> -> memref<10240x32xf32, #tpu.memory_space<vmem_shared>>
    tpu.enqueue_indirect_dma source(%arg13 : memref<128x32xf32, #tpu.memory_space<vmem>>) target(%dma_start3A_211 : memref<10240x32xf32, #tpu.memory_space<vmem_shared>>) offsets(%dma_start3A_208 : memref<128xi32, #tpu.memory_space<vmem>>) semaphore(%arg23 : memref<!tpu.dma_semaphore, #tpu.memory_space<semaphore_mem>>) {add = true}
    %dma_wait3A_212 = arith.constant 0 : i32
    %dma_wait3A_213 = arith.constant 0 : i32
    %dma_wait3A_214 = tpu.memref_slice %arg2[%dma_wait3A_212, %dma_wait3A_213] : memref<10240x32xf32, #tpu.memory_space<hbm>> -> memref<128x32xf32, #tpu.memory_space<hbm>>
    %dma_wait3A_215 = arith.constant 0 : i32
    %dma_wait3A_216 = arith.constant 0 : i32
    %dma_wait3A_217 = tpu.memref_slice %arg2[%dma_wait3A_215, %dma_wait3A_216] : memref<10240x32xf32, #tpu.memory_space<hbm>> -> memref<128x32xf32, #tpu.memory_space<hbm>>
    tpu.wait_dma2 semaphore(%arg20 : memref<!tpu.dma_semaphore, #tpu.memory_space<semaphore_mem>>) src(%dma_wait3A_217 : memref<128x32xf32, #tpu.memory_space<hbm>>) dst(%arg10 : memref<128x32xf32, #tpu.memory_space<vmem>>)
    %dma_wait3A_218 = arith.constant 0 : i32
    %dma_wait3A_219 = arith.constant 0 : i32
    %dma_wait3A_220 = tpu.memref_slice %arg2[%dma_wait3A_218, %dma_wait3A_219] : memref<10240x32xf32, #tpu.memory_space<hbm>> -> memref<128x32xf32, #tpu.memory_space<hbm>>
    %dma_wait3A_221 = arith.constant 0 : i32
    %dma_wait3A_222 = arith.constant 0 : i32
    %dma_wait3A_223 = tpu.memref_slice %arg2[%dma_wait3A_221, %dma_wait3A_222] : memref<10240x32xf32, #tpu.memory_space<hbm>> -> memref<128x32xf32, #tpu.memory_space<hbm>>
    tpu.wait_dma2 semaphore(%arg21 : memref<!tpu.dma_semaphore, #tpu.memory_space<semaphore_mem>>) src(%dma_wait3A_223 : memref<128x32xf32, #tpu.memory_space<hbm>>) dst(%arg11 : memref<128x32xf32, #tpu.memory_space<vmem>>)
    %dma_wait3A_224 = arith.constant 0 : i32
    %dma_wait3A_225 = arith.constant 0 : i32
    %dma_wait3A_226 = tpu.memref_slice %arg2[%dma_wait3A_224, %dma_wait3A_225] : memref<10240x32xf32, #tpu.memory_space<hbm>> -> memref<128x32xf32, #tpu.memory_space<hbm>>
    %dma_wait3A_227 = arith.constant 0 : i32
    %dma_wait3A_228 = arith.constant 0 : i32
    %dma_wait3A_229 = tpu.memref_slice %arg2[%dma_wait3A_227, %dma_wait3A_228] : memref<10240x32xf32, #tpu.memory_space<hbm>> -> memref<128x32xf32, #tpu.memory_space<hbm>>
    tpu.wait_dma2 semaphore(%arg22 : memref<!tpu.dma_semaphore, #tpu.memory_space<semaphore_mem>>) src(%dma_wait3A_229 : memref<128x32xf32, #tpu.memory_space<hbm>>) dst(%arg12 : memref<128x32xf32, #tpu.memory_space<vmem>>)
    %dma_wait3A_230 = arith.constant 0 : i32
    %dma_wait3A_231 = arith.constant 0 : i32
    %dma_wait3A_232 = tpu.memref_slice %arg2[%dma_wait3A_230, %dma_wait3A_231] : memref<10240x32xf32, #tpu.memory_space<hbm>> -> memref<128x32xf32, #tpu.memory_space<hbm>>
    %dma_wait3A_233 = arith.constant 0 : i32
    %dma_wait3A_234 = arith.constant 0 : i32
    %dma_wait3A_235 = tpu.memref_slice %arg2[%dma_wait3A_233, %dma_wait3A_234] : memref<10240x32xf32, #tpu.memory_space<hbm>> -> memref<128x32xf32, #tpu.memory_space<hbm>>
    tpu.wait_dma2 semaphore(%arg23 : memref<!tpu.dma_semaphore, #tpu.memory_space<semaphore_mem>>) src(%dma_wait3A_235 : memref<128x32xf32, #tpu.memory_space<hbm>>) dst(%arg13 : memref<128x32xf32, #tpu.memory_space<vmem>>)
    %barrier3A_236 = arith.constant 0 : index
    tpu.barrier barrier_id(%barrier3A_236)
    %mul3A_237 = arith.constant 10240 : i32
    %mul3A_238 = arith.muli %arg0, %mul3A_237 : i32
    %add3A_239 = arith.addi %mul3A_238, %mul3A_2 : i32
    "tpu.region"() ({
      %run_scoped3A = tpu.sem_alloc : memref<!tpu.dma_semaphore, #tpu.memory_space<semaphore_mem>>
      %dma_start3A_240 = arith.constant 0 : i32
      %dma_start3A_241 = tpu.memref_slice %arg7[%add3A_239, %dma_start3A_240] : memref<20480x32xf32, #tpu.memory_space<hbm>> -> memref<640x32xf32, #tpu.memory_space<hbm>>
      %dma_start3A_242 = arith.constant 0 : i32
      %dma_start3A_243 = tpu.memref_slice %arg15[%mul3A_2, %dma_start3A_242] : memref<10240x32xf32, #tpu.memory_space<vmem_shared>> -> memref<640x32xf32, #tpu.memory_space<vmem_shared>>
      tpu.enqueue_dma source(%dma_start3A_243 : memref<640x32xf32, #tpu.memory_space<vmem_shared>>) target(%dma_start3A_241 : memref<640x32xf32, #tpu.memory_space<hbm>>) target_semaphore(%run_scoped3A : memref<!tpu.dma_semaphore, #tpu.memory_space<semaphore_mem>>)
      %dma_wait3A_244 = arith.constant 0 : i32
      %dma_wait3A_245 = tpu.memref_slice %arg7[%add3A_239, %dma_wait3A_244] : memref<20480x32xf32, #tpu.memory_space<hbm>> -> memref<640x32xf32, #tpu.memory_space<hbm>>
      %dma_wait3A_246 = arith.constant 0 : i32
      %dma_wait3A_247 = tpu.memref_slice %arg15[%mul3A_2, %dma_wait3A_246] : memref<10240x32xf32, #tpu.memory_space<vmem_shared>> -> memref<640x32xf32, #tpu.memory_space<vmem_shared>>
      tpu.wait_dma2 semaphore(%run_scoped3A : memref<!tpu.dma_semaphore, #tpu.memory_space<semaphore_mem>>) src(%dma_wait3A_247 : memref<640x32xf32, #tpu.memory_space<vmem_shared>>) dst(%dma_wait3A_245 : memref<640x32xf32, #tpu.memory_space<hbm>>)
      tpu.yield
    }) : () -> ()
    return
  }
}

#map = affine_map<(d0, d1) -> (0, 0)>
module attributes {stable_mosaic.version = 14 : i64} {
  func.func @_sc_segment_sum(%arg0: i32, %arg1: i32, %arg2: memref<10240x32xf32, #tpu.memory_space<hbm>>, %arg3: memref<2500x128xi32, #tpu.memory_space<hbm>>, %arg4: memref<2500x128xi32, #tpu.memory_space<hbm>>, %arg5: memref<10240x32xf32, #tpu.memory_space<hbm>>, %arg6: memref<60x128xi32, #tpu.memory_space<hbm>>, %arg7: memref<20480x32xf32, #tpu.memory_space<hbm>>, %arg8: memref<80x128xi32, #tpu.memory_space<vmem>>, %arg9: memref<80x128xi32, #tpu.memory_space<vmem>>, %arg10: memref<128x32xf32, #tpu.memory_space<vmem>>, %arg11: memref<128x32xf32, #tpu.memory_space<vmem>>, %arg12: memref<128x32xf32, #tpu.memory_space<vmem>>, %arg13: memref<128x32xf32, #tpu.memory_space<vmem>>, %arg14: memref<10240x32xf32, #tpu.memory_space<vmem_shared>>, %arg15: memref<10240x32xf32, #tpu.memory_space<vmem_shared>>, %arg16: memref<!tpu.dma_semaphore, #tpu.memory_space<semaphore_mem>>, %arg17: memref<!tpu.dma_semaphore, #tpu.memory_space<semaphore_mem>>, %arg18: memref<!tpu.dma_semaphore, #tpu.memory_space<semaphore_mem>>, %arg19: memref<!tpu.dma_semaphore, #tpu.memory_space<semaphore_mem>>, %arg20: memref<!tpu.dma_semaphore, #tpu.memory_space<semaphore_mem>>, %arg21: memref<!tpu.dma_semaphore, #tpu.memory_space<semaphore_mem>>, %arg22: memref<!tpu.dma_semaphore, #tpu.memory_space<semaphore_mem>>, %arg23: memref<!tpu.dma_semaphore, #tpu.memory_space<semaphore_mem>>) attributes {dimension_semantics = [#tpu.dimension_semantics<core_parallel>, #tpu.dimension_semantics<subcore_parallel>], iteration_bounds = array<i64: 2, 16>, scalar_prefetch = 0 : i64, scratch_operands = 16 : i64, tpu.core_type = #tpu.core_type<sc_vector_subcore>, window_params = [{transform_indices = #map}, {transform_indices = #map}, {transform_indices = #map}, {transform_indices = #map}, {transform_indices = #map}, {transform_indices = #map}]} {
    %mul3A = arith.constant 2 : i32
    %mul3A_0 = arith.muli %arg1, %mul3A : i32
    %add3A = arith.addi %mul3A_0, %arg0 : i32
    %mul3A_1 = arith.constant 640 : i32
    %mul3A_2 = arith.muli %arg1, %mul3A_1 : i32
    %dma_start3A = arith.constant 0 : i32
    %dma_start3A_3 = tpu.memref_slice %arg14[%mul3A_2, %dma_start3A] : memref<10240x32xf32, #tpu.memory_space<vmem_shared>> -> memref<640x32xf32, #tpu.memory_space<vmem_shared>>
    %dma_start3A_4 = arith.constant 0 : i32
    %dma_start3A_5 = tpu.memref_slice %arg2[%mul3A_2, %dma_start3A_4] : memref<10240x32xf32, #tpu.memory_space<hbm>> -> memref<640x32xf32, #tpu.memory_space<hbm>>
    tpu.enqueue_dma source(%dma_start3A_5 : memref<640x32xf32, #tpu.memory_space<hbm>>) target(%dma_start3A_3 : memref<640x32xf32, #tpu.memory_space<vmem_shared>>) target_semaphore(%arg18 : memref<!tpu.dma_semaphore, #tpu.memory_space<semaphore_mem>>)
    %dma_start3A_6 = arith.constant 0 : i32
    %dma_start3A_7 = tpu.memref_slice %arg15[%mul3A_2, %dma_start3A_6] : memref<10240x32xf32, #tpu.memory_space<vmem_shared>> -> memref<640x32xf32, #tpu.memory_space<vmem_shared>>
    %dma_start3A_8 = arith.constant 0 : i32
    %dma_start3A_9 = tpu.memref_slice %arg5[%mul3A_2, %dma_start3A_8] : memref<10240x32xf32, #tpu.memory_space<hbm>> -> memref<640x32xf32, #tpu.memory_space<hbm>>
    tpu.enqueue_dma source(%dma_start3A_9 : memref<640x32xf32, #tpu.memory_space<hbm>>) target(%dma_start3A_7 : memref<640x32xf32, #tpu.memory_space<vmem_shared>>) target_semaphore(%arg19 : memref<!tpu.dma_semaphore, #tpu.memory_space<semaphore_mem>>)
    %lt3A = arith.constant 31 : i32
    %lt3A_10 = arith.cmpi slt, %add3A, %lt3A : i32
    %convert_element_type3A = arith.extui %lt3A_10 : i1 to i32
    %cond3A = arith.constant 0 : i32
    %cond3A_11 = arith.cmpi ne, %convert_element_type3A, %cond3A : i32
    scf.if %cond3A_11 {
      %mul3A_240 = arith.constant 80 : i32
      %mul3A_241 = arith.muli %add3A, %mul3A_240 : i32
      %mul3A_242 = arith.constant 80 : i32
      %mul3A_243 = arith.muli %add3A, %mul3A_242 : i32
      %dma_start3A_244 = arith.constant 0 : i32
      %dma_start3A_245 = tpu.memref_slice %arg3[%mul3A_241, %dma_start3A_244] : memref<2500x128xi32, #tpu.memory_space<hbm>> -> memref<80x128xi32, #tpu.memory_space<hbm>>
      %dma_start3A_246 = arith.constant 0 : i32
      %dma_start3A_247 = tpu.memref_slice %arg3[%mul3A_241, %dma_start3A_246] : memref<2500x128xi32, #tpu.memory_space<hbm>> -> memref<80x128xi32, #tpu.memory_space<hbm>>
      tpu.enqueue_dma source(%dma_start3A_247 : memref<80x128xi32, #tpu.memory_space<hbm>>) target(%arg8 : memref<80x128xi32, #tpu.memory_space<vmem>>) target_semaphore(%arg16 : memref<!tpu.dma_semaphore, #tpu.memory_space<semaphore_mem>>)
      %dma_start3A_248 = arith.constant 0 : i32
      %dma_start3A_249 = tpu.memref_slice %arg4[%mul3A_243, %dma_start3A_248] : memref<2500x128xi32, #tpu.memory_space<hbm>> -> memref<80x128xi32, #tpu.memory_space<hbm>>
      %dma_start3A_250 = arith.constant 0 : i32
      %dma_start3A_251 = tpu.memref_slice %arg4[%mul3A_243, %dma_start3A_250] : memref<2500x128xi32, #tpu.memory_space<hbm>> -> memref<80x128xi32, #tpu.memory_space<hbm>>
      tpu.enqueue_dma source(%dma_start3A_251 : memref<80x128xi32, #tpu.memory_space<hbm>>) target(%arg9 : memref<80x128xi32, #tpu.memory_space<vmem>>) target_semaphore(%arg17 : memref<!tpu.dma_semaphore, #tpu.memory_space<semaphore_mem>>)
      %dma_wait3A_252 = arith.constant 0 : i32
      %dma_wait3A_253 = tpu.memref_slice %arg3[%mul3A_241, %dma_wait3A_252] : memref<2500x128xi32, #tpu.memory_space<hbm>> -> memref<80x128xi32, #tpu.memory_space<hbm>>
      %dma_wait3A_254 = arith.constant 0 : i32
      %dma_wait3A_255 = tpu.memref_slice %arg3[%mul3A_241, %dma_wait3A_254] : memref<2500x128xi32, #tpu.memory_space<hbm>> -> memref<80x128xi32, #tpu.memory_space<hbm>>
      tpu.wait_dma2 semaphore(%arg16 : memref<!tpu.dma_semaphore, #tpu.memory_space<semaphore_mem>>) src(%dma_wait3A_255 : memref<80x128xi32, #tpu.memory_space<hbm>>) dst(%arg8 : memref<80x128xi32, #tpu.memory_space<vmem>>)
      %dma_wait3A_256 = arith.constant 0 : i32
      %dma_wait3A_257 = tpu.memref_slice %arg4[%mul3A_243, %dma_wait3A_256] : memref<2500x128xi32, #tpu.memory_space<hbm>> -> memref<80x128xi32, #tpu.memory_space<hbm>>
      %dma_wait3A_258 = arith.constant 0 : i32
      %dma_wait3A_259 = tpu.memref_slice %arg4[%mul3A_243, %dma_wait3A_258] : memref<2500x128xi32, #tpu.memory_space<hbm>> -> memref<80x128xi32, #tpu.memory_space<hbm>>
      tpu.wait_dma2 semaphore(%arg17 : memref<!tpu.dma_semaphore, #tpu.memory_space<semaphore_mem>>) src(%dma_wait3A_259 : memref<80x128xi32, #tpu.memory_space<hbm>>) dst(%arg9 : memref<80x128xi32, #tpu.memory_space<vmem>>)
    } else {
    }
    %eq3A = arith.constant 31 : i32
    %eq3A_12 = arith.cmpi eq, %add3A, %eq3A : i32
    %convert_element_type3A_13 = arith.extui %eq3A_12 : i1 to i32
    %cond3A_14 = arith.constant 0 : i32
    %cond3A_15 = arith.cmpi ne, %convert_element_type3A_13, %cond3A_14 : i32
    scf.if %cond3A_15 {
      %dma_start3A_240 = arith.constant 0 : i32
      %dma_start3A_241 = arith.constant 0 : i32
      %dma_start3A_242 = tpu.memref_slice %arg8[%dma_start3A_240, %dma_start3A_241] : memref<80x128xi32, #tpu.memory_space<vmem>> -> memref<20x128xi32, #tpu.memory_space<vmem>>
      %dma_start3A_243 = arith.constant 2480 : i32
      %dma_start3A_244 = arith.constant 0 : i32
      %dma_start3A_245 = tpu.memref_slice %arg3[%dma_start3A_243, %dma_start3A_244] : memref<2500x128xi32, #tpu.memory_space<hbm>> -> memref<20x128xi32, #tpu.memory_space<hbm>>
      %dma_start3A_246 = arith.constant 0 : i32
      %dma_start3A_247 = arith.constant 0 : i32
      %dma_start3A_248 = tpu.memref_slice %arg8[%dma_start3A_246, %dma_start3A_247] : memref<80x128xi32, #tpu.memory_space<vmem>> -> memref<20x128xi32, #tpu.memory_space<vmem>>
      %dma_start3A_249 = arith.constant 2480 : i32
      %dma_start3A_250 = arith.constant 0 : i32
      %dma_start3A_251 = tpu.memref_slice %arg3[%dma_start3A_249, %dma_start3A_250] : memref<2500x128xi32, #tpu.memory_space<hbm>> -> memref<20x128xi32, #tpu.memory_space<hbm>>
      tpu.enqueue_dma source(%dma_start3A_251 : memref<20x128xi32, #tpu.memory_space<hbm>>) target(%dma_start3A_248 : memref<20x128xi32, #tpu.memory_space<vmem>>) target_semaphore(%arg16 : memref<!tpu.dma_semaphore, #tpu.memory_space<semaphore_mem>>)
      %dma_start3A_252 = arith.constant 0 : i32
      %dma_start3A_253 = arith.constant 0 : i32
      %dma_start3A_254 = tpu.memref_slice %arg9[%dma_start3A_252, %dma_start3A_253] : memref<80x128xi32, #tpu.memory_space<vmem>> -> memref<20x128xi32, #tpu.memory_space<vmem>>
      %dma_start3A_255 = arith.constant 2480 : i32
      %dma_start3A_256 = arith.constant 0 : i32
      %dma_start3A_257 = tpu.memref_slice %arg4[%dma_start3A_255, %dma_start3A_256] : memref<2500x128xi32, #tpu.memory_space<hbm>> -> memref<20x128xi32, #tpu.memory_space<hbm>>
      %dma_start3A_258 = arith.constant 0 : i32
      %dma_start3A_259 = arith.constant 0 : i32
      %dma_start3A_260 = tpu.memref_slice %arg9[%dma_start3A_258, %dma_start3A_259] : memref<80x128xi32, #tpu.memory_space<vmem>> -> memref<20x128xi32, #tpu.memory_space<vmem>>
      %dma_start3A_261 = arith.constant 2480 : i32
      %dma_start3A_262 = arith.constant 0 : i32
      %dma_start3A_263 = tpu.memref_slice %arg4[%dma_start3A_261, %dma_start3A_262] : memref<2500x128xi32, #tpu.memory_space<hbm>> -> memref<20x128xi32, #tpu.memory_space<hbm>>
      tpu.enqueue_dma source(%dma_start3A_263 : memref<20x128xi32, #tpu.memory_space<hbm>>) target(%dma_start3A_260 : memref<20x128xi32, #tpu.memory_space<vmem>>) target_semaphore(%arg17 : memref<!tpu.dma_semaphore, #tpu.memory_space<semaphore_mem>>)
      %dma_start3A_264 = arith.constant 20 : i32
      %dma_start3A_265 = arith.constant 0 : i32
      %dma_start3A_266 = tpu.memref_slice %arg8[%dma_start3A_264, %dma_start3A_265] : memref<80x128xi32, #tpu.memory_space<vmem>> -> memref<60x128xi32, #tpu.memory_space<vmem>>
      %dma_start3A_267 = arith.constant 20 : i32
      %dma_start3A_268 = arith.constant 0 : i32
      %dma_start3A_269 = tpu.memref_slice %arg8[%dma_start3A_267, %dma_start3A_268] : memref<80x128xi32, #tpu.memory_space<vmem>> -> memref<60x128xi32, #tpu.memory_space<vmem>>
      tpu.enqueue_dma source(%arg6 : memref<60x128xi32, #tpu.memory_space<hbm>>) target(%dma_start3A_269 : memref<60x128xi32, #tpu.memory_space<vmem>>) target_semaphore(%arg20 : memref<!tpu.dma_semaphore, #tpu.memory_space<semaphore_mem>>)
      %dma_start3A_270 = arith.constant 20 : i32
      %dma_start3A_271 = arith.constant 0 : i32
      %dma_start3A_272 = tpu.memref_slice %arg9[%dma_start3A_270, %dma_start3A_271] : memref<80x128xi32, #tpu.memory_space<vmem>> -> memref<60x128xi32, #tpu.memory_space<vmem>>
      %dma_start3A_273 = arith.constant 20 : i32
      %dma_start3A_274 = arith.constant 0 : i32
      %dma_start3A_275 = tpu.memref_slice %arg9[%dma_start3A_273, %dma_start3A_274] : memref<80x128xi32, #tpu.memory_space<vmem>> -> memref<60x128xi32, #tpu.memory_space<vmem>>
      tpu.enqueue_dma source(%arg6 : memref<60x128xi32, #tpu.memory_space<hbm>>) target(%dma_start3A_275 : memref<60x128xi32, #tpu.memory_space<vmem>>) target_semaphore(%arg21 : memref<!tpu.dma_semaphore, #tpu.memory_space<semaphore_mem>>)
      %dma_wait3A_276 = arith.constant 0 : i32
      %dma_wait3A_277 = arith.constant 0 : i32
      %dma_wait3A_278 = tpu.memref_slice %arg8[%dma_wait3A_276, %dma_wait3A_277] : memref<80x128xi32, #tpu.memory_space<vmem>> -> memref<20x128xi32, #tpu.memory_space<vmem>>
      %dma_wait3A_279 = arith.constant 2480 : i32
      %dma_wait3A_280 = arith.constant 0 : i32
      %dma_wait3A_281 = tpu.memref_slice %arg3[%dma_wait3A_279, %dma_wait3A_280] : memref<2500x128xi32, #tpu.memory_space<hbm>> -> memref<20x128xi32, #tpu.memory_space<hbm>>
      %dma_wait3A_282 = arith.constant 0 : i32
      %dma_wait3A_283 = arith.constant 0 : i32
      %dma_wait3A_284 = tpu.memref_slice %arg8[%dma_wait3A_282, %dma_wait3A_283] : memref<80x128xi32, #tpu.memory_space<vmem>> -> memref<20x128xi32, #tpu.memory_space<vmem>>
      %dma_wait3A_285 = arith.constant 2480 : i32
      %dma_wait3A_286 = arith.constant 0 : i32
      %dma_wait3A_287 = tpu.memref_slice %arg3[%dma_wait3A_285, %dma_wait3A_286] : memref<2500x128xi32, #tpu.memory_space<hbm>> -> memref<20x128xi32, #tpu.memory_space<hbm>>
      tpu.wait_dma2 semaphore(%arg16 : memref<!tpu.dma_semaphore, #tpu.memory_space<semaphore_mem>>) src(%dma_wait3A_287 : memref<20x128xi32, #tpu.memory_space<hbm>>) dst(%dma_wait3A_284 : memref<20x128xi32, #tpu.memory_space<vmem>>)
      %dma_wait3A_288 = arith.constant 0 : i32
      %dma_wait3A_289 = arith.constant 0 : i32
      %dma_wait3A_290 = tpu.memref_slice %arg9[%dma_wait3A_288, %dma_wait3A_289] : memref<80x128xi32, #tpu.memory_space<vmem>> -> memref<20x128xi32, #tpu.memory_space<vmem>>
      %dma_wait3A_291 = arith.constant 2480 : i32
      %dma_wait3A_292 = arith.constant 0 : i32
      %dma_wait3A_293 = tpu.memref_slice %arg4[%dma_wait3A_291, %dma_wait3A_292] : memref<2500x128xi32, #tpu.memory_space<hbm>> -> memref<20x128xi32, #tpu.memory_space<hbm>>
      %dma_wait3A_294 = arith.constant 0 : i32
      %dma_wait3A_295 = arith.constant 0 : i32
      %dma_wait3A_296 = tpu.memref_slice %arg9[%dma_wait3A_294, %dma_wait3A_295] : memref<80x128xi32, #tpu.memory_space<vmem>> -> memref<20x128xi32, #tpu.memory_space<vmem>>
      %dma_wait3A_297 = arith.constant 2480 : i32
      %dma_wait3A_298 = arith.constant 0 : i32
      %dma_wait3A_299 = tpu.memref_slice %arg4[%dma_wait3A_297, %dma_wait3A_298] : memref<2500x128xi32, #tpu.memory_space<hbm>> -> memref<20x128xi32, #tpu.memory_space<hbm>>
      tpu.wait_dma2 semaphore(%arg17 : memref<!tpu.dma_semaphore, #tpu.memory_space<semaphore_mem>>) src(%dma_wait3A_299 : memref<20x128xi32, #tpu.memory_space<hbm>>) dst(%dma_wait3A_296 : memref<20x128xi32, #tpu.memory_space<vmem>>)
      %dma_wait3A_300 = arith.constant 20 : i32
      %dma_wait3A_301 = arith.constant 0 : i32
      %dma_wait3A_302 = tpu.memref_slice %arg8[%dma_wait3A_300, %dma_wait3A_301] : memref<80x128xi32, #tpu.memory_space<vmem>> -> memref<60x128xi32, #tpu.memory_space<vmem>>
      %dma_wait3A_303 = arith.constant 20 : i32
      %dma_wait3A_304 = arith.constant 0 : i32
      %dma_wait3A_305 = tpu.memref_slice %arg8[%dma_wait3A_303, %dma_wait3A_304] : memref<80x128xi32, #tpu.memory_space<vmem>> -> memref<60x128xi32, #tpu.memory_space<vmem>>
      tpu.wait_dma2 semaphore(%arg20 : memref<!tpu.dma_semaphore, #tpu.memory_space<semaphore_mem>>) src(%arg6 : memref<60x128xi32, #tpu.memory_space<hbm>>) dst(%dma_wait3A_305 : memref<60x128xi32, #tpu.memory_space<vmem>>)
      %dma_wait3A_306 = arith.constant 20 : i32
      %dma_wait3A_307 = arith.constant 0 : i32
      %dma_wait3A_308 = tpu.memref_slice %arg9[%dma_wait3A_306, %dma_wait3A_307] : memref<80x128xi32, #tpu.memory_space<vmem>> -> memref<60x128xi32, #tpu.memory_space<vmem>>
      %dma_wait3A_309 = arith.constant 20 : i32
      %dma_wait3A_310 = arith.constant 0 : i32
      %dma_wait3A_311 = tpu.memref_slice %arg9[%dma_wait3A_309, %dma_wait3A_310] : memref<80x128xi32, #tpu.memory_space<vmem>> -> memref<60x128xi32, #tpu.memory_space<vmem>>
      tpu.wait_dma2 semaphore(%arg21 : memref<!tpu.dma_semaphore, #tpu.memory_space<semaphore_mem>>) src(%arg6 : memref<60x128xi32, #tpu.memory_space<hbm>>) dst(%dma_wait3A_311 : memref<60x128xi32, #tpu.memory_space<vmem>>)
    } else {
    }
    %dma_wait3A = arith.constant 0 : i32
    %dma_wait3A_16 = tpu.memref_slice %arg14[%mul3A_2, %dma_wait3A] : memref<10240x32xf32, #tpu.memory_space<vmem_shared>> -> memref<640x32xf32, #tpu.memory_space<vmem_shared>>
    %dma_wait3A_17 = arith.constant 0 : i32
    %dma_wait3A_18 = tpu.memref_slice %arg2[%mul3A_2, %dma_wait3A_17] : memref<10240x32xf32, #tpu.memory_space<hbm>> -> memref<640x32xf32, #tpu.memory_space<hbm>>
    tpu.wait_dma2 semaphore(%arg18 : memref<!tpu.dma_semaphore, #tpu.memory_space<semaphore_mem>>) src(%dma_wait3A_18 : memref<640x32xf32, #tpu.memory_space<hbm>>) dst(%dma_wait3A_16 : memref<640x32xf32, #tpu.memory_space<vmem_shared>>)
    %dma_wait3A_19 = arith.constant 0 : i32
    %dma_wait3A_20 = tpu.memref_slice %arg15[%mul3A_2, %dma_wait3A_19] : memref<10240x32xf32, #tpu.memory_space<vmem_shared>> -> memref<640x32xf32, #tpu.memory_space<vmem_shared>>
    %dma_wait3A_21 = arith.constant 0 : i32
    %dma_wait3A_22 = tpu.memref_slice %arg5[%mul3A_2, %dma_wait3A_21] : memref<10240x32xf32, #tpu.memory_space<hbm>> -> memref<640x32xf32, #tpu.memory_space<hbm>>
    tpu.wait_dma2 semaphore(%arg19 : memref<!tpu.dma_semaphore, #tpu.memory_space<semaphore_mem>>) src(%dma_wait3A_22 : memref<640x32xf32, #tpu.memory_space<hbm>>) dst(%dma_wait3A_20 : memref<640x32xf32, #tpu.memory_space<vmem_shared>>)
    %barrier3A = arith.constant 0 : index
    tpu.barrier barrier_id(%barrier3A)
    %dma_start3A_23 = arith.constant 0 : i32
    %dma_start3A_24 = arith.constant 0 : i32
    %dma_start3A_25 = tpu.memref_slice %arg8[%dma_start3A_23, %dma_start3A_24] : memref<80x128xi32, #tpu.memory_space<vmem>> -> memref<1x128xi32, #tpu.memory_space<vmem>>
    %dma_start3A_26 = tpu.memref_squeeze %dma_start3A_25 : memref<1x128xi32, #tpu.memory_space<vmem>> -> memref<128xi32, #tpu.memory_space<vmem>>
    %dma_start3A_27 = arith.constant 0 : i32
    %dma_start3A_28 = arith.constant 0 : i32
    %dma_start3A_29 = tpu.memref_slice %arg14[%dma_start3A_27, %dma_start3A_28] : memref<10240x32xf32, #tpu.memory_space<vmem_shared>> -> memref<10240x32xf32, #tpu.memory_space<vmem_shared>>
    tpu.enqueue_indirect_dma source(%dma_start3A_29 : memref<10240x32xf32, #tpu.memory_space<vmem_shared>>) target(%arg10 : memref<128x32xf32, #tpu.memory_space<vmem>>) offsets(%dma_start3A_26 : memref<128xi32, #tpu.memory_space<vmem>>) semaphore(%arg16 : memref<!tpu.dma_semaphore, #tpu.memory_space<semaphore_mem>>)
    %dma_start3A_30 = arith.constant 1 : i32
    %dma_start3A_31 = arith.constant 0 : i32
    %dma_start3A_32 = tpu.memref_slice %arg8[%dma_start3A_30, %dma_start3A_31] : memref<80x128xi32, #tpu.memory_space<vmem>> -> memref<1x128xi32, #tpu.memory_space<vmem>>
    %dma_start3A_33 = tpu.memref_squeeze %dma_start3A_32 : memref<1x128xi32, #tpu.memory_space<vmem>> -> memref<128xi32, #tpu.memory_space<vmem>>
    %dma_start3A_34 = arith.constant 0 : i32
    %dma_start3A_35 = arith.constant 0 : i32
    %dma_start3A_36 = tpu.memref_slice %arg14[%dma_start3A_34, %dma_start3A_35] : memref<10240x32xf32, #tpu.memory_space<vmem_shared>> -> memref<10240x32xf32, #tpu.memory_space<vmem_shared>>
    tpu.enqueue_indirect_dma source(%dma_start3A_36 : memref<10240x32xf32, #tpu.memory_space<vmem_shared>>) target(%arg11 : memref<128x32xf32, #tpu.memory_space<vmem>>) offsets(%dma_start3A_33 : memref<128xi32, #tpu.memory_space<vmem>>) semaphore(%arg17 : memref<!tpu.dma_semaphore, #tpu.memory_space<semaphore_mem>>)
    %dma_wait3A_37 = arith.constant 0 : i32
    %dma_wait3A_38 = arith.constant 0 : i32
    %dma_wait3A_39 = tpu.memref_slice %arg2[%dma_wait3A_37, %dma_wait3A_38] : memref<10240x32xf32, #tpu.memory_space<hbm>> -> memref<128x32xf32, #tpu.memory_space<hbm>>
    %dma_wait3A_40 = arith.constant 0 : i32
    %dma_wait3A_41 = arith.constant 0 : i32
    %dma_wait3A_42 = tpu.memref_slice %arg2[%dma_wait3A_40, %dma_wait3A_41] : memref<10240x32xf32, #tpu.memory_space<hbm>> -> memref<128x32xf32, #tpu.memory_space<hbm>>
    tpu.wait_dma2 semaphore(%arg16 : memref<!tpu.dma_semaphore, #tpu.memory_space<semaphore_mem>>) src(%dma_wait3A_42 : memref<128x32xf32, #tpu.memory_space<hbm>>) dst(%arg10 : memref<128x32xf32, #tpu.memory_space<vmem>>)
    %dma_start3A_43 = arith.constant 0 : i32
    %dma_start3A_44 = arith.constant 0 : i32
    %dma_start3A_45 = tpu.memref_slice %arg9[%dma_start3A_43, %dma_start3A_44] : memref<80x128xi32, #tpu.memory_space<vmem>> -> memref<1x128xi32, #tpu.memory_space<vmem>>
    %dma_start3A_46 = tpu.memref_squeeze %dma_start3A_45 : memref<1x128xi32, #tpu.memory_space<vmem>> -> memref<128xi32, #tpu.memory_space<vmem>>
    %dma_start3A_47 = arith.constant 0 : i32
    %dma_start3A_48 = arith.constant 0 : i32
    %dma_start3A_49 = tpu.memref_slice %arg15[%dma_start3A_47, %dma_start3A_48] : memref<10240x32xf32, #tpu.memory_space<vmem_shared>> -> memref<10240x32xf32, #tpu.memory_space<vmem_shared>>
    tpu.enqueue_indirect_dma source(%arg10 : memref<128x32xf32, #tpu.memory_space<vmem>>) target(%dma_start3A_49 : memref<10240x32xf32, #tpu.memory_space<vmem_shared>>) offsets(%dma_start3A_46 : memref<128xi32, #tpu.memory_space<vmem>>) semaphore(%arg20 : memref<!tpu.dma_semaphore, #tpu.memory_space<semaphore_mem>>) {add = true}
    %dma_start3A_50 = arith.constant 2 : i32
    %dma_start3A_51 = arith.constant 0 : i32
    %dma_start3A_52 = tpu.memref_slice %arg8[%dma_start3A_50, %dma_start3A_51] : memref<80x128xi32, #tpu.memory_space<vmem>> -> memref<1x128xi32, #tpu.memory_space<vmem>>
    %dma_start3A_53 = tpu.memref_squeeze %dma_start3A_52 : memref<1x128xi32, #tpu.memory_space<vmem>> -> memref<128xi32, #tpu.memory_space<vmem>>
    %dma_start3A_54 = arith.constant 0 : i32
    %dma_start3A_55 = arith.constant 0 : i32
    %dma_start3A_56 = tpu.memref_slice %arg14[%dma_start3A_54, %dma_start3A_55] : memref<10240x32xf32, #tpu.memory_space<vmem_shared>> -> memref<10240x32xf32, #tpu.memory_space<vmem_shared>>
    tpu.enqueue_indirect_dma source(%dma_start3A_56 : memref<10240x32xf32, #tpu.memory_space<vmem_shared>>) target(%arg12 : memref<128x32xf32, #tpu.memory_space<vmem>>) offsets(%dma_start3A_53 : memref<128xi32, #tpu.memory_space<vmem>>) semaphore(%arg18 : memref<!tpu.dma_semaphore, #tpu.memory_space<semaphore_mem>>)
    %dma_wait3A_57 = arith.constant 0 : i32
    %dma_wait3A_58 = arith.constant 0 : i32
    %dma_wait3A_59 = tpu.memref_slice %arg2[%dma_wait3A_57, %dma_wait3A_58] : memref<10240x32xf32, #tpu.memory_space<hbm>> -> memref<128x32xf32, #tpu.memory_space<hbm>>
    %dma_wait3A_60 = arith.constant 0 : i32
    %dma_wait3A_61 = arith.constant 0 : i32
    %dma_wait3A_62 = tpu.memref_slice %arg2[%dma_wait3A_60, %dma_wait3A_61] : memref<10240x32xf32, #tpu.memory_space<hbm>> -> memref<128x32xf32, #tpu.memory_space<hbm>>
    tpu.wait_dma2 semaphore(%arg17 : memref<!tpu.dma_semaphore, #tpu.memory_space<semaphore_mem>>) src(%dma_wait3A_62 : memref<128x32xf32, #tpu.memory_space<hbm>>) dst(%arg11 : memref<128x32xf32, #tpu.memory_space<vmem>>)
    %dma_start3A_63 = arith.constant 1 : i32
    %dma_start3A_64 = arith.constant 0 : i32
    %dma_start3A_65 = tpu.memref_slice %arg9[%dma_start3A_63, %dma_start3A_64] : memref<80x128xi32, #tpu.memory_space<vmem>> -> memref<1x128xi32, #tpu.memory_space<vmem>>
    %dma_start3A_66 = tpu.memref_squeeze %dma_start3A_65 : memref<1x128xi32, #tpu.memory_space<vmem>> -> memref<128xi32, #tpu.memory_space<vmem>>
    %dma_start3A_67 = arith.constant 0 : i32
    %dma_start3A_68 = arith.constant 0 : i32
    %dma_start3A_69 = tpu.memref_slice %arg15[%dma_start3A_67, %dma_start3A_68] : memref<10240x32xf32, #tpu.memory_space<vmem_shared>> -> memref<10240x32xf32, #tpu.memory_space<vmem_shared>>
    tpu.enqueue_indirect_dma source(%arg11 : memref<128x32xf32, #tpu.memory_space<vmem>>) target(%dma_start3A_69 : memref<10240x32xf32, #tpu.memory_space<vmem_shared>>) offsets(%dma_start3A_66 : memref<128xi32, #tpu.memory_space<vmem>>) semaphore(%arg21 : memref<!tpu.dma_semaphore, #tpu.memory_space<semaphore_mem>>) {add = true}
    %dma_start3A_70 = arith.constant 3 : i32
    %dma_start3A_71 = arith.constant 0 : i32
    %dma_start3A_72 = tpu.memref_slice %arg8[%dma_start3A_70, %dma_start3A_71] : memref<80x128xi32, #tpu.memory_space<vmem>> -> memref<1x128xi32, #tpu.memory_space<vmem>>
    %dma_start3A_73 = tpu.memref_squeeze %dma_start3A_72 : memref<1x128xi32, #tpu.memory_space<vmem>> -> memref<128xi32, #tpu.memory_space<vmem>>
    %dma_start3A_74 = arith.constant 0 : i32
    %dma_start3A_75 = arith.constant 0 : i32
    %dma_start3A_76 = tpu.memref_slice %arg14[%dma_start3A_74, %dma_start3A_75] : memref<10240x32xf32, #tpu.memory_space<vmem_shared>> -> memref<10240x32xf32, #tpu.memory_space<vmem_shared>>
    tpu.enqueue_indirect_dma source(%dma_start3A_76 : memref<10240x32xf32, #tpu.memory_space<vmem_shared>>) target(%arg13 : memref<128x32xf32, #tpu.memory_space<vmem>>) offsets(%dma_start3A_73 : memref<128xi32, #tpu.memory_space<vmem>>) semaphore(%arg19 : memref<!tpu.dma_semaphore, #tpu.memory_space<semaphore_mem>>)
    %dma_wait3A_77 = arith.constant 0 : i32
    %dma_wait3A_78 = arith.constant 0 : i32
    %dma_wait3A_79 = tpu.memref_slice %arg2[%dma_wait3A_77, %dma_wait3A_78] : memref<10240x32xf32, #tpu.memory_space<hbm>> -> memref<128x32xf32, #tpu.memory_space<hbm>>
    %dma_wait3A_80 = arith.constant 0 : i32
    %dma_wait3A_81 = arith.constant 0 : i32
    %dma_wait3A_82 = tpu.memref_slice %arg2[%dma_wait3A_80, %dma_wait3A_81] : memref<10240x32xf32, #tpu.memory_space<hbm>> -> memref<128x32xf32, #tpu.memory_space<hbm>>
    tpu.wait_dma2 semaphore(%arg18 : memref<!tpu.dma_semaphore, #tpu.memory_space<semaphore_mem>>) src(%dma_wait3A_82 : memref<128x32xf32, #tpu.memory_space<hbm>>) dst(%arg12 : memref<128x32xf32, #tpu.memory_space<vmem>>)
    %dma_start3A_83 = arith.constant 2 : i32
    %dma_start3A_84 = arith.constant 0 : i32
    %dma_start3A_85 = tpu.memref_slice %arg9[%dma_start3A_83, %dma_start3A_84] : memref<80x128xi32, #tpu.memory_space<vmem>> -> memref<1x128xi32, #tpu.memory_space<vmem>>
    %dma_start3A_86 = tpu.memref_squeeze %dma_start3A_85 : memref<1x128xi32, #tpu.memory_space<vmem>> -> memref<128xi32, #tpu.memory_space<vmem>>
    %dma_start3A_87 = arith.constant 0 : i32
    %dma_start3A_88 = arith.constant 0 : i32
    %dma_start3A_89 = tpu.memref_slice %arg15[%dma_start3A_87, %dma_start3A_88] : memref<10240x32xf32, #tpu.memory_space<vmem_shared>> -> memref<10240x32xf32, #tpu.memory_space<vmem_shared>>
    tpu.enqueue_indirect_dma source(%arg12 : memref<128x32xf32, #tpu.memory_space<vmem>>) target(%dma_start3A_89 : memref<10240x32xf32, #tpu.memory_space<vmem_shared>>) offsets(%dma_start3A_86 : memref<128xi32, #tpu.memory_space<vmem>>) semaphore(%arg22 : memref<!tpu.dma_semaphore, #tpu.memory_space<semaphore_mem>>) {add = true}
    %dma_wait3A_90 = arith.constant 0 : i32
    %dma_wait3A_91 = arith.constant 0 : i32
    %dma_wait3A_92 = tpu.memref_slice %arg2[%dma_wait3A_90, %dma_wait3A_91] : memref<10240x32xf32, #tpu.memory_space<hbm>> -> memref<128x32xf32, #tpu.memory_space<hbm>>
    %dma_wait3A_93 = arith.constant 0 : i32
    %dma_wait3A_94 = arith.constant 0 : i32
    %dma_wait3A_95 = tpu.memref_slice %arg2[%dma_wait3A_93, %dma_wait3A_94] : memref<10240x32xf32, #tpu.memory_space<hbm>> -> memref<128x32xf32, #tpu.memory_space<hbm>>
    tpu.wait_dma2 semaphore(%arg20 : memref<!tpu.dma_semaphore, #tpu.memory_space<semaphore_mem>>) src(%dma_wait3A_95 : memref<128x32xf32, #tpu.memory_space<hbm>>) dst(%arg10 : memref<128x32xf32, #tpu.memory_space<vmem>>)
    %dma_start3A_96 = arith.constant 4 : i32
    %dma_start3A_97 = arith.constant 0 : i32
    %dma_start3A_98 = tpu.memref_slice %arg8[%dma_start3A_96, %dma_start3A_97] : memref<80x128xi32, #tpu.memory_space<vmem>> -> memref<1x128xi32, #tpu.memory_space<vmem>>
    %dma_start3A_99 = tpu.memref_squeeze %dma_start3A_98 : memref<1x128xi32, #tpu.memory_space<vmem>> -> memref<128xi32, #tpu.memory_space<vmem>>
    %dma_start3A_100 = arith.constant 0 : i32
    %dma_start3A_101 = arith.constant 0 : i32
    %dma_start3A_102 = tpu.memref_slice %arg14[%dma_start3A_100, %dma_start3A_101] : memref<10240x32xf32, #tpu.memory_space<vmem_shared>> -> memref<10240x32xf32, #tpu.memory_space<vmem_shared>>
    tpu.enqueue_indirect_dma source(%dma_start3A_102 : memref<10240x32xf32, #tpu.memory_space<vmem_shared>>) target(%arg10 : memref<128x32xf32, #tpu.memory_space<vmem>>) offsets(%dma_start3A_99 : memref<128xi32, #tpu.memory_space<vmem>>) semaphore(%arg16 : memref<!tpu.dma_semaphore, #tpu.memory_space<semaphore_mem>>)
    %dma_wait3A_103 = arith.constant 0 : i32
    %dma_wait3A_104 = arith.constant 0 : i32
    %dma_wait3A_105 = tpu.memref_slice %arg2[%dma_wait3A_103, %dma_wait3A_104] : memref<10240x32xf32, #tpu.memory_space<hbm>> -> memref<128x32xf32, #tpu.memory_space<hbm>>
    %dma_wait3A_106 = arith.constant 0 : i32
    %dma_wait3A_107 = arith.constant 0 : i32
    %dma_wait3A_108 = tpu.memref_slice %arg2[%dma_wait3A_106, %dma_wait3A_107] : memref<10240x32xf32, #tpu.memory_space<hbm>> -> memref<128x32xf32, #tpu.memory_space<hbm>>
    tpu.wait_dma2 semaphore(%arg19 : memref<!tpu.dma_semaphore, #tpu.memory_space<semaphore_mem>>) src(%dma_wait3A_108 : memref<128x32xf32, #tpu.memory_space<hbm>>) dst(%arg13 : memref<128x32xf32, #tpu.memory_space<vmem>>)
    %dma_start3A_109 = arith.constant 3 : i32
    %dma_start3A_110 = arith.constant 0 : i32
    %dma_start3A_111 = tpu.memref_slice %arg9[%dma_start3A_109, %dma_start3A_110] : memref<80x128xi32, #tpu.memory_space<vmem>> -> memref<1x128xi32, #tpu.memory_space<vmem>>
    %dma_start3A_112 = tpu.memref_squeeze %dma_start3A_111 : memref<1x128xi32, #tpu.memory_space<vmem>> -> memref<128xi32, #tpu.memory_space<vmem>>
    %dma_start3A_113 = arith.constant 0 : i32
    %dma_start3A_114 = arith.constant 0 : i32
    %dma_start3A_115 = tpu.memref_slice %arg15[%dma_start3A_113, %dma_start3A_114] : memref<10240x32xf32, #tpu.memory_space<vmem_shared>> -> memref<10240x32xf32, #tpu.memory_space<vmem_shared>>
    tpu.enqueue_indirect_dma source(%arg13 : memref<128x32xf32, #tpu.memory_space<vmem>>) target(%dma_start3A_115 : memref<10240x32xf32, #tpu.memory_space<vmem_shared>>) offsets(%dma_start3A_112 : memref<128xi32, #tpu.memory_space<vmem>>) semaphore(%arg23 : memref<!tpu.dma_semaphore, #tpu.memory_space<semaphore_mem>>) {add = true}
    %dma_wait3A_116 = arith.constant 0 : i32
    %dma_wait3A_117 = arith.constant 0 : i32
    %dma_wait3A_118 = tpu.memref_slice %arg2[%dma_wait3A_116, %dma_wait3A_117] : memref<10240x32xf32, #tpu.memory_space<hbm>> -> memref<128x32xf32, #tpu.memory_space<hbm>>
    %dma_wait3A_119 = arith.constant 0 : i32
    %dma_wait3A_120 = arith.constant 0 : i32
    %dma_wait3A_121 = tpu.memref_slice %arg2[%dma_wait3A_119, %dma_wait3A_120] : memref<10240x32xf32, #tpu.memory_space<hbm>> -> memref<128x32xf32, #tpu.memory_space<hbm>>
    tpu.wait_dma2 semaphore(%arg21 : memref<!tpu.dma_semaphore, #tpu.memory_space<semaphore_mem>>) src(%dma_wait3A_121 : memref<128x32xf32, #tpu.memory_space<hbm>>) dst(%arg11 : memref<128x32xf32, #tpu.memory_space<vmem>>)
    %dma_start3A_122 = arith.constant 5 : i32
    %dma_start3A_123 = arith.constant 0 : i32
    %dma_start3A_124 = tpu.memref_slice %arg8[%dma_start3A_122, %dma_start3A_123] : memref<80x128xi32, #tpu.memory_space<vmem>> -> memref<1x128xi32, #tpu.memory_space<vmem>>
    %dma_start3A_125 = tpu.memref_squeeze %dma_start3A_124 : memref<1x128xi32, #tpu.memory_space<vmem>> -> memref<128xi32, #tpu.memory_space<vmem>>
    %dma_start3A_126 = arith.constant 0 : i32
    %dma_start3A_127 = arith.constant 0 : i32
    %dma_start3A_128 = tpu.memref_slice %arg14[%dma_start3A_126, %dma_start3A_127] : memref<10240x32xf32, #tpu.memory_space<vmem_shared>> -> memref<10240x32xf32, #tpu.memory_space<vmem_shared>>
    tpu.enqueue_indirect_dma source(%dma_start3A_128 : memref<10240x32xf32, #tpu.memory_space<vmem_shared>>) target(%arg11 : memref<128x32xf32, #tpu.memory_space<vmem>>) offsets(%dma_start3A_125 : memref<128xi32, #tpu.memory_space<vmem>>) semaphore(%arg17 : memref<!tpu.dma_semaphore, #tpu.memory_space<semaphore_mem>>)
    %scan3A = arith.constant 0 : i32
    %scan3A_129 = arith.constant 1 : i32
    %scan3A_130 = arith.constant 18 : i32
    %scan3A_131 = arith.addi %scan3A_129, %scan3A_130 : i32
    %scan3A_132 = arith.constant 1 : i32
    scf.for %scan3A_240 = %scan3A_129 to %scan3A_131 step %scan3A_132  : i32 {
      %mul3A_241 = arith.constant 4 : i32
      %mul3A_242 = arith.muli %mul3A_241, %scan3A_240 : i32
      %dma_wait3A_243 = arith.constant 0 : i32
      %dma_wait3A_244 = arith.constant 0 : i32
      %dma_wait3A_245 = tpu.memref_slice %arg2[%dma_wait3A_243, %dma_wait3A_244] : memref<10240x32xf32, #tpu.memory_space<hbm>> -> memref<128x32xf32, #tpu.memory_space<hbm>>
      %dma_wait3A_246 = arith.constant 0 : i32
      %dma_wait3A_247 = arith.constant 0 : i32
      %dma_wait3A_248 = tpu.memref_slice %arg2[%dma_wait3A_246, %dma_wait3A_247] : memref<10240x32xf32, #tpu.memory_space<hbm>> -> memref<128x32xf32, #tpu.memory_space<hbm>>
      tpu.wait_dma2 semaphore(%arg16 : memref<!tpu.dma_semaphore, #tpu.memory_space<semaphore_mem>>) src(%dma_wait3A_248 : memref<128x32xf32, #tpu.memory_space<hbm>>) dst(%arg10 : memref<128x32xf32, #tpu.memory_space<vmem>>)
      %dma_start3A_249 = arith.constant 0 : i32
      %dma_start3A_250 = tpu.memref_slice %arg9[%mul3A_242, %dma_start3A_249] : memref<80x128xi32, #tpu.memory_space<vmem>> -> memref<1x128xi32, #tpu.memory_space<vmem>>
      %dma_start3A_251 = tpu.memref_squeeze %dma_start3A_250 : memref<1x128xi32, #tpu.memory_space<vmem>> -> memref<128xi32, #tpu.memory_space<vmem>>
      %dma_start3A_252 = arith.constant 0 : i32
      %dma_start3A_253 = arith.constant 0 : i32
      %dma_start3A_254 = tpu.memref_slice %arg15[%dma_start3A_252, %dma_start3A_253] : memref<10240x32xf32, #tpu.memory_space<vmem_shared>> -> memref<10240x32xf32, #tpu.memory_space<vmem_shared>>
      tpu.enqueue_indirect_dma source(%arg10 : memref<128x32xf32, #tpu.memory_space<vmem>>) target(%dma_start3A_254 : memref<10240x32xf32, #tpu.memory_space<vmem_shared>>) offsets(%dma_start3A_251 : memref<128xi32, #tpu.memory_space<vmem>>) semaphore(%arg20 : memref<!tpu.dma_semaphore, #tpu.memory_space<semaphore_mem>>) {add = true}
      %dma_wait3A_255 = arith.constant 0 : i32
      %dma_wait3A_256 = arith.constant 0 : i32
      %dma_wait3A_257 = tpu.memref_slice %arg2[%dma_wait3A_255, %dma_wait3A_256] : memref<10240x32xf32, #tpu.memory_space<hbm>> -> memref<128x32xf32, #tpu.memory_space<hbm>>
      %dma_wait3A_258 = arith.constant 0 : i32
      %dma_wait3A_259 = arith.constant 0 : i32
      %dma_wait3A_260 = tpu.memref_slice %arg2[%dma_wait3A_258, %dma_wait3A_259] : memref<10240x32xf32, #tpu.memory_space<hbm>> -> memref<128x32xf32, #tpu.memory_space<hbm>>
      tpu.wait_dma2 semaphore(%arg22 : memref<!tpu.dma_semaphore, #tpu.memory_space<semaphore_mem>>) src(%dma_wait3A_260 : memref<128x32xf32, #tpu.memory_space<hbm>>) dst(%arg12 : memref<128x32xf32, #tpu.memory_space<vmem>>)
      %add3A_261 = arith.constant 2 : i32
      %add3A_262 = arith.addi %mul3A_242, %add3A_261 : i32
      %dma_start3A_263 = arith.constant 0 : i32
      %dma_start3A_264 = tpu.memref_slice %arg8[%add3A_262, %dma_start3A_263] : memref<80x128xi32, #tpu.memory_space<vmem>> -> memref<1x128xi32, #tpu.memory_space<vmem>>
      %dma_start3A_265 = tpu.memref_squeeze %dma_start3A_264 : memref<1x128xi32, #tpu.memory_space<vmem>> -> memref<128xi32, #tpu.memory_space<vmem>>
      %dma_start3A_266 = arith.constant 0 : i32
      %dma_start3A_267 = arith.constant 0 : i32
      %dma_start3A_268 = tpu.memref_slice %arg14[%dma_start3A_266, %dma_start3A_267] : memref<10240x32xf32, #tpu.memory_space<vmem_shared>> -> memref<10240x32xf32, #tpu.memory_space<vmem_shared>>
      tpu.enqueue_indirect_dma source(%dma_start3A_268 : memref<10240x32xf32, #tpu.memory_space<vmem_shared>>) target(%arg12 : memref<128x32xf32, #tpu.memory_space<vmem>>) offsets(%dma_start3A_265 : memref<128xi32, #tpu.memory_space<vmem>>) semaphore(%arg18 : memref<!tpu.dma_semaphore, #tpu.memory_space<semaphore_mem>>)
      %add3A_269 = arith.constant 1 : i32
      %add3A_270 = arith.addi %mul3A_242, %add3A_269 : i32
      %dma_wait3A_271 = arith.constant 0 : i32
      %dma_wait3A_272 = arith.constant 0 : i32
      %dma_wait3A_273 = tpu.memref_slice %arg2[%dma_wait3A_271, %dma_wait3A_272] : memref<10240x32xf32, #tpu.memory_space<hbm>> -> memref<128x32xf32, #tpu.memory_space<hbm>>
      %dma_wait3A_274 = arith.constant 0 : i32
      %dma_wait3A_275 = arith.constant 0 : i32
      %dma_wait3A_276 = tpu.memref_slice %arg2[%dma_wait3A_274, %dma_wait3A_275] : memref<10240x32xf32, #tpu.memory_space<hbm>> -> memref<128x32xf32, #tpu.memory_space<hbm>>
      tpu.wait_dma2 semaphore(%arg17 : memref<!tpu.dma_semaphore, #tpu.memory_space<semaphore_mem>>) src(%dma_wait3A_276 : memref<128x32xf32, #tpu.memory_space<hbm>>) dst(%arg11 : memref<128x32xf32, #tpu.memory_space<vmem>>)
      %dma_start3A_277 = arith.constant 0 : i32
      %dma_start3A_278 = tpu.memref_slice %arg9[%add3A_270, %dma_start3A_277] : memref<80x128xi32, #tpu.memory_space<vmem>> -> memref<1x128xi32, #tpu.memory_space<vmem>>
      %dma_start3A_279 = tpu.memref_squeeze %dma_start3A_278 : memref<1x128xi32, #tpu.memory_space<vmem>> -> memref<128xi32, #tpu.memory_space<vmem>>
      %dma_start3A_280 = arith.constant 0 : i32
      %dma_start3A_281 = arith.constant 0 : i32
      %dma_start3A_282 = tpu.memref_slice %arg15[%dma_start3A_280, %dma_start3A_281] : memref<10240x32xf32, #tpu.memory_space<vmem_shared>> -> memref<10240x32xf32, #tpu.memory_space<vmem_shared>>
      tpu.enqueue_indirect_dma source(%arg11 : memref<128x32xf32, #tpu.memory_space<vmem>>) target(%dma_start3A_282 : memref<10240x32xf32, #tpu.memory_space<vmem_shared>>) offsets(%dma_start3A_279 : memref<128xi32, #tpu.memory_space<vmem>>) semaphore(%arg21 : memref<!tpu.dma_semaphore, #tpu.memory_space<semaphore_mem>>) {add = true}
      %dma_wait3A_283 = arith.constant 0 : i32
      %dma_wait3A_284 = arith.constant 0 : i32
      %dma_wait3A_285 = tpu.memref_slice %arg2[%dma_wait3A_283, %dma_wait3A_284] : memref<10240x32xf32, #tpu.memory_space<hbm>> -> memref<128x32xf32, #tpu.memory_space<hbm>>
      %dma_wait3A_286 = arith.constant 0 : i32
      %dma_wait3A_287 = arith.constant 0 : i32
      %dma_wait3A_288 = tpu.memref_slice %arg2[%dma_wait3A_286, %dma_wait3A_287] : memref<10240x32xf32, #tpu.memory_space<hbm>> -> memref<128x32xf32, #tpu.memory_space<hbm>>
      tpu.wait_dma2 semaphore(%arg23 : memref<!tpu.dma_semaphore, #tpu.memory_space<semaphore_mem>>) src(%dma_wait3A_288 : memref<128x32xf32, #tpu.memory_space<hbm>>) dst(%arg13 : memref<128x32xf32, #tpu.memory_space<vmem>>)
      %add3A_289 = arith.constant 2 : i32
      %add3A_290 = arith.addi %add3A_270, %add3A_289 : i32
      %dma_start3A_291 = arith.constant 0 : i32
      %dma_start3A_292 = tpu.memref_slice %arg8[%add3A_290, %dma_start3A_291] : memref<80x128xi32, #tpu.memory_space<vmem>> -> memref<1x128xi32, #tpu.memory_space<vmem>>
      %dma_start3A_293 = tpu.memref_squeeze %dma_start3A_292 : memref<1x128xi32, #tpu.memory_space<vmem>> -> memref<128xi32, #tpu.memory_space<vmem>>
      %dma_start3A_294 = arith.constant 0 : i32
      %dma_start3A_295 = arith.constant 0 : i32
      %dma_start3A_296 = tpu.memref_slice %arg14[%dma_start3A_294, %dma_start3A_295] : memref<10240x32xf32, #tpu.memory_space<vmem_shared>> -> memref<10240x32xf32, #tpu.memory_space<vmem_shared>>
      tpu.enqueue_indirect_dma source(%dma_start3A_296 : memref<10240x32xf32, #tpu.memory_space<vmem_shared>>) target(%arg13 : memref<128x32xf32, #tpu.memory_space<vmem>>) offsets(%dma_start3A_293 : memref<128xi32, #tpu.memory_space<vmem>>) semaphore(%arg19 : memref<!tpu.dma_semaphore, #tpu.memory_space<semaphore_mem>>)
      %add3A_297 = arith.constant 2 : i32
      %add3A_298 = arith.addi %mul3A_242, %add3A_297 : i32
      %dma_wait3A_299 = arith.constant 0 : i32
      %dma_wait3A_300 = arith.constant 0 : i32
      %dma_wait3A_301 = tpu.memref_slice %arg2[%dma_wait3A_299, %dma_wait3A_300] : memref<10240x32xf32, #tpu.memory_space<hbm>> -> memref<128x32xf32, #tpu.memory_space<hbm>>
      %dma_wait3A_302 = arith.constant 0 : i32
      %dma_wait3A_303 = arith.constant 0 : i32
      %dma_wait3A_304 = tpu.memref_slice %arg2[%dma_wait3A_302, %dma_wait3A_303] : memref<10240x32xf32, #tpu.memory_space<hbm>> -> memref<128x32xf32, #tpu.memory_space<hbm>>
      tpu.wait_dma2 semaphore(%arg18 : memref<!tpu.dma_semaphore, #tpu.memory_space<semaphore_mem>>) src(%dma_wait3A_304 : memref<128x32xf32, #tpu.memory_space<hbm>>) dst(%arg12 : memref<128x32xf32, #tpu.memory_space<vmem>>)
      %dma_start3A_305 = arith.constant 0 : i32
      %dma_start3A_306 = tpu.memref_slice %arg9[%add3A_298, %dma_start3A_305] : memref<80x128xi32, #tpu.memory_space<vmem>> -> memref<1x128xi32, #tpu.memory_space<vmem>>
      %dma_start3A_307 = tpu.memref_squeeze %dma_start3A_306 : memref<1x128xi32, #tpu.memory_space<vmem>> -> memref<128xi32, #tpu.memory_space<vmem>>
      %dma_start3A_308 = arith.constant 0 : i32
      %dma_start3A_309 = arith.constant 0 : i32
      %dma_start3A_310 = tpu.memref_slice %arg15[%dma_start3A_308, %dma_start3A_309] : memref<10240x32xf32, #tpu.memory_space<vmem_shared>> -> memref<10240x32xf32, #tpu.memory_space<vmem_shared>>
      tpu.enqueue_indirect_dma source(%arg12 : memref<128x32xf32, #tpu.memory_space<vmem>>) target(%dma_start3A_310 : memref<10240x32xf32, #tpu.memory_space<vmem_shared>>) offsets(%dma_start3A_307 : memref<128xi32, #tpu.memory_space<vmem>>) semaphore(%arg22 : memref<!tpu.dma_semaphore, #tpu.memory_space<semaphore_mem>>) {add = true}
      %dma_wait3A_311 = arith.constant 0 : i32
      %dma_wait3A_312 = arith.constant 0 : i32
      %dma_wait3A_313 = tpu.memref_slice %arg2[%dma_wait3A_311, %dma_wait3A_312] : memref<10240x32xf32, #tpu.memory_space<hbm>> -> memref<128x32xf32, #tpu.memory_space<hbm>>
      %dma_wait3A_314 = arith.constant 0 : i32
      %dma_wait3A_315 = arith.constant 0 : i32
      %dma_wait3A_316 = tpu.memref_slice %arg2[%dma_wait3A_314, %dma_wait3A_315] : memref<10240x32xf32, #tpu.memory_space<hbm>> -> memref<128x32xf32, #tpu.memory_space<hbm>>
      tpu.wait_dma2 semaphore(%arg20 : memref<!tpu.dma_semaphore, #tpu.memory_space<semaphore_mem>>) src(%dma_wait3A_316 : memref<128x32xf32, #tpu.memory_space<hbm>>) dst(%arg10 : memref<128x32xf32, #tpu.memory_space<vmem>>)
      %add3A_317 = arith.constant 2 : i32
      %add3A_318 = arith.addi %add3A_298, %add3A_317 : i32
      %dma_start3A_319 = arith.constant 0 : i32
      %dma_start3A_320 = tpu.memref_slice %arg8[%add3A_318, %dma_start3A_319] : memref<80x128xi32, #tpu.memory_space<vmem>> -> memref<1x128xi32, #tpu.memory_space<vmem>>
      %dma_start3A_321 = tpu.memref_squeeze %dma_start3A_320 : memref<1x128xi32, #tpu.memory_space<vmem>> -> memref<128xi32, #tpu.memory_space<vmem>>
      %dma_start3A_322 = arith.constant 0 : i32
      %dma_start3A_323 = arith.constant 0 : i32
      %dma_start3A_324 = tpu.memref_slice %arg14[%dma_start3A_322, %dma_start3A_323] : memref<10240x32xf32, #tpu.memory_space<vmem_shared>> -> memref<10240x32xf32, #tpu.memory_space<vmem_shared>>
      tpu.enqueue_indirect_dma source(%dma_start3A_324 : memref<10240x32xf32, #tpu.memory_space<vmem_shared>>) target(%arg10 : memref<128x32xf32, #tpu.memory_space<vmem>>) offsets(%dma_start3A_321 : memref<128xi32, #tpu.memory_space<vmem>>) semaphore(%arg16 : memref<!tpu.dma_semaphore, #tpu.memory_space<semaphore_mem>>)
      %add3A_325 = arith.constant 3 : i32
      %add3A_326 = arith.addi %mul3A_242, %add3A_325 : i32
      %dma_wait3A_327 = arith.constant 0 : i32
      %dma_wait3A_328 = arith.constant 0 : i32
      %dma_wait3A_329 = tpu.memref_slice %arg2[%dma_wait3A_327, %dma_wait3A_328] : memref<10240x32xf32, #tpu.memory_space<hbm>> -> memref<128x32xf32, #tpu.memory_space<hbm>>
      %dma_wait3A_330 = arith.constant 0 : i32
      %dma_wait3A_331 = arith.constant 0 : i32
      %dma_wait3A_332 = tpu.memref_slice %arg2[%dma_wait3A_330, %dma_wait3A_331] : memref<10240x32xf32, #tpu.memory_space<hbm>> -> memref<128x32xf32, #tpu.memory_space<hbm>>
      tpu.wait_dma2 semaphore(%arg19 : memref<!tpu.dma_semaphore, #tpu.memory_space<semaphore_mem>>) src(%dma_wait3A_332 : memref<128x32xf32, #tpu.memory_space<hbm>>) dst(%arg13 : memref<128x32xf32, #tpu.memory_space<vmem>>)
      %dma_start3A_333 = arith.constant 0 : i32
      %dma_start3A_334 = tpu.memref_slice %arg9[%add3A_326, %dma_start3A_333] : memref<80x128xi32, #tpu.memory_space<vmem>> -> memref<1x128xi32, #tpu.memory_space<vmem>>
      %dma_start3A_335 = tpu.memref_squeeze %dma_start3A_334 : memref<1x128xi32, #tpu.memory_space<vmem>> -> memref<128xi32, #tpu.memory_space<vmem>>
      %dma_start3A_336 = arith.constant 0 : i32
      %dma_start3A_337 = arith.constant 0 : i32
      %dma_start3A_338 = tpu.memref_slice %arg15[%dma_start3A_336, %dma_start3A_337] : memref<10240x32xf32, #tpu.memory_space<vmem_shared>> -> memref<10240x32xf32, #tpu.memory_space<vmem_shared>>
      tpu.enqueue_indirect_dma source(%arg13 : memref<128x32xf32, #tpu.memory_space<vmem>>) target(%dma_start3A_338 : memref<10240x32xf32, #tpu.memory_space<vmem_shared>>) offsets(%dma_start3A_335 : memref<128xi32, #tpu.memory_space<vmem>>) semaphore(%arg23 : memref<!tpu.dma_semaphore, #tpu.memory_space<semaphore_mem>>) {add = true}
      %dma_wait3A_339 = arith.constant 0 : i32
      %dma_wait3A_340 = arith.constant 0 : i32
      %dma_wait3A_341 = tpu.memref_slice %arg2[%dma_wait3A_339, %dma_wait3A_340] : memref<10240x32xf32, #tpu.memory_space<hbm>> -> memref<128x32xf32, #tpu.memory_space<hbm>>
      %dma_wait3A_342 = arith.constant 0 : i32
      %dma_wait3A_343 = arith.constant 0 : i32
      %dma_wait3A_344 = tpu.memref_slice %arg2[%dma_wait3A_342, %dma_wait3A_343] : memref<10240x32xf32, #tpu.memory_space<hbm>> -> memref<128x32xf32, #tpu.memory_space<hbm>>
      tpu.wait_dma2 semaphore(%arg21 : memref<!tpu.dma_semaphore, #tpu.memory_space<semaphore_mem>>) src(%dma_wait3A_344 : memref<128x32xf32, #tpu.memory_space<hbm>>) dst(%arg11 : memref<128x32xf32, #tpu.memory_space<vmem>>)
      %add3A_345 = arith.constant 2 : i32
      %add3A_346 = arith.addi %add3A_326, %add3A_345 : i32
      %dma_start3A_347 = arith.constant 0 : i32
      %dma_start3A_348 = tpu.memref_slice %arg8[%add3A_346, %dma_start3A_347] : memref<80x128xi32, #tpu.memory_space<vmem>> -> memref<1x128xi32, #tpu.memory_space<vmem>>
      %dma_start3A_349 = tpu.memref_squeeze %dma_start3A_348 : memref<1x128xi32, #tpu.memory_space<vmem>> -> memref<128xi32, #tpu.memory_space<vmem>>
      %dma_start3A_350 = arith.constant 0 : i32
      %dma_start3A_351 = arith.constant 0 : i32
      %dma_start3A_352 = tpu.memref_slice %arg14[%dma_start3A_350, %dma_start3A_351] : memref<10240x32xf32, #tpu.memory_space<vmem_shared>> -> memref<10240x32xf32, #tpu.memory_space<vmem_shared>>
      tpu.enqueue_indirect_dma source(%dma_start3A_352 : memref<10240x32xf32, #tpu.memory_space<vmem_shared>>) target(%arg11 : memref<128x32xf32, #tpu.memory_space<vmem>>) offsets(%dma_start3A_349 : memref<128xi32, #tpu.memory_space<vmem>>) semaphore(%arg17 : memref<!tpu.dma_semaphore, #tpu.memory_space<semaphore_mem>>)
    }
    %scan3A_133 = arith.constant 18 : i32
    %dma_wait3A_134 = arith.constant 0 : i32
    %dma_wait3A_135 = arith.constant 0 : i32
    %dma_wait3A_136 = tpu.memref_slice %arg2[%dma_wait3A_134, %dma_wait3A_135] : memref<10240x32xf32, #tpu.memory_space<hbm>> -> memref<128x32xf32, #tpu.memory_space<hbm>>
    %dma_wait3A_137 = arith.constant 0 : i32
    %dma_wait3A_138 = arith.constant 0 : i32
    %dma_wait3A_139 = tpu.memref_slice %arg2[%dma_wait3A_137, %dma_wait3A_138] : memref<10240x32xf32, #tpu.memory_space<hbm>> -> memref<128x32xf32, #tpu.memory_space<hbm>>
    tpu.wait_dma2 semaphore(%arg16 : memref<!tpu.dma_semaphore, #tpu.memory_space<semaphore_mem>>) src(%dma_wait3A_139 : memref<128x32xf32, #tpu.memory_space<hbm>>) dst(%arg10 : memref<128x32xf32, #tpu.memory_space<vmem>>)
    %dma_start3A_140 = arith.constant 76 : i32
    %dma_start3A_141 = arith.constant 0 : i32
    %dma_start3A_142 = tpu.memref_slice %arg9[%dma_start3A_140, %dma_start3A_141] : memref<80x128xi32, #tpu.memory_space<vmem>> -> memref<1x128xi32, #tpu.memory_space<vmem>>
    %dma_start3A_143 = tpu.memref_squeeze %dma_start3A_142 : memref<1x128xi32, #tpu.memory_space<vmem>> -> memref<128xi32, #tpu.memory_space<vmem>>
    %dma_start3A_144 = arith.constant 0 : i32
    %dma_start3A_145 = arith.constant 0 : i32
    %dma_start3A_146 = tpu.memref_slice %arg15[%dma_start3A_144, %dma_start3A_145] : memref<10240x32xf32, #tpu.memory_space<vmem_shared>> -> memref<10240x32xf32, #tpu.memory_space<vmem_shared>>
    tpu.enqueue_indirect_dma source(%arg10 : memref<128x32xf32, #tpu.memory_space<vmem>>) target(%dma_start3A_146 : memref<10240x32xf32, #tpu.memory_space<vmem_shared>>) offsets(%dma_start3A_143 : memref<128xi32, #tpu.memory_space<vmem>>) semaphore(%arg20 : memref<!tpu.dma_semaphore, #tpu.memory_space<semaphore_mem>>) {add = true}
    %dma_wait3A_147 = arith.constant 0 : i32
    %dma_wait3A_148 = arith.constant 0 : i32
    %dma_wait3A_149 = tpu.memref_slice %arg2[%dma_wait3A_147, %dma_wait3A_148] : memref<10240x32xf32, #tpu.memory_space<hbm>> -> memref<128x32xf32, #tpu.memory_space<hbm>>
    %dma_wait3A_150 = arith.constant 0 : i32
    %dma_wait3A_151 = arith.constant 0 : i32
    %dma_wait3A_152 = tpu.memref_slice %arg2[%dma_wait3A_150, %dma_wait3A_151] : memref<10240x32xf32, #tpu.memory_space<hbm>> -> memref<128x32xf32, #tpu.memory_space<hbm>>
    tpu.wait_dma2 semaphore(%arg22 : memref<!tpu.dma_semaphore, #tpu.memory_space<semaphore_mem>>) src(%dma_wait3A_152 : memref<128x32xf32, #tpu.memory_space<hbm>>) dst(%arg12 : memref<128x32xf32, #tpu.memory_space<vmem>>)
    %dma_start3A_153 = arith.constant 78 : i32
    %dma_start3A_154 = arith.constant 0 : i32
    %dma_start3A_155 = tpu.memref_slice %arg8[%dma_start3A_153, %dma_start3A_154] : memref<80x128xi32, #tpu.memory_space<vmem>> -> memref<1x128xi32, #tpu.memory_space<vmem>>
    %dma_start3A_156 = tpu.memref_squeeze %dma_start3A_155 : memref<1x128xi32, #tpu.memory_space<vmem>> -> memref<128xi32, #tpu.memory_space<vmem>>
    %dma_start3A_157 = arith.constant 0 : i32
    %dma_start3A_158 = arith.constant 0 : i32
    %dma_start3A_159 = tpu.memref_slice %arg14[%dma_start3A_157, %dma_start3A_158] : memref<10240x32xf32, #tpu.memory_space<vmem_shared>> -> memref<10240x32xf32, #tpu.memory_space<vmem_shared>>
    tpu.enqueue_indirect_dma source(%dma_start3A_159 : memref<10240x32xf32, #tpu.memory_space<vmem_shared>>) target(%arg12 : memref<128x32xf32, #tpu.memory_space<vmem>>) offsets(%dma_start3A_156 : memref<128xi32, #tpu.memory_space<vmem>>) semaphore(%arg18 : memref<!tpu.dma_semaphore, #tpu.memory_space<semaphore_mem>>)
    %dma_wait3A_160 = arith.constant 0 : i32
    %dma_wait3A_161 = arith.constant 0 : i32
    %dma_wait3A_162 = tpu.memref_slice %arg2[%dma_wait3A_160, %dma_wait3A_161] : memref<10240x32xf32, #tpu.memory_space<hbm>> -> memref<128x32xf32, #tpu.memory_space<hbm>>
    %dma_wait3A_163 = arith.constant 0 : i32
    %dma_wait3A_164 = arith.constant 0 : i32
    %dma_wait3A_165 = tpu.memref_slice %arg2[%dma_wait3A_163, %dma_wait3A_164] : memref<10240x32xf32, #tpu.memory_space<hbm>> -> memref<128x32xf32, #tpu.memory_space<hbm>>
    tpu.wait_dma2 semaphore(%arg17 : memref<!tpu.dma_semaphore, #tpu.memory_space<semaphore_mem>>) src(%dma_wait3A_165 : memref<128x32xf32, #tpu.memory_space<hbm>>) dst(%arg11 : memref<128x32xf32, #tpu.memory_space<vmem>>)
    %dma_start3A_166 = arith.constant 77 : i32
    %dma_start3A_167 = arith.constant 0 : i32
    %dma_start3A_168 = tpu.memref_slice %arg9[%dma_start3A_166, %dma_start3A_167] : memref<80x128xi32, #tpu.memory_space<vmem>> -> memref<1x128xi32, #tpu.memory_space<vmem>>
    %dma_start3A_169 = tpu.memref_squeeze %dma_start3A_168 : memref<1x128xi32, #tpu.memory_space<vmem>> -> memref<128xi32, #tpu.memory_space<vmem>>
    %dma_start3A_170 = arith.constant 0 : i32
    %dma_start3A_171 = arith.constant 0 : i32
    %dma_start3A_172 = tpu.memref_slice %arg15[%dma_start3A_170, %dma_start3A_171] : memref<10240x32xf32, #tpu.memory_space<vmem_shared>> -> memref<10240x32xf32, #tpu.memory_space<vmem_shared>>
    tpu.enqueue_indirect_dma source(%arg11 : memref<128x32xf32, #tpu.memory_space<vmem>>) target(%dma_start3A_172 : memref<10240x32xf32, #tpu.memory_space<vmem_shared>>) offsets(%dma_start3A_169 : memref<128xi32, #tpu.memory_space<vmem>>) semaphore(%arg21 : memref<!tpu.dma_semaphore, #tpu.memory_space<semaphore_mem>>) {add = true}
    %dma_wait3A_173 = arith.constant 0 : i32
    %dma_wait3A_174 = arith.constant 0 : i32
    %dma_wait3A_175 = tpu.memref_slice %arg2[%dma_wait3A_173, %dma_wait3A_174] : memref<10240x32xf32, #tpu.memory_space<hbm>> -> memref<128x32xf32, #tpu.memory_space<hbm>>
    %dma_wait3A_176 = arith.constant 0 : i32
    %dma_wait3A_177 = arith.constant 0 : i32
    %dma_wait3A_178 = tpu.memref_slice %arg2[%dma_wait3A_176, %dma_wait3A_177] : memref<10240x32xf32, #tpu.memory_space<hbm>> -> memref<128x32xf32, #tpu.memory_space<hbm>>
    tpu.wait_dma2 semaphore(%arg23 : memref<!tpu.dma_semaphore, #tpu.memory_space<semaphore_mem>>) src(%dma_wait3A_178 : memref<128x32xf32, #tpu.memory_space<hbm>>) dst(%arg13 : memref<128x32xf32, #tpu.memory_space<vmem>>)
    %dma_start3A_179 = arith.constant 79 : i32
    %dma_start3A_180 = arith.constant 0 : i32
    %dma_start3A_181 = tpu.memref_slice %arg8[%dma_start3A_179, %dma_start3A_180] : memref<80x128xi32, #tpu.memory_space<vmem>> -> memref<1x128xi32, #tpu.memory_space<vmem>>
    %dma_start3A_182 = tpu.memref_squeeze %dma_start3A_181 : memref<1x128xi32, #tpu.memory_space<vmem>> -> memref<128xi32, #tpu.memory_space<vmem>>
    %dma_start3A_183 = arith.constant 0 : i32
    %dma_start3A_184 = arith.constant 0 : i32
    %dma_start3A_185 = tpu.memref_slice %arg14[%dma_start3A_183, %dma_start3A_184] : memref<10240x32xf32, #tpu.memory_space<vmem_shared>> -> memref<10240x32xf32, #tpu.memory_space<vmem_shared>>
    tpu.enqueue_indirect_dma source(%dma_start3A_185 : memref<10240x32xf32, #tpu.memory_space<vmem_shared>>) target(%arg13 : memref<128x32xf32, #tpu.memory_space<vmem>>) offsets(%dma_start3A_182 : memref<128xi32, #tpu.memory_space<vmem>>) semaphore(%arg19 : memref<!tpu.dma_semaphore, #tpu.memory_space<semaphore_mem>>)
    %dma_wait3A_186 = arith.constant 0 : i32
    %dma_wait3A_187 = arith.constant 0 : i32
    %dma_wait3A_188 = tpu.memref_slice %arg2[%dma_wait3A_186, %dma_wait3A_187] : memref<10240x32xf32, #tpu.memory_space<hbm>> -> memref<128x32xf32, #tpu.memory_space<hbm>>
    %dma_wait3A_189 = arith.constant 0 : i32
    %dma_wait3A_190 = arith.constant 0 : i32
    %dma_wait3A_191 = tpu.memref_slice %arg2[%dma_wait3A_189, %dma_wait3A_190] : memref<10240x32xf32, #tpu.memory_space<hbm>> -> memref<128x32xf32, #tpu.memory_space<hbm>>
    tpu.wait_dma2 semaphore(%arg18 : memref<!tpu.dma_semaphore, #tpu.memory_space<semaphore_mem>>) src(%dma_wait3A_191 : memref<128x32xf32, #tpu.memory_space<hbm>>) dst(%arg12 : memref<128x32xf32, #tpu.memory_space<vmem>>)
    %dma_start3A_192 = arith.constant 78 : i32
    %dma_start3A_193 = arith.constant 0 : i32
    %dma_start3A_194 = tpu.memref_slice %arg9[%dma_start3A_192, %dma_start3A_193] : memref<80x128xi32, #tpu.memory_space<vmem>> -> memref<1x128xi32, #tpu.memory_space<vmem>>
    %dma_start3A_195 = tpu.memref_squeeze %dma_start3A_194 : memref<1x128xi32, #tpu.memory_space<vmem>> -> memref<128xi32, #tpu.memory_space<vmem>>
    %dma_start3A_196 = arith.constant 0 : i32
    %dma_start3A_197 = arith.constant 0 : i32
    %dma_start3A_198 = tpu.memref_slice %arg15[%dma_start3A_196, %dma_start3A_197] : memref<10240x32xf32, #tpu.memory_space<vmem_shared>> -> memref<10240x32xf32, #tpu.memory_space<vmem_shared>>
    tpu.enqueue_indirect_dma source(%arg12 : memref<128x32xf32, #tpu.memory_space<vmem>>) target(%dma_start3A_198 : memref<10240x32xf32, #tpu.memory_space<vmem_shared>>) offsets(%dma_start3A_195 : memref<128xi32, #tpu.memory_space<vmem>>) semaphore(%arg22 : memref<!tpu.dma_semaphore, #tpu.memory_space<semaphore_mem>>) {add = true}
    %dma_wait3A_199 = arith.constant 0 : i32
    %dma_wait3A_200 = arith.constant 0 : i32
    %dma_wait3A_201 = tpu.memref_slice %arg2[%dma_wait3A_199, %dma_wait3A_200] : memref<10240x32xf32, #tpu.memory_space<hbm>> -> memref<128x32xf32, #tpu.memory_space<hbm>>
    %dma_wait3A_202 = arith.constant 0 : i32
    %dma_wait3A_203 = arith.constant 0 : i32
    %dma_wait3A_204 = tpu.memref_slice %arg2[%dma_wait3A_202, %dma_wait3A_203] : memref<10240x32xf32, #tpu.memory_space<hbm>> -> memref<128x32xf32, #tpu.memory_space<hbm>>
    tpu.wait_dma2 semaphore(%arg19 : memref<!tpu.dma_semaphore, #tpu.memory_space<semaphore_mem>>) src(%dma_wait3A_204 : memref<128x32xf32, #tpu.memory_space<hbm>>) dst(%arg13 : memref<128x32xf32, #tpu.memory_space<vmem>>)
    %dma_start3A_205 = arith.constant 79 : i32
    %dma_start3A_206 = arith.constant 0 : i32
    %dma_start3A_207 = tpu.memref_slice %arg9[%dma_start3A_205, %dma_start3A_206] : memref<80x128xi32, #tpu.memory_space<vmem>> -> memref<1x128xi32, #tpu.memory_space<vmem>>
    %dma_start3A_208 = tpu.memref_squeeze %dma_start3A_207 : memref<1x128xi32, #tpu.memory_space<vmem>> -> memref<128xi32, #tpu.memory_space<vmem>>
    %dma_start3A_209 = arith.constant 0 : i32
    %dma_start3A_210 = arith.constant 0 : i32
    %dma_start3A_211 = tpu.memref_slice %arg15[%dma_start3A_209, %dma_start3A_210] : memref<10240x32xf32, #tpu.memory_space<vmem_shared>> -> memref<10240x32xf32, #tpu.memory_space<vmem_shared>>
    tpu.enqueue_indirect_dma source(%arg13 : memref<128x32xf32, #tpu.memory_space<vmem>>) target(%dma_start3A_211 : memref<10240x32xf32, #tpu.memory_space<vmem_shared>>) offsets(%dma_start3A_208 : memref<128xi32, #tpu.memory_space<vmem>>) semaphore(%arg23 : memref<!tpu.dma_semaphore, #tpu.memory_space<semaphore_mem>>) {add = true}
    %dma_wait3A_212 = arith.constant 0 : i32
    %dma_wait3A_213 = arith.constant 0 : i32
    %dma_wait3A_214 = tpu.memref_slice %arg2[%dma_wait3A_212, %dma_wait3A_213] : memref<10240x32xf32, #tpu.memory_space<hbm>> -> memref<128x32xf32, #tpu.memory_space<hbm>>
    %dma_wait3A_215 = arith.constant 0 : i32
    %dma_wait3A_216 = arith.constant 0 : i32
    %dma_wait3A_217 = tpu.memref_slice %arg2[%dma_wait3A_215, %dma_wait3A_216] : memref<10240x32xf32, #tpu.memory_space<hbm>> -> memref<128x32xf32, #tpu.memory_space<hbm>>
    tpu.wait_dma2 semaphore(%arg20 : memref<!tpu.dma_semaphore, #tpu.memory_space<semaphore_mem>>) src(%dma_wait3A_217 : memref<128x32xf32, #tpu.memory_space<hbm>>) dst(%arg10 : memref<128x32xf32, #tpu.memory_space<vmem>>)
    %dma_wait3A_218 = arith.constant 0 : i32
    %dma_wait3A_219 = arith.constant 0 : i32
    %dma_wait3A_220 = tpu.memref_slice %arg2[%dma_wait3A_218, %dma_wait3A_219] : memref<10240x32xf32, #tpu.memory_space<hbm>> -> memref<128x32xf32, #tpu.memory_space<hbm>>
    %dma_wait3A_221 = arith.constant 0 : i32
    %dma_wait3A_222 = arith.constant 0 : i32
    %dma_wait3A_223 = tpu.memref_slice %arg2[%dma_wait3A_221, %dma_wait3A_222] : memref<10240x32xf32, #tpu.memory_space<hbm>> -> memref<128x32xf32, #tpu.memory_space<hbm>>
    tpu.wait_dma2 semaphore(%arg21 : memref<!tpu.dma_semaphore, #tpu.memory_space<semaphore_mem>>) src(%dma_wait3A_223 : memref<128x32xf32, #tpu.memory_space<hbm>>) dst(%arg11 : memref<128x32xf32, #tpu.memory_space<vmem>>)
    %dma_wait3A_224 = arith.constant 0 : i32
    %dma_wait3A_225 = arith.constant 0 : i32
    %dma_wait3A_226 = tpu.memref_slice %arg2[%dma_wait3A_224, %dma_wait3A_225] : memref<10240x32xf32, #tpu.memory_space<hbm>> -> memref<128x32xf32, #tpu.memory_space<hbm>>
    %dma_wait3A_227 = arith.constant 0 : i32
    %dma_wait3A_228 = arith.constant 0 : i32
    %dma_wait3A_229 = tpu.memref_slice %arg2[%dma_wait3A_227, %dma_wait3A_228] : memref<10240x32xf32, #tpu.memory_space<hbm>> -> memref<128x32xf32, #tpu.memory_space<hbm>>
    tpu.wait_dma2 semaphore(%arg22 : memref<!tpu.dma_semaphore, #tpu.memory_space<semaphore_mem>>) src(%dma_wait3A_229 : memref<128x32xf32, #tpu.memory_space<hbm>>) dst(%arg12 : memref<128x32xf32, #tpu.memory_space<vmem>>)
    %dma_wait3A_230 = arith.constant 0 : i32
    %dma_wait3A_231 = arith.constant 0 : i32
    %dma_wait3A_232 = tpu.memref_slice %arg2[%dma_wait3A_230, %dma_wait3A_231] : memref<10240x32xf32, #tpu.memory_space<hbm>> -> memref<128x32xf32, #tpu.memory_space<hbm>>
    %dma_wait3A_233 = arith.constant 0 : i32
    %dma_wait3A_234 = arith.constant 0 : i32
    %dma_wait3A_235 = tpu.memref_slice %arg2[%dma_wait3A_233, %dma_wait3A_234] : memref<10240x32xf32, #tpu.memory_space<hbm>> -> memref<128x32xf32, #tpu.memory_space<hbm>>
    tpu.wait_dma2 semaphore(%arg23 : memref<!tpu.dma_semaphore, #tpu.memory_space<semaphore_mem>>) src(%dma_wait3A_235 : memref<128x32xf32, #tpu.memory_space<hbm>>) dst(%arg13 : memref<128x32xf32, #tpu.memory_space<vmem>>)
    %barrier3A_236 = arith.constant 0 : index
    tpu.barrier barrier_id(%barrier3A_236)
    %mul3A_237 = arith.constant 10240 : i32
    %mul3A_238 = arith.muli %arg0, %mul3A_237 : i32
    %add3A_239 = arith.addi %mul3A_238, %mul3A_2 : i32
    "tpu.region"() ({
      %run_scoped3A = tpu.sem_alloc : memref<!tpu.dma_semaphore, #tpu.memory_space<semaphore_mem>>
      %dma_start3A_240 = arith.constant 0 : i32
      %dma_start3A_241 = tpu.memref_slice %arg7[%add3A_239, %dma_start3A_240] : memref<20480x32xf32, #tpu.memory_space<hbm>> -> memref<640x32xf32, #tpu.memory_space<hbm>>
      %dma_start3A_242 = arith.constant 0 : i32
      %dma_start3A_243 = tpu.memref_slice %arg15[%mul3A_2, %dma_start3A_242] : memref<10240x32xf32, #tpu.memory_space<vmem_shared>> -> memref<640x32xf32, #tpu.memory_space<vmem_shared>>
      tpu.enqueue_dma source(%dma_start3A_243 : memref<640x32xf32, #tpu.memory_space<vmem_shared>>) target(%dma_start3A_241 : memref<640x32xf32, #tpu.memory_space<hbm>>) target_semaphore(%run_scoped3A : memref<!tpu.dma_semaphore, #tpu.memory_space<semaphore_mem>>)
      %dma_wait3A_244 = arith.constant 0 : i32
      %dma_wait3A_245 = tpu.memref_slice %arg7[%add3A_239, %dma_wait3A_244] : memref<20480x32xf32, #tpu.memory_space<hbm>> -> memref<640x32xf32, #tpu.memory_space<hbm>>
      %dma_wait3A_246 = arith.constant 0 : i32
      %dma_wait3A_247 = tpu.memref_slice %arg15[%mul3A_2, %dma_wait3A_246] : memref<10240x32xf32, #tpu.memory_space<vmem_shared>> -> memref<640x32xf32, #tpu.memory_space<vmem_shared>>
      tpu.wait_dma2 semaphore(%run_scoped3A : memref<!tpu.dma_semaphore, #tpu.memory_space<semaphore_mem>>) src(%dma_wait3A_247 : memref<640x32xf32, #tpu.memory_space<vmem_shared>>) dst(%dma_wait3A_245 : memref<640x32xf32, #tpu.memory_space<hbm>>)
      tpu.yield
    }) : () -> ()
    return
  }
}

#map = affine_map<(d0, d1) -> (0, 0)>
module attributes {stable_mosaic.version = 14 : i64} {
  func.func @_sc_segment_sum(%arg0: i32, %arg1: i32, %arg2: memref<10240x32xf32, #tpu.memory_space<hbm>>, %arg3: memref<2500x128xi32, #tpu.memory_space<hbm>>, %arg4: memref<2500x128xi32, #tpu.memory_space<hbm>>, %arg5: memref<10240x32xf32, #tpu.memory_space<hbm>>, %arg6: memref<60x128xi32, #tpu.memory_space<hbm>>, %arg7: memref<20480x32xf32, #tpu.memory_space<hbm>>, %arg8: memref<80x128xi32, #tpu.memory_space<vmem>>, %arg9: memref<80x128xi32, #tpu.memory_space<vmem>>, %arg10: memref<128x32xf32, #tpu.memory_space<vmem>>, %arg11: memref<128x32xf32, #tpu.memory_space<vmem>>, %arg12: memref<128x32xf32, #tpu.memory_space<vmem>>, %arg13: memref<128x32xf32, #tpu.memory_space<vmem>>, %arg14: memref<10240x32xf32, #tpu.memory_space<vmem_shared>>, %arg15: memref<10240x32xf32, #tpu.memory_space<vmem_shared>>, %arg16: memref<!tpu.dma_semaphore, #tpu.memory_space<semaphore_mem>>, %arg17: memref<!tpu.dma_semaphore, #tpu.memory_space<semaphore_mem>>, %arg18: memref<!tpu.dma_semaphore, #tpu.memory_space<semaphore_mem>>, %arg19: memref<!tpu.dma_semaphore, #tpu.memory_space<semaphore_mem>>, %arg20: memref<!tpu.dma_semaphore, #tpu.memory_space<semaphore_mem>>, %arg21: memref<!tpu.dma_semaphore, #tpu.memory_space<semaphore_mem>>, %arg22: memref<!tpu.dma_semaphore, #tpu.memory_space<semaphore_mem>>, %arg23: memref<!tpu.dma_semaphore, #tpu.memory_space<semaphore_mem>>) attributes {dimension_semantics = [#tpu.dimension_semantics<core_parallel>, #tpu.dimension_semantics<subcore_parallel>], iteration_bounds = array<i64: 2, 16>, scalar_prefetch = 0 : i64, scratch_operands = 16 : i64, tpu.core_type = #tpu.core_type<sc_vector_subcore>, window_params = [{transform_indices = #map}, {transform_indices = #map}, {transform_indices = #map}, {transform_indices = #map}, {transform_indices = #map}, {transform_indices = #map}]} {
    %mul3A = arith.constant 2 : i32
    %mul3A_0 = arith.muli %arg1, %mul3A : i32
    %add3A = arith.addi %mul3A_0, %arg0 : i32
    %mul3A_1 = arith.constant 640 : i32
    %mul3A_2 = arith.muli %arg1, %mul3A_1 : i32
    %dma_start3A = arith.constant 0 : i32
    %dma_start3A_3 = tpu.memref_slice %arg14[%mul3A_2, %dma_start3A] : memref<10240x32xf32, #tpu.memory_space<vmem_shared>> -> memref<640x32xf32, #tpu.memory_space<vmem_shared>>
    %dma_start3A_4 = arith.constant 0 : i32
    %dma_start3A_5 = tpu.memref_slice %arg2[%mul3A_2, %dma_start3A_4] : memref<10240x32xf32, #tpu.memory_space<hbm>> -> memref<640x32xf32, #tpu.memory_space<hbm>>
    tpu.enqueue_dma source(%dma_start3A_5 : memref<640x32xf32, #tpu.memory_space<hbm>>) target(%dma_start3A_3 : memref<640x32xf32, #tpu.memory_space<vmem_shared>>) target_semaphore(%arg18 : memref<!tpu.dma_semaphore, #tpu.memory_space<semaphore_mem>>)
    %dma_start3A_6 = arith.constant 0 : i32
    %dma_start3A_7 = tpu.memref_slice %arg15[%mul3A_2, %dma_start3A_6] : memref<10240x32xf32, #tpu.memory_space<vmem_shared>> -> memref<640x32xf32, #tpu.memory_space<vmem_shared>>
    %dma_start3A_8 = arith.constant 0 : i32
    %dma_start3A_9 = tpu.memref_slice %arg5[%mul3A_2, %dma_start3A_8] : memref<10240x32xf32, #tpu.memory_space<hbm>> -> memref<640x32xf32, #tpu.memory_space<hbm>>
    tpu.enqueue_dma source(%dma_start3A_9 : memref<640x32xf32, #tpu.memory_space<hbm>>) target(%dma_start3A_7 : memref<640x32xf32, #tpu.memory_space<vmem_shared>>) target_semaphore(%arg19 : memref<!tpu.dma_semaphore, #tpu.memory_space<semaphore_mem>>)
    %lt3A = arith.constant 31 : i32
    %lt3A_10 = arith.cmpi slt, %add3A, %lt3A : i32
    %convert_element_type3A = arith.extui %lt3A_10 : i1 to i32
    %cond3A = arith.constant 0 : i32
    %cond3A_11 = arith.cmpi ne, %convert_element_type3A, %cond3A : i32
    scf.if %cond3A_11 {
      %mul3A_240 = arith.constant 80 : i32
      %mul3A_241 = arith.muli %add3A, %mul3A_240 : i32
      %mul3A_242 = arith.constant 80 : i32
      %mul3A_243 = arith.muli %add3A, %mul3A_242 : i32
      %dma_start3A_244 = arith.constant 0 : i32
      %dma_start3A_245 = tpu.memref_slice %arg3[%mul3A_241, %dma_start3A_244] : memref<2500x128xi32, #tpu.memory_space<hbm>> -> memref<80x128xi32, #tpu.memory_space<hbm>>
      %dma_start3A_246 = arith.constant 0 : i32
      %dma_start3A_247 = tpu.memref_slice %arg3[%mul3A_241, %dma_start3A_246] : memref<2500x128xi32, #tpu.memory_space<hbm>> -> memref<80x128xi32, #tpu.memory_space<hbm>>
      tpu.enqueue_dma source(%dma_start3A_247 : memref<80x128xi32, #tpu.memory_space<hbm>>) target(%arg8 : memref<80x128xi32, #tpu.memory_space<vmem>>) target_semaphore(%arg16 : memref<!tpu.dma_semaphore, #tpu.memory_space<semaphore_mem>>)
      %dma_start3A_248 = arith.constant 0 : i32
      %dma_start3A_249 = tpu.memref_slice %arg4[%mul3A_243, %dma_start3A_248] : memref<2500x128xi32, #tpu.memory_space<hbm>> -> memref<80x128xi32, #tpu.memory_space<hbm>>
      %dma_start3A_250 = arith.constant 0 : i32
      %dma_start3A_251 = tpu.memref_slice %arg4[%mul3A_243, %dma_start3A_250] : memref<2500x128xi32, #tpu.memory_space<hbm>> -> memref<80x128xi32, #tpu.memory_space<hbm>>
      tpu.enqueue_dma source(%dma_start3A_251 : memref<80x128xi32, #tpu.memory_space<hbm>>) target(%arg9 : memref<80x128xi32, #tpu.memory_space<vmem>>) target_semaphore(%arg17 : memref<!tpu.dma_semaphore, #tpu.memory_space<semaphore_mem>>)
      %dma_wait3A_252 = arith.constant 0 : i32
      %dma_wait3A_253 = tpu.memref_slice %arg3[%mul3A_241, %dma_wait3A_252] : memref<2500x128xi32, #tpu.memory_space<hbm>> -> memref<80x128xi32, #tpu.memory_space<hbm>>
      %dma_wait3A_254 = arith.constant 0 : i32
      %dma_wait3A_255 = tpu.memref_slice %arg3[%mul3A_241, %dma_wait3A_254] : memref<2500x128xi32, #tpu.memory_space<hbm>> -> memref<80x128xi32, #tpu.memory_space<hbm>>
      tpu.wait_dma2 semaphore(%arg16 : memref<!tpu.dma_semaphore, #tpu.memory_space<semaphore_mem>>) src(%dma_wait3A_255 : memref<80x128xi32, #tpu.memory_space<hbm>>) dst(%arg8 : memref<80x128xi32, #tpu.memory_space<vmem>>)
      %dma_wait3A_256 = arith.constant 0 : i32
      %dma_wait3A_257 = tpu.memref_slice %arg4[%mul3A_243, %dma_wait3A_256] : memref<2500x128xi32, #tpu.memory_space<hbm>> -> memref<80x128xi32, #tpu.memory_space<hbm>>
      %dma_wait3A_258 = arith.constant 0 : i32
      %dma_wait3A_259 = tpu.memref_slice %arg4[%mul3A_243, %dma_wait3A_258] : memref<2500x128xi32, #tpu.memory_space<hbm>> -> memref<80x128xi32, #tpu.memory_space<hbm>>
      tpu.wait_dma2 semaphore(%arg17 : memref<!tpu.dma_semaphore, #tpu.memory_space<semaphore_mem>>) src(%dma_wait3A_259 : memref<80x128xi32, #tpu.memory_space<hbm>>) dst(%arg9 : memref<80x128xi32, #tpu.memory_space<vmem>>)
    } else {
    }
    %eq3A = arith.constant 31 : i32
    %eq3A_12 = arith.cmpi eq, %add3A, %eq3A : i32
    %convert_element_type3A_13 = arith.extui %eq3A_12 : i1 to i32
    %cond3A_14 = arith.constant 0 : i32
    %cond3A_15 = arith.cmpi ne, %convert_element_type3A_13, %cond3A_14 : i32
    scf.if %cond3A_15 {
      %dma_start3A_240 = arith.constant 0 : i32
      %dma_start3A_241 = arith.constant 0 : i32
      %dma_start3A_242 = tpu.memref_slice %arg8[%dma_start3A_240, %dma_start3A_241] : memref<80x128xi32, #tpu.memory_space<vmem>> -> memref<20x128xi32, #tpu.memory_space<vmem>>
      %dma_start3A_243 = arith.constant 2480 : i32
      %dma_start3A_244 = arith.constant 0 : i32
      %dma_start3A_245 = tpu.memref_slice %arg3[%dma_start3A_243, %dma_start3A_244] : memref<2500x128xi32, #tpu.memory_space<hbm>> -> memref<20x128xi32, #tpu.memory_space<hbm>>
      %dma_start3A_246 = arith.constant 0 : i32
      %dma_start3A_247 = arith.constant 0 : i32
      %dma_start3A_248 = tpu.memref_slice %arg8[%dma_start3A_246, %dma_start3A_247] : memref<80x128xi32, #tpu.memory_space<vmem>> -> memref<20x128xi32, #tpu.memory_space<vmem>>
      %dma_start3A_249 = arith.constant 2480 : i32
      %dma_start3A_250 = arith.constant 0 : i32
      %dma_start3A_251 = tpu.memref_slice %arg3[%dma_start3A_249, %dma_start3A_250] : memref<2500x128xi32, #tpu.memory_space<hbm>> -> memref<20x128xi32, #tpu.memory_space<hbm>>
      tpu.enqueue_dma source(%dma_start3A_251 : memref<20x128xi32, #tpu.memory_space<hbm>>) target(%dma_start3A_248 : memref<20x128xi32, #tpu.memory_space<vmem>>) target_semaphore(%arg16 : memref<!tpu.dma_semaphore, #tpu.memory_space<semaphore_mem>>)
      %dma_start3A_252 = arith.constant 0 : i32
      %dma_start3A_253 = arith.constant 0 : i32
      %dma_start3A_254 = tpu.memref_slice %arg9[%dma_start3A_252, %dma_start3A_253] : memref<80x128xi32, #tpu.memory_space<vmem>> -> memref<20x128xi32, #tpu.memory_space<vmem>>
      %dma_start3A_255 = arith.constant 2480 : i32
      %dma_start3A_256 = arith.constant 0 : i32
      %dma_start3A_257 = tpu.memref_slice %arg4[%dma_start3A_255, %dma_start3A_256] : memref<2500x128xi32, #tpu.memory_space<hbm>> -> memref<20x128xi32, #tpu.memory_space<hbm>>
      %dma_start3A_258 = arith.constant 0 : i32
      %dma_start3A_259 = arith.constant 0 : i32
      %dma_start3A_260 = tpu.memref_slice %arg9[%dma_start3A_258, %dma_start3A_259] : memref<80x128xi32, #tpu.memory_space<vmem>> -> memref<20x128xi32, #tpu.memory_space<vmem>>
      %dma_start3A_261 = arith.constant 2480 : i32
      %dma_start3A_262 = arith.constant 0 : i32
      %dma_start3A_263 = tpu.memref_slice %arg4[%dma_start3A_261, %dma_start3A_262] : memref<2500x128xi32, #tpu.memory_space<hbm>> -> memref<20x128xi32, #tpu.memory_space<hbm>>
      tpu.enqueue_dma source(%dma_start3A_263 : memref<20x128xi32, #tpu.memory_space<hbm>>) target(%dma_start3A_260 : memref<20x128xi32, #tpu.memory_space<vmem>>) target_semaphore(%arg17 : memref<!tpu.dma_semaphore, #tpu.memory_space<semaphore_mem>>)
      %dma_start3A_264 = arith.constant 20 : i32
      %dma_start3A_265 = arith.constant 0 : i32
      %dma_start3A_266 = tpu.memref_slice %arg8[%dma_start3A_264, %dma_start3A_265] : memref<80x128xi32, #tpu.memory_space<vmem>> -> memref<60x128xi32, #tpu.memory_space<vmem>>
      %dma_start3A_267 = arith.constant 20 : i32
      %dma_start3A_268 = arith.constant 0 : i32
      %dma_start3A_269 = tpu.memref_slice %arg8[%dma_start3A_267, %dma_start3A_268] : memref<80x128xi32, #tpu.memory_space<vmem>> -> memref<60x128xi32, #tpu.memory_space<vmem>>
      tpu.enqueue_dma source(%arg6 : memref<60x128xi32, #tpu.memory_space<hbm>>) target(%dma_start3A_269 : memref<60x128xi32, #tpu.memory_space<vmem>>) target_semaphore(%arg20 : memref<!tpu.dma_semaphore, #tpu.memory_space<semaphore_mem>>)
      %dma_start3A_270 = arith.constant 20 : i32
      %dma_start3A_271 = arith.constant 0 : i32
      %dma_start3A_272 = tpu.memref_slice %arg9[%dma_start3A_270, %dma_start3A_271] : memref<80x128xi32, #tpu.memory_space<vmem>> -> memref<60x128xi32, #tpu.memory_space<vmem>>
      %dma_start3A_273 = arith.constant 20 : i32
      %dma_start3A_274 = arith.constant 0 : i32
      %dma_start3A_275 = tpu.memref_slice %arg9[%dma_start3A_273, %dma_start3A_274] : memref<80x128xi32, #tpu.memory_space<vmem>> -> memref<60x128xi32, #tpu.memory_space<vmem>>
      tpu.enqueue_dma source(%arg6 : memref<60x128xi32, #tpu.memory_space<hbm>>) target(%dma_start3A_275 : memref<60x128xi32, #tpu.memory_space<vmem>>) target_semaphore(%arg21 : memref<!tpu.dma_semaphore, #tpu.memory_space<semaphore_mem>>)
      %dma_wait3A_276 = arith.constant 0 : i32
      %dma_wait3A_277 = arith.constant 0 : i32
      %dma_wait3A_278 = tpu.memref_slice %arg8[%dma_wait3A_276, %dma_wait3A_277] : memref<80x128xi32, #tpu.memory_space<vmem>> -> memref<20x128xi32, #tpu.memory_space<vmem>>
      %dma_wait3A_279 = arith.constant 2480 : i32
      %dma_wait3A_280 = arith.constant 0 : i32
      %dma_wait3A_281 = tpu.memref_slice %arg3[%dma_wait3A_279, %dma_wait3A_280] : memref<2500x128xi32, #tpu.memory_space<hbm>> -> memref<20x128xi32, #tpu.memory_space<hbm>>
      %dma_wait3A_282 = arith.constant 0 : i32
      %dma_wait3A_283 = arith.constant 0 : i32
      %dma_wait3A_284 = tpu.memref_slice %arg8[%dma_wait3A_282, %dma_wait3A_283] : memref<80x128xi32, #tpu.memory_space<vmem>> -> memref<20x128xi32, #tpu.memory_space<vmem>>
      %dma_wait3A_285 = arith.constant 2480 : i32
      %dma_wait3A_286 = arith.constant 0 : i32
      %dma_wait3A_287 = tpu.memref_slice %arg3[%dma_wait3A_285, %dma_wait3A_286] : memref<2500x128xi32, #tpu.memory_space<hbm>> -> memref<20x128xi32, #tpu.memory_space<hbm>>
      tpu.wait_dma2 semaphore(%arg16 : memref<!tpu.dma_semaphore, #tpu.memory_space<semaphore_mem>>) src(%dma_wait3A_287 : memref<20x128xi32, #tpu.memory_space<hbm>>) dst(%dma_wait3A_284 : memref<20x128xi32, #tpu.memory_space<vmem>>)
      %dma_wait3A_288 = arith.constant 0 : i32
      %dma_wait3A_289 = arith.constant 0 : i32
      %dma_wait3A_290 = tpu.memref_slice %arg9[%dma_wait3A_288, %dma_wait3A_289] : memref<80x128xi32, #tpu.memory_space<vmem>> -> memref<20x128xi32, #tpu.memory_space<vmem>>
      %dma_wait3A_291 = arith.constant 2480 : i32
      %dma_wait3A_292 = arith.constant 0 : i32
      %dma_wait3A_293 = tpu.memref_slice %arg4[%dma_wait3A_291, %dma_wait3A_292] : memref<2500x128xi32, #tpu.memory_space<hbm>> -> memref<20x128xi32, #tpu.memory_space<hbm>>
      %dma_wait3A_294 = arith.constant 0 : i32
      %dma_wait3A_295 = arith.constant 0 : i32
      %dma_wait3A_296 = tpu.memref_slice %arg9[%dma_wait3A_294, %dma_wait3A_295] : memref<80x128xi32, #tpu.memory_space<vmem>> -> memref<20x128xi32, #tpu.memory_space<vmem>>
      %dma_wait3A_297 = arith.constant 2480 : i32
      %dma_wait3A_298 = arith.constant 0 : i32
      %dma_wait3A_299 = tpu.memref_slice %arg4[%dma_wait3A_297, %dma_wait3A_298] : memref<2500x128xi32, #tpu.memory_space<hbm>> -> memref<20x128xi32, #tpu.memory_space<hbm>>
      tpu.wait_dma2 semaphore(%arg17 : memref<!tpu.dma_semaphore, #tpu.memory_space<semaphore_mem>>) src(%dma_wait3A_299 : memref<20x128xi32, #tpu.memory_space<hbm>>) dst(%dma_wait3A_296 : memref<20x128xi32, #tpu.memory_space<vmem>>)
      %dma_wait3A_300 = arith.constant 20 : i32
      %dma_wait3A_301 = arith.constant 0 : i32
      %dma_wait3A_302 = tpu.memref_slice %arg8[%dma_wait3A_300, %dma_wait3A_301] : memref<80x128xi32, #tpu.memory_space<vmem>> -> memref<60x128xi32, #tpu.memory_space<vmem>>
      %dma_wait3A_303 = arith.constant 20 : i32
      %dma_wait3A_304 = arith.constant 0 : i32
      %dma_wait3A_305 = tpu.memref_slice %arg8[%dma_wait3A_303, %dma_wait3A_304] : memref<80x128xi32, #tpu.memory_space<vmem>> -> memref<60x128xi32, #tpu.memory_space<vmem>>
      tpu.wait_dma2 semaphore(%arg20 : memref<!tpu.dma_semaphore, #tpu.memory_space<semaphore_mem>>) src(%arg6 : memref<60x128xi32, #tpu.memory_space<hbm>>) dst(%dma_wait3A_305 : memref<60x128xi32, #tpu.memory_space<vmem>>)
      %dma_wait3A_306 = arith.constant 20 : i32
      %dma_wait3A_307 = arith.constant 0 : i32
      %dma_wait3A_308 = tpu.memref_slice %arg9[%dma_wait3A_306, %dma_wait3A_307] : memref<80x128xi32, #tpu.memory_space<vmem>> -> memref<60x128xi32, #tpu.memory_space<vmem>>
      %dma_wait3A_309 = arith.constant 20 : i32
      %dma_wait3A_310 = arith.constant 0 : i32
      %dma_wait3A_311 = tpu.memref_slice %arg9[%dma_wait3A_309, %dma_wait3A_310] : memref<80x128xi32, #tpu.memory_space<vmem>> -> memref<60x128xi32, #tpu.memory_space<vmem>>
      tpu.wait_dma2 semaphore(%arg21 : memref<!tpu.dma_semaphore, #tpu.memory_space<semaphore_mem>>) src(%arg6 : memref<60x128xi32, #tpu.memory_space<hbm>>) dst(%dma_wait3A_311 : memref<60x128xi32, #tpu.memory_space<vmem>>)
    } else {
    }
    %dma_wait3A = arith.constant 0 : i32
    %dma_wait3A_16 = tpu.memref_slice %arg14[%mul3A_2, %dma_wait3A] : memref<10240x32xf32, #tpu.memory_space<vmem_shared>> -> memref<640x32xf32, #tpu.memory_space<vmem_shared>>
    %dma_wait3A_17 = arith.constant 0 : i32
    %dma_wait3A_18 = tpu.memref_slice %arg2[%mul3A_2, %dma_wait3A_17] : memref<10240x32xf32, #tpu.memory_space<hbm>> -> memref<640x32xf32, #tpu.memory_space<hbm>>
    tpu.wait_dma2 semaphore(%arg18 : memref<!tpu.dma_semaphore, #tpu.memory_space<semaphore_mem>>) src(%dma_wait3A_18 : memref<640x32xf32, #tpu.memory_space<hbm>>) dst(%dma_wait3A_16 : memref<640x32xf32, #tpu.memory_space<vmem_shared>>)
    %dma_wait3A_19 = arith.constant 0 : i32
    %dma_wait3A_20 = tpu.memref_slice %arg15[%mul3A_2, %dma_wait3A_19] : memref<10240x32xf32, #tpu.memory_space<vmem_shared>> -> memref<640x32xf32, #tpu.memory_space<vmem_shared>>
    %dma_wait3A_21 = arith.constant 0 : i32
    %dma_wait3A_22 = tpu.memref_slice %arg5[%mul3A_2, %dma_wait3A_21] : memref<10240x32xf32, #tpu.memory_space<hbm>> -> memref<640x32xf32, #tpu.memory_space<hbm>>
    tpu.wait_dma2 semaphore(%arg19 : memref<!tpu.dma_semaphore, #tpu.memory_space<semaphore_mem>>) src(%dma_wait3A_22 : memref<640x32xf32, #tpu.memory_space<hbm>>) dst(%dma_wait3A_20 : memref<640x32xf32, #tpu.memory_space<vmem_shared>>)
    %barrier3A = arith.constant 0 : index
    tpu.barrier barrier_id(%barrier3A)
    %dma_start3A_23 = arith.constant 0 : i32
    %dma_start3A_24 = arith.constant 0 : i32
    %dma_start3A_25 = tpu.memref_slice %arg8[%dma_start3A_23, %dma_start3A_24] : memref<80x128xi32, #tpu.memory_space<vmem>> -> memref<1x128xi32, #tpu.memory_space<vmem>>
    %dma_start3A_26 = tpu.memref_squeeze %dma_start3A_25 : memref<1x128xi32, #tpu.memory_space<vmem>> -> memref<128xi32, #tpu.memory_space<vmem>>
    %dma_start3A_27 = arith.constant 0 : i32
    %dma_start3A_28 = arith.constant 0 : i32
    %dma_start3A_29 = tpu.memref_slice %arg14[%dma_start3A_27, %dma_start3A_28] : memref<10240x32xf32, #tpu.memory_space<vmem_shared>> -> memref<10240x32xf32, #tpu.memory_space<vmem_shared>>
    tpu.enqueue_indirect_dma source(%dma_start3A_29 : memref<10240x32xf32, #tpu.memory_space<vmem_shared>>) target(%arg10 : memref<128x32xf32, #tpu.memory_space<vmem>>) offsets(%dma_start3A_26 : memref<128xi32, #tpu.memory_space<vmem>>) semaphore(%arg16 : memref<!tpu.dma_semaphore, #tpu.memory_space<semaphore_mem>>)
    %dma_start3A_30 = arith.constant 1 : i32
    %dma_start3A_31 = arith.constant 0 : i32
    %dma_start3A_32 = tpu.memref_slice %arg8[%dma_start3A_30, %dma_start3A_31] : memref<80x128xi32, #tpu.memory_space<vmem>> -> memref<1x128xi32, #tpu.memory_space<vmem>>
    %dma_start3A_33 = tpu.memref_squeeze %dma_start3A_32 : memref<1x128xi32, #tpu.memory_space<vmem>> -> memref<128xi32, #tpu.memory_space<vmem>>
    %dma_start3A_34 = arith.constant 0 : i32
    %dma_start3A_35 = arith.constant 0 : i32
    %dma_start3A_36 = tpu.memref_slice %arg14[%dma_start3A_34, %dma_start3A_35] : memref<10240x32xf32, #tpu.memory_space<vmem_shared>> -> memref<10240x32xf32, #tpu.memory_space<vmem_shared>>
    tpu.enqueue_indirect_dma source(%dma_start3A_36 : memref<10240x32xf32, #tpu.memory_space<vmem_shared>>) target(%arg11 : memref<128x32xf32, #tpu.memory_space<vmem>>) offsets(%dma_start3A_33 : memref<128xi32, #tpu.memory_space<vmem>>) semaphore(%arg17 : memref<!tpu.dma_semaphore, #tpu.memory_space<semaphore_mem>>)
    %dma_wait3A_37 = arith.constant 0 : i32
    %dma_wait3A_38 = arith.constant 0 : i32
    %dma_wait3A_39 = tpu.memref_slice %arg2[%dma_wait3A_37, %dma_wait3A_38] : memref<10240x32xf32, #tpu.memory_space<hbm>> -> memref<128x32xf32, #tpu.memory_space<hbm>>
    %dma_wait3A_40 = arith.constant 0 : i32
    %dma_wait3A_41 = arith.constant 0 : i32
    %dma_wait3A_42 = tpu.memref_slice %arg2[%dma_wait3A_40, %dma_wait3A_41] : memref<10240x32xf32, #tpu.memory_space<hbm>> -> memref<128x32xf32, #tpu.memory_space<hbm>>
    tpu.wait_dma2 semaphore(%arg16 : memref<!tpu.dma_semaphore, #tpu.memory_space<semaphore_mem>>) src(%dma_wait3A_42 : memref<128x32xf32, #tpu.memory_space<hbm>>) dst(%arg10 : memref<128x32xf32, #tpu.memory_space<vmem>>)
    %dma_start3A_43 = arith.constant 0 : i32
    %dma_start3A_44 = arith.constant 0 : i32
    %dma_start3A_45 = tpu.memref_slice %arg9[%dma_start3A_43, %dma_start3A_44] : memref<80x128xi32, #tpu.memory_space<vmem>> -> memref<1x128xi32, #tpu.memory_space<vmem>>
    %dma_start3A_46 = tpu.memref_squeeze %dma_start3A_45 : memref<1x128xi32, #tpu.memory_space<vmem>> -> memref<128xi32, #tpu.memory_space<vmem>>
    %dma_start3A_47 = arith.constant 0 : i32
    %dma_start3A_48 = arith.constant 0 : i32
    %dma_start3A_49 = tpu.memref_slice %arg15[%dma_start3A_47, %dma_start3A_48] : memref<10240x32xf32, #tpu.memory_space<vmem_shared>> -> memref<10240x32xf32, #tpu.memory_space<vmem_shared>>
    tpu.enqueue_indirect_dma source(%arg10 : memref<128x32xf32, #tpu.memory_space<vmem>>) target(%dma_start3A_49 : memref<10240x32xf32, #tpu.memory_space<vmem_shared>>) offsets(%dma_start3A_46 : memref<128xi32, #tpu.memory_space<vmem>>) semaphore(%arg20 : memref<!tpu.dma_semaphore, #tpu.memory_space<semaphore_mem>>) {add = true}
    %dma_start3A_50 = arith.constant 2 : i32
    %dma_start3A_51 = arith.constant 0 : i32
    %dma_start3A_52 = tpu.memref_slice %arg8[%dma_start3A_50, %dma_start3A_51] : memref<80x128xi32, #tpu.memory_space<vmem>> -> memref<1x128xi32, #tpu.memory_space<vmem>>
    %dma_start3A_53 = tpu.memref_squeeze %dma_start3A_52 : memref<1x128xi32, #tpu.memory_space<vmem>> -> memref<128xi32, #tpu.memory_space<vmem>>
    %dma_start3A_54 = arith.constant 0 : i32
    %dma_start3A_55 = arith.constant 0 : i32
    %dma_start3A_56 = tpu.memref_slice %arg14[%dma_start3A_54, %dma_start3A_55] : memref<10240x32xf32, #tpu.memory_space<vmem_shared>> -> memref<10240x32xf32, #tpu.memory_space<vmem_shared>>
    tpu.enqueue_indirect_dma source(%dma_start3A_56 : memref<10240x32xf32, #tpu.memory_space<vmem_shared>>) target(%arg12 : memref<128x32xf32, #tpu.memory_space<vmem>>) offsets(%dma_start3A_53 : memref<128xi32, #tpu.memory_space<vmem>>) semaphore(%arg18 : memref<!tpu.dma_semaphore, #tpu.memory_space<semaphore_mem>>)
    %dma_wait3A_57 = arith.constant 0 : i32
    %dma_wait3A_58 = arith.constant 0 : i32
    %dma_wait3A_59 = tpu.memref_slice %arg2[%dma_wait3A_57, %dma_wait3A_58] : memref<10240x32xf32, #tpu.memory_space<hbm>> -> memref<128x32xf32, #tpu.memory_space<hbm>>
    %dma_wait3A_60 = arith.constant 0 : i32
    %dma_wait3A_61 = arith.constant 0 : i32
    %dma_wait3A_62 = tpu.memref_slice %arg2[%dma_wait3A_60, %dma_wait3A_61] : memref<10240x32xf32, #tpu.memory_space<hbm>> -> memref<128x32xf32, #tpu.memory_space<hbm>>
    tpu.wait_dma2 semaphore(%arg17 : memref<!tpu.dma_semaphore, #tpu.memory_space<semaphore_mem>>) src(%dma_wait3A_62 : memref<128x32xf32, #tpu.memory_space<hbm>>) dst(%arg11 : memref<128x32xf32, #tpu.memory_space<vmem>>)
    %dma_start3A_63 = arith.constant 1 : i32
    %dma_start3A_64 = arith.constant 0 : i32
    %dma_start3A_65 = tpu.memref_slice %arg9[%dma_start3A_63, %dma_start3A_64] : memref<80x128xi32, #tpu.memory_space<vmem>> -> memref<1x128xi32, #tpu.memory_space<vmem>>
    %dma_start3A_66 = tpu.memref_squeeze %dma_start3A_65 : memref<1x128xi32, #tpu.memory_space<vmem>> -> memref<128xi32, #tpu.memory_space<vmem>>
    %dma_start3A_67 = arith.constant 0 : i32
    %dma_start3A_68 = arith.constant 0 : i32
    %dma_start3A_69 = tpu.memref_slice %arg15[%dma_start3A_67, %dma_start3A_68] : memref<10240x32xf32, #tpu.memory_space<vmem_shared>> -> memref<10240x32xf32, #tpu.memory_space<vmem_shared>>
    tpu.enqueue_indirect_dma source(%arg11 : memref<128x32xf32, #tpu.memory_space<vmem>>) target(%dma_start3A_69 : memref<10240x32xf32, #tpu.memory_space<vmem_shared>>) offsets(%dma_start3A_66 : memref<128xi32, #tpu.memory_space<vmem>>) semaphore(%arg21 : memref<!tpu.dma_semaphore, #tpu.memory_space<semaphore_mem>>) {add = true}
    %dma_start3A_70 = arith.constant 3 : i32
    %dma_start3A_71 = arith.constant 0 : i32
    %dma_start3A_72 = tpu.memref_slice %arg8[%dma_start3A_70, %dma_start3A_71] : memref<80x128xi32, #tpu.memory_space<vmem>> -> memref<1x128xi32, #tpu.memory_space<vmem>>
    %dma_start3A_73 = tpu.memref_squeeze %dma_start3A_72 : memref<1x128xi32, #tpu.memory_space<vmem>> -> memref<128xi32, #tpu.memory_space<vmem>>
    %dma_start3A_74 = arith.constant 0 : i32
    %dma_start3A_75 = arith.constant 0 : i32
    %dma_start3A_76 = tpu.memref_slice %arg14[%dma_start3A_74, %dma_start3A_75] : memref<10240x32xf32, #tpu.memory_space<vmem_shared>> -> memref<10240x32xf32, #tpu.memory_space<vmem_shared>>
    tpu.enqueue_indirect_dma source(%dma_start3A_76 : memref<10240x32xf32, #tpu.memory_space<vmem_shared>>) target(%arg13 : memref<128x32xf32, #tpu.memory_space<vmem>>) offsets(%dma_start3A_73 : memref<128xi32, #tpu.memory_space<vmem>>) semaphore(%arg19 : memref<!tpu.dma_semaphore, #tpu.memory_space<semaphore_mem>>)
    %dma_wait3A_77 = arith.constant 0 : i32
    %dma_wait3A_78 = arith.constant 0 : i32
    %dma_wait3A_79 = tpu.memref_slice %arg2[%dma_wait3A_77, %dma_wait3A_78] : memref<10240x32xf32, #tpu.memory_space<hbm>> -> memref<128x32xf32, #tpu.memory_space<hbm>>
    %dma_wait3A_80 = arith.constant 0 : i32
    %dma_wait3A_81 = arith.constant 0 : i32
    %dma_wait3A_82 = tpu.memref_slice %arg2[%dma_wait3A_80, %dma_wait3A_81] : memref<10240x32xf32, #tpu.memory_space<hbm>> -> memref<128x32xf32, #tpu.memory_space<hbm>>
    tpu.wait_dma2 semaphore(%arg18 : memref<!tpu.dma_semaphore, #tpu.memory_space<semaphore_mem>>) src(%dma_wait3A_82 : memref<128x32xf32, #tpu.memory_space<hbm>>) dst(%arg12 : memref<128x32xf32, #tpu.memory_space<vmem>>)
    %dma_start3A_83 = arith.constant 2 : i32
    %dma_start3A_84 = arith.constant 0 : i32
    %dma_start3A_85 = tpu.memref_slice %arg9[%dma_start3A_83, %dma_start3A_84] : memref<80x128xi32, #tpu.memory_space<vmem>> -> memref<1x128xi32, #tpu.memory_space<vmem>>
    %dma_start3A_86 = tpu.memref_squeeze %dma_start3A_85 : memref<1x128xi32, #tpu.memory_space<vmem>> -> memref<128xi32, #tpu.memory_space<vmem>>
    %dma_start3A_87 = arith.constant 0 : i32
    %dma_start3A_88 = arith.constant 0 : i32
    %dma_start3A_89 = tpu.memref_slice %arg15[%dma_start3A_87, %dma_start3A_88] : memref<10240x32xf32, #tpu.memory_space<vmem_shared>> -> memref<10240x32xf32, #tpu.memory_space<vmem_shared>>
    tpu.enqueue_indirect_dma source(%arg12 : memref<128x32xf32, #tpu.memory_space<vmem>>) target(%dma_start3A_89 : memref<10240x32xf32, #tpu.memory_space<vmem_shared>>) offsets(%dma_start3A_86 : memref<128xi32, #tpu.memory_space<vmem>>) semaphore(%arg22 : memref<!tpu.dma_semaphore, #tpu.memory_space<semaphore_mem>>) {add = true}
    %dma_wait3A_90 = arith.constant 0 : i32
    %dma_wait3A_91 = arith.constant 0 : i32
    %dma_wait3A_92 = tpu.memref_slice %arg2[%dma_wait3A_90, %dma_wait3A_91] : memref<10240x32xf32, #tpu.memory_space<hbm>> -> memref<128x32xf32, #tpu.memory_space<hbm>>
    %dma_wait3A_93 = arith.constant 0 : i32
    %dma_wait3A_94 = arith.constant 0 : i32
    %dma_wait3A_95 = tpu.memref_slice %arg2[%dma_wait3A_93, %dma_wait3A_94] : memref<10240x32xf32, #tpu.memory_space<hbm>> -> memref<128x32xf32, #tpu.memory_space<hbm>>
    tpu.wait_dma2 semaphore(%arg20 : memref<!tpu.dma_semaphore, #tpu.memory_space<semaphore_mem>>) src(%dma_wait3A_95 : memref<128x32xf32, #tpu.memory_space<hbm>>) dst(%arg10 : memref<128x32xf32, #tpu.memory_space<vmem>>)
    %dma_start3A_96 = arith.constant 4 : i32
    %dma_start3A_97 = arith.constant 0 : i32
    %dma_start3A_98 = tpu.memref_slice %arg8[%dma_start3A_96, %dma_start3A_97] : memref<80x128xi32, #tpu.memory_space<vmem>> -> memref<1x128xi32, #tpu.memory_space<vmem>>
    %dma_start3A_99 = tpu.memref_squeeze %dma_start3A_98 : memref<1x128xi32, #tpu.memory_space<vmem>> -> memref<128xi32, #tpu.memory_space<vmem>>
    %dma_start3A_100 = arith.constant 0 : i32
    %dma_start3A_101 = arith.constant 0 : i32
    %dma_start3A_102 = tpu.memref_slice %arg14[%dma_start3A_100, %dma_start3A_101] : memref<10240x32xf32, #tpu.memory_space<vmem_shared>> -> memref<10240x32xf32, #tpu.memory_space<vmem_shared>>
    tpu.enqueue_indirect_dma source(%dma_start3A_102 : memref<10240x32xf32, #tpu.memory_space<vmem_shared>>) target(%arg10 : memref<128x32xf32, #tpu.memory_space<vmem>>) offsets(%dma_start3A_99 : memref<128xi32, #tpu.memory_space<vmem>>) semaphore(%arg16 : memref<!tpu.dma_semaphore, #tpu.memory_space<semaphore_mem>>)
    %dma_wait3A_103 = arith.constant 0 : i32
    %dma_wait3A_104 = arith.constant 0 : i32
    %dma_wait3A_105 = tpu.memref_slice %arg2[%dma_wait3A_103, %dma_wait3A_104] : memref<10240x32xf32, #tpu.memory_space<hbm>> -> memref<128x32xf32, #tpu.memory_space<hbm>>
    %dma_wait3A_106 = arith.constant 0 : i32
    %dma_wait3A_107 = arith.constant 0 : i32
    %dma_wait3A_108 = tpu.memref_slice %arg2[%dma_wait3A_106, %dma_wait3A_107] : memref<10240x32xf32, #tpu.memory_space<hbm>> -> memref<128x32xf32, #tpu.memory_space<hbm>>
    tpu.wait_dma2 semaphore(%arg19 : memref<!tpu.dma_semaphore, #tpu.memory_space<semaphore_mem>>) src(%dma_wait3A_108 : memref<128x32xf32, #tpu.memory_space<hbm>>) dst(%arg13 : memref<128x32xf32, #tpu.memory_space<vmem>>)
    %dma_start3A_109 = arith.constant 3 : i32
    %dma_start3A_110 = arith.constant 0 : i32
    %dma_start3A_111 = tpu.memref_slice %arg9[%dma_start3A_109, %dma_start3A_110] : memref<80x128xi32, #tpu.memory_space<vmem>> -> memref<1x128xi32, #tpu.memory_space<vmem>>
    %dma_start3A_112 = tpu.memref_squeeze %dma_start3A_111 : memref<1x128xi32, #tpu.memory_space<vmem>> -> memref<128xi32, #tpu.memory_space<vmem>>
    %dma_start3A_113 = arith.constant 0 : i32
    %dma_start3A_114 = arith.constant 0 : i32
    %dma_start3A_115 = tpu.memref_slice %arg15[%dma_start3A_113, %dma_start3A_114] : memref<10240x32xf32, #tpu.memory_space<vmem_shared>> -> memref<10240x32xf32, #tpu.memory_space<vmem_shared>>
    tpu.enqueue_indirect_dma source(%arg13 : memref<128x32xf32, #tpu.memory_space<vmem>>) target(%dma_start3A_115 : memref<10240x32xf32, #tpu.memory_space<vmem_shared>>) offsets(%dma_start3A_112 : memref<128xi32, #tpu.memory_space<vmem>>) semaphore(%arg23 : memref<!tpu.dma_semaphore, #tpu.memory_space<semaphore_mem>>) {add = true}
    %dma_wait3A_116 = arith.constant 0 : i32
    %dma_wait3A_117 = arith.constant 0 : i32
    %dma_wait3A_118 = tpu.memref_slice %arg2[%dma_wait3A_116, %dma_wait3A_117] : memref<10240x32xf32, #tpu.memory_space<hbm>> -> memref<128x32xf32, #tpu.memory_space<hbm>>
    %dma_wait3A_119 = arith.constant 0 : i32
    %dma_wait3A_120 = arith.constant 0 : i32
    %dma_wait3A_121 = tpu.memref_slice %arg2[%dma_wait3A_119, %dma_wait3A_120] : memref<10240x32xf32, #tpu.memory_space<hbm>> -> memref<128x32xf32, #tpu.memory_space<hbm>>
    tpu.wait_dma2 semaphore(%arg21 : memref<!tpu.dma_semaphore, #tpu.memory_space<semaphore_mem>>) src(%dma_wait3A_121 : memref<128x32xf32, #tpu.memory_space<hbm>>) dst(%arg11 : memref<128x32xf32, #tpu.memory_space<vmem>>)
    %dma_start3A_122 = arith.constant 5 : i32
    %dma_start3A_123 = arith.constant 0 : i32
    %dma_start3A_124 = tpu.memref_slice %arg8[%dma_start3A_122, %dma_start3A_123] : memref<80x128xi32, #tpu.memory_space<vmem>> -> memref<1x128xi32, #tpu.memory_space<vmem>>
    %dma_start3A_125 = tpu.memref_squeeze %dma_start3A_124 : memref<1x128xi32, #tpu.memory_space<vmem>> -> memref<128xi32, #tpu.memory_space<vmem>>
    %dma_start3A_126 = arith.constant 0 : i32
    %dma_start3A_127 = arith.constant 0 : i32
    %dma_start3A_128 = tpu.memref_slice %arg14[%dma_start3A_126, %dma_start3A_127] : memref<10240x32xf32, #tpu.memory_space<vmem_shared>> -> memref<10240x32xf32, #tpu.memory_space<vmem_shared>>
    tpu.enqueue_indirect_dma source(%dma_start3A_128 : memref<10240x32xf32, #tpu.memory_space<vmem_shared>>) target(%arg11 : memref<128x32xf32, #tpu.memory_space<vmem>>) offsets(%dma_start3A_125 : memref<128xi32, #tpu.memory_space<vmem>>) semaphore(%arg17 : memref<!tpu.dma_semaphore, #tpu.memory_space<semaphore_mem>>)
    %scan3A = arith.constant 0 : i32
    %scan3A_129 = arith.constant 1 : i32
    %scan3A_130 = arith.constant 18 : i32
    %scan3A_131 = arith.addi %scan3A_129, %scan3A_130 : i32
    %scan3A_132 = arith.constant 1 : i32
    scf.for %scan3A_240 = %scan3A_129 to %scan3A_131 step %scan3A_132  : i32 {
      %mul3A_241 = arith.constant 4 : i32
      %mul3A_242 = arith.muli %mul3A_241, %scan3A_240 : i32
      %dma_wait3A_243 = arith.constant 0 : i32
      %dma_wait3A_244 = arith.constant 0 : i32
      %dma_wait3A_245 = tpu.memref_slice %arg2[%dma_wait3A_243, %dma_wait3A_244] : memref<10240x32xf32, #tpu.memory_space<hbm>> -> memref<128x32xf32, #tpu.memory_space<hbm>>
      %dma_wait3A_246 = arith.constant 0 : i32
      %dma_wait3A_247 = arith.constant 0 : i32
      %dma_wait3A_248 = tpu.memref_slice %arg2[%dma_wait3A_246, %dma_wait3A_247] : memref<10240x32xf32, #tpu.memory_space<hbm>> -> memref<128x32xf32, #tpu.memory_space<hbm>>
      tpu.wait_dma2 semaphore(%arg16 : memref<!tpu.dma_semaphore, #tpu.memory_space<semaphore_mem>>) src(%dma_wait3A_248 : memref<128x32xf32, #tpu.memory_space<hbm>>) dst(%arg10 : memref<128x32xf32, #tpu.memory_space<vmem>>)
      %dma_start3A_249 = arith.constant 0 : i32
      %dma_start3A_250 = tpu.memref_slice %arg9[%mul3A_242, %dma_start3A_249] : memref<80x128xi32, #tpu.memory_space<vmem>> -> memref<1x128xi32, #tpu.memory_space<vmem>>
      %dma_start3A_251 = tpu.memref_squeeze %dma_start3A_250 : memref<1x128xi32, #tpu.memory_space<vmem>> -> memref<128xi32, #tpu.memory_space<vmem>>
      %dma_start3A_252 = arith.constant 0 : i32
      %dma_start3A_253 = arith.constant 0 : i32
      %dma_start3A_254 = tpu.memref_slice %arg15[%dma_start3A_252, %dma_start3A_253] : memref<10240x32xf32, #tpu.memory_space<vmem_shared>> -> memref<10240x32xf32, #tpu.memory_space<vmem_shared>>
      tpu.enqueue_indirect_dma source(%arg10 : memref<128x32xf32, #tpu.memory_space<vmem>>) target(%dma_start3A_254 : memref<10240x32xf32, #tpu.memory_space<vmem_shared>>) offsets(%dma_start3A_251 : memref<128xi32, #tpu.memory_space<vmem>>) semaphore(%arg20 : memref<!tpu.dma_semaphore, #tpu.memory_space<semaphore_mem>>) {add = true}
      %dma_wait3A_255 = arith.constant 0 : i32
      %dma_wait3A_256 = arith.constant 0 : i32
      %dma_wait3A_257 = tpu.memref_slice %arg2[%dma_wait3A_255, %dma_wait3A_256] : memref<10240x32xf32, #tpu.memory_space<hbm>> -> memref<128x32xf32, #tpu.memory_space<hbm>>
      %dma_wait3A_258 = arith.constant 0 : i32
      %dma_wait3A_259 = arith.constant 0 : i32
      %dma_wait3A_260 = tpu.memref_slice %arg2[%dma_wait3A_258, %dma_wait3A_259] : memref<10240x32xf32, #tpu.memory_space<hbm>> -> memref<128x32xf32, #tpu.memory_space<hbm>>
      tpu.wait_dma2 semaphore(%arg22 : memref<!tpu.dma_semaphore, #tpu.memory_space<semaphore_mem>>) src(%dma_wait3A_260 : memref<128x32xf32, #tpu.memory_space<hbm>>) dst(%arg12 : memref<128x32xf32, #tpu.memory_space<vmem>>)
      %add3A_261 = arith.constant 2 : i32
      %add3A_262 = arith.addi %mul3A_242, %add3A_261 : i32
      %dma_start3A_263 = arith.constant 0 : i32
      %dma_start3A_264 = tpu.memref_slice %arg8[%add3A_262, %dma_start3A_263] : memref<80x128xi32, #tpu.memory_space<vmem>> -> memref<1x128xi32, #tpu.memory_space<vmem>>
      %dma_start3A_265 = tpu.memref_squeeze %dma_start3A_264 : memref<1x128xi32, #tpu.memory_space<vmem>> -> memref<128xi32, #tpu.memory_space<vmem>>
      %dma_start3A_266 = arith.constant 0 : i32
      %dma_start3A_267 = arith.constant 0 : i32
      %dma_start3A_268 = tpu.memref_slice %arg14[%dma_start3A_266, %dma_start3A_267] : memref<10240x32xf32, #tpu.memory_space<vmem_shared>> -> memref<10240x32xf32, #tpu.memory_space<vmem_shared>>
      tpu.enqueue_indirect_dma source(%dma_start3A_268 : memref<10240x32xf32, #tpu.memory_space<vmem_shared>>) target(%arg12 : memref<128x32xf32, #tpu.memory_space<vmem>>) offsets(%dma_start3A_265 : memref<128xi32, #tpu.memory_space<vmem>>) semaphore(%arg18 : memref<!tpu.dma_semaphore, #tpu.memory_space<semaphore_mem>>)
      %add3A_269 = arith.constant 1 : i32
      %add3A_270 = arith.addi %mul3A_242, %add3A_269 : i32
      %dma_wait3A_271 = arith.constant 0 : i32
      %dma_wait3A_272 = arith.constant 0 : i32
      %dma_wait3A_273 = tpu.memref_slice %arg2[%dma_wait3A_271, %dma_wait3A_272] : memref<10240x32xf32, #tpu.memory_space<hbm>> -> memref<128x32xf32, #tpu.memory_space<hbm>>
      %dma_wait3A_274 = arith.constant 0 : i32
      %dma_wait3A_275 = arith.constant 0 : i32
      %dma_wait3A_276 = tpu.memref_slice %arg2[%dma_wait3A_274, %dma_wait3A_275] : memref<10240x32xf32, #tpu.memory_space<hbm>> -> memref<128x32xf32, #tpu.memory_space<hbm>>
      tpu.wait_dma2 semaphore(%arg17 : memref<!tpu.dma_semaphore, #tpu.memory_space<semaphore_mem>>) src(%dma_wait3A_276 : memref<128x32xf32, #tpu.memory_space<hbm>>) dst(%arg11 : memref<128x32xf32, #tpu.memory_space<vmem>>)
      %dma_start3A_277 = arith.constant 0 : i32
      %dma_start3A_278 = tpu.memref_slice %arg9[%add3A_270, %dma_start3A_277] : memref<80x128xi32, #tpu.memory_space<vmem>> -> memref<1x128xi32, #tpu.memory_space<vmem>>
      %dma_start3A_279 = tpu.memref_squeeze %dma_start3A_278 : memref<1x128xi32, #tpu.memory_space<vmem>> -> memref<128xi32, #tpu.memory_space<vmem>>
      %dma_start3A_280 = arith.constant 0 : i32
      %dma_start3A_281 = arith.constant 0 : i32
      %dma_start3A_282 = tpu.memref_slice %arg15[%dma_start3A_280, %dma_start3A_281] : memref<10240x32xf32, #tpu.memory_space<vmem_shared>> -> memref<10240x32xf32, #tpu.memory_space<vmem_shared>>
      tpu.enqueue_indirect_dma source(%arg11 : memref<128x32xf32, #tpu.memory_space<vmem>>) target(%dma_start3A_282 : memref<10240x32xf32, #tpu.memory_space<vmem_shared>>) offsets(%dma_start3A_279 : memref<128xi32, #tpu.memory_space<vmem>>) semaphore(%arg21 : memref<!tpu.dma_semaphore, #tpu.memory_space<semaphore_mem>>) {add = true}
      %dma_wait3A_283 = arith.constant 0 : i32
      %dma_wait3A_284 = arith.constant 0 : i32
      %dma_wait3A_285 = tpu.memref_slice %arg2[%dma_wait3A_283, %dma_wait3A_284] : memref<10240x32xf32, #tpu.memory_space<hbm>> -> memref<128x32xf32, #tpu.memory_space<hbm>>
      %dma_wait3A_286 = arith.constant 0 : i32
      %dma_wait3A_287 = arith.constant 0 : i32
      %dma_wait3A_288 = tpu.memref_slice %arg2[%dma_wait3A_286, %dma_wait3A_287] : memref<10240x32xf32, #tpu.memory_space<hbm>> -> memref<128x32xf32, #tpu.memory_space<hbm>>
      tpu.wait_dma2 semaphore(%arg23 : memref<!tpu.dma_semaphore, #tpu.memory_space<semaphore_mem>>) src(%dma_wait3A_288 : memref<128x32xf32, #tpu.memory_space<hbm>>) dst(%arg13 : memref<128x32xf32, #tpu.memory_space<vmem>>)
      %add3A_289 = arith.constant 2 : i32
      %add3A_290 = arith.addi %add3A_270, %add3A_289 : i32
      %dma_start3A_291 = arith.constant 0 : i32
      %dma_start3A_292 = tpu.memref_slice %arg8[%add3A_290, %dma_start3A_291] : memref<80x128xi32, #tpu.memory_space<vmem>> -> memref<1x128xi32, #tpu.memory_space<vmem>>
      %dma_start3A_293 = tpu.memref_squeeze %dma_start3A_292 : memref<1x128xi32, #tpu.memory_space<vmem>> -> memref<128xi32, #tpu.memory_space<vmem>>
      %dma_start3A_294 = arith.constant 0 : i32
      %dma_start3A_295 = arith.constant 0 : i32
      %dma_start3A_296 = tpu.memref_slice %arg14[%dma_start3A_294, %dma_start3A_295] : memref<10240x32xf32, #tpu.memory_space<vmem_shared>> -> memref<10240x32xf32, #tpu.memory_space<vmem_shared>>
      tpu.enqueue_indirect_dma source(%dma_start3A_296 : memref<10240x32xf32, #tpu.memory_space<vmem_shared>>) target(%arg13 : memref<128x32xf32, #tpu.memory_space<vmem>>) offsets(%dma_start3A_293 : memref<128xi32, #tpu.memory_space<vmem>>) semaphore(%arg19 : memref<!tpu.dma_semaphore, #tpu.memory_space<semaphore_mem>>)
      %add3A_297 = arith.constant 2 : i32
      %add3A_298 = arith.addi %mul3A_242, %add3A_297 : i32
      %dma_wait3A_299 = arith.constant 0 : i32
      %dma_wait3A_300 = arith.constant 0 : i32
      %dma_wait3A_301 = tpu.memref_slice %arg2[%dma_wait3A_299, %dma_wait3A_300] : memref<10240x32xf32, #tpu.memory_space<hbm>> -> memref<128x32xf32, #tpu.memory_space<hbm>>
      %dma_wait3A_302 = arith.constant 0 : i32
      %dma_wait3A_303 = arith.constant 0 : i32
      %dma_wait3A_304 = tpu.memref_slice %arg2[%dma_wait3A_302, %dma_wait3A_303] : memref<10240x32xf32, #tpu.memory_space<hbm>> -> memref<128x32xf32, #tpu.memory_space<hbm>>
      tpu.wait_dma2 semaphore(%arg18 : memref<!tpu.dma_semaphore, #tpu.memory_space<semaphore_mem>>) src(%dma_wait3A_304 : memref<128x32xf32, #tpu.memory_space<hbm>>) dst(%arg12 : memref<128x32xf32, #tpu.memory_space<vmem>>)
      %dma_start3A_305 = arith.constant 0 : i32
      %dma_start3A_306 = tpu.memref_slice %arg9[%add3A_298, %dma_start3A_305] : memref<80x128xi32, #tpu.memory_space<vmem>> -> memref<1x128xi32, #tpu.memory_space<vmem>>
      %dma_start3A_307 = tpu.memref_squeeze %dma_start3A_306 : memref<1x128xi32, #tpu.memory_space<vmem>> -> memref<128xi32, #tpu.memory_space<vmem>>
      %dma_start3A_308 = arith.constant 0 : i32
      %dma_start3A_309 = arith.constant 0 : i32
      %dma_start3A_310 = tpu.memref_slice %arg15[%dma_start3A_308, %dma_start3A_309] : memref<10240x32xf32, #tpu.memory_space<vmem_shared>> -> memref<10240x32xf32, #tpu.memory_space<vmem_shared>>
      tpu.enqueue_indirect_dma source(%arg12 : memref<128x32xf32, #tpu.memory_space<vmem>>) target(%dma_start3A_310 : memref<10240x32xf32, #tpu.memory_space<vmem_shared>>) offsets(%dma_start3A_307 : memref<128xi32, #tpu.memory_space<vmem>>) semaphore(%arg22 : memref<!tpu.dma_semaphore, #tpu.memory_space<semaphore_mem>>) {add = true}
      %dma_wait3A_311 = arith.constant 0 : i32
      %dma_wait3A_312 = arith.constant 0 : i32
      %dma_wait3A_313 = tpu.memref_slice %arg2[%dma_wait3A_311, %dma_wait3A_312] : memref<10240x32xf32, #tpu.memory_space<hbm>> -> memref<128x32xf32, #tpu.memory_space<hbm>>
      %dma_wait3A_314 = arith.constant 0 : i32
      %dma_wait3A_315 = arith.constant 0 : i32
      %dma_wait3A_316 = tpu.memref_slice %arg2[%dma_wait3A_314, %dma_wait3A_315] : memref<10240x32xf32, #tpu.memory_space<hbm>> -> memref<128x32xf32, #tpu.memory_space<hbm>>
      tpu.wait_dma2 semaphore(%arg20 : memref<!tpu.dma_semaphore, #tpu.memory_space<semaphore_mem>>) src(%dma_wait3A_316 : memref<128x32xf32, #tpu.memory_space<hbm>>) dst(%arg10 : memref<128x32xf32, #tpu.memory_space<vmem>>)
      %add3A_317 = arith.constant 2 : i32
      %add3A_318 = arith.addi %add3A_298, %add3A_317 : i32
      %dma_start3A_319 = arith.constant 0 : i32
      %dma_start3A_320 = tpu.memref_slice %arg8[%add3A_318, %dma_start3A_319] : memref<80x128xi32, #tpu.memory_space<vmem>> -> memref<1x128xi32, #tpu.memory_space<vmem>>
      %dma_start3A_321 = tpu.memref_squeeze %dma_start3A_320 : memref<1x128xi32, #tpu.memory_space<vmem>> -> memref<128xi32, #tpu.memory_space<vmem>>
      %dma_start3A_322 = arith.constant 0 : i32
      %dma_start3A_323 = arith.constant 0 : i32
      %dma_start3A_324 = tpu.memref_slice %arg14[%dma_start3A_322, %dma_start3A_323] : memref<10240x32xf32, #tpu.memory_space<vmem_shared>> -> memref<10240x32xf32, #tpu.memory_space<vmem_shared>>
      tpu.enqueue_indirect_dma source(%dma_start3A_324 : memref<10240x32xf32, #tpu.memory_space<vmem_shared>>) target(%arg10 : memref<128x32xf32, #tpu.memory_space<vmem>>) offsets(%dma_start3A_321 : memref<128xi32, #tpu.memory_space<vmem>>) semaphore(%arg16 : memref<!tpu.dma_semaphore, #tpu.memory_space<semaphore_mem>>)
      %add3A_325 = arith.constant 3 : i32
      %add3A_326 = arith.addi %mul3A_242, %add3A_325 : i32
      %dma_wait3A_327 = arith.constant 0 : i32
      %dma_wait3A_328 = arith.constant 0 : i32
      %dma_wait3A_329 = tpu.memref_slice %arg2[%dma_wait3A_327, %dma_wait3A_328] : memref<10240x32xf32, #tpu.memory_space<hbm>> -> memref<128x32xf32, #tpu.memory_space<hbm>>
      %dma_wait3A_330 = arith.constant 0 : i32
      %dma_wait3A_331 = arith.constant 0 : i32
      %dma_wait3A_332 = tpu.memref_slice %arg2[%dma_wait3A_330, %dma_wait3A_331] : memref<10240x32xf32, #tpu.memory_space<hbm>> -> memref<128x32xf32, #tpu.memory_space<hbm>>
      tpu.wait_dma2 semaphore(%arg19 : memref<!tpu.dma_semaphore, #tpu.memory_space<semaphore_mem>>) src(%dma_wait3A_332 : memref<128x32xf32, #tpu.memory_space<hbm>>) dst(%arg13 : memref<128x32xf32, #tpu.memory_space<vmem>>)
      %dma_start3A_333 = arith.constant 0 : i32
      %dma_start3A_334 = tpu.memref_slice %arg9[%add3A_326, %dma_start3A_333] : memref<80x128xi32, #tpu.memory_space<vmem>> -> memref<1x128xi32, #tpu.memory_space<vmem>>
      %dma_start3A_335 = tpu.memref_squeeze %dma_start3A_334 : memref<1x128xi32, #tpu.memory_space<vmem>> -> memref<128xi32, #tpu.memory_space<vmem>>
      %dma_start3A_336 = arith.constant 0 : i32
      %dma_start3A_337 = arith.constant 0 : i32
      %dma_start3A_338 = tpu.memref_slice %arg15[%dma_start3A_336, %dma_start3A_337] : memref<10240x32xf32, #tpu.memory_space<vmem_shared>> -> memref<10240x32xf32, #tpu.memory_space<vmem_shared>>
      tpu.enqueue_indirect_dma source(%arg13 : memref<128x32xf32, #tpu.memory_space<vmem>>) target(%dma_start3A_338 : memref<10240x32xf32, #tpu.memory_space<vmem_shared>>) offsets(%dma_start3A_335 : memref<128xi32, #tpu.memory_space<vmem>>) semaphore(%arg23 : memref<!tpu.dma_semaphore, #tpu.memory_space<semaphore_mem>>) {add = true}
      %dma_wait3A_339 = arith.constant 0 : i32
      %dma_wait3A_340 = arith.constant 0 : i32
      %dma_wait3A_341 = tpu.memref_slice %arg2[%dma_wait3A_339, %dma_wait3A_340] : memref<10240x32xf32, #tpu.memory_space<hbm>> -> memref<128x32xf32, #tpu.memory_space<hbm>>
      %dma_wait3A_342 = arith.constant 0 : i32
      %dma_wait3A_343 = arith.constant 0 : i32
      %dma_wait3A_344 = tpu.memref_slice %arg2[%dma_wait3A_342, %dma_wait3A_343] : memref<10240x32xf32, #tpu.memory_space<hbm>> -> memref<128x32xf32, #tpu.memory_space<hbm>>
      tpu.wait_dma2 semaphore(%arg21 : memref<!tpu.dma_semaphore, #tpu.memory_space<semaphore_mem>>) src(%dma_wait3A_344 : memref<128x32xf32, #tpu.memory_space<hbm>>) dst(%arg11 : memref<128x32xf32, #tpu.memory_space<vmem>>)
      %add3A_345 = arith.constant 2 : i32
      %add3A_346 = arith.addi %add3A_326, %add3A_345 : i32
      %dma_start3A_347 = arith.constant 0 : i32
      %dma_start3A_348 = tpu.memref_slice %arg8[%add3A_346, %dma_start3A_347] : memref<80x128xi32, #tpu.memory_space<vmem>> -> memref<1x128xi32, #tpu.memory_space<vmem>>
      %dma_start3A_349 = tpu.memref_squeeze %dma_start3A_348 : memref<1x128xi32, #tpu.memory_space<vmem>> -> memref<128xi32, #tpu.memory_space<vmem>>
      %dma_start3A_350 = arith.constant 0 : i32
      %dma_start3A_351 = arith.constant 0 : i32
      %dma_start3A_352 = tpu.memref_slice %arg14[%dma_start3A_350, %dma_start3A_351] : memref<10240x32xf32, #tpu.memory_space<vmem_shared>> -> memref<10240x32xf32, #tpu.memory_space<vmem_shared>>
      tpu.enqueue_indirect_dma source(%dma_start3A_352 : memref<10240x32xf32, #tpu.memory_space<vmem_shared>>) target(%arg11 : memref<128x32xf32, #tpu.memory_space<vmem>>) offsets(%dma_start3A_349 : memref<128xi32, #tpu.memory_space<vmem>>) semaphore(%arg17 : memref<!tpu.dma_semaphore, #tpu.memory_space<semaphore_mem>>)
    }
    %scan3A_133 = arith.constant 18 : i32
    %dma_wait3A_134 = arith.constant 0 : i32
    %dma_wait3A_135 = arith.constant 0 : i32
    %dma_wait3A_136 = tpu.memref_slice %arg2[%dma_wait3A_134, %dma_wait3A_135] : memref<10240x32xf32, #tpu.memory_space<hbm>> -> memref<128x32xf32, #tpu.memory_space<hbm>>
    %dma_wait3A_137 = arith.constant 0 : i32
    %dma_wait3A_138 = arith.constant 0 : i32
    %dma_wait3A_139 = tpu.memref_slice %arg2[%dma_wait3A_137, %dma_wait3A_138] : memref<10240x32xf32, #tpu.memory_space<hbm>> -> memref<128x32xf32, #tpu.memory_space<hbm>>
    tpu.wait_dma2 semaphore(%arg16 : memref<!tpu.dma_semaphore, #tpu.memory_space<semaphore_mem>>) src(%dma_wait3A_139 : memref<128x32xf32, #tpu.memory_space<hbm>>) dst(%arg10 : memref<128x32xf32, #tpu.memory_space<vmem>>)
    %dma_start3A_140 = arith.constant 76 : i32
    %dma_start3A_141 = arith.constant 0 : i32
    %dma_start3A_142 = tpu.memref_slice %arg9[%dma_start3A_140, %dma_start3A_141] : memref<80x128xi32, #tpu.memory_space<vmem>> -> memref<1x128xi32, #tpu.memory_space<vmem>>
    %dma_start3A_143 = tpu.memref_squeeze %dma_start3A_142 : memref<1x128xi32, #tpu.memory_space<vmem>> -> memref<128xi32, #tpu.memory_space<vmem>>
    %dma_start3A_144 = arith.constant 0 : i32
    %dma_start3A_145 = arith.constant 0 : i32
    %dma_start3A_146 = tpu.memref_slice %arg15[%dma_start3A_144, %dma_start3A_145] : memref<10240x32xf32, #tpu.memory_space<vmem_shared>> -> memref<10240x32xf32, #tpu.memory_space<vmem_shared>>
    tpu.enqueue_indirect_dma source(%arg10 : memref<128x32xf32, #tpu.memory_space<vmem>>) target(%dma_start3A_146 : memref<10240x32xf32, #tpu.memory_space<vmem_shared>>) offsets(%dma_start3A_143 : memref<128xi32, #tpu.memory_space<vmem>>) semaphore(%arg20 : memref<!tpu.dma_semaphore, #tpu.memory_space<semaphore_mem>>) {add = true}
    %dma_wait3A_147 = arith.constant 0 : i32
    %dma_wait3A_148 = arith.constant 0 : i32
    %dma_wait3A_149 = tpu.memref_slice %arg2[%dma_wait3A_147, %dma_wait3A_148] : memref<10240x32xf32, #tpu.memory_space<hbm>> -> memref<128x32xf32, #tpu.memory_space<hbm>>
    %dma_wait3A_150 = arith.constant 0 : i32
    %dma_wait3A_151 = arith.constant 0 : i32
    %dma_wait3A_152 = tpu.memref_slice %arg2[%dma_wait3A_150, %dma_wait3A_151] : memref<10240x32xf32, #tpu.memory_space<hbm>> -> memref<128x32xf32, #tpu.memory_space<hbm>>
    tpu.wait_dma2 semaphore(%arg22 : memref<!tpu.dma_semaphore, #tpu.memory_space<semaphore_mem>>) src(%dma_wait3A_152 : memref<128x32xf32, #tpu.memory_space<hbm>>) dst(%arg12 : memref<128x32xf32, #tpu.memory_space<vmem>>)
    %dma_start3A_153 = arith.constant 78 : i32
    %dma_start3A_154 = arith.constant 0 : i32
    %dma_start3A_155 = tpu.memref_slice %arg8[%dma_start3A_153, %dma_start3A_154] : memref<80x128xi32, #tpu.memory_space<vmem>> -> memref<1x128xi32, #tpu.memory_space<vmem>>
    %dma_start3A_156 = tpu.memref_squeeze %dma_start3A_155 : memref<1x128xi32, #tpu.memory_space<vmem>> -> memref<128xi32, #tpu.memory_space<vmem>>
    %dma_start3A_157 = arith.constant 0 : i32
    %dma_start3A_158 = arith.constant 0 : i32
    %dma_start3A_159 = tpu.memref_slice %arg14[%dma_start3A_157, %dma_start3A_158] : memref<10240x32xf32, #tpu.memory_space<vmem_shared>> -> memref<10240x32xf32, #tpu.memory_space<vmem_shared>>
    tpu.enqueue_indirect_dma source(%dma_start3A_159 : memref<10240x32xf32, #tpu.memory_space<vmem_shared>>) target(%arg12 : memref<128x32xf32, #tpu.memory_space<vmem>>) offsets(%dma_start3A_156 : memref<128xi32, #tpu.memory_space<vmem>>) semaphore(%arg18 : memref<!tpu.dma_semaphore, #tpu.memory_space<semaphore_mem>>)
    %dma_wait3A_160 = arith.constant 0 : i32
    %dma_wait3A_161 = arith.constant 0 : i32
    %dma_wait3A_162 = tpu.memref_slice %arg2[%dma_wait3A_160, %dma_wait3A_161] : memref<10240x32xf32, #tpu.memory_space<hbm>> -> memref<128x32xf32, #tpu.memory_space<hbm>>
    %dma_wait3A_163 = arith.constant 0 : i32
    %dma_wait3A_164 = arith.constant 0 : i32
    %dma_wait3A_165 = tpu.memref_slice %arg2[%dma_wait3A_163, %dma_wait3A_164] : memref<10240x32xf32, #tpu.memory_space<hbm>> -> memref<128x32xf32, #tpu.memory_space<hbm>>
    tpu.wait_dma2 semaphore(%arg17 : memref<!tpu.dma_semaphore, #tpu.memory_space<semaphore_mem>>) src(%dma_wait3A_165 : memref<128x32xf32, #tpu.memory_space<hbm>>) dst(%arg11 : memref<128x32xf32, #tpu.memory_space<vmem>>)
    %dma_start3A_166 = arith.constant 77 : i32
    %dma_start3A_167 = arith.constant 0 : i32
    %dma_start3A_168 = tpu.memref_slice %arg9[%dma_start3A_166, %dma_start3A_167] : memref<80x128xi32, #tpu.memory_space<vmem>> -> memref<1x128xi32, #tpu.memory_space<vmem>>
    %dma_start3A_169 = tpu.memref_squeeze %dma_start3A_168 : memref<1x128xi32, #tpu.memory_space<vmem>> -> memref<128xi32, #tpu.memory_space<vmem>>
    %dma_start3A_170 = arith.constant 0 : i32
    %dma_start3A_171 = arith.constant 0 : i32
    %dma_start3A_172 = tpu.memref_slice %arg15[%dma_start3A_170, %dma_start3A_171] : memref<10240x32xf32, #tpu.memory_space<vmem_shared>> -> memref<10240x32xf32, #tpu.memory_space<vmem_shared>>
    tpu.enqueue_indirect_dma source(%arg11 : memref<128x32xf32, #tpu.memory_space<vmem>>) target(%dma_start3A_172 : memref<10240x32xf32, #tpu.memory_space<vmem_shared>>) offsets(%dma_start3A_169 : memref<128xi32, #tpu.memory_space<vmem>>) semaphore(%arg21 : memref<!tpu.dma_semaphore, #tpu.memory_space<semaphore_mem>>) {add = true}
    %dma_wait3A_173 = arith.constant 0 : i32
    %dma_wait3A_174 = arith.constant 0 : i32
    %dma_wait3A_175 = tpu.memref_slice %arg2[%dma_wait3A_173, %dma_wait3A_174] : memref<10240x32xf32, #tpu.memory_space<hbm>> -> memref<128x32xf32, #tpu.memory_space<hbm>>
    %dma_wait3A_176 = arith.constant 0 : i32
    %dma_wait3A_177 = arith.constant 0 : i32
    %dma_wait3A_178 = tpu.memref_slice %arg2[%dma_wait3A_176, %dma_wait3A_177] : memref<10240x32xf32, #tpu.memory_space<hbm>> -> memref<128x32xf32, #tpu.memory_space<hbm>>
    tpu.wait_dma2 semaphore(%arg23 : memref<!tpu.dma_semaphore, #tpu.memory_space<semaphore_mem>>) src(%dma_wait3A_178 : memref<128x32xf32, #tpu.memory_space<hbm>>) dst(%arg13 : memref<128x32xf32, #tpu.memory_space<vmem>>)
    %dma_start3A_179 = arith.constant 79 : i32
    %dma_start3A_180 = arith.constant 0 : i32
    %dma_start3A_181 = tpu.memref_slice %arg8[%dma_start3A_179, %dma_start3A_180] : memref<80x128xi32, #tpu.memory_space<vmem>> -> memref<1x128xi32, #tpu.memory_space<vmem>>
    %dma_start3A_182 = tpu.memref_squeeze %dma_start3A_181 : memref<1x128xi32, #tpu.memory_space<vmem>> -> memref<128xi32, #tpu.memory_space<vmem>>
    %dma_start3A_183 = arith.constant 0 : i32
    %dma_start3A_184 = arith.constant 0 : i32
    %dma_start3A_185 = tpu.memref_slice %arg14[%dma_start3A_183, %dma_start3A_184] : memref<10240x32xf32, #tpu.memory_space<vmem_shared>> -> memref<10240x32xf32, #tpu.memory_space<vmem_shared>>
    tpu.enqueue_indirect_dma source(%dma_start3A_185 : memref<10240x32xf32, #tpu.memory_space<vmem_shared>>) target(%arg13 : memref<128x32xf32, #tpu.memory_space<vmem>>) offsets(%dma_start3A_182 : memref<128xi32, #tpu.memory_space<vmem>>) semaphore(%arg19 : memref<!tpu.dma_semaphore, #tpu.memory_space<semaphore_mem>>)
    %dma_wait3A_186 = arith.constant 0 : i32
    %dma_wait3A_187 = arith.constant 0 : i32
    %dma_wait3A_188 = tpu.memref_slice %arg2[%dma_wait3A_186, %dma_wait3A_187] : memref<10240x32xf32, #tpu.memory_space<hbm>> -> memref<128x32xf32, #tpu.memory_space<hbm>>
    %dma_wait3A_189 = arith.constant 0 : i32
    %dma_wait3A_190 = arith.constant 0 : i32
    %dma_wait3A_191 = tpu.memref_slice %arg2[%dma_wait3A_189, %dma_wait3A_190] : memref<10240x32xf32, #tpu.memory_space<hbm>> -> memref<128x32xf32, #tpu.memory_space<hbm>>
    tpu.wait_dma2 semaphore(%arg18 : memref<!tpu.dma_semaphore, #tpu.memory_space<semaphore_mem>>) src(%dma_wait3A_191 : memref<128x32xf32, #tpu.memory_space<hbm>>) dst(%arg12 : memref<128x32xf32, #tpu.memory_space<vmem>>)
    %dma_start3A_192 = arith.constant 78 : i32
    %dma_start3A_193 = arith.constant 0 : i32
    %dma_start3A_194 = tpu.memref_slice %arg9[%dma_start3A_192, %dma_start3A_193] : memref<80x128xi32, #tpu.memory_space<vmem>> -> memref<1x128xi32, #tpu.memory_space<vmem>>
    %dma_start3A_195 = tpu.memref_squeeze %dma_start3A_194 : memref<1x128xi32, #tpu.memory_space<vmem>> -> memref<128xi32, #tpu.memory_space<vmem>>
    %dma_start3A_196 = arith.constant 0 : i32
    %dma_start3A_197 = arith.constant 0 : i32
    %dma_start3A_198 = tpu.memref_slice %arg15[%dma_start3A_196, %dma_start3A_197] : memref<10240x32xf32, #tpu.memory_space<vmem_shared>> -> memref<10240x32xf32, #tpu.memory_space<vmem_shared>>
    tpu.enqueue_indirect_dma source(%arg12 : memref<128x32xf32, #tpu.memory_space<vmem>>) target(%dma_start3A_198 : memref<10240x32xf32, #tpu.memory_space<vmem_shared>>) offsets(%dma_start3A_195 : memref<128xi32, #tpu.memory_space<vmem>>) semaphore(%arg22 : memref<!tpu.dma_semaphore, #tpu.memory_space<semaphore_mem>>) {add = true}
    %dma_wait3A_199 = arith.constant 0 : i32
    %dma_wait3A_200 = arith.constant 0 : i32
    %dma_wait3A_201 = tpu.memref_slice %arg2[%dma_wait3A_199, %dma_wait3A_200] : memref<10240x32xf32, #tpu.memory_space<hbm>> -> memref<128x32xf32, #tpu.memory_space<hbm>>
    %dma_wait3A_202 = arith.constant 0 : i32
    %dma_wait3A_203 = arith.constant 0 : i32
    %dma_wait3A_204 = tpu.memref_slice %arg2[%dma_wait3A_202, %dma_wait3A_203] : memref<10240x32xf32, #tpu.memory_space<hbm>> -> memref<128x32xf32, #tpu.memory_space<hbm>>
    tpu.wait_dma2 semaphore(%arg19 : memref<!tpu.dma_semaphore, #tpu.memory_space<semaphore_mem>>) src(%dma_wait3A_204 : memref<128x32xf32, #tpu.memory_space<hbm>>) dst(%arg13 : memref<128x32xf32, #tpu.memory_space<vmem>>)
    %dma_start3A_205 = arith.constant 79 : i32
    %dma_start3A_206 = arith.constant 0 : i32
    %dma_start3A_207 = tpu.memref_slice %arg9[%dma_start3A_205, %dma_start3A_206] : memref<80x128xi32, #tpu.memory_space<vmem>> -> memref<1x128xi32, #tpu.memory_space<vmem>>
    %dma_start3A_208 = tpu.memref_squeeze %dma_start3A_207 : memref<1x128xi32, #tpu.memory_space<vmem>> -> memref<128xi32, #tpu.memory_space<vmem>>
    %dma_start3A_209 = arith.constant 0 : i32
    %dma_start3A_210 = arith.constant 0 : i32
    %dma_start3A_211 = tpu.memref_slice %arg15[%dma_start3A_209, %dma_start3A_210] : memref<10240x32xf32, #tpu.memory_space<vmem_shared>> -> memref<10240x32xf32, #tpu.memory_space<vmem_shared>>
    tpu.enqueue_indirect_dma source(%arg13 : memref<128x32xf32, #tpu.memory_space<vmem>>) target(%dma_start3A_211 : memref<10240x32xf32, #tpu.memory_space<vmem_shared>>) offsets(%dma_start3A_208 : memref<128xi32, #tpu.memory_space<vmem>>) semaphore(%arg23 : memref<!tpu.dma_semaphore, #tpu.memory_space<semaphore_mem>>) {add = true}
    %dma_wait3A_212 = arith.constant 0 : i32
    %dma_wait3A_213 = arith.constant 0 : i32
    %dma_wait3A_214 = tpu.memref_slice %arg2[%dma_wait3A_212, %dma_wait3A_213] : memref<10240x32xf32, #tpu.memory_space<hbm>> -> memref<128x32xf32, #tpu.memory_space<hbm>>
    %dma_wait3A_215 = arith.constant 0 : i32
    %dma_wait3A_216 = arith.constant 0 : i32
    %dma_wait3A_217 = tpu.memref_slice %arg2[%dma_wait3A_215, %dma_wait3A_216] : memref<10240x32xf32, #tpu.memory_space<hbm>> -> memref<128x32xf32, #tpu.memory_space<hbm>>
    tpu.wait_dma2 semaphore(%arg20 : memref<!tpu.dma_semaphore, #tpu.memory_space<semaphore_mem>>) src(%dma_wait3A_217 : memref<128x32xf32, #tpu.memory_space<hbm>>) dst(%arg10 : memref<128x32xf32, #tpu.memory_space<vmem>>)
    %dma_wait3A_218 = arith.constant 0 : i32
    %dma_wait3A_219 = arith.constant 0 : i32
    %dma_wait3A_220 = tpu.memref_slice %arg2[%dma_wait3A_218, %dma_wait3A_219] : memref<10240x32xf32, #tpu.memory_space<hbm>> -> memref<128x32xf32, #tpu.memory_space<hbm>>
    %dma_wait3A_221 = arith.constant 0 : i32
    %dma_wait3A_222 = arith.constant 0 : i32
    %dma_wait3A_223 = tpu.memref_slice %arg2[%dma_wait3A_221, %dma_wait3A_222] : memref<10240x32xf32, #tpu.memory_space<hbm>> -> memref<128x32xf32, #tpu.memory_space<hbm>>
    tpu.wait_dma2 semaphore(%arg21 : memref<!tpu.dma_semaphore, #tpu.memory_space<semaphore_mem>>) src(%dma_wait3A_223 : memref<128x32xf32, #tpu.memory_space<hbm>>) dst(%arg11 : memref<128x32xf32, #tpu.memory_space<vmem>>)
    %dma_wait3A_224 = arith.constant 0 : i32
    %dma_wait3A_225 = arith.constant 0 : i32
    %dma_wait3A_226 = tpu.memref_slice %arg2[%dma_wait3A_224, %dma_wait3A_225] : memref<10240x32xf32, #tpu.memory_space<hbm>> -> memref<128x32xf32, #tpu.memory_space<hbm>>
    %dma_wait3A_227 = arith.constant 0 : i32
    %dma_wait3A_228 = arith.constant 0 : i32
    %dma_wait3A_229 = tpu.memref_slice %arg2[%dma_wait3A_227, %dma_wait3A_228] : memref<10240x32xf32, #tpu.memory_space<hbm>> -> memref<128x32xf32, #tpu.memory_space<hbm>>
    tpu.wait_dma2 semaphore(%arg22 : memref<!tpu.dma_semaphore, #tpu.memory_space<semaphore_mem>>) src(%dma_wait3A_229 : memref<128x32xf32, #tpu.memory_space<hbm>>) dst(%arg12 : memref<128x32xf32, #tpu.memory_space<vmem>>)
    %dma_wait3A_230 = arith.constant 0 : i32
    %dma_wait3A_231 = arith.constant 0 : i32
    %dma_wait3A_232 = tpu.memref_slice %arg2[%dma_wait3A_230, %dma_wait3A_231] : memref<10240x32xf32, #tpu.memory_space<hbm>> -> memref<128x32xf32, #tpu.memory_space<hbm>>
    %dma_wait3A_233 = arith.constant 0 : i32
    %dma_wait3A_234 = arith.constant 0 : i32
    %dma_wait3A_235 = tpu.memref_slice %arg2[%dma_wait3A_233, %dma_wait3A_234] : memref<10240x32xf32, #tpu.memory_space<hbm>> -> memref<128x32xf32, #tpu.memory_space<hbm>>
    tpu.wait_dma2 semaphore(%arg23 : memref<!tpu.dma_semaphore, #tpu.memory_space<semaphore_mem>>) src(%dma_wait3A_235 : memref<128x32xf32, #tpu.memory_space<hbm>>) dst(%arg13 : memref<128x32xf32, #tpu.memory_space<vmem>>)
    %barrier3A_236 = arith.constant 0 : index
    tpu.barrier barrier_id(%barrier3A_236)
    %mul3A_237 = arith.constant 10240 : i32
    %mul3A_238 = arith.muli %arg0, %mul3A_237 : i32
    %add3A_239 = arith.addi %mul3A_238, %mul3A_2 : i32
    "tpu.region"() ({
      %run_scoped3A = tpu.sem_alloc : memref<!tpu.dma_semaphore, #tpu.memory_space<semaphore_mem>>
      %dma_start3A_240 = arith.constant 0 : i32
      %dma_start3A_241 = tpu.memref_slice %arg7[%add3A_239, %dma_start3A_240] : memref<20480x32xf32, #tpu.memory_space<hbm>> -> memref<640x32xf32, #tpu.memory_space<hbm>>
      %dma_start3A_242 = arith.constant 0 : i32
      %dma_start3A_243 = tpu.memref_slice %arg15[%mul3A_2, %dma_start3A_242] : memref<10240x32xf32, #tpu.memory_space<vmem_shared>> -> memref<640x32xf32, #tpu.memory_space<vmem_shared>>
      tpu.enqueue_dma source(%dma_start3A_243 : memref<640x32xf32, #tpu.memory_space<vmem_shared>>) target(%dma_start3A_241 : memref<640x32xf32, #tpu.memory_space<hbm>>) target_semaphore(%run_scoped3A : memref<!tpu.dma_semaphore, #tpu.memory_space<semaphore_mem>>)
      %dma_wait3A_244 = arith.constant 0 : i32
      %dma_wait3A_245 = tpu.memref_slice %arg7[%add3A_239, %dma_wait3A_244] : memref<20480x32xf32, #tpu.memory_space<hbm>> -> memref<640x32xf32, #tpu.memory_space<hbm>>
      %dma_wait3A_246 = arith.constant 0 : i32
      %dma_wait3A_247 = tpu.memref_slice %arg15[%mul3A_2, %dma_wait3A_246] : memref<10240x32xf32, #tpu.memory_space<vmem_shared>> -> memref<640x32xf32, #tpu.memory_space<vmem_shared>>
      tpu.wait_dma2 semaphore(%run_scoped3A : memref<!tpu.dma_semaphore, #tpu.memory_space<semaphore_mem>>) src(%dma_wait3A_247 : memref<640x32xf32, #tpu.memory_space<vmem_shared>>) dst(%dma_wait3A_245 : memref<640x32xf32, #tpu.memory_space<hbm>>)
      tpu.yield
    }) : () -> ()
    return
  }
}

#map = affine_map<(d0, d1) -> (0, 0)>
module attributes {stable_mosaic.version = 14 : i64} {
  func.func @_sc_segment_sum(%arg0: i32, %arg1: i32, %arg2: memref<10240x32xf32, #tpu.memory_space<hbm>>, %arg3: memref<2500x128xi32, #tpu.memory_space<hbm>>, %arg4: memref<2500x128xi32, #tpu.memory_space<hbm>>, %arg5: memref<10240x32xf32, #tpu.memory_space<hbm>>, %arg6: memref<60x128xi32, #tpu.memory_space<hbm>>, %arg7: memref<20480x32xf32, #tpu.memory_space<hbm>>, %arg8: memref<80x128xi32, #tpu.memory_space<vmem>>, %arg9: memref<80x128xi32, #tpu.memory_space<vmem>>, %arg10: memref<128x32xf32, #tpu.memory_space<vmem>>, %arg11: memref<128x32xf32, #tpu.memory_space<vmem>>, %arg12: memref<128x32xf32, #tpu.memory_space<vmem>>, %arg13: memref<128x32xf32, #tpu.memory_space<vmem>>, %arg14: memref<10240x32xf32, #tpu.memory_space<vmem_shared>>, %arg15: memref<10240x32xf32, #tpu.memory_space<vmem_shared>>, %arg16: memref<!tpu.dma_semaphore, #tpu.memory_space<semaphore_mem>>, %arg17: memref<!tpu.dma_semaphore, #tpu.memory_space<semaphore_mem>>, %arg18: memref<!tpu.dma_semaphore, #tpu.memory_space<semaphore_mem>>, %arg19: memref<!tpu.dma_semaphore, #tpu.memory_space<semaphore_mem>>, %arg20: memref<!tpu.dma_semaphore, #tpu.memory_space<semaphore_mem>>, %arg21: memref<!tpu.dma_semaphore, #tpu.memory_space<semaphore_mem>>, %arg22: memref<!tpu.dma_semaphore, #tpu.memory_space<semaphore_mem>>, %arg23: memref<!tpu.dma_semaphore, #tpu.memory_space<semaphore_mem>>) attributes {dimension_semantics = [#tpu.dimension_semantics<core_parallel>, #tpu.dimension_semantics<subcore_parallel>], iteration_bounds = array<i64: 2, 16>, scalar_prefetch = 0 : i64, scratch_operands = 16 : i64, tpu.core_type = #tpu.core_type<sc_vector_subcore>, window_params = [{transform_indices = #map}, {transform_indices = #map}, {transform_indices = #map}, {transform_indices = #map}, {transform_indices = #map}, {transform_indices = #map}]} {
    %mul3A = arith.constant 2 : i32
    %mul3A_0 = arith.muli %arg1, %mul3A : i32
    %add3A = arith.addi %mul3A_0, %arg0 : i32
    %mul3A_1 = arith.constant 640 : i32
    %mul3A_2 = arith.muli %arg1, %mul3A_1 : i32
    %dma_start3A = arith.constant 0 : i32
    %dma_start3A_3 = tpu.memref_slice %arg14[%mul3A_2, %dma_start3A] : memref<10240x32xf32, #tpu.memory_space<vmem_shared>> -> memref<640x32xf32, #tpu.memory_space<vmem_shared>>
    %dma_start3A_4 = arith.constant 0 : i32
    %dma_start3A_5 = tpu.memref_slice %arg2[%mul3A_2, %dma_start3A_4] : memref<10240x32xf32, #tpu.memory_space<hbm>> -> memref<640x32xf32, #tpu.memory_space<hbm>>
    tpu.enqueue_dma source(%dma_start3A_5 : memref<640x32xf32, #tpu.memory_space<hbm>>) target(%dma_start3A_3 : memref<640x32xf32, #tpu.memory_space<vmem_shared>>) target_semaphore(%arg18 : memref<!tpu.dma_semaphore, #tpu.memory_space<semaphore_mem>>)
    %dma_start3A_6 = arith.constant 0 : i32
    %dma_start3A_7 = tpu.memref_slice %arg15[%mul3A_2, %dma_start3A_6] : memref<10240x32xf32, #tpu.memory_space<vmem_shared>> -> memref<640x32xf32, #tpu.memory_space<vmem_shared>>
    %dma_start3A_8 = arith.constant 0 : i32
    %dma_start3A_9 = tpu.memref_slice %arg5[%mul3A_2, %dma_start3A_8] : memref<10240x32xf32, #tpu.memory_space<hbm>> -> memref<640x32xf32, #tpu.memory_space<hbm>>
    tpu.enqueue_dma source(%dma_start3A_9 : memref<640x32xf32, #tpu.memory_space<hbm>>) target(%dma_start3A_7 : memref<640x32xf32, #tpu.memory_space<vmem_shared>>) target_semaphore(%arg19 : memref<!tpu.dma_semaphore, #tpu.memory_space<semaphore_mem>>)
    %lt3A = arith.constant 31 : i32
    %lt3A_10 = arith.cmpi slt, %add3A, %lt3A : i32
    %convert_element_type3A = arith.extui %lt3A_10 : i1 to i32
    %cond3A = arith.constant 0 : i32
    %cond3A_11 = arith.cmpi ne, %convert_element_type3A, %cond3A : i32
    scf.if %cond3A_11 {
      %mul3A_240 = arith.constant 80 : i32
      %mul3A_241 = arith.muli %add3A, %mul3A_240 : i32
      %mul3A_242 = arith.constant 80 : i32
      %mul3A_243 = arith.muli %add3A, %mul3A_242 : i32
      %dma_start3A_244 = arith.constant 0 : i32
      %dma_start3A_245 = tpu.memref_slice %arg3[%mul3A_241, %dma_start3A_244] : memref<2500x128xi32, #tpu.memory_space<hbm>> -> memref<80x128xi32, #tpu.memory_space<hbm>>
      %dma_start3A_246 = arith.constant 0 : i32
      %dma_start3A_247 = tpu.memref_slice %arg3[%mul3A_241, %dma_start3A_246] : memref<2500x128xi32, #tpu.memory_space<hbm>> -> memref<80x128xi32, #tpu.memory_space<hbm>>
      tpu.enqueue_dma source(%dma_start3A_247 : memref<80x128xi32, #tpu.memory_space<hbm>>) target(%arg8 : memref<80x128xi32, #tpu.memory_space<vmem>>) target_semaphore(%arg16 : memref<!tpu.dma_semaphore, #tpu.memory_space<semaphore_mem>>)
      %dma_start3A_248 = arith.constant 0 : i32
      %dma_start3A_249 = tpu.memref_slice %arg4[%mul3A_243, %dma_start3A_248] : memref<2500x128xi32, #tpu.memory_space<hbm>> -> memref<80x128xi32, #tpu.memory_space<hbm>>
      %dma_start3A_250 = arith.constant 0 : i32
      %dma_start3A_251 = tpu.memref_slice %arg4[%mul3A_243, %dma_start3A_250] : memref<2500x128xi32, #tpu.memory_space<hbm>> -> memref<80x128xi32, #tpu.memory_space<hbm>>
      tpu.enqueue_dma source(%dma_start3A_251 : memref<80x128xi32, #tpu.memory_space<hbm>>) target(%arg9 : memref<80x128xi32, #tpu.memory_space<vmem>>) target_semaphore(%arg17 : memref<!tpu.dma_semaphore, #tpu.memory_space<semaphore_mem>>)
      %dma_wait3A_252 = arith.constant 0 : i32
      %dma_wait3A_253 = tpu.memref_slice %arg3[%mul3A_241, %dma_wait3A_252] : memref<2500x128xi32, #tpu.memory_space<hbm>> -> memref<80x128xi32, #tpu.memory_space<hbm>>
      %dma_wait3A_254 = arith.constant 0 : i32
      %dma_wait3A_255 = tpu.memref_slice %arg3[%mul3A_241, %dma_wait3A_254] : memref<2500x128xi32, #tpu.memory_space<hbm>> -> memref<80x128xi32, #tpu.memory_space<hbm>>
      tpu.wait_dma2 semaphore(%arg16 : memref<!tpu.dma_semaphore, #tpu.memory_space<semaphore_mem>>) src(%dma_wait3A_255 : memref<80x128xi32, #tpu.memory_space<hbm>>) dst(%arg8 : memref<80x128xi32, #tpu.memory_space<vmem>>)
      %dma_wait3A_256 = arith.constant 0 : i32
      %dma_wait3A_257 = tpu.memref_slice %arg4[%mul3A_243, %dma_wait3A_256] : memref<2500x128xi32, #tpu.memory_space<hbm>> -> memref<80x128xi32, #tpu.memory_space<hbm>>
      %dma_wait3A_258 = arith.constant 0 : i32
      %dma_wait3A_259 = tpu.memref_slice %arg4[%mul3A_243, %dma_wait3A_258] : memref<2500x128xi32, #tpu.memory_space<hbm>> -> memref<80x128xi32, #tpu.memory_space<hbm>>
      tpu.wait_dma2 semaphore(%arg17 : memref<!tpu.dma_semaphore, #tpu.memory_space<semaphore_mem>>) src(%dma_wait3A_259 : memref<80x128xi32, #tpu.memory_space<hbm>>) dst(%arg9 : memref<80x128xi32, #tpu.memory_space<vmem>>)
    } else {
    }
    %eq3A = arith.constant 31 : i32
    %eq3A_12 = arith.cmpi eq, %add3A, %eq3A : i32
    %convert_element_type3A_13 = arith.extui %eq3A_12 : i1 to i32
    %cond3A_14 = arith.constant 0 : i32
    %cond3A_15 = arith.cmpi ne, %convert_element_type3A_13, %cond3A_14 : i32
    scf.if %cond3A_15 {
      %dma_start3A_240 = arith.constant 0 : i32
      %dma_start3A_241 = arith.constant 0 : i32
      %dma_start3A_242 = tpu.memref_slice %arg8[%dma_start3A_240, %dma_start3A_241] : memref<80x128xi32, #tpu.memory_space<vmem>> -> memref<20x128xi32, #tpu.memory_space<vmem>>
      %dma_start3A_243 = arith.constant 2480 : i32
      %dma_start3A_244 = arith.constant 0 : i32
      %dma_start3A_245 = tpu.memref_slice %arg3[%dma_start3A_243, %dma_start3A_244] : memref<2500x128xi32, #tpu.memory_space<hbm>> -> memref<20x128xi32, #tpu.memory_space<hbm>>
      %dma_start3A_246 = arith.constant 0 : i32
      %dma_start3A_247 = arith.constant 0 : i32
      %dma_start3A_248 = tpu.memref_slice %arg8[%dma_start3A_246, %dma_start3A_247] : memref<80x128xi32, #tpu.memory_space<vmem>> -> memref<20x128xi32, #tpu.memory_space<vmem>>
      %dma_start3A_249 = arith.constant 2480 : i32
      %dma_start3A_250 = arith.constant 0 : i32
      %dma_start3A_251 = tpu.memref_slice %arg3[%dma_start3A_249, %dma_start3A_250] : memref<2500x128xi32, #tpu.memory_space<hbm>> -> memref<20x128xi32, #tpu.memory_space<hbm>>
      tpu.enqueue_dma source(%dma_start3A_251 : memref<20x128xi32, #tpu.memory_space<hbm>>) target(%dma_start3A_248 : memref<20x128xi32, #tpu.memory_space<vmem>>) target_semaphore(%arg16 : memref<!tpu.dma_semaphore, #tpu.memory_space<semaphore_mem>>)
      %dma_start3A_252 = arith.constant 0 : i32
      %dma_start3A_253 = arith.constant 0 : i32
      %dma_start3A_254 = tpu.memref_slice %arg9[%dma_start3A_252, %dma_start3A_253] : memref<80x128xi32, #tpu.memory_space<vmem>> -> memref<20x128xi32, #tpu.memory_space<vmem>>
      %dma_start3A_255 = arith.constant 2480 : i32
      %dma_start3A_256 = arith.constant 0 : i32
      %dma_start3A_257 = tpu.memref_slice %arg4[%dma_start3A_255, %dma_start3A_256] : memref<2500x128xi32, #tpu.memory_space<hbm>> -> memref<20x128xi32, #tpu.memory_space<hbm>>
      %dma_start3A_258 = arith.constant 0 : i32
      %dma_start3A_259 = arith.constant 0 : i32
      %dma_start3A_260 = tpu.memref_slice %arg9[%dma_start3A_258, %dma_start3A_259] : memref<80x128xi32, #tpu.memory_space<vmem>> -> memref<20x128xi32, #tpu.memory_space<vmem>>
      %dma_start3A_261 = arith.constant 2480 : i32
      %dma_start3A_262 = arith.constant 0 : i32
      %dma_start3A_263 = tpu.memref_slice %arg4[%dma_start3A_261, %dma_start3A_262] : memref<2500x128xi32, #tpu.memory_space<hbm>> -> memref<20x128xi32, #tpu.memory_space<hbm>>
      tpu.enqueue_dma source(%dma_start3A_263 : memref<20x128xi32, #tpu.memory_space<hbm>>) target(%dma_start3A_260 : memref<20x128xi32, #tpu.memory_space<vmem>>) target_semaphore(%arg17 : memref<!tpu.dma_semaphore, #tpu.memory_space<semaphore_mem>>)
      %dma_start3A_264 = arith.constant 20 : i32
      %dma_start3A_265 = arith.constant 0 : i32
      %dma_start3A_266 = tpu.memref_slice %arg8[%dma_start3A_264, %dma_start3A_265] : memref<80x128xi32, #tpu.memory_space<vmem>> -> memref<60x128xi32, #tpu.memory_space<vmem>>
      %dma_start3A_267 = arith.constant 20 : i32
      %dma_start3A_268 = arith.constant 0 : i32
      %dma_start3A_269 = tpu.memref_slice %arg8[%dma_start3A_267, %dma_start3A_268] : memref<80x128xi32, #tpu.memory_space<vmem>> -> memref<60x128xi32, #tpu.memory_space<vmem>>
      tpu.enqueue_dma source(%arg6 : memref<60x128xi32, #tpu.memory_space<hbm>>) target(%dma_start3A_269 : memref<60x128xi32, #tpu.memory_space<vmem>>) target_semaphore(%arg20 : memref<!tpu.dma_semaphore, #tpu.memory_space<semaphore_mem>>)
      %dma_start3A_270 = arith.constant 20 : i32
      %dma_start3A_271 = arith.constant 0 : i32
      %dma_start3A_272 = tpu.memref_slice %arg9[%dma_start3A_270, %dma_start3A_271] : memref<80x128xi32, #tpu.memory_space<vmem>> -> memref<60x128xi32, #tpu.memory_space<vmem>>
      %dma_start3A_273 = arith.constant 20 : i32
      %dma_start3A_274 = arith.constant 0 : i32
      %dma_start3A_275 = tpu.memref_slice %arg9[%dma_start3A_273, %dma_start3A_274] : memref<80x128xi32, #tpu.memory_space<vmem>> -> memref<60x128xi32, #tpu.memory_space<vmem>>
      tpu.enqueue_dma source(%arg6 : memref<60x128xi32, #tpu.memory_space<hbm>>) target(%dma_start3A_275 : memref<60x128xi32, #tpu.memory_space<vmem>>) target_semaphore(%arg21 : memref<!tpu.dma_semaphore, #tpu.memory_space<semaphore_mem>>)
      %dma_wait3A_276 = arith.constant 0 : i32
      %dma_wait3A_277 = arith.constant 0 : i32
      %dma_wait3A_278 = tpu.memref_slice %arg8[%dma_wait3A_276, %dma_wait3A_277] : memref<80x128xi32, #tpu.memory_space<vmem>> -> memref<20x128xi32, #tpu.memory_space<vmem>>
      %dma_wait3A_279 = arith.constant 2480 : i32
      %dma_wait3A_280 = arith.constant 0 : i32
      %dma_wait3A_281 = tpu.memref_slice %arg3[%dma_wait3A_279, %dma_wait3A_280] : memref<2500x128xi32, #tpu.memory_space<hbm>> -> memref<20x128xi32, #tpu.memory_space<hbm>>
      %dma_wait3A_282 = arith.constant 0 : i32
      %dma_wait3A_283 = arith.constant 0 : i32
      %dma_wait3A_284 = tpu.memref_slice %arg8[%dma_wait3A_282, %dma_wait3A_283] : memref<80x128xi32, #tpu.memory_space<vmem>> -> memref<20x128xi32, #tpu.memory_space<vmem>>
      %dma_wait3A_285 = arith.constant 2480 : i32
      %dma_wait3A_286 = arith.constant 0 : i32
      %dma_wait3A_287 = tpu.memref_slice %arg3[%dma_wait3A_285, %dma_wait3A_286] : memref<2500x128xi32, #tpu.memory_space<hbm>> -> memref<20x128xi32, #tpu.memory_space<hbm>>
      tpu.wait_dma2 semaphore(%arg16 : memref<!tpu.dma_semaphore, #tpu.memory_space<semaphore_mem>>) src(%dma_wait3A_287 : memref<20x128xi32, #tpu.memory_space<hbm>>) dst(%dma_wait3A_284 : memref<20x128xi32, #tpu.memory_space<vmem>>)
      %dma_wait3A_288 = arith.constant 0 : i32
      %dma_wait3A_289 = arith.constant 0 : i32
      %dma_wait3A_290 = tpu.memref_slice %arg9[%dma_wait3A_288, %dma_wait3A_289] : memref<80x128xi32, #tpu.memory_space<vmem>> -> memref<20x128xi32, #tpu.memory_space<vmem>>
      %dma_wait3A_291 = arith.constant 2480 : i32
      %dma_wait3A_292 = arith.constant 0 : i32
      %dma_wait3A_293 = tpu.memref_slice %arg4[%dma_wait3A_291, %dma_wait3A_292] : memref<2500x128xi32, #tpu.memory_space<hbm>> -> memref<20x128xi32, #tpu.memory_space<hbm>>
      %dma_wait3A_294 = arith.constant 0 : i32
      %dma_wait3A_295 = arith.constant 0 : i32
      %dma_wait3A_296 = tpu.memref_slice %arg9[%dma_wait3A_294, %dma_wait3A_295] : memref<80x128xi32, #tpu.memory_space<vmem>> -> memref<20x128xi32, #tpu.memory_space<vmem>>
      %dma_wait3A_297 = arith.constant 2480 : i32
      %dma_wait3A_298 = arith.constant 0 : i32
      %dma_wait3A_299 = tpu.memref_slice %arg4[%dma_wait3A_297, %dma_wait3A_298] : memref<2500x128xi32, #tpu.memory_space<hbm>> -> memref<20x128xi32, #tpu.memory_space<hbm>>
      tpu.wait_dma2 semaphore(%arg17 : memref<!tpu.dma_semaphore, #tpu.memory_space<semaphore_mem>>) src(%dma_wait3A_299 : memref<20x128xi32, #tpu.memory_space<hbm>>) dst(%dma_wait3A_296 : memref<20x128xi32, #tpu.memory_space<vmem>>)
      %dma_wait3A_300 = arith.constant 20 : i32
      %dma_wait3A_301 = arith.constant 0 : i32
      %dma_wait3A_302 = tpu.memref_slice %arg8[%dma_wait3A_300, %dma_wait3A_301] : memref<80x128xi32, #tpu.memory_space<vmem>> -> memref<60x128xi32, #tpu.memory_space<vmem>>
      %dma_wait3A_303 = arith.constant 20 : i32
      %dma_wait3A_304 = arith.constant 0 : i32
      %dma_wait3A_305 = tpu.memref_slice %arg8[%dma_wait3A_303, %dma_wait3A_304] : memref<80x128xi32, #tpu.memory_space<vmem>> -> memref<60x128xi32, #tpu.memory_space<vmem>>
      tpu.wait_dma2 semaphore(%arg20 : memref<!tpu.dma_semaphore, #tpu.memory_space<semaphore_mem>>) src(%arg6 : memref<60x128xi32, #tpu.memory_space<hbm>>) dst(%dma_wait3A_305 : memref<60x128xi32, #tpu.memory_space<vmem>>)
      %dma_wait3A_306 = arith.constant 20 : i32
      %dma_wait3A_307 = arith.constant 0 : i32
      %dma_wait3A_308 = tpu.memref_slice %arg9[%dma_wait3A_306, %dma_wait3A_307] : memref<80x128xi32, #tpu.memory_space<vmem>> -> memref<60x128xi32, #tpu.memory_space<vmem>>
      %dma_wait3A_309 = arith.constant 20 : i32
      %dma_wait3A_310 = arith.constant 0 : i32
      %dma_wait3A_311 = tpu.memref_slice %arg9[%dma_wait3A_309, %dma_wait3A_310] : memref<80x128xi32, #tpu.memory_space<vmem>> -> memref<60x128xi32, #tpu.memory_space<vmem>>
      tpu.wait_dma2 semaphore(%arg21 : memref<!tpu.dma_semaphore, #tpu.memory_space<semaphore_mem>>) src(%arg6 : memref<60x128xi32, #tpu.memory_space<hbm>>) dst(%dma_wait3A_311 : memref<60x128xi32, #tpu.memory_space<vmem>>)
    } else {
    }
    %dma_wait3A = arith.constant 0 : i32
    %dma_wait3A_16 = tpu.memref_slice %arg14[%mul3A_2, %dma_wait3A] : memref<10240x32xf32, #tpu.memory_space<vmem_shared>> -> memref<640x32xf32, #tpu.memory_space<vmem_shared>>
    %dma_wait3A_17 = arith.constant 0 : i32
    %dma_wait3A_18 = tpu.memref_slice %arg2[%mul3A_2, %dma_wait3A_17] : memref<10240x32xf32, #tpu.memory_space<hbm>> -> memref<640x32xf32, #tpu.memory_space<hbm>>
    tpu.wait_dma2 semaphore(%arg18 : memref<!tpu.dma_semaphore, #tpu.memory_space<semaphore_mem>>) src(%dma_wait3A_18 : memref<640x32xf32, #tpu.memory_space<hbm>>) dst(%dma_wait3A_16 : memref<640x32xf32, #tpu.memory_space<vmem_shared>>)
    %dma_wait3A_19 = arith.constant 0 : i32
    %dma_wait3A_20 = tpu.memref_slice %arg15[%mul3A_2, %dma_wait3A_19] : memref<10240x32xf32, #tpu.memory_space<vmem_shared>> -> memref<640x32xf32, #tpu.memory_space<vmem_shared>>
    %dma_wait3A_21 = arith.constant 0 : i32
    %dma_wait3A_22 = tpu.memref_slice %arg5[%mul3A_2, %dma_wait3A_21] : memref<10240x32xf32, #tpu.memory_space<hbm>> -> memref<640x32xf32, #tpu.memory_space<hbm>>
    tpu.wait_dma2 semaphore(%arg19 : memref<!tpu.dma_semaphore, #tpu.memory_space<semaphore_mem>>) src(%dma_wait3A_22 : memref<640x32xf32, #tpu.memory_space<hbm>>) dst(%dma_wait3A_20 : memref<640x32xf32, #tpu.memory_space<vmem_shared>>)
    %barrier3A = arith.constant 0 : index
    tpu.barrier barrier_id(%barrier3A)
    %dma_start3A_23 = arith.constant 0 : i32
    %dma_start3A_24 = arith.constant 0 : i32
    %dma_start3A_25 = tpu.memref_slice %arg8[%dma_start3A_23, %dma_start3A_24] : memref<80x128xi32, #tpu.memory_space<vmem>> -> memref<1x128xi32, #tpu.memory_space<vmem>>
    %dma_start3A_26 = tpu.memref_squeeze %dma_start3A_25 : memref<1x128xi32, #tpu.memory_space<vmem>> -> memref<128xi32, #tpu.memory_space<vmem>>
    %dma_start3A_27 = arith.constant 0 : i32
    %dma_start3A_28 = arith.constant 0 : i32
    %dma_start3A_29 = tpu.memref_slice %arg14[%dma_start3A_27, %dma_start3A_28] : memref<10240x32xf32, #tpu.memory_space<vmem_shared>> -> memref<10240x32xf32, #tpu.memory_space<vmem_shared>>
    tpu.enqueue_indirect_dma source(%dma_start3A_29 : memref<10240x32xf32, #tpu.memory_space<vmem_shared>>) target(%arg10 : memref<128x32xf32, #tpu.memory_space<vmem>>) offsets(%dma_start3A_26 : memref<128xi32, #tpu.memory_space<vmem>>) semaphore(%arg16 : memref<!tpu.dma_semaphore, #tpu.memory_space<semaphore_mem>>)
    %dma_start3A_30 = arith.constant 1 : i32
    %dma_start3A_31 = arith.constant 0 : i32
    %dma_start3A_32 = tpu.memref_slice %arg8[%dma_start3A_30, %dma_start3A_31] : memref<80x128xi32, #tpu.memory_space<vmem>> -> memref<1x128xi32, #tpu.memory_space<vmem>>
    %dma_start3A_33 = tpu.memref_squeeze %dma_start3A_32 : memref<1x128xi32, #tpu.memory_space<vmem>> -> memref<128xi32, #tpu.memory_space<vmem>>
    %dma_start3A_34 = arith.constant 0 : i32
    %dma_start3A_35 = arith.constant 0 : i32
    %dma_start3A_36 = tpu.memref_slice %arg14[%dma_start3A_34, %dma_start3A_35] : memref<10240x32xf32, #tpu.memory_space<vmem_shared>> -> memref<10240x32xf32, #tpu.memory_space<vmem_shared>>
    tpu.enqueue_indirect_dma source(%dma_start3A_36 : memref<10240x32xf32, #tpu.memory_space<vmem_shared>>) target(%arg11 : memref<128x32xf32, #tpu.memory_space<vmem>>) offsets(%dma_start3A_33 : memref<128xi32, #tpu.memory_space<vmem>>) semaphore(%arg17 : memref<!tpu.dma_semaphore, #tpu.memory_space<semaphore_mem>>)
    %dma_wait3A_37 = arith.constant 0 : i32
    %dma_wait3A_38 = arith.constant 0 : i32
    %dma_wait3A_39 = tpu.memref_slice %arg2[%dma_wait3A_37, %dma_wait3A_38] : memref<10240x32xf32, #tpu.memory_space<hbm>> -> memref<128x32xf32, #tpu.memory_space<hbm>>
    %dma_wait3A_40 = arith.constant 0 : i32
    %dma_wait3A_41 = arith.constant 0 : i32
    %dma_wait3A_42 = tpu.memref_slice %arg2[%dma_wait3A_40, %dma_wait3A_41] : memref<10240x32xf32, #tpu.memory_space<hbm>> -> memref<128x32xf32, #tpu.memory_space<hbm>>
    tpu.wait_dma2 semaphore(%arg16 : memref<!tpu.dma_semaphore, #tpu.memory_space<semaphore_mem>>) src(%dma_wait3A_42 : memref<128x32xf32, #tpu.memory_space<hbm>>) dst(%arg10 : memref<128x32xf32, #tpu.memory_space<vmem>>)
    %dma_start3A_43 = arith.constant 0 : i32
    %dma_start3A_44 = arith.constant 0 : i32
    %dma_start3A_45 = tpu.memref_slice %arg9[%dma_start3A_43, %dma_start3A_44] : memref<80x128xi32, #tpu.memory_space<vmem>> -> memref<1x128xi32, #tpu.memory_space<vmem>>
    %dma_start3A_46 = tpu.memref_squeeze %dma_start3A_45 : memref<1x128xi32, #tpu.memory_space<vmem>> -> memref<128xi32, #tpu.memory_space<vmem>>
    %dma_start3A_47 = arith.constant 0 : i32
    %dma_start3A_48 = arith.constant 0 : i32
    %dma_start3A_49 = tpu.memref_slice %arg15[%dma_start3A_47, %dma_start3A_48] : memref<10240x32xf32, #tpu.memory_space<vmem_shared>> -> memref<10240x32xf32, #tpu.memory_space<vmem_shared>>
    tpu.enqueue_indirect_dma source(%arg10 : memref<128x32xf32, #tpu.memory_space<vmem>>) target(%dma_start3A_49 : memref<10240x32xf32, #tpu.memory_space<vmem_shared>>) offsets(%dma_start3A_46 : memref<128xi32, #tpu.memory_space<vmem>>) semaphore(%arg20 : memref<!tpu.dma_semaphore, #tpu.memory_space<semaphore_mem>>) {add = true}
    %dma_start3A_50 = arith.constant 2 : i32
    %dma_start3A_51 = arith.constant 0 : i32
    %dma_start3A_52 = tpu.memref_slice %arg8[%dma_start3A_50, %dma_start3A_51] : memref<80x128xi32, #tpu.memory_space<vmem>> -> memref<1x128xi32, #tpu.memory_space<vmem>>
    %dma_start3A_53 = tpu.memref_squeeze %dma_start3A_52 : memref<1x128xi32, #tpu.memory_space<vmem>> -> memref<128xi32, #tpu.memory_space<vmem>>
    %dma_start3A_54 = arith.constant 0 : i32
    %dma_start3A_55 = arith.constant 0 : i32
    %dma_start3A_56 = tpu.memref_slice %arg14[%dma_start3A_54, %dma_start3A_55] : memref<10240x32xf32, #tpu.memory_space<vmem_shared>> -> memref<10240x32xf32, #tpu.memory_space<vmem_shared>>
    tpu.enqueue_indirect_dma source(%dma_start3A_56 : memref<10240x32xf32, #tpu.memory_space<vmem_shared>>) target(%arg12 : memref<128x32xf32, #tpu.memory_space<vmem>>) offsets(%dma_start3A_53 : memref<128xi32, #tpu.memory_space<vmem>>) semaphore(%arg18 : memref<!tpu.dma_semaphore, #tpu.memory_space<semaphore_mem>>)
    %dma_wait3A_57 = arith.constant 0 : i32
    %dma_wait3A_58 = arith.constant 0 : i32
    %dma_wait3A_59 = tpu.memref_slice %arg2[%dma_wait3A_57, %dma_wait3A_58] : memref<10240x32xf32, #tpu.memory_space<hbm>> -> memref<128x32xf32, #tpu.memory_space<hbm>>
    %dma_wait3A_60 = arith.constant 0 : i32
    %dma_wait3A_61 = arith.constant 0 : i32
    %dma_wait3A_62 = tpu.memref_slice %arg2[%dma_wait3A_60, %dma_wait3A_61] : memref<10240x32xf32, #tpu.memory_space<hbm>> -> memref<128x32xf32, #tpu.memory_space<hbm>>
    tpu.wait_dma2 semaphore(%arg17 : memref<!tpu.dma_semaphore, #tpu.memory_space<semaphore_mem>>) src(%dma_wait3A_62 : memref<128x32xf32, #tpu.memory_space<hbm>>) dst(%arg11 : memref<128x32xf32, #tpu.memory_space<vmem>>)
    %dma_start3A_63 = arith.constant 1 : i32
    %dma_start3A_64 = arith.constant 0 : i32
    %dma_start3A_65 = tpu.memref_slice %arg9[%dma_start3A_63, %dma_start3A_64] : memref<80x128xi32, #tpu.memory_space<vmem>> -> memref<1x128xi32, #tpu.memory_space<vmem>>
    %dma_start3A_66 = tpu.memref_squeeze %dma_start3A_65 : memref<1x128xi32, #tpu.memory_space<vmem>> -> memref<128xi32, #tpu.memory_space<vmem>>
    %dma_start3A_67 = arith.constant 0 : i32
    %dma_start3A_68 = arith.constant 0 : i32
    %dma_start3A_69 = tpu.memref_slice %arg15[%dma_start3A_67, %dma_start3A_68] : memref<10240x32xf32, #tpu.memory_space<vmem_shared>> -> memref<10240x32xf32, #tpu.memory_space<vmem_shared>>
    tpu.enqueue_indirect_dma source(%arg11 : memref<128x32xf32, #tpu.memory_space<vmem>>) target(%dma_start3A_69 : memref<10240x32xf32, #tpu.memory_space<vmem_shared>>) offsets(%dma_start3A_66 : memref<128xi32, #tpu.memory_space<vmem>>) semaphore(%arg21 : memref<!tpu.dma_semaphore, #tpu.memory_space<semaphore_mem>>) {add = true}
    %dma_start3A_70 = arith.constant 3 : i32
    %dma_start3A_71 = arith.constant 0 : i32
    %dma_start3A_72 = tpu.memref_slice %arg8[%dma_start3A_70, %dma_start3A_71] : memref<80x128xi32, #tpu.memory_space<vmem>> -> memref<1x128xi32, #tpu.memory_space<vmem>>
    %dma_start3A_73 = tpu.memref_squeeze %dma_start3A_72 : memref<1x128xi32, #tpu.memory_space<vmem>> -> memref<128xi32, #tpu.memory_space<vmem>>
    %dma_start3A_74 = arith.constant 0 : i32
    %dma_start3A_75 = arith.constant 0 : i32
    %dma_start3A_76 = tpu.memref_slice %arg14[%dma_start3A_74, %dma_start3A_75] : memref<10240x32xf32, #tpu.memory_space<vmem_shared>> -> memref<10240x32xf32, #tpu.memory_space<vmem_shared>>
    tpu.enqueue_indirect_dma source(%dma_start3A_76 : memref<10240x32xf32, #tpu.memory_space<vmem_shared>>) target(%arg13 : memref<128x32xf32, #tpu.memory_space<vmem>>) offsets(%dma_start3A_73 : memref<128xi32, #tpu.memory_space<vmem>>) semaphore(%arg19 : memref<!tpu.dma_semaphore, #tpu.memory_space<semaphore_mem>>)
    %dma_wait3A_77 = arith.constant 0 : i32
    %dma_wait3A_78 = arith.constant 0 : i32
    %dma_wait3A_79 = tpu.memref_slice %arg2[%dma_wait3A_77, %dma_wait3A_78] : memref<10240x32xf32, #tpu.memory_space<hbm>> -> memref<128x32xf32, #tpu.memory_space<hbm>>
    %dma_wait3A_80 = arith.constant 0 : i32
    %dma_wait3A_81 = arith.constant 0 : i32
    %dma_wait3A_82 = tpu.memref_slice %arg2[%dma_wait3A_80, %dma_wait3A_81] : memref<10240x32xf32, #tpu.memory_space<hbm>> -> memref<128x32xf32, #tpu.memory_space<hbm>>
    tpu.wait_dma2 semaphore(%arg18 : memref<!tpu.dma_semaphore, #tpu.memory_space<semaphore_mem>>) src(%dma_wait3A_82 : memref<128x32xf32, #tpu.memory_space<hbm>>) dst(%arg12 : memref<128x32xf32, #tpu.memory_space<vmem>>)
    %dma_start3A_83 = arith.constant 2 : i32
    %dma_start3A_84 = arith.constant 0 : i32
    %dma_start3A_85 = tpu.memref_slice %arg9[%dma_start3A_83, %dma_start3A_84] : memref<80x128xi32, #tpu.memory_space<vmem>> -> memref<1x128xi32, #tpu.memory_space<vmem>>
    %dma_start3A_86 = tpu.memref_squeeze %dma_start3A_85 : memref<1x128xi32, #tpu.memory_space<vmem>> -> memref<128xi32, #tpu.memory_space<vmem>>
    %dma_start3A_87 = arith.constant 0 : i32
    %dma_start3A_88 = arith.constant 0 : i32
    %dma_start3A_89 = tpu.memref_slice %arg15[%dma_start3A_87, %dma_start3A_88] : memref<10240x32xf32, #tpu.memory_space<vmem_shared>> -> memref<10240x32xf32, #tpu.memory_space<vmem_shared>>
    tpu.enqueue_indirect_dma source(%arg12 : memref<128x32xf32, #tpu.memory_space<vmem>>) target(%dma_start3A_89 : memref<10240x32xf32, #tpu.memory_space<vmem_shared>>) offsets(%dma_start3A_86 : memref<128xi32, #tpu.memory_space<vmem>>) semaphore(%arg22 : memref<!tpu.dma_semaphore, #tpu.memory_space<semaphore_mem>>) {add = true}
    %dma_wait3A_90 = arith.constant 0 : i32
    %dma_wait3A_91 = arith.constant 0 : i32
    %dma_wait3A_92 = tpu.memref_slice %arg2[%dma_wait3A_90, %dma_wait3A_91] : memref<10240x32xf32, #tpu.memory_space<hbm>> -> memref<128x32xf32, #tpu.memory_space<hbm>>
    %dma_wait3A_93 = arith.constant 0 : i32
    %dma_wait3A_94 = arith.constant 0 : i32
    %dma_wait3A_95 = tpu.memref_slice %arg2[%dma_wait3A_93, %dma_wait3A_94] : memref<10240x32xf32, #tpu.memory_space<hbm>> -> memref<128x32xf32, #tpu.memory_space<hbm>>
    tpu.wait_dma2 semaphore(%arg20 : memref<!tpu.dma_semaphore, #tpu.memory_space<semaphore_mem>>) src(%dma_wait3A_95 : memref<128x32xf32, #tpu.memory_space<hbm>>) dst(%arg10 : memref<128x32xf32, #tpu.memory_space<vmem>>)
    %dma_start3A_96 = arith.constant 4 : i32
    %dma_start3A_97 = arith.constant 0 : i32
    %dma_start3A_98 = tpu.memref_slice %arg8[%dma_start3A_96, %dma_start3A_97] : memref<80x128xi32, #tpu.memory_space<vmem>> -> memref<1x128xi32, #tpu.memory_space<vmem>>
    %dma_start3A_99 = tpu.memref_squeeze %dma_start3A_98 : memref<1x128xi32, #tpu.memory_space<vmem>> -> memref<128xi32, #tpu.memory_space<vmem>>
    %dma_start3A_100 = arith.constant 0 : i32
    %dma_start3A_101 = arith.constant 0 : i32
    %dma_start3A_102 = tpu.memref_slice %arg14[%dma_start3A_100, %dma_start3A_101] : memref<10240x32xf32, #tpu.memory_space<vmem_shared>> -> memref<10240x32xf32, #tpu.memory_space<vmem_shared>>
    tpu.enqueue_indirect_dma source(%dma_start3A_102 : memref<10240x32xf32, #tpu.memory_space<vmem_shared>>) target(%arg10 : memref<128x32xf32, #tpu.memory_space<vmem>>) offsets(%dma_start3A_99 : memref<128xi32, #tpu.memory_space<vmem>>) semaphore(%arg16 : memref<!tpu.dma_semaphore, #tpu.memory_space<semaphore_mem>>)
    %dma_wait3A_103 = arith.constant 0 : i32
    %dma_wait3A_104 = arith.constant 0 : i32
    %dma_wait3A_105 = tpu.memref_slice %arg2[%dma_wait3A_103, %dma_wait3A_104] : memref<10240x32xf32, #tpu.memory_space<hbm>> -> memref<128x32xf32, #tpu.memory_space<hbm>>
    %dma_wait3A_106 = arith.constant 0 : i32
    %dma_wait3A_107 = arith.constant 0 : i32
    %dma_wait3A_108 = tpu.memref_slice %arg2[%dma_wait3A_106, %dma_wait3A_107] : memref<10240x32xf32, #tpu.memory_space<hbm>> -> memref<128x32xf32, #tpu.memory_space<hbm>>
    tpu.wait_dma2 semaphore(%arg19 : memref<!tpu.dma_semaphore, #tpu.memory_space<semaphore_mem>>) src(%dma_wait3A_108 : memref<128x32xf32, #tpu.memory_space<hbm>>) dst(%arg13 : memref<128x32xf32, #tpu.memory_space<vmem>>)
    %dma_start3A_109 = arith.constant 3 : i32
    %dma_start3A_110 = arith.constant 0 : i32
    %dma_start3A_111 = tpu.memref_slice %arg9[%dma_start3A_109, %dma_start3A_110] : memref<80x128xi32, #tpu.memory_space<vmem>> -> memref<1x128xi32, #tpu.memory_space<vmem>>
    %dma_start3A_112 = tpu.memref_squeeze %dma_start3A_111 : memref<1x128xi32, #tpu.memory_space<vmem>> -> memref<128xi32, #tpu.memory_space<vmem>>
    %dma_start3A_113 = arith.constant 0 : i32
    %dma_start3A_114 = arith.constant 0 : i32
    %dma_start3A_115 = tpu.memref_slice %arg15[%dma_start3A_113, %dma_start3A_114] : memref<10240x32xf32, #tpu.memory_space<vmem_shared>> -> memref<10240x32xf32, #tpu.memory_space<vmem_shared>>
    tpu.enqueue_indirect_dma source(%arg13 : memref<128x32xf32, #tpu.memory_space<vmem>>) target(%dma_start3A_115 : memref<10240x32xf32, #tpu.memory_space<vmem_shared>>) offsets(%dma_start3A_112 : memref<128xi32, #tpu.memory_space<vmem>>) semaphore(%arg23 : memref<!tpu.dma_semaphore, #tpu.memory_space<semaphore_mem>>) {add = true}
    %dma_wait3A_116 = arith.constant 0 : i32
    %dma_wait3A_117 = arith.constant 0 : i32
    %dma_wait3A_118 = tpu.memref_slice %arg2[%dma_wait3A_116, %dma_wait3A_117] : memref<10240x32xf32, #tpu.memory_space<hbm>> -> memref<128x32xf32, #tpu.memory_space<hbm>>
    %dma_wait3A_119 = arith.constant 0 : i32
    %dma_wait3A_120 = arith.constant 0 : i32
    %dma_wait3A_121 = tpu.memref_slice %arg2[%dma_wait3A_119, %dma_wait3A_120] : memref<10240x32xf32, #tpu.memory_space<hbm>> -> memref<128x32xf32, #tpu.memory_space<hbm>>
    tpu.wait_dma2 semaphore(%arg21 : memref<!tpu.dma_semaphore, #tpu.memory_space<semaphore_mem>>) src(%dma_wait3A_121 : memref<128x32xf32, #tpu.memory_space<hbm>>) dst(%arg11 : memref<128x32xf32, #tpu.memory_space<vmem>>)
    %dma_start3A_122 = arith.constant 5 : i32
    %dma_start3A_123 = arith.constant 0 : i32
    %dma_start3A_124 = tpu.memref_slice %arg8[%dma_start3A_122, %dma_start3A_123] : memref<80x128xi32, #tpu.memory_space<vmem>> -> memref<1x128xi32, #tpu.memory_space<vmem>>
    %dma_start3A_125 = tpu.memref_squeeze %dma_start3A_124 : memref<1x128xi32, #tpu.memory_space<vmem>> -> memref<128xi32, #tpu.memory_space<vmem>>
    %dma_start3A_126 = arith.constant 0 : i32
    %dma_start3A_127 = arith.constant 0 : i32
    %dma_start3A_128 = tpu.memref_slice %arg14[%dma_start3A_126, %dma_start3A_127] : memref<10240x32xf32, #tpu.memory_space<vmem_shared>> -> memref<10240x32xf32, #tpu.memory_space<vmem_shared>>
    tpu.enqueue_indirect_dma source(%dma_start3A_128 : memref<10240x32xf32, #tpu.memory_space<vmem_shared>>) target(%arg11 : memref<128x32xf32, #tpu.memory_space<vmem>>) offsets(%dma_start3A_125 : memref<128xi32, #tpu.memory_space<vmem>>) semaphore(%arg17 : memref<!tpu.dma_semaphore, #tpu.memory_space<semaphore_mem>>)
    %scan3A = arith.constant 0 : i32
    %scan3A_129 = arith.constant 1 : i32
    %scan3A_130 = arith.constant 18 : i32
    %scan3A_131 = arith.addi %scan3A_129, %scan3A_130 : i32
    %scan3A_132 = arith.constant 1 : i32
    scf.for %scan3A_240 = %scan3A_129 to %scan3A_131 step %scan3A_132  : i32 {
      %mul3A_241 = arith.constant 4 : i32
      %mul3A_242 = arith.muli %mul3A_241, %scan3A_240 : i32
      %dma_wait3A_243 = arith.constant 0 : i32
      %dma_wait3A_244 = arith.constant 0 : i32
      %dma_wait3A_245 = tpu.memref_slice %arg2[%dma_wait3A_243, %dma_wait3A_244] : memref<10240x32xf32, #tpu.memory_space<hbm>> -> memref<128x32xf32, #tpu.memory_space<hbm>>
      %dma_wait3A_246 = arith.constant 0 : i32
      %dma_wait3A_247 = arith.constant 0 : i32
      %dma_wait3A_248 = tpu.memref_slice %arg2[%dma_wait3A_246, %dma_wait3A_247] : memref<10240x32xf32, #tpu.memory_space<hbm>> -> memref<128x32xf32, #tpu.memory_space<hbm>>
      tpu.wait_dma2 semaphore(%arg16 : memref<!tpu.dma_semaphore, #tpu.memory_space<semaphore_mem>>) src(%dma_wait3A_248 : memref<128x32xf32, #tpu.memory_space<hbm>>) dst(%arg10 : memref<128x32xf32, #tpu.memory_space<vmem>>)
      %dma_start3A_249 = arith.constant 0 : i32
      %dma_start3A_250 = tpu.memref_slice %arg9[%mul3A_242, %dma_start3A_249] : memref<80x128xi32, #tpu.memory_space<vmem>> -> memref<1x128xi32, #tpu.memory_space<vmem>>
      %dma_start3A_251 = tpu.memref_squeeze %dma_start3A_250 : memref<1x128xi32, #tpu.memory_space<vmem>> -> memref<128xi32, #tpu.memory_space<vmem>>
      %dma_start3A_252 = arith.constant 0 : i32
      %dma_start3A_253 = arith.constant 0 : i32
      %dma_start3A_254 = tpu.memref_slice %arg15[%dma_start3A_252, %dma_start3A_253] : memref<10240x32xf32, #tpu.memory_space<vmem_shared>> -> memref<10240x32xf32, #tpu.memory_space<vmem_shared>>
      tpu.enqueue_indirect_dma source(%arg10 : memref<128x32xf32, #tpu.memory_space<vmem>>) target(%dma_start3A_254 : memref<10240x32xf32, #tpu.memory_space<vmem_shared>>) offsets(%dma_start3A_251 : memref<128xi32, #tpu.memory_space<vmem>>) semaphore(%arg20 : memref<!tpu.dma_semaphore, #tpu.memory_space<semaphore_mem>>) {add = true}
      %dma_wait3A_255 = arith.constant 0 : i32
      %dma_wait3A_256 = arith.constant 0 : i32
      %dma_wait3A_257 = tpu.memref_slice %arg2[%dma_wait3A_255, %dma_wait3A_256] : memref<10240x32xf32, #tpu.memory_space<hbm>> -> memref<128x32xf32, #tpu.memory_space<hbm>>
      %dma_wait3A_258 = arith.constant 0 : i32
      %dma_wait3A_259 = arith.constant 0 : i32
      %dma_wait3A_260 = tpu.memref_slice %arg2[%dma_wait3A_258, %dma_wait3A_259] : memref<10240x32xf32, #tpu.memory_space<hbm>> -> memref<128x32xf32, #tpu.memory_space<hbm>>
      tpu.wait_dma2 semaphore(%arg22 : memref<!tpu.dma_semaphore, #tpu.memory_space<semaphore_mem>>) src(%dma_wait3A_260 : memref<128x32xf32, #tpu.memory_space<hbm>>) dst(%arg12 : memref<128x32xf32, #tpu.memory_space<vmem>>)
      %add3A_261 = arith.constant 2 : i32
      %add3A_262 = arith.addi %mul3A_242, %add3A_261 : i32
      %dma_start3A_263 = arith.constant 0 : i32
      %dma_start3A_264 = tpu.memref_slice %arg8[%add3A_262, %dma_start3A_263] : memref<80x128xi32, #tpu.memory_space<vmem>> -> memref<1x128xi32, #tpu.memory_space<vmem>>
      %dma_start3A_265 = tpu.memref_squeeze %dma_start3A_264 : memref<1x128xi32, #tpu.memory_space<vmem>> -> memref<128xi32, #tpu.memory_space<vmem>>
      %dma_start3A_266 = arith.constant 0 : i32
      %dma_start3A_267 = arith.constant 0 : i32
      %dma_start3A_268 = tpu.memref_slice %arg14[%dma_start3A_266, %dma_start3A_267] : memref<10240x32xf32, #tpu.memory_space<vmem_shared>> -> memref<10240x32xf32, #tpu.memory_space<vmem_shared>>
      tpu.enqueue_indirect_dma source(%dma_start3A_268 : memref<10240x32xf32, #tpu.memory_space<vmem_shared>>) target(%arg12 : memref<128x32xf32, #tpu.memory_space<vmem>>) offsets(%dma_start3A_265 : memref<128xi32, #tpu.memory_space<vmem>>) semaphore(%arg18 : memref<!tpu.dma_semaphore, #tpu.memory_space<semaphore_mem>>)
      %add3A_269 = arith.constant 1 : i32
      %add3A_270 = arith.addi %mul3A_242, %add3A_269 : i32
      %dma_wait3A_271 = arith.constant 0 : i32
      %dma_wait3A_272 = arith.constant 0 : i32
      %dma_wait3A_273 = tpu.memref_slice %arg2[%dma_wait3A_271, %dma_wait3A_272] : memref<10240x32xf32, #tpu.memory_space<hbm>> -> memref<128x32xf32, #tpu.memory_space<hbm>>
      %dma_wait3A_274 = arith.constant 0 : i32
      %dma_wait3A_275 = arith.constant 0 : i32
      %dma_wait3A_276 = tpu.memref_slice %arg2[%dma_wait3A_274, %dma_wait3A_275] : memref<10240x32xf32, #tpu.memory_space<hbm>> -> memref<128x32xf32, #tpu.memory_space<hbm>>
      tpu.wait_dma2 semaphore(%arg17 : memref<!tpu.dma_semaphore, #tpu.memory_space<semaphore_mem>>) src(%dma_wait3A_276 : memref<128x32xf32, #tpu.memory_space<hbm>>) dst(%arg11 : memref<128x32xf32, #tpu.memory_space<vmem>>)
      %dma_start3A_277 = arith.constant 0 : i32
      %dma_start3A_278 = tpu.memref_slice %arg9[%add3A_270, %dma_start3A_277] : memref<80x128xi32, #tpu.memory_space<vmem>> -> memref<1x128xi32, #tpu.memory_space<vmem>>
      %dma_start3A_279 = tpu.memref_squeeze %dma_start3A_278 : memref<1x128xi32, #tpu.memory_space<vmem>> -> memref<128xi32, #tpu.memory_space<vmem>>
      %dma_start3A_280 = arith.constant 0 : i32
      %dma_start3A_281 = arith.constant 0 : i32
      %dma_start3A_282 = tpu.memref_slice %arg15[%dma_start3A_280, %dma_start3A_281] : memref<10240x32xf32, #tpu.memory_space<vmem_shared>> -> memref<10240x32xf32, #tpu.memory_space<vmem_shared>>
      tpu.enqueue_indirect_dma source(%arg11 : memref<128x32xf32, #tpu.memory_space<vmem>>) target(%dma_start3A_282 : memref<10240x32xf32, #tpu.memory_space<vmem_shared>>) offsets(%dma_start3A_279 : memref<128xi32, #tpu.memory_space<vmem>>) semaphore(%arg21 : memref<!tpu.dma_semaphore, #tpu.memory_space<semaphore_mem>>) {add = true}
      %dma_wait3A_283 = arith.constant 0 : i32
      %dma_wait3A_284 = arith.constant 0 : i32
      %dma_wait3A_285 = tpu.memref_slice %arg2[%dma_wait3A_283, %dma_wait3A_284] : memref<10240x32xf32, #tpu.memory_space<hbm>> -> memref<128x32xf32, #tpu.memory_space<hbm>>
      %dma_wait3A_286 = arith.constant 0 : i32
      %dma_wait3A_287 = arith.constant 0 : i32
      %dma_wait3A_288 = tpu.memref_slice %arg2[%dma_wait3A_286, %dma_wait3A_287] : memref<10240x32xf32, #tpu.memory_space<hbm>> -> memref<128x32xf32, #tpu.memory_space<hbm>>
      tpu.wait_dma2 semaphore(%arg23 : memref<!tpu.dma_semaphore, #tpu.memory_space<semaphore_mem>>) src(%dma_wait3A_288 : memref<128x32xf32, #tpu.memory_space<hbm>>) dst(%arg13 : memref<128x32xf32, #tpu.memory_space<vmem>>)
      %add3A_289 = arith.constant 2 : i32
      %add3A_290 = arith.addi %add3A_270, %add3A_289 : i32
      %dma_start3A_291 = arith.constant 0 : i32
      %dma_start3A_292 = tpu.memref_slice %arg8[%add3A_290, %dma_start3A_291] : memref<80x128xi32, #tpu.memory_space<vmem>> -> memref<1x128xi32, #tpu.memory_space<vmem>>
      %dma_start3A_293 = tpu.memref_squeeze %dma_start3A_292 : memref<1x128xi32, #tpu.memory_space<vmem>> -> memref<128xi32, #tpu.memory_space<vmem>>
      %dma_start3A_294 = arith.constant 0 : i32
      %dma_start3A_295 = arith.constant 0 : i32
      %dma_start3A_296 = tpu.memref_slice %arg14[%dma_start3A_294, %dma_start3A_295] : memref<10240x32xf32, #tpu.memory_space<vmem_shared>> -> memref<10240x32xf32, #tpu.memory_space<vmem_shared>>
      tpu.enqueue_indirect_dma source(%dma_start3A_296 : memref<10240x32xf32, #tpu.memory_space<vmem_shared>>) target(%arg13 : memref<128x32xf32, #tpu.memory_space<vmem>>) offsets(%dma_start3A_293 : memref<128xi32, #tpu.memory_space<vmem>>) semaphore(%arg19 : memref<!tpu.dma_semaphore, #tpu.memory_space<semaphore_mem>>)
      %add3A_297 = arith.constant 2 : i32
      %add3A_298 = arith.addi %mul3A_242, %add3A_297 : i32
      %dma_wait3A_299 = arith.constant 0 : i32
      %dma_wait3A_300 = arith.constant 0 : i32
      %dma_wait3A_301 = tpu.memref_slice %arg2[%dma_wait3A_299, %dma_wait3A_300] : memref<10240x32xf32, #tpu.memory_space<hbm>> -> memref<128x32xf32, #tpu.memory_space<hbm>>
      %dma_wait3A_302 = arith.constant 0 : i32
      %dma_wait3A_303 = arith.constant 0 : i32
      %dma_wait3A_304 = tpu.memref_slice %arg2[%dma_wait3A_302, %dma_wait3A_303] : memref<10240x32xf32, #tpu.memory_space<hbm>> -> memref<128x32xf32, #tpu.memory_space<hbm>>
      tpu.wait_dma2 semaphore(%arg18 : memref<!tpu.dma_semaphore, #tpu.memory_space<semaphore_mem>>) src(%dma_wait3A_304 : memref<128x32xf32, #tpu.memory_space<hbm>>) dst(%arg12 : memref<128x32xf32, #tpu.memory_space<vmem>>)
      %dma_start3A_305 = arith.constant 0 : i32
      %dma_start3A_306 = tpu.memref_slice %arg9[%add3A_298, %dma_start3A_305] : memref<80x128xi32, #tpu.memory_space<vmem>> -> memref<1x128xi32, #tpu.memory_space<vmem>>
      %dma_start3A_307 = tpu.memref_squeeze %dma_start3A_306 : memref<1x128xi32, #tpu.memory_space<vmem>> -> memref<128xi32, #tpu.memory_space<vmem>>
      %dma_start3A_308 = arith.constant 0 : i32
      %dma_start3A_309 = arith.constant 0 : i32
      %dma_start3A_310 = tpu.memref_slice %arg15[%dma_start3A_308, %dma_start3A_309] : memref<10240x32xf32, #tpu.memory_space<vmem_shared>> -> memref<10240x32xf32, #tpu.memory_space<vmem_shared>>
      tpu.enqueue_indirect_dma source(%arg12 : memref<128x32xf32, #tpu.memory_space<vmem>>) target(%dma_start3A_310 : memref<10240x32xf32, #tpu.memory_space<vmem_shared>>) offsets(%dma_start3A_307 : memref<128xi32, #tpu.memory_space<vmem>>) semaphore(%arg22 : memref<!tpu.dma_semaphore, #tpu.memory_space<semaphore_mem>>) {add = true}
      %dma_wait3A_311 = arith.constant 0 : i32
      %dma_wait3A_312 = arith.constant 0 : i32
      %dma_wait3A_313 = tpu.memref_slice %arg2[%dma_wait3A_311, %dma_wait3A_312] : memref<10240x32xf32, #tpu.memory_space<hbm>> -> memref<128x32xf32, #tpu.memory_space<hbm>>
      %dma_wait3A_314 = arith.constant 0 : i32
      %dma_wait3A_315 = arith.constant 0 : i32
      %dma_wait3A_316 = tpu.memref_slice %arg2[%dma_wait3A_314, %dma_wait3A_315] : memref<10240x32xf32, #tpu.memory_space<hbm>> -> memref<128x32xf32, #tpu.memory_space<hbm>>
      tpu.wait_dma2 semaphore(%arg20 : memref<!tpu.dma_semaphore, #tpu.memory_space<semaphore_mem>>) src(%dma_wait3A_316 : memref<128x32xf32, #tpu.memory_space<hbm>>) dst(%arg10 : memref<128x32xf32, #tpu.memory_space<vmem>>)
      %add3A_317 = arith.constant 2 : i32
      %add3A_318 = arith.addi %add3A_298, %add3A_317 : i32
      %dma_start3A_319 = arith.constant 0 : i32
      %dma_start3A_320 = tpu.memref_slice %arg8[%add3A_318, %dma_start3A_319] : memref<80x128xi32, #tpu.memory_space<vmem>> -> memref<1x128xi32, #tpu.memory_space<vmem>>
      %dma_start3A_321 = tpu.memref_squeeze %dma_start3A_320 : memref<1x128xi32, #tpu.memory_space<vmem>> -> memref<128xi32, #tpu.memory_space<vmem>>
      %dma_start3A_322 = arith.constant 0 : i32
      %dma_start3A_323 = arith.constant 0 : i32
      %dma_start3A_324 = tpu.memref_slice %arg14[%dma_start3A_322, %dma_start3A_323] : memref<10240x32xf32, #tpu.memory_space<vmem_shared>> -> memref<10240x32xf32, #tpu.memory_space<vmem_shared>>
      tpu.enqueue_indirect_dma source(%dma_start3A_324 : memref<10240x32xf32, #tpu.memory_space<vmem_shared>>) target(%arg10 : memref<128x32xf32, #tpu.memory_space<vmem>>) offsets(%dma_start3A_321 : memref<128xi32, #tpu.memory_space<vmem>>) semaphore(%arg16 : memref<!tpu.dma_semaphore, #tpu.memory_space<semaphore_mem>>)
      %add3A_325 = arith.constant 3 : i32
      %add3A_326 = arith.addi %mul3A_242, %add3A_325 : i32
      %dma_wait3A_327 = arith.constant 0 : i32
      %dma_wait3A_328 = arith.constant 0 : i32
      %dma_wait3A_329 = tpu.memref_slice %arg2[%dma_wait3A_327, %dma_wait3A_328] : memref<10240x32xf32, #tpu.memory_space<hbm>> -> memref<128x32xf32, #tpu.memory_space<hbm>>
      %dma_wait3A_330 = arith.constant 0 : i32
      %dma_wait3A_331 = arith.constant 0 : i32
      %dma_wait3A_332 = tpu.memref_slice %arg2[%dma_wait3A_330, %dma_wait3A_331] : memref<10240x32xf32, #tpu.memory_space<hbm>> -> memref<128x32xf32, #tpu.memory_space<hbm>>
      tpu.wait_dma2 semaphore(%arg19 : memref<!tpu.dma_semaphore, #tpu.memory_space<semaphore_mem>>) src(%dma_wait3A_332 : memref<128x32xf32, #tpu.memory_space<hbm>>) dst(%arg13 : memref<128x32xf32, #tpu.memory_space<vmem>>)
      %dma_start3A_333 = arith.constant 0 : i32
      %dma_start3A_334 = tpu.memref_slice %arg9[%add3A_326, %dma_start3A_333] : memref<80x128xi32, #tpu.memory_space<vmem>> -> memref<1x128xi32, #tpu.memory_space<vmem>>
      %dma_start3A_335 = tpu.memref_squeeze %dma_start3A_334 : memref<1x128xi32, #tpu.memory_space<vmem>> -> memref<128xi32, #tpu.memory_space<vmem>>
      %dma_start3A_336 = arith.constant 0 : i32
      %dma_start3A_337 = arith.constant 0 : i32
      %dma_start3A_338 = tpu.memref_slice %arg15[%dma_start3A_336, %dma_start3A_337] : memref<10240x32xf32, #tpu.memory_space<vmem_shared>> -> memref<10240x32xf32, #tpu.memory_space<vmem_shared>>
      tpu.enqueue_indirect_dma source(%arg13 : memref<128x32xf32, #tpu.memory_space<vmem>>) target(%dma_start3A_338 : memref<10240x32xf32, #tpu.memory_space<vmem_shared>>) offsets(%dma_start3A_335 : memref<128xi32, #tpu.memory_space<vmem>>) semaphore(%arg23 : memref<!tpu.dma_semaphore, #tpu.memory_space<semaphore_mem>>) {add = true}
      %dma_wait3A_339 = arith.constant 0 : i32
      %dma_wait3A_340 = arith.constant 0 : i32
      %dma_wait3A_341 = tpu.memref_slice %arg2[%dma_wait3A_339, %dma_wait3A_340] : memref<10240x32xf32, #tpu.memory_space<hbm>> -> memref<128x32xf32, #tpu.memory_space<hbm>>
      %dma_wait3A_342 = arith.constant 0 : i32
      %dma_wait3A_343 = arith.constant 0 : i32
      %dma_wait3A_344 = tpu.memref_slice %arg2[%dma_wait3A_342, %dma_wait3A_343] : memref<10240x32xf32, #tpu.memory_space<hbm>> -> memref<128x32xf32, #tpu.memory_space<hbm>>
      tpu.wait_dma2 semaphore(%arg21 : memref<!tpu.dma_semaphore, #tpu.memory_space<semaphore_mem>>) src(%dma_wait3A_344 : memref<128x32xf32, #tpu.memory_space<hbm>>) dst(%arg11 : memref<128x32xf32, #tpu.memory_space<vmem>>)
      %add3A_345 = arith.constant 2 : i32
      %add3A_346 = arith.addi %add3A_326, %add3A_345 : i32
      %dma_start3A_347 = arith.constant 0 : i32
      %dma_start3A_348 = tpu.memref_slice %arg8[%add3A_346, %dma_start3A_347] : memref<80x128xi32, #tpu.memory_space<vmem>> -> memref<1x128xi32, #tpu.memory_space<vmem>>
      %dma_start3A_349 = tpu.memref_squeeze %dma_start3A_348 : memref<1x128xi32, #tpu.memory_space<vmem>> -> memref<128xi32, #tpu.memory_space<vmem>>
      %dma_start3A_350 = arith.constant 0 : i32
      %dma_start3A_351 = arith.constant 0 : i32
      %dma_start3A_352 = tpu.memref_slice %arg14[%dma_start3A_350, %dma_start3A_351] : memref<10240x32xf32, #tpu.memory_space<vmem_shared>> -> memref<10240x32xf32, #tpu.memory_space<vmem_shared>>
      tpu.enqueue_indirect_dma source(%dma_start3A_352 : memref<10240x32xf32, #tpu.memory_space<vmem_shared>>) target(%arg11 : memref<128x32xf32, #tpu.memory_space<vmem>>) offsets(%dma_start3A_349 : memref<128xi32, #tpu.memory_space<vmem>>) semaphore(%arg17 : memref<!tpu.dma_semaphore, #tpu.memory_space<semaphore_mem>>)
    }
    %scan3A_133 = arith.constant 18 : i32
    %dma_wait3A_134 = arith.constant 0 : i32
    %dma_wait3A_135 = arith.constant 0 : i32
    %dma_wait3A_136 = tpu.memref_slice %arg2[%dma_wait3A_134, %dma_wait3A_135] : memref<10240x32xf32, #tpu.memory_space<hbm>> -> memref<128x32xf32, #tpu.memory_space<hbm>>
    %dma_wait3A_137 = arith.constant 0 : i32
    %dma_wait3A_138 = arith.constant 0 : i32
    %dma_wait3A_139 = tpu.memref_slice %arg2[%dma_wait3A_137, %dma_wait3A_138] : memref<10240x32xf32, #tpu.memory_space<hbm>> -> memref<128x32xf32, #tpu.memory_space<hbm>>
    tpu.wait_dma2 semaphore(%arg16 : memref<!tpu.dma_semaphore, #tpu.memory_space<semaphore_mem>>) src(%dma_wait3A_139 : memref<128x32xf32, #tpu.memory_space<hbm>>) dst(%arg10 : memref<128x32xf32, #tpu.memory_space<vmem>>)
    %dma_start3A_140 = arith.constant 76 : i32
    %dma_start3A_141 = arith.constant 0 : i32
    %dma_start3A_142 = tpu.memref_slice %arg9[%dma_start3A_140, %dma_start3A_141] : memref<80x128xi32, #tpu.memory_space<vmem>> -> memref<1x128xi32, #tpu.memory_space<vmem>>
    %dma_start3A_143 = tpu.memref_squeeze %dma_start3A_142 : memref<1x128xi32, #tpu.memory_space<vmem>> -> memref<128xi32, #tpu.memory_space<vmem>>
    %dma_start3A_144 = arith.constant 0 : i32
    %dma_start3A_145 = arith.constant 0 : i32
    %dma_start3A_146 = tpu.memref_slice %arg15[%dma_start3A_144, %dma_start3A_145] : memref<10240x32xf32, #tpu.memory_space<vmem_shared>> -> memref<10240x32xf32, #tpu.memory_space<vmem_shared>>
    tpu.enqueue_indirect_dma source(%arg10 : memref<128x32xf32, #tpu.memory_space<vmem>>) target(%dma_start3A_146 : memref<10240x32xf32, #tpu.memory_space<vmem_shared>>) offsets(%dma_start3A_143 : memref<128xi32, #tpu.memory_space<vmem>>) semaphore(%arg20 : memref<!tpu.dma_semaphore, #tpu.memory_space<semaphore_mem>>) {add = true}
    %dma_wait3A_147 = arith.constant 0 : i32
    %dma_wait3A_148 = arith.constant 0 : i32
    %dma_wait3A_149 = tpu.memref_slice %arg2[%dma_wait3A_147, %dma_wait3A_148] : memref<10240x32xf32, #tpu.memory_space<hbm>> -> memref<128x32xf32, #tpu.memory_space<hbm>>
    %dma_wait3A_150 = arith.constant 0 : i32
    %dma_wait3A_151 = arith.constant 0 : i32
    %dma_wait3A_152 = tpu.memref_slice %arg2[%dma_wait3A_150, %dma_wait3A_151] : memref<10240x32xf32, #tpu.memory_space<hbm>> -> memref<128x32xf32, #tpu.memory_space<hbm>>
    tpu.wait_dma2 semaphore(%arg22 : memref<!tpu.dma_semaphore, #tpu.memory_space<semaphore_mem>>) src(%dma_wait3A_152 : memref<128x32xf32, #tpu.memory_space<hbm>>) dst(%arg12 : memref<128x32xf32, #tpu.memory_space<vmem>>)
    %dma_start3A_153 = arith.constant 78 : i32
    %dma_start3A_154 = arith.constant 0 : i32
    %dma_start3A_155 = tpu.memref_slice %arg8[%dma_start3A_153, %dma_start3A_154] : memref<80x128xi32, #tpu.memory_space<vmem>> -> memref<1x128xi32, #tpu.memory_space<vmem>>
    %dma_start3A_156 = tpu.memref_squeeze %dma_start3A_155 : memref<1x128xi32, #tpu.memory_space<vmem>> -> memref<128xi32, #tpu.memory_space<vmem>>
    %dma_start3A_157 = arith.constant 0 : i32
    %dma_start3A_158 = arith.constant 0 : i32
    %dma_start3A_159 = tpu.memref_slice %arg14[%dma_start3A_157, %dma_start3A_158] : memref<10240x32xf32, #tpu.memory_space<vmem_shared>> -> memref<10240x32xf32, #tpu.memory_space<vmem_shared>>
    tpu.enqueue_indirect_dma source(%dma_start3A_159 : memref<10240x32xf32, #tpu.memory_space<vmem_shared>>) target(%arg12 : memref<128x32xf32, #tpu.memory_space<vmem>>) offsets(%dma_start3A_156 : memref<128xi32, #tpu.memory_space<vmem>>) semaphore(%arg18 : memref<!tpu.dma_semaphore, #tpu.memory_space<semaphore_mem>>)
    %dma_wait3A_160 = arith.constant 0 : i32
    %dma_wait3A_161 = arith.constant 0 : i32
    %dma_wait3A_162 = tpu.memref_slice %arg2[%dma_wait3A_160, %dma_wait3A_161] : memref<10240x32xf32, #tpu.memory_space<hbm>> -> memref<128x32xf32, #tpu.memory_space<hbm>>
    %dma_wait3A_163 = arith.constant 0 : i32
    %dma_wait3A_164 = arith.constant 0 : i32
    %dma_wait3A_165 = tpu.memref_slice %arg2[%dma_wait3A_163, %dma_wait3A_164] : memref<10240x32xf32, #tpu.memory_space<hbm>> -> memref<128x32xf32, #tpu.memory_space<hbm>>
    tpu.wait_dma2 semaphore(%arg17 : memref<!tpu.dma_semaphore, #tpu.memory_space<semaphore_mem>>) src(%dma_wait3A_165 : memref<128x32xf32, #tpu.memory_space<hbm>>) dst(%arg11 : memref<128x32xf32, #tpu.memory_space<vmem>>)
    %dma_start3A_166 = arith.constant 77 : i32
    %dma_start3A_167 = arith.constant 0 : i32
    %dma_start3A_168 = tpu.memref_slice %arg9[%dma_start3A_166, %dma_start3A_167] : memref<80x128xi32, #tpu.memory_space<vmem>> -> memref<1x128xi32, #tpu.memory_space<vmem>>
    %dma_start3A_169 = tpu.memref_squeeze %dma_start3A_168 : memref<1x128xi32, #tpu.memory_space<vmem>> -> memref<128xi32, #tpu.memory_space<vmem>>
    %dma_start3A_170 = arith.constant 0 : i32
    %dma_start3A_171 = arith.constant 0 : i32
    %dma_start3A_172 = tpu.memref_slice %arg15[%dma_start3A_170, %dma_start3A_171] : memref<10240x32xf32, #tpu.memory_space<vmem_shared>> -> memref<10240x32xf32, #tpu.memory_space<vmem_shared>>
    tpu.enqueue_indirect_dma source(%arg11 : memref<128x32xf32, #tpu.memory_space<vmem>>) target(%dma_start3A_172 : memref<10240x32xf32, #tpu.memory_space<vmem_shared>>) offsets(%dma_start3A_169 : memref<128xi32, #tpu.memory_space<vmem>>) semaphore(%arg21 : memref<!tpu.dma_semaphore, #tpu.memory_space<semaphore_mem>>) {add = true}
    %dma_wait3A_173 = arith.constant 0 : i32
    %dma_wait3A_174 = arith.constant 0 : i32
    %dma_wait3A_175 = tpu.memref_slice %arg2[%dma_wait3A_173, %dma_wait3A_174] : memref<10240x32xf32, #tpu.memory_space<hbm>> -> memref<128x32xf32, #tpu.memory_space<hbm>>
    %dma_wait3A_176 = arith.constant 0 : i32
    %dma_wait3A_177 = arith.constant 0 : i32
    %dma_wait3A_178 = tpu.memref_slice %arg2[%dma_wait3A_176, %dma_wait3A_177] : memref<10240x32xf32, #tpu.memory_space<hbm>> -> memref<128x32xf32, #tpu.memory_space<hbm>>
    tpu.wait_dma2 semaphore(%arg23 : memref<!tpu.dma_semaphore, #tpu.memory_space<semaphore_mem>>) src(%dma_wait3A_178 : memref<128x32xf32, #tpu.memory_space<hbm>>) dst(%arg13 : memref<128x32xf32, #tpu.memory_space<vmem>>)
    %dma_start3A_179 = arith.constant 79 : i32
    %dma_start3A_180 = arith.constant 0 : i32
    %dma_start3A_181 = tpu.memref_slice %arg8[%dma_start3A_179, %dma_start3A_180] : memref<80x128xi32, #tpu.memory_space<vmem>> -> memref<1x128xi32, #tpu.memory_space<vmem>>
    %dma_start3A_182 = tpu.memref_squeeze %dma_start3A_181 : memref<1x128xi32, #tpu.memory_space<vmem>> -> memref<128xi32, #tpu.memory_space<vmem>>
    %dma_start3A_183 = arith.constant 0 : i32
    %dma_start3A_184 = arith.constant 0 : i32
    %dma_start3A_185 = tpu.memref_slice %arg14[%dma_start3A_183, %dma_start3A_184] : memref<10240x32xf32, #tpu.memory_space<vmem_shared>> -> memref<10240x32xf32, #tpu.memory_space<vmem_shared>>
    tpu.enqueue_indirect_dma source(%dma_start3A_185 : memref<10240x32xf32, #tpu.memory_space<vmem_shared>>) target(%arg13 : memref<128x32xf32, #tpu.memory_space<vmem>>) offsets(%dma_start3A_182 : memref<128xi32, #tpu.memory_space<vmem>>) semaphore(%arg19 : memref<!tpu.dma_semaphore, #tpu.memory_space<semaphore_mem>>)
    %dma_wait3A_186 = arith.constant 0 : i32
    %dma_wait3A_187 = arith.constant 0 : i32
    %dma_wait3A_188 = tpu.memref_slice %arg2[%dma_wait3A_186, %dma_wait3A_187] : memref<10240x32xf32, #tpu.memory_space<hbm>> -> memref<128x32xf32, #tpu.memory_space<hbm>>
    %dma_wait3A_189 = arith.constant 0 : i32
    %dma_wait3A_190 = arith.constant 0 : i32
    %dma_wait3A_191 = tpu.memref_slice %arg2[%dma_wait3A_189, %dma_wait3A_190] : memref<10240x32xf32, #tpu.memory_space<hbm>> -> memref<128x32xf32, #tpu.memory_space<hbm>>
    tpu.wait_dma2 semaphore(%arg18 : memref<!tpu.dma_semaphore, #tpu.memory_space<semaphore_mem>>) src(%dma_wait3A_191 : memref<128x32xf32, #tpu.memory_space<hbm>>) dst(%arg12 : memref<128x32xf32, #tpu.memory_space<vmem>>)
    %dma_start3A_192 = arith.constant 78 : i32
    %dma_start3A_193 = arith.constant 0 : i32
    %dma_start3A_194 = tpu.memref_slice %arg9[%dma_start3A_192, %dma_start3A_193] : memref<80x128xi32, #tpu.memory_space<vmem>> -> memref<1x128xi32, #tpu.memory_space<vmem>>
    %dma_start3A_195 = tpu.memref_squeeze %dma_start3A_194 : memref<1x128xi32, #tpu.memory_space<vmem>> -> memref<128xi32, #tpu.memory_space<vmem>>
    %dma_start3A_196 = arith.constant 0 : i32
    %dma_start3A_197 = arith.constant 0 : i32
    %dma_start3A_198 = tpu.memref_slice %arg15[%dma_start3A_196, %dma_start3A_197] : memref<10240x32xf32, #tpu.memory_space<vmem_shared>> -> memref<10240x32xf32, #tpu.memory_space<vmem_shared>>
    tpu.enqueue_indirect_dma source(%arg12 : memref<128x32xf32, #tpu.memory_space<vmem>>) target(%dma_start3A_198 : memref<10240x32xf32, #tpu.memory_space<vmem_shared>>) offsets(%dma_start3A_195 : memref<128xi32, #tpu.memory_space<vmem>>) semaphore(%arg22 : memref<!tpu.dma_semaphore, #tpu.memory_space<semaphore_mem>>) {add = true}
    %dma_wait3A_199 = arith.constant 0 : i32
    %dma_wait3A_200 = arith.constant 0 : i32
    %dma_wait3A_201 = tpu.memref_slice %arg2[%dma_wait3A_199, %dma_wait3A_200] : memref<10240x32xf32, #tpu.memory_space<hbm>> -> memref<128x32xf32, #tpu.memory_space<hbm>>
    %dma_wait3A_202 = arith.constant 0 : i32
    %dma_wait3A_203 = arith.constant 0 : i32
    %dma_wait3A_204 = tpu.memref_slice %arg2[%dma_wait3A_202, %dma_wait3A_203] : memref<10240x32xf32, #tpu.memory_space<hbm>> -> memref<128x32xf32, #tpu.memory_space<hbm>>
    tpu.wait_dma2 semaphore(%arg19 : memref<!tpu.dma_semaphore, #tpu.memory_space<semaphore_mem>>) src(%dma_wait3A_204 : memref<128x32xf32, #tpu.memory_space<hbm>>) dst(%arg13 : memref<128x32xf32, #tpu.memory_space<vmem>>)
    %dma_start3A_205 = arith.constant 79 : i32
    %dma_start3A_206 = arith.constant 0 : i32
    %dma_start3A_207 = tpu.memref_slice %arg9[%dma_start3A_205, %dma_start3A_206] : memref<80x128xi32, #tpu.memory_space<vmem>> -> memref<1x128xi32, #tpu.memory_space<vmem>>
    %dma_start3A_208 = tpu.memref_squeeze %dma_start3A_207 : memref<1x128xi32, #tpu.memory_space<vmem>> -> memref<128xi32, #tpu.memory_space<vmem>>
    %dma_start3A_209 = arith.constant 0 : i32
    %dma_start3A_210 = arith.constant 0 : i32
    %dma_start3A_211 = tpu.memref_slice %arg15[%dma_start3A_209, %dma_start3A_210] : memref<10240x32xf32, #tpu.memory_space<vmem_shared>> -> memref<10240x32xf32, #tpu.memory_space<vmem_shared>>
    tpu.enqueue_indirect_dma source(%arg13 : memref<128x32xf32, #tpu.memory_space<vmem>>) target(%dma_start3A_211 : memref<10240x32xf32, #tpu.memory_space<vmem_shared>>) offsets(%dma_start3A_208 : memref<128xi32, #tpu.memory_space<vmem>>) semaphore(%arg23 : memref<!tpu.dma_semaphore, #tpu.memory_space<semaphore_mem>>) {add = true}
    %dma_wait3A_212 = arith.constant 0 : i32
    %dma_wait3A_213 = arith.constant 0 : i32
    %dma_wait3A_214 = tpu.memref_slice %arg2[%dma_wait3A_212, %dma_wait3A_213] : memref<10240x32xf32, #tpu.memory_space<hbm>> -> memref<128x32xf32, #tpu.memory_space<hbm>>
    %dma_wait3A_215 = arith.constant 0 : i32
    %dma_wait3A_216 = arith.constant 0 : i32
    %dma_wait3A_217 = tpu.memref_slice %arg2[%dma_wait3A_215, %dma_wait3A_216] : memref<10240x32xf32, #tpu.memory_space<hbm>> -> memref<128x32xf32, #tpu.memory_space<hbm>>
    tpu.wait_dma2 semaphore(%arg20 : memref<!tpu.dma_semaphore, #tpu.memory_space<semaphore_mem>>) src(%dma_wait3A_217 : memref<128x32xf32, #tpu.memory_space<hbm>>) dst(%arg10 : memref<128x32xf32, #tpu.memory_space<vmem>>)
    %dma_wait3A_218 = arith.constant 0 : i32
    %dma_wait3A_219 = arith.constant 0 : i32
    %dma_wait3A_220 = tpu.memref_slice %arg2[%dma_wait3A_218, %dma_wait3A_219] : memref<10240x32xf32, #tpu.memory_space<hbm>> -> memref<128x32xf32, #tpu.memory_space<hbm>>
    %dma_wait3A_221 = arith.constant 0 : i32
    %dma_wait3A_222 = arith.constant 0 : i32
    %dma_wait3A_223 = tpu.memref_slice %arg2[%dma_wait3A_221, %dma_wait3A_222] : memref<10240x32xf32, #tpu.memory_space<hbm>> -> memref<128x32xf32, #tpu.memory_space<hbm>>
    tpu.wait_dma2 semaphore(%arg21 : memref<!tpu.dma_semaphore, #tpu.memory_space<semaphore_mem>>) src(%dma_wait3A_223 : memref<128x32xf32, #tpu.memory_space<hbm>>) dst(%arg11 : memref<128x32xf32, #tpu.memory_space<vmem>>)
    %dma_wait3A_224 = arith.constant 0 : i32
    %dma_wait3A_225 = arith.constant 0 : i32
    %dma_wait3A_226 = tpu.memref_slice %arg2[%dma_wait3A_224, %dma_wait3A_225] : memref<10240x32xf32, #tpu.memory_space<hbm>> -> memref<128x32xf32, #tpu.memory_space<hbm>>
    %dma_wait3A_227 = arith.constant 0 : i32
    %dma_wait3A_228 = arith.constant 0 : i32
    %dma_wait3A_229 = tpu.memref_slice %arg2[%dma_wait3A_227, %dma_wait3A_228] : memref<10240x32xf32, #tpu.memory_space<hbm>> -> memref<128x32xf32, #tpu.memory_space<hbm>>
    tpu.wait_dma2 semaphore(%arg22 : memref<!tpu.dma_semaphore, #tpu.memory_space<semaphore_mem>>) src(%dma_wait3A_229 : memref<128x32xf32, #tpu.memory_space<hbm>>) dst(%arg12 : memref<128x32xf32, #tpu.memory_space<vmem>>)
    %dma_wait3A_230 = arith.constant 0 : i32
    %dma_wait3A_231 = arith.constant 0 : i32
    %dma_wait3A_232 = tpu.memref_slice %arg2[%dma_wait3A_230, %dma_wait3A_231] : memref<10240x32xf32, #tpu.memory_space<hbm>> -> memref<128x32xf32, #tpu.memory_space<hbm>>
    %dma_wait3A_233 = arith.constant 0 : i32
    %dma_wait3A_234 = arith.constant 0 : i32
    %dma_wait3A_235 = tpu.memref_slice %arg2[%dma_wait3A_233, %dma_wait3A_234] : memref<10240x32xf32, #tpu.memory_space<hbm>> -> memref<128x32xf32, #tpu.memory_space<hbm>>
    tpu.wait_dma2 semaphore(%arg23 : memref<!tpu.dma_semaphore, #tpu.memory_space<semaphore_mem>>) src(%dma_wait3A_235 : memref<128x32xf32, #tpu.memory_space<hbm>>) dst(%arg13 : memref<128x32xf32, #tpu.memory_space<vmem>>)
    %barrier3A_236 = arith.constant 0 : index
    tpu.barrier barrier_id(%barrier3A_236)
    %mul3A_237 = arith.constant 10240 : i32
    %mul3A_238 = arith.muli %arg0, %mul3A_237 : i32
    %add3A_239 = arith.addi %mul3A_238, %mul3A_2 : i32
    "tpu.region"() ({
      %run_scoped3A = tpu.sem_alloc : memref<!tpu.dma_semaphore, #tpu.memory_space<semaphore_mem>>
      %dma_start3A_240 = arith.constant 0 : i32
      %dma_start3A_241 = tpu.memref_slice %arg7[%add3A_239, %dma_start3A_240] : memref<20480x32xf32, #tpu.memory_space<hbm>> -> memref<640x32xf32, #tpu.memory_space<hbm>>
      %dma_start3A_242 = arith.constant 0 : i32
      %dma_start3A_243 = tpu.memref_slice %arg15[%mul3A_2, %dma_start3A_242] : memref<10240x32xf32, #tpu.memory_space<vmem_shared>> -> memref<640x32xf32, #tpu.memory_space<vmem_shared>>
      tpu.enqueue_dma source(%dma_start3A_243 : memref<640x32xf32, #tpu.memory_space<vmem_shared>>) target(%dma_start3A_241 : memref<640x32xf32, #tpu.memory_space<hbm>>) target_semaphore(%run_scoped3A : memref<!tpu.dma_semaphore, #tpu.memory_space<semaphore_mem>>)
      %dma_wait3A_244 = arith.constant 0 : i32
      %dma_wait3A_245 = tpu.memref_slice %arg7[%add3A_239, %dma_wait3A_244] : memref<20480x32xf32, #tpu.memory_space<hbm>> -> memref<640x32xf32, #tpu.memory_space<hbm>>
      %dma_wait3A_246 = arith.constant 0 : i32
      %dma_wait3A_247 = tpu.memref_slice %arg15[%mul3A_2, %dma_wait3A_246] : memref<10240x32xf32, #tpu.memory_space<vmem_shared>> -> memref<640x32xf32, #tpu.memory_space<vmem_shared>>
      tpu.wait_dma2 semaphore(%run_scoped3A : memref<!tpu.dma_semaphore, #tpu.memory_space<semaphore_mem>>) src(%dma_wait3A_247 : memref<640x32xf32, #tpu.memory_space<vmem_shared>>) dst(%dma_wait3A_245 : memref<640x32xf32, #tpu.memory_space<hbm>>)
      tpu.yield
    }) : () -> ()
    return
  }
}

module attributes {stable_mosaic.version = 14 : i64} {
  func.func @_proj_body(%arg0: memref<2500x512xf32, #tpu.memory_space<vmem>>, %arg1: memref<512x128xf32, #tpu.memory_space<vmem>>, %arg2: memref<2560x128xf32, #tpu.memory_space<vmem>>) attributes {dimension_semantics = [], scalar_prefetch = 0 : i64, scratch_operands = 0 : i64, tpu.core_type = #tpu.core_type<tc>} {
    %get3A = arith.constant 0 : index
    %get3A_0 = arith.constant 0 : index
    %get3A_1 = vector.load %arg0[%get3A, %get3A_0] : memref<2500x512xf32, #tpu.memory_space<vmem>>, vector<2500x512xf32>
    %get3A_2 = arith.constant 0 : index
    %get3A_3 = arith.constant 0 : index
    %get3A_4 = vector.load %arg1[%get3A_2, %get3A_3] : memref<512x128xf32, #tpu.memory_space<vmem>>, vector<512x128xf32>
    %dot_general3A = arith.constant dense<0.000000e+00> : vector<2500x128xf32>
    %dot_general3A_5 = tpu.matmul %get3A_1, %get3A_4, %dot_general3A {dimension_numbers = #tpu.dot_dimension_numbers<[1], [0], [0], [1], [0, 0, 1, 1], [], []>, transpose_lhs_hint = false} : vector<2500x512xf32>, vector<512x128xf32>, vector<2500x128xf32> -> vector<2500x128xf32>
    %swap3A = arith.constant 0 : index
    %swap3A_6 = arith.constant 0 : index
    %swap3A_7 = vector.load %arg2[%swap3A, %swap3A_6] : memref<2560x128xf32, #tpu.memory_space<vmem>>, vector<2500x128xf32>
    tpu.vector_store %arg2[%swap3A, %swap3A_6], %dot_general3A_5 {strides = array<i32>} : memref<2560x128xf32, #tpu.memory_space<vmem>>, vector<2500x128xf32>,
    %broadcast_in_dim3A = arith.constant 0.000000e+00 : f32
    %broadcast_in_dim3A_8 = vector.broadcast %broadcast_in_dim3A : f32 to vector<60x128xf32>
    %swap3A_9 = arith.constant 2500 : index
    %swap3A_10 = arith.constant 0 : index
    %swap3A_11 = vector.load %arg2[%swap3A_9, %swap3A_10] : memref<2560x128xf32, #tpu.memory_space<vmem>>, vector<60x128xf32>
    tpu.vector_store %arg2[%swap3A_9, %swap3A_10], %broadcast_in_dim3A_8 {strides = array<i32>} : memref<2560x128xf32, #tpu.memory_space<vmem>>, vector<60x128xf32>,
    return
  }
}

module attributes {stable_mosaic.version = 14 : i64} {
  func.func @_mid_body(%arg0: memref<2560x128xf32, #tpu.memory_space<vmem>>, %arg1: memref<5120x128xf32, #tpu.memory_space<vmem>>, %arg2: memref<1x128xf32, #tpu.memory_space<vmem>>, %arg3: memref<1x128xf32, #tpu.memory_space<vmem>>, %arg4: memref<1x128xf32, #tpu.memory_space<vmem>>, %arg5: memref<128x128xf32, #tpu.memory_space<vmem>>, %arg6: memref<1x128xf32, #tpu.memory_space<vmem>>, %arg7: memref<128x128xf32, #tpu.memory_space<vmem>>, %arg8: memref<2560x128xf32, #tpu.memory_space<vmem>>) attributes {dimension_semantics = [], scalar_prefetch = 0 : i64, scratch_operands = 0 : i64, tpu.core_type = #tpu.core_type<tc>} {
    %get3A = arith.constant 0 : index
    %get3A_0 = arith.constant 0 : index
    %get3A_1 = vector.load %arg0[%get3A, %get3A_0] : memref<2560x128xf32, #tpu.memory_space<vmem>>, vector<2500x128xf32>
    %get3A_2 = arith.constant 0 : index
    %get3A_3 = arith.constant 0 : index
    %get3A_4 = vector.load %arg1[%get3A_2, %get3A_3] : memref<5120x128xf32, #tpu.memory_space<vmem>>, vector<2500x128xf32>
    %add3A = arith.addf %get3A_1, %get3A_4 : vector<2500x128xf32>
    %get3A_5 = arith.constant 2560 : index
    %get3A_6 = arith.constant 0 : index
    %get3A_7 = vector.load %arg1[%get3A_5, %get3A_6] : memref<5120x128xf32, #tpu.memory_space<vmem>>, vector<2500x128xf32>
    %add3A_8 = arith.addf %add3A, %get3A_7 : vector<2500x128xf32>
    %get3A_9 = arith.constant 0 : index
    %get3A_10 = arith.constant 0 : index
    %get3A_11 = vector.load %arg2[%get3A_9, %get3A_10] : memref<1x128xf32, #tpu.memory_space<vmem>>, vector<1x128xf32>
    %add3A_12 = vector.broadcast %get3A_11 : vector<1x128xf32> to vector<2500x128xf32>
    %add3A_13 = arith.addf %add3A_8, %add3A_12 : vector<2500x128xf32>
    %reduce_sum3A = arith.constant dense<0.000000e+00> : vector<128xf32>
    %reduce_sum3A_14 = vector.multi_reduction <add>, %add3A_13, %reduce_sum3A [0] : vector<2500x128xf32> to vector<128xf32>
    %broadcast_in_dim3A = vector.shape_cast %reduce_sum3A_14 : vector<128xf32> to vector<1x128xf32>
    %slice3A = vector.extract_strided_slice %broadcast_in_dim3A {offsets = [0, 0], sizes = [1, 32], strides = [1, 1]} : vector<1x128xf32> to vector<1x32xf32>
    %slice3A_15 = vector.extract_strided_slice %broadcast_in_dim3A {offsets = [0, 32], sizes = [1, 32], strides = [1, 1]} : vector<1x128xf32> to vector<1x32xf32>
    %add3A_16 = arith.addf %slice3A, %slice3A_15 : vector<1x32xf32>
    %slice3A_17 = vector.extract_strided_slice %broadcast_in_dim3A {offsets = [0, 64], sizes = [1, 32], strides = [1, 1]} : vector<1x128xf32> to vector<1x32xf32>
    %add3A_18 = arith.addf %add3A_16, %slice3A_17 : vector<1x32xf32>
    %slice3A_19 = vector.extract_strided_slice %broadcast_in_dim3A {offsets = [0, 96], sizes = [1, 32], strides = [1, 1]} : vector<1x128xf32> to vector<1x32xf32>
    %add3A_20 = arith.addf %add3A_18, %slice3A_19 : vector<1x32xf32>
    %div3A = arith.constant 1.000000e+04 : f32
    %div3A_21 = vector.broadcast %div3A : f32 to vector<1x32xf32>
    %div3A_22 = arith.divf %add3A_20, %div3A_21 : vector<1x32xf32>
    %mul3A = arith.mulf %add3A_13, %add3A_13 : vector<2500x128xf32>
    %reduce_sum3A_23 = arith.constant dense<0.000000e+00> : vector<128xf32>
    %reduce_sum3A_24 = vector.multi_reduction <add>, %mul3A, %reduce_sum3A_23 [0] : vector<2500x128xf32> to vector<128xf32>
    %broadcast_in_dim3A_25 = vector.shape_cast %reduce_sum3A_24 : vector<128xf32> to vector<1x128xf32>
    %slice3A_26 = vector.extract_strided_slice %broadcast_in_dim3A_25 {offsets = [0, 0], sizes = [1, 32], strides = [1, 1]} : vector<1x128xf32> to vector<1x32xf32>
    %slice3A_27 = vector.extract_strided_slice %broadcast_in_dim3A_25 {offsets = [0, 32], sizes = [1, 32], strides = [1, 1]} : vector<1x128xf32> to vector<1x32xf32>
    %add3A_28 = arith.addf %slice3A_26, %slice3A_27 : vector<1x32xf32>
    %slice3A_29 = vector.extract_strided_slice %broadcast_in_dim3A_25 {offsets = [0, 64], sizes = [1, 32], strides = [1, 1]} : vector<1x128xf32> to vector<1x32xf32>
    %add3A_30 = arith.addf %add3A_28, %slice3A_29 : vector<1x32xf32>
    %slice3A_31 = vector.extract_strided_slice %broadcast_in_dim3A_25 {offsets = [0, 96], sizes = [1, 32], strides = [1, 1]} : vector<1x128xf32> to vector<1x32xf32>
    %add3A_32 = arith.addf %add3A_30, %slice3A_31 : vector<1x32xf32>
    %div3A_33 = arith.constant 1.000000e+04 : f32
    %div3A_34 = vector.broadcast %div3A_33 : f32 to vector<1x32xf32>
    %div3A_35 = arith.divf %add3A_32, %div3A_34 : vector<1x32xf32>
    %concatenate3A = tpu.concatenate %div3A_22, %div3A_22, %div3A_22, %div3A_22 in 1 : vector<1x32xf32>, vector<1x32xf32>, vector<1x32xf32>, vector<1x32xf32> -> vector<1x128xf32>
    %mul3A_36 = arith.mulf %div3A_22, %div3A_22 : vector<1x32xf32>
    %sub3A = arith.subf %div3A_35, %mul3A_36 : vector<1x32xf32>
    %concatenate3A_37 = tpu.concatenate %sub3A, %sub3A, %sub3A, %sub3A in 1 : vector<1x32xf32>, vector<1x32xf32>, vector<1x32xf32>, vector<1x32xf32> -> vector<1x128xf32>
    %sub3A_38 = vector.broadcast %concatenate3A : vector<1x128xf32> to vector<2500x128xf32>
    %sub3A_39 = arith.subf %add3A_13, %sub3A_38 : vector<2500x128xf32>
    %add3A_40 = arith.constant 9.99999974E-6 : f32
    %add3A_41 = vector.broadcast %add3A_40 : f32 to vector<1x128xf32>
    %add3A_42 = arith.addf %concatenate3A_37, %add3A_41 : vector<1x128xf32>
    %rsqrt3A = math.rsqrt %add3A_42 : vector<1x128xf32>
    %mul3A_43 = vector.broadcast %rsqrt3A : vector<1x128xf32> to vector<2500x128xf32>
    %mul3A_44 = arith.mulf %sub3A_39, %mul3A_43 : vector<2500x128xf32>
    %get3A_45 = arith.constant 0 : index
    %get3A_46 = arith.constant 0 : index
    %get3A_47 = vector.load %arg3[%get3A_45, %get3A_46] : memref<1x128xf32, #tpu.memory_space<vmem>>, vector<1x128xf32>
    %mul3A_48 = vector.broadcast %get3A_47 : vector<1x128xf32> to vector<2500x128xf32>
    %mul3A_49 = arith.mulf %mul3A_44, %mul3A_48 : vector<2500x128xf32>
    %get3A_50 = arith.constant 0 : index
    %get3A_51 = arith.constant 0 : index
    %get3A_52 = vector.load %arg4[%get3A_50, %get3A_51] : memref<1x128xf32, #tpu.memory_space<vmem>>, vector<1x128xf32>
    %add3A_53 = vector.broadcast %get3A_52 : vector<1x128xf32> to vector<2500x128xf32>
    %add3A_54 = arith.addf %mul3A_49, %add3A_53 : vector<2500x128xf32>
    %max3A = arith.constant 0.000000e+00 : f32
    %max3A_55 = vector.broadcast %max3A : f32 to vector<2500x128xf32>
    %max3A_56 = arith.maximumf %add3A_54, %max3A_55 : vector<2500x128xf32>
    %get3A_57 = arith.constant 0 : index
    %get3A_58 = arith.constant 0 : index
    %get3A_59 = vector.load %arg5[%get3A_57, %get3A_58] : memref<128x128xf32, #tpu.memory_space<vmem>>, vector<128x128xf32>
    %dot_general3A = arith.constant dense<0.000000e+00> : vector<2500x128xf32>
    %dot_general3A_60 = tpu.matmul %max3A_56, %get3A_59, %dot_general3A {dimension_numbers = #tpu.dot_dimension_numbers<[1], [0], [0], [1], [0, 0, 1, 1], [], []>, transpose_lhs_hint = false} : vector<2500x128xf32>, vector<128x128xf32>, vector<2500x128xf32> -> vector<2500x128xf32>
    %get3A_61 = arith.constant 0 : index
    %get3A_62 = arith.constant 0 : index
    %get3A_63 = vector.load %arg6[%get3A_61, %get3A_62] : memref<1x128xf32, #tpu.memory_space<vmem>>, vector<1x128xf32>
    %add3A_64 = vector.broadcast %get3A_63 : vector<1x128xf32> to vector<2500x128xf32>
    %add3A_65 = arith.addf %dot_general3A_60, %add3A_64 : vector<2500x128xf32>
    %max3A_66 = arith.constant 0.000000e+00 : f32
    %max3A_67 = vector.broadcast %max3A_66 : f32 to vector<2500x128xf32>
    %max3A_68 = arith.maximumf %add3A_65, %max3A_67 : vector<2500x128xf32>
    %get3A_69 = arith.constant 0 : index
    %get3A_70 = arith.constant 0 : index
    %get3A_71 = vector.load %arg7[%get3A_69, %get3A_70] : memref<128x128xf32, #tpu.memory_space<vmem>>, vector<128x128xf32>
    %dot_general3A_72 = arith.constant dense<0.000000e+00> : vector<2500x128xf32>
    %dot_general3A_73 = tpu.matmul %max3A_68, %get3A_71, %dot_general3A_72 {dimension_numbers = #tpu.dot_dimension_numbers<[1], [0], [0], [1], [0, 0, 1, 1], [], []>, transpose_lhs_hint = false} : vector<2500x128xf32>, vector<128x128xf32>, vector<2500x128xf32> -> vector<2500x128xf32>
    %swap3A = arith.constant 0 : index
    %swap3A_74 = arith.constant 0 : index
    %swap3A_75 = vector.load %arg8[%swap3A, %swap3A_74] : memref<2560x128xf32, #tpu.memory_space<vmem>>, vector<2500x128xf32>
    tpu.vector_store %arg8[%swap3A, %swap3A_74], %dot_general3A_73 {strides = array<i32>} : memref<2560x128xf32, #tpu.memory_space<vmem>>, vector<2500x128xf32>,
    %broadcast_in_dim3A_76 = arith.constant 0.000000e+00 : f32
    %broadcast_in_dim3A_77 = vector.broadcast %broadcast_in_dim3A_76 : f32 to vector<60x128xf32>
    %swap3A_78 = arith.constant 2500 : index
    %swap3A_79 = arith.constant 0 : index
    %swap3A_80 = vector.load %arg8[%swap3A_78, %swap3A_79] : memref<2560x128xf32, #tpu.memory_space<vmem>>, vector<60x128xf32>
    tpu.vector_store %arg8[%swap3A_78, %swap3A_79], %broadcast_in_dim3A_77 {strides = array<i32>} : memref<2560x128xf32, #tpu.memory_space<vmem>>, vector<60x128xf32>,
    return
  }
}

module attributes {stable_mosaic.version = 14 : i64} {
  func.func @_last_body(%arg0: memref<2560x128xf32, #tpu.memory_space<vmem>>, %arg1: memref<5120x128xf32, #tpu.memory_space<vmem>>, %arg2: memref<1x128xf32, #tpu.memory_space<vmem>>, %arg3: memref<1x128xf32, #tpu.memory_space<vmem>>, %arg4: memref<1x128xf32, #tpu.memory_space<vmem>>, %arg5: memref<128x128xf32, #tpu.memory_space<vmem>>, %arg6: memref<1x128xf32, #tpu.memory_space<vmem>>, %arg7: memref<128x128xf32, #tpu.memory_space<vmem>>, %arg8: memref<4x2560xi32, #tpu.memory_space<vmem>>, %arg9: memref<1x32xf32, #tpu.memory_space<vmem>>, %arg10: memref<32x128xf32, #tpu.memory_space<vmem>>, %arg11: memref<1x128xf32, #tpu.memory_space<vmem>>, %arg12: memref<64x128xf32, #tpu.memory_space<vmem>>) attributes {dimension_semantics = [], scalar_prefetch = 0 : i64, scratch_operands = 0 : i64, tpu.core_type = #tpu.core_type<tc>} {
    %get3A = arith.constant 0 : index
    %get3A_0 = arith.constant 0 : index
    %get3A_1 = vector.load %arg0[%get3A, %get3A_0] : memref<2560x128xf32, #tpu.memory_space<vmem>>, vector<2500x128xf32>
    %get3A_2 = arith.constant 0 : index
    %get3A_3 = arith.constant 0 : index
    %get3A_4 = vector.load %arg1[%get3A_2, %get3A_3] : memref<5120x128xf32, #tpu.memory_space<vmem>>, vector<2500x128xf32>
    %add3A = arith.addf %get3A_1, %get3A_4 : vector<2500x128xf32>
    %get3A_5 = arith.constant 2560 : index
    %get3A_6 = arith.constant 0 : index
    %get3A_7 = vector.load %arg1[%get3A_5, %get3A_6] : memref<5120x128xf32, #tpu.memory_space<vmem>>, vector<2500x128xf32>
    %add3A_8 = arith.addf %add3A, %get3A_7 : vector<2500x128xf32>
    %get3A_9 = arith.constant 0 : index
    %get3A_10 = arith.constant 0 : index
    %get3A_11 = vector.load %arg2[%get3A_9, %get3A_10] : memref<1x128xf32, #tpu.memory_space<vmem>>, vector<1x128xf32>
    %add3A_12 = vector.broadcast %get3A_11 : vector<1x128xf32> to vector<2500x128xf32>
    %add3A_13 = arith.addf %add3A_8, %add3A_12 : vector<2500x128xf32>
    %reduce_sum3A = arith.constant dense<0.000000e+00> : vector<128xf32>
    %reduce_sum3A_14 = vector.multi_reduction <add>, %add3A_13, %reduce_sum3A [0] : vector<2500x128xf32> to vector<128xf32>
    %broadcast_in_dim3A = vector.shape_cast %reduce_sum3A_14 : vector<128xf32> to vector<1x128xf32>
    %slice3A = vector.extract_strided_slice %broadcast_in_dim3A {offsets = [0, 0], sizes = [1, 32], strides = [1, 1]} : vector<1x128xf32> to vector<1x32xf32>
    %slice3A_15 = vector.extract_strided_slice %broadcast_in_dim3A {offsets = [0, 32], sizes = [1, 32], strides = [1, 1]} : vector<1x128xf32> to vector<1x32xf32>
    %add3A_16 = arith.addf %slice3A, %slice3A_15 : vector<1x32xf32>
    %slice3A_17 = vector.extract_strided_slice %broadcast_in_dim3A {offsets = [0, 64], sizes = [1, 32], strides = [1, 1]} : vector<1x128xf32> to vector<1x32xf32>
    %add3A_18 = arith.addf %add3A_16, %slice3A_17 : vector<1x32xf32>
    %slice3A_19 = vector.extract_strided_slice %broadcast_in_dim3A {offsets = [0, 96], sizes = [1, 32], strides = [1, 1]} : vector<1x128xf32> to vector<1x32xf32>
    %add3A_20 = arith.addf %add3A_18, %slice3A_19 : vector<1x32xf32>
    %div3A = arith.constant 1.000000e+04 : f32
    %div3A_21 = vector.broadcast %div3A : f32 to vector<1x32xf32>
    %div3A_22 = arith.divf %add3A_20, %div3A_21 : vector<1x32xf32>
    %mul3A = arith.mulf %add3A_13, %add3A_13 : vector<2500x128xf32>
    %reduce_sum3A_23 = arith.constant dense<0.000000e+00> : vector<128xf32>
    %reduce_sum3A_24 = vector.multi_reduction <add>, %mul3A, %reduce_sum3A_23 [0] : vector<2500x128xf32> to vector<128xf32>
    %broadcast_in_dim3A_25 = vector.shape_cast %reduce_sum3A_24 : vector<128xf32> to vector<1x128xf32>
    %slice3A_26 = vector.extract_strided_slice %broadcast_in_dim3A_25 {offsets = [0, 0], sizes = [1, 32], strides = [1, 1]} : vector<1x128xf32> to vector<1x32xf32>
    %slice3A_27 = vector.extract_strided_slice %broadcast_in_dim3A_25 {offsets = [0, 32], sizes = [1, 32], strides = [1, 1]} : vector<1x128xf32> to vector<1x32xf32>
    %add3A_28 = arith.addf %slice3A_26, %slice3A_27 : vector<1x32xf32>
    %slice3A_29 = vector.extract_strided_slice %broadcast_in_dim3A_25 {offsets = [0, 64], sizes = [1, 32], strides = [1, 1]} : vector<1x128xf32> to vector<1x32xf32>
    %add3A_30 = arith.addf %add3A_28, %slice3A_29 : vector<1x32xf32>
    %slice3A_31 = vector.extract_strided_slice %broadcast_in_dim3A_25 {offsets = [0, 96], sizes = [1, 32], strides = [1, 1]} : vector<1x128xf32> to vector<1x32xf32>
    %add3A_32 = arith.addf %add3A_30, %slice3A_31 : vector<1x32xf32>
    %div3A_33 = arith.constant 1.000000e+04 : f32
    %div3A_34 = vector.broadcast %div3A_33 : f32 to vector<1x32xf32>
    %div3A_35 = arith.divf %add3A_32, %div3A_34 : vector<1x32xf32>
    %concatenate3A = tpu.concatenate %div3A_22, %div3A_22, %div3A_22, %div3A_22 in 1 : vector<1x32xf32>, vector<1x32xf32>, vector<1x32xf32>, vector<1x32xf32> -> vector<1x128xf32>
    %mul3A_36 = arith.mulf %div3A_22, %div3A_22 : vector<1x32xf32>
    %sub3A = arith.subf %div3A_35, %mul3A_36 : vector<1x32xf32>
    %concatenate3A_37 = tpu.concatenate %sub3A, %sub3A, %sub3A, %sub3A in 1 : vector<1x32xf32>, vector<1x32xf32>, vector<1x32xf32>, vector<1x32xf32> -> vector<1x128xf32>
    %sub3A_38 = vector.broadcast %concatenate3A : vector<1x128xf32> to vector<2500x128xf32>
    %sub3A_39 = arith.subf %add3A_13, %sub3A_38 : vector<2500x128xf32>
    %add3A_40 = arith.constant 9.99999974E-6 : f32
    %add3A_41 = vector.broadcast %add3A_40 : f32 to vector<1x128xf32>
    %add3A_42 = arith.addf %concatenate3A_37, %add3A_41 : vector<1x128xf32>
    %rsqrt3A = math.rsqrt %add3A_42 : vector<1x128xf32>
    %mul3A_43 = vector.broadcast %rsqrt3A : vector<1x128xf32> to vector<2500x128xf32>
    %mul3A_44 = arith.mulf %sub3A_39, %mul3A_43 : vector<2500x128xf32>
    %get3A_45 = arith.constant 0 : index
    %get3A_46 = arith.constant 0 : index
    %get3A_47 = vector.load %arg3[%get3A_45, %get3A_46] : memref<1x128xf32, #tpu.memory_space<vmem>>, vector<1x128xf32>
    %mul3A_48 = vector.broadcast %get3A_47 : vector<1x128xf32> to vector<2500x128xf32>
    %mul3A_49 = arith.mulf %mul3A_44, %mul3A_48 : vector<2500x128xf32>
    %get3A_50 = arith.constant 0 : index
    %get3A_51 = arith.constant 0 : index
    %get3A_52 = vector.load %arg4[%get3A_50, %get3A_51] : memref<1x128xf32, #tpu.memory_space<vmem>>, vector<1x128xf32>
    %add3A_53 = vector.broadcast %get3A_52 : vector<1x128xf32> to vector<2500x128xf32>
    %add3A_54 = arith.addf %mul3A_49, %add3A_53 : vector<2500x128xf32>
    %max3A = arith.constant 0.000000e+00 : f32
    %max3A_55 = vector.broadcast %max3A : f32 to vector<2500x128xf32>
    %max3A_56 = arith.maximumf %add3A_54, %max3A_55 : vector<2500x128xf32>
    %get3A_57 = arith.constant 0 : index
    %get3A_58 = arith.constant 0 : index
    %get3A_59 = vector.load %arg5[%get3A_57, %get3A_58] : memref<128x128xf32, #tpu.memory_space<vmem>>, vector<128x128xf32>
    %dot_general3A = arith.constant dense<0.000000e+00> : vector<2500x128xf32>
    %dot_general3A_60 = tpu.matmul %max3A_56, %get3A_59, %dot_general3A {dimension_numbers = #tpu.dot_dimension_numbers<[1], [0], [0], [1], [0, 0, 1, 1], [], []>, transpose_lhs_hint = false} : vector<2500x128xf32>, vector<128x128xf32>, vector<2500x128xf32> -> vector<2500x128xf32>
    %get3A_61 = arith.constant 0 : index
    %get3A_62 = arith.constant 0 : index
    %get3A_63 = vector.load %arg6[%get3A_61, %get3A_62] : memref<1x128xf32, #tpu.memory_space<vmem>>, vector<1x128xf32>
    %add3A_64 = vector.broadcast %get3A_63 : vector<1x128xf32> to vector<2500x128xf32>
    %add3A_65 = arith.addf %dot_general3A_60, %add3A_64 : vector<2500x128xf32>
    %max3A_66 = arith.constant 0.000000e+00 : f32
    %max3A_67 = vector.broadcast %max3A_66 : f32 to vector<2500x128xf32>
    %max3A_68 = arith.maximumf %add3A_65, %max3A_67 : vector<2500x128xf32>
    %get3A_69 = arith.constant 0 : index
    %get3A_70 = arith.constant 0 : index
    %get3A_71 = vector.load %arg7[%get3A_69, %get3A_70] : memref<128x128xf32, #tpu.memory_space<vmem>>, vector<128x128xf32>
    %dot_general3A_72 = arith.constant dense<0.000000e+00> : vector<2500x128xf32>
    %dot_general3A_73 = tpu.matmul %max3A_68, %get3A_71, %dot_general3A_72 {dimension_numbers = #tpu.dot_dimension_numbers<[1], [0], [0], [1], [0, 0, 1, 1], [], []>, transpose_lhs_hint = false} : vector<2500x128xf32>, vector<128x128xf32>, vector<2500x128xf32> -> vector<2500x128xf32>
    %iota3A = tpu.iota {dimensions = array<i32: 0>} : vector<64x2500xi32>
    %broadcast_in_dim3A_74 = arith.constant 0.000000e+00 : f32
    %broadcast_in_dim3A_75 = vector.broadcast %broadcast_in_dim3A_74 : f32 to vector<64x32xf32>
    %get3A_76 = arith.constant 0 : index
    %get3A_77 = arith.constant 0 : index
    %get3A_78 = vector.load %arg8[%get3A_76, %get3A_77] : memref<4x2560xi32, #tpu.memory_space<vmem>>, vector<1x2500xi32>
    %eq3A = vector.broadcast %get3A_78 : vector<1x2500xi32> to vector<64x2500xi32>
    %eq3A_79 = arith.cmpi eq, %iota3A, %eq3A : vector<64x2500xi32>
    %jit3A = arith.constant 1.000000e+00 : f32
    %jit3A_80 = arith.constant 0.000000e+00 : f32
    %broadcast_in_dim3A_81 = vector.broadcast %jit3A : f32 to vector<64x2500xf32>
    %broadcast_in_dim3A_82 = vector.broadcast %jit3A_80 : f32 to vector<64x2500xf32>
    %select_n3A = arith.select %eq3A_79, %broadcast_in_dim3A_81, %broadcast_in_dim3A_82 : vector<64x2500xi1>, vector<64x2500xf32>
    %slice3A_83 = vector.extract_strided_slice %dot_general3A_73 {offsets = [0, 0], sizes = [2500, 32], strides = [1, 1]} : vector<2500x128xf32> to vector<2500x32xf32>
    %dot_general3A_84 = arith.constant dense<0.000000e+00> : vector<64x32xf32>
    %dot_general3A_85 = tpu.matmul %select_n3A, %slice3A_83, %dot_general3A_84 {dimension_numbers = #tpu.dot_dimension_numbers<[1], [0], [0], [1], [0, 0, 1, 1], [], []>, transpose_lhs_hint = false} : vector<64x2500xf32>, vector<2500x32xf32>, vector<64x32xf32> -> vector<64x32xf32>
    %add3A_86 = arith.addf %broadcast_in_dim3A_75, %dot_general3A_85 : vector<64x32xf32>
    %get3A_87 = arith.constant 1 : index
    %get3A_88 = arith.constant 0 : index
    %get3A_89 = vector.load %arg8[%get3A_87, %get3A_88] : memref<4x2560xi32, #tpu.memory_space<vmem>>, vector<1x2500xi32>
    %eq3A_90 = vector.broadcast %get3A_89 : vector<1x2500xi32> to vector<64x2500xi32>
    %eq3A_91 = arith.cmpi eq, %iota3A, %eq3A_90 : vector<64x2500xi32>
    %jit3A_92 = arith.constant 1.000000e+00 : f32
    %jit3A_93 = arith.constant 0.000000e+00 : f32
    %broadcast_in_dim3A_94 = vector.broadcast %jit3A_92 : f32 to vector<64x2500xf32>
    %broadcast_in_dim3A_95 = vector.broadcast %jit3A_93 : f32 to vector<64x2500xf32>
    %select_n3A_96 = arith.select %eq3A_91, %broadcast_in_dim3A_94, %broadcast_in_dim3A_95 : vector<64x2500xi1>, vector<64x2500xf32>
    %slice3A_97 = vector.extract_strided_slice %dot_general3A_73 {offsets = [0, 32], sizes = [2500, 32], strides = [1, 1]} : vector<2500x128xf32> to vector<2500x32xf32>
    %dot_general3A_98 = arith.constant dense<0.000000e+00> : vector<64x32xf32>
    %dot_general3A_99 = tpu.matmul %select_n3A_96, %slice3A_97, %dot_general3A_98 {dimension_numbers = #tpu.dot_dimension_numbers<[1], [0], [0], [1], [0, 0, 1, 1], [], []>, transpose_lhs_hint = false} : vector<64x2500xf32>, vector<2500x32xf32>, vector<64x32xf32> -> vector<64x32xf32>
    %add3A_100 = arith.addf %add3A_86, %dot_general3A_99 : vector<64x32xf32>
    %get3A_101 = arith.constant 2 : index
    %get3A_102 = arith.constant 0 : index
    %get3A_103 = vector.load %arg8[%get3A_101, %get3A_102] : memref<4x2560xi32, #tpu.memory_space<vmem>>, vector<1x2500xi32>
    %eq3A_104 = vector.broadcast %get3A_103 : vector<1x2500xi32> to vector<64x2500xi32>
    %eq3A_105 = arith.cmpi eq, %iota3A, %eq3A_104 : vector<64x2500xi32>
    %jit3A_106 = arith.constant 1.000000e+00 : f32
    %jit3A_107 = arith.constant 0.000000e+00 : f32
    %broadcast_in_dim3A_108 = vector.broadcast %jit3A_106 : f32 to vector<64x2500xf32>
    %broadcast_in_dim3A_109 = vector.broadcast %jit3A_107 : f32 to vector<64x2500xf32>
    %select_n3A_110 = arith.select %eq3A_105, %broadcast_in_dim3A_108, %broadcast_in_dim3A_109 : vector<64x2500xi1>, vector<64x2500xf32>
    %slice3A_111 = vector.extract_strided_slice %dot_general3A_73 {offsets = [0, 64], sizes = [2500, 32], strides = [1, 1]} : vector<2500x128xf32> to vector<2500x32xf32>
    %dot_general3A_112 = arith.constant dense<0.000000e+00> : vector<64x32xf32>
    %dot_general3A_113 = tpu.matmul %select_n3A_110, %slice3A_111, %dot_general3A_112 {dimension_numbers = #tpu.dot_dimension_numbers<[1], [0], [0], [1], [0, 0, 1, 1], [], []>, transpose_lhs_hint = false} : vector<64x2500xf32>, vector<2500x32xf32>, vector<64x32xf32> -> vector<64x32xf32>
    %add3A_114 = arith.addf %add3A_100, %dot_general3A_113 : vector<64x32xf32>
    %get3A_115 = arith.constant 3 : index
    %get3A_116 = arith.constant 0 : index
    %get3A_117 = vector.load %arg8[%get3A_115, %get3A_116] : memref<4x2560xi32, #tpu.memory_space<vmem>>, vector<1x2500xi32>
    %eq3A_118 = vector.broadcast %get3A_117 : vector<1x2500xi32> to vector<64x2500xi32>
    %eq3A_119 = arith.cmpi eq, %iota3A, %eq3A_118 : vector<64x2500xi32>
    %jit3A_120 = arith.constant 1.000000e+00 : f32
    %jit3A_121 = arith.constant 0.000000e+00 : f32
    %broadcast_in_dim3A_122 = vector.broadcast %jit3A_120 : f32 to vector<64x2500xf32>
    %broadcast_in_dim3A_123 = vector.broadcast %jit3A_121 : f32 to vector<64x2500xf32>
    %select_n3A_124 = arith.select %eq3A_119, %broadcast_in_dim3A_122, %broadcast_in_dim3A_123 : vector<64x2500xi1>, vector<64x2500xf32>
    %slice3A_125 = vector.extract_strided_slice %dot_general3A_73 {offsets = [0, 96], sizes = [2500, 32], strides = [1, 1]} : vector<2500x128xf32> to vector<2500x32xf32>
    %dot_general3A_126 = arith.constant dense<0.000000e+00> : vector<64x32xf32>
    %dot_general3A_127 = tpu.matmul %select_n3A_124, %slice3A_125, %dot_general3A_126 {dimension_numbers = #tpu.dot_dimension_numbers<[1], [0], [0], [1], [0, 0, 1, 1], [], []>, transpose_lhs_hint = false} : vector<64x2500xf32>, vector<2500x32xf32>, vector<64x32xf32> -> vector<64x32xf32>
    %add3A_128 = arith.addf %add3A_114, %dot_general3A_127 : vector<64x32xf32>
    %get3A_129 = arith.constant 0 : index
    %get3A_130 = arith.constant 0 : index
    %get3A_131 = vector.load %arg9[%get3A_129, %get3A_130] : memref<1x32xf32, #tpu.memory_space<vmem>>, vector<1x32xf32>
    %add3A_132 = vector.broadcast %get3A_131 : vector<1x32xf32> to vector<64x32xf32>
    %add3A_133 = arith.addf %add3A_128, %add3A_132 : vector<64x32xf32>
    %max3A_134 = arith.constant 0.000000e+00 : f32
    %max3A_135 = vector.broadcast %max3A_134 : f32 to vector<64x32xf32>
    %max3A_136 = arith.maximumf %add3A_133, %max3A_135 : vector<64x32xf32>
    %get3A_137 = arith.constant 0 : index
    %get3A_138 = arith.constant 0 : index
    %get3A_139 = vector.load %arg10[%get3A_137, %get3A_138] : memref<32x128xf32, #tpu.memory_space<vmem>>, vector<32x128xf32>
    %dot_general3A_140 = arith.constant dense<0.000000e+00> : vector<64x128xf32>
    %dot_general3A_141 = tpu.matmul %max3A_136, %get3A_139, %dot_general3A_140 {dimension_numbers = #tpu.dot_dimension_numbers<[1], [0], [0], [1], [0, 0, 1, 1], [], []>, transpose_lhs_hint = false} : vector<64x32xf32>, vector<32x128xf32>, vector<64x128xf32> -> vector<64x128xf32>
    %get3A_142 = arith.constant 0 : index
    %get3A_143 = arith.constant 0 : index
    %get3A_144 = vector.load %arg11[%get3A_142, %get3A_143] : memref<1x128xf32, #tpu.memory_space<vmem>>, vector<1x128xf32>
    %add3A_145 = vector.broadcast %get3A_144 : vector<1x128xf32> to vector<64x128xf32>
    %add3A_146 = arith.addf %dot_general3A_141, %add3A_145 : vector<64x128xf32>
    %swap3A = arith.constant 0 : index
    %swap3A_147 = arith.constant 0 : index
    %swap3A_148 = vector.load %arg12[%swap3A, %swap3A_147] : memref<64x128xf32, #tpu.memory_space<vmem>>, vector<64x128xf32>
    tpu.vector_store %arg12[%swap3A, %swap3A_147], %add3A_146 {strides = array<i32>} : memref<64x128xf32, #tpu.memory_space<vmem>>, vector<64x128xf32>,
    return
  }
}

</mosaic_0001>

<sc_bundles>
// kernel: kernel.13.cloned.1.call-start
scs
__scs_entry_jumppad:
0x0: {  	(pc) =	sbr.rel $0x88, $3  }
0x1: {  	(tag) =	ssettag $0x0;
	lr =	simm.s32 $0x1  }
0x2: {  	[smem:$0x3F7C] =	sst lr;
	_ =	strace $0xD0000000  }
0x3: {  	_ = 	snop  }
0x4: {  	_ = 	snop  }
0x5: {  	_ = 	snop  }
0x6: {  	_ = 	snop  }
0x7: {  	_ = 	snop  }
__scs_overlays_trampoline_lowered:
0x8: {  	[smem:$0x3F8B] =	sst s0  }
0x9: {  	[smem:$0x3F8C] =	sst s1  }
0xa: {  	[smem:$0x3F8D] =	sst s2  }
0xb: {  	[smem:$0x3F8E] =	sst s3  }
0xc: {  	[smem:$0x3F8F] =	sst s4  }
0xd: {  	[smem:$0x3F90] =	sst s5  }
0xe: {  	[smem:$0x3F91] =	sst s6  }
0xf: {  	[smem:$0x3F92] =	sst s7  }
0x10: {  	[smem:$0x3F93] =	sst s8  }
0x11: {  	[smem:$0x3F94] =	sst s9;
	s0 =	simm.s32 @!p0 $0x0  }
0x12: {  	s1 =	sld [smem:$0x3F7A];
	s0 =	simm.s32 @p0 $0x1  }
0x13: {  	[smem:$0x3F95] =	sst s0;
	s0 =	simm.s32 @!p1 $0x0  }
0x14: {  	s2 =	sld [smem:$0x3F79];
	s0 =	simm.s32 @p1 $0x1  }
0x15: {  	[smem:$0x3F96] =	sst s0;
	s0 =	simm.s32 @!p2 $0x0  }
0x16: {  	s3 =	sld [smem:$0x3FDB];
	s0 =	simm.s32 @p2 $0x1  }
0x17: {  	s4 =	simm.s32 $0x1BF5;
	[smem:$0x3F98] =	sst s0  }
0x18: {  	s0 =	sld [smem:$0x3F7B];
	_ =	swait.ge [sflag:s4], $0x0  }
0x19: {  	s7 =	sld [smem:$0x3F7C]  }
0x1a: {  	s8 =	sadd.s32 $0xFFFFE003, lr  }
0x1b: {  	s9 =	sadd.s32 $0xFFFFFEF7, lr;
	s5 =	simm.s32 $0xFFFFFFFF;
	p2 =	slt.u32 s8, $0xFFFFF086  }
0x1c: {  	p1 =	slt.u32 s9, $0xF7A;
	s5 =	simm.s32 @!p2 $0x0  }
0x1d: {  	s5 =	simm.s32 @p1 $0x1;
	p0 =	seq.s32 s7, s2  }
0x1e: {  	s7 =	smul.u32 @!p0 $0xF7A, s2;
	p2 =	seq.s32 @!p0 s5, $0x0  }
0x1f: {  	s9 =	smul.u32 $0xF7A, s1;
	s8 =	simm.s32 @!p0 $0x1BF5;
	p2 =	por !p2, p0  }
0x20: {  	[sflag:s8] =	ssyncset.s32 @!p0 $0xFFFFF086;
	s6 =	sadd.s32 @!p0 s3, s7;
	s7 =	simm.s32 @!p0 $0x108  }
0x21: {  	s3 =	sadd.s32 s3, s9;
	s6 =	sadd.s32 @!p0 $0x88, s6;
	s7 =	simm.s32 @p2 $0x1082  }
0x22: {  	[simem:s7], [sflag:s8] =	dma.local @!p0 [hbm:s6], $0xF7A  }
0x23: {  	s9 =	sor.u32 $0xD0000000, s2;
	s6 =	simm.s32 $0x108;
	_ =	swait.ge @!p0 [sflag:s8], $0x0  }
0x24: {  	s3 =	sadd.s32 $0x88, s3;
	s6 =	simm.s32 @!p1 $0x1082;
	[sflag:s4] =	ssyncset.s32 $0xFFFFF086  }
0x25: {  	[simem:s6], [sflag:s4] =	dma.local [hbm:s3], $0xF7A  }
0x26: {  	[smem:$0x3F7C] =	sst s1;
	(tag) =	ssettag s2;
	_ =	strace s9  }
0x27: {  	s1 =	sld [smem:$0x3F8C]  }
0x28: {  	s2 =	sld [smem:$0x3F8D]  }
0x29: {  	s4 =	sld [smem:$0x3F8F]  }
0x2a: {  	p0 =	seq.s32 s5, $0x0;
	s5 =	sld [smem:$0x3F90]  }
0x2b: {  	s6 =	sld [smem:$0x3F91]  }
0x2c: {  	s7 =	sld [smem:$0x3F92]  }
0x2d: {  	s3 =	simm.s32 $0x108;
	s8 =	sld [smem:$0x3F93]  }
0x2e: {  	s3 =	simm.s32 @!p0 $0x1082;
	s9 =	sld [smem:$0x3F94]  }
0x2f: {  	lr =	sadd.s32 s0, s3;
	s0 =	sld [smem:$0x3F8B]  }
0x30: {  	s3 =	sld [smem:$0x3F8E]  }
0x31: {  	[smem:$0x3F97] =	sst s10  }
0x32: {  	s10 =	sld [smem:$0x3F95];
	_ =	sdelay $0x3  }
0x33: {  	p0 =	seq.s32 s10, $0x1;
	s10 =	sld [smem:$0x3F97];
	_ =	sdelay $0x3  }
0x34: {  	[smem:$0x3F97] =	sst s10  }
0x35: {  	s10 =	sld [smem:$0x3F96];
	_ =	sdelay $0x3  }
0x36: {  	p1 =	seq.s32 s10, $0x1;
	s10 =	sld [smem:$0x3F97];
	_ =	sdelay $0x3  }
0x37: {  	[smem:$0x3F97] =	sst s10  }
0x38: {  	s10 =	sld [smem:$0x3F98]  }
0x39: {  	_ = 	snop;
	(pc) =	sbr.ind lr, $3  }
0x3a: {  	_ = 	snop  }
0x3b: {  	_ = 	snop  }
0x3c: {  	p2 =	seq.s32 s10, $0x1;
	s10 =	sld [smem:$0x3F97]  }
0x3d: {  	_ =	shalt  }
0x3e: {  	_ =	shalt  }
0x3f: {  	_ =	shalt  }
0x40: {  	_ =	shalt  }
0x41: {  	_ =	shalt  }
0x42: {  	_ =	shalt  }
0x43: {  	_ =	shalt  }
0x44: {  	_ =	shalt  }
0x45: {  	_ =	shalt  }
0x46: {  	_ =	shalt  }
0x47: {  	_ =	shalt  }
0x48: {  	_ =	shalt  }
0x49: {  	_ =	shalt  }
0x4a: {  	_ =	shalt  }
0x4b: {  	_ =	shalt  }
0x4c: {  	_ =	shalt  }
0x4d: {  	_ =	shalt  }
0x4e: {  	_ =	shalt  }
0x4f: {  	_ =	shalt  }
0x50: {  	_ =	shalt  }
0x51: {  	_ =	shalt  }
0x52: {  	_ =	shalt  }
0x53: {  	_ =	shalt  }
0x54: {  	_ =	shalt  }
0x55: {  	_ =	shalt  }
0x56: {  	_ =	shalt  }
0x57: {  	_ =	shalt  }
0x58: {  	_ =	shalt  }
0x59: {  	_ =	shalt  }
0x5a: {  	_ =	shalt  }
0x5b: {  	_ =	shalt  }
0x5c: {  	_ =	shalt  }
0x5d: {  	_ =	shalt  }
0x5e: {  	_ =	shalt  }
0x5f: {  	_ =	shalt  }
0x60: {  	_ =	shalt  }
0x61: {  	_ =	shalt  }
0x62: {  	_ =	shalt  }
0x63: {  	_ =	shalt  }
0x64: {  	_ =	shalt  }
0x65: {  	_ =	shalt  }
0x66: {  	_ =	shalt  }
0x67: {  	_ =	shalt  }
0x68: {  	_ =	shalt  }
0x69: {  	_ =	shalt  }
0x6a: {  	_ =	shalt  }
0x6b: {  	_ =	shalt  }
0x6c: {  	_ =	shalt  }
0x6d: {  	_ =	shalt  }
0x6e: {  	_ =	shalt  }
0x6f: {  	_ =	shalt  }
0x70: {  	_ =	shalt  }
0x71: {  	_ =	shalt  }
0x72: {  	_ =	shalt  }
0x73: {  	_ =	shalt  }
0x74: {  	_ =	shalt  }
0x75: {  	_ =	shalt  }
0x76: {  	_ =	shalt  }
0x77: {  	_ =	shalt  }
0x78: {  	_ =	shalt  }
0x79: {  	_ =	shalt  }
0x7a: {  	_ =	shalt  }
0x7b: {  	_ =	shalt  }
0x7c: {  	_ =	shalt  }
0x7d: {  	_ =	shalt  }
0x7e: {  	_ =	shalt  }
0x7f: {  	_ =	shalt  }
0x80: {  	_ =	shalt  }
0x81: {  	_ =	shalt  }
0x82: {  	_ =	shalt  }
0x83: {  	_ =	shalt  }
0x84: {  	_ =	shalt  }
0x85: {  	_ =	shalt  }
0x86: {  	_ =	shalt  }
0x87: {  	_ =	shalt  }
.Lfunc_end0:
.L_simem_size_0:
called_computation_lowered:
.L_overlay_start_0:
0x88: {  	s2 =	sld [smem:$0x3FD9]  }
0x89: {  	s3 =	sld [smem:$0x3FFE];
	_ =	sdelay $0x1  }
0x8a: {  	s1 =	srdreg.scid  }
0x8b: {  	s0 =	sand.u32 $0x1, s1  }
0x8c: {  	s17 =	sshll.u32 s0, $0xA;
	s2 =	sadd.s32 s3, s2  }
0x8d: {  	s2 =	sadd.s32 s2, s17  }
0x8e: {  	[smem:$0x3FA3] =	sst s2  }
0x8f: {  	_ = 	snop  }
0x90: {  	s2 =	sld [smem:$0x3FD0];
	(tm) =	ssettm $0x1  }
0x91: {  	s18 =	sld [smem:$0x3FFB];
	_ =	sdelay $0x3  }
0x92: {  	_ =	strace s18  }
0x93: {  	s3 =	sld [smem:$0x3FFC];
	_ =	sdelay $0x3  }
0x94: {  	_ =	strace s3  }
0x95: {  	s3 =	sld [smem:$0x3FFD];
	_ =	sdelay $0x3  }
0x96: {  	_ =	strace s3  }
0x97: {  	_ =	strace $0x8FFFFFFF  }
0x98: {  	s19 =	sld [smem:$0x3FDB];
	_ =	sdelay $0x1  }
0x99: {  	s4 =	simm.s32 $_scs_section_size  }
0x9a: {  	s5 =	simm.s32 $_size__tile_overlayer_lowered;
	s6 =	simm.s32 $_tile_overlayer_lowered  }
0x9b: {  	s22 =	simm.s32 $0x1BFF;
	s21 =	sshll.u32 s6, $0x1;
	s3 =	sadd.s32 s4, s19  }
0x9c: {  	s7 =	simm.s32 $0x0;
	s20 =	sshll.u32 s5, $0x1;
	s5 =	sadd.s32 s21, s3  }
0x9d: {  	[timem:s7], [sflag:s22] =	dma.local [hbm:s5], s20  }
0x9e: {  	_ =	swait.ge [sflag:s22], s20  }
0x9f: {  	s4 =	ssub.s32 $0x0, s20;
	[sflag:s22] =	ssyncset.done $0x0  }
0xa0: {  	[sflag:s22] =	ssyncadd.s32 s4;
	_ =	sdelay $0x1  }
0xa1: {  	s23 =	simm.s32 $0x1B8B  }
0xa2: {  	_ =	swait.ge [sflag:s23], $0x1  }
0xa3: {  	[sflag:s23] =	ssyncset.done $0x0  }
0xa4: {  	s25 =	simm.s32 $0x1B8E;
	s24 =	sld [smem:$0x3FFE];
	[sflag:s23] =	ssyncadd.s32 $0xFFFFFFFF  }
0xa5: {  	s26 =	simm.s32 $execute0_lowered;
	[smem:$0x3FD2] =	sst s25  }
0xa6: {  	s5 =	sshll.u32 s26, $0x1;
	_ =	strace $0x80000046;
	[dreg:$0x1] =	wrdreg $0xFFFFFFFF  }
0xa7: {  	s28 =	simm.s32 $_size_execute0_lowered;
	s3 =	sadd.s32 s3, s5;
	[dreg:$0x0] =	wrdreg $0x0  }
0xa8: {  	s5 =	sshll.u32 s28, $0x1;
	[dreg:$0x2] =	wrdreg s3  }
0xa9: {  	[dreg:$0x3] =	wrdreg s5  }
0xaa: {  	[dreg:$0x4] =	wrdreg $0xC0  }
0xab: {  	_ =	task [dreg:s7], $0x5FFFF  }
0xac: {  	[dreg:$0x1] =	wrdreg $0xFFFFFFFF  }
0xad: {  	[dreg:$0x0] =	wrdreg $0x60  }
0xae: {  	[dreg:$0x2] =	wrdreg s24  }
0xaf: {  	[dreg:$0x3] =	wrdreg s2  }
0xb0: {  	[dreg:$0x4] =	wrdreg $0x90000  }
0xb1: {  	[dreg:$0x5] =	wrdreg $0xE0000  }
0xb2: {  	[dreg:$0x6] =	wrdreg $0x9  }
0xb3: {  	_ =	task.clear_ibuf [dreg:s7], $0x7FFFF;
	_ =	strace $0x90000046  }
0xb4: {  	s29 =	simm.s32 $0x9;
	_ =	strace $0x80000048  }
0xb5: {  	_ =	swait.ge [sflag:s29], $0x1  }
0xb6: {  	[sflag:s29] =	ssyncadd.s32 $0xFFFFFFFF  }
0xb7: {  	_ =	strace $0x90000048  }
0xb8: {  	_ =	sfence  }
0xb9: {  	s30 =	sld [smem:$0x0];
	_ =	sdelay $0x2  }
0xba: {  	s31 =	sshll.u32 s1, $0xD;
	s1 =	sshrl.u32 s1, $0x2  }
0xbb: {  	s3 =	sand.u32 $0x4000, s31;
	s1 =	sadd.s32 s1, s30  }
0xbc: {  	s0 =	sor.u32 s3, s0;
	s1 =	sshll.u32 s1, $0x11  }
0xbd: {  	s0 =	sor.u32 s1, s0  }
0xbe: {  	s0 =	sadd.s32 $0x8F2B, s0  }
0xbf: {  	[sflag:s0] =	ssyncadd.remote.s32 $0x1  }
0xc0: {  	_ =	sfence.sel $0xFFFF  }
0xc1: {  	[dreg:$0x0] =	wrdreg $0xFFFFFFFF;
	(pc) =	sbr.abs _section_cstart, $3  }
0xc2: {  	[dreg:$0x1] =	wrdreg $0xFFFFFFFF  }
0xc3: {  	_ =	task.clear_ibuf [dreg:s7], $0x2FFFF;
	_ =	strace $0x9FFFFFFF  }
0xc4: {  	(tm) =	ssettm $0x7FFFFFFF  }
0xc5: {  	_ =	shalt  }
tec
execute0_lowered:
.L_overlay_start_1:
0x0: {  	(tag) =	ssettag $0x1  }
0x1: {  	s1 =	rddreg [dreg:$0x0]  }
0x2: {  	s0 =	srdreg.scid;
	s3 =	rddreg [dreg:$0x2]  }
0x3: {  	s10 =	stileid.u32;
	s4 =	rddreg [dreg:$0x3]  }
0x4: {  	s8 =	simm.s32 $0x0;
	s19 =	simm.s32 $0x3;
	s20 =	simm.s32 $0x4  }
0x5: {  	s21 =	simm.s32 $0x80;
	s22 =	simm.s32 $0x5000;
	s28 =	simm.s32 $0x7000  }
0x6: {  	s29 =	simm.s32 $0x2;
	s30 =	simm.s32 $0x6;
	s31 =	simm.s32 $0x0  }
0x7: {  	s0 =	sand.u32 $0x1, s0;
	s2 =	sshll.u32 s10, $0x1;
	s6 =	smul.u32 $0x5000, s10  }
0x8: {  	s7 =	smul.u32 $0xA00, s10;
	[smem:$0x7FF] =	sst s8;
	s12 =	sadd.s32 $0x1BF00, s1  }
0x9: {  	s13 =	sadd.s32 $0x12100, s1;
	s2 =	sor.u32 s0, s2;
	s23 =	smul.u32 $0xA000, s0  }
0xa: {  	_ =	strace $0x80000047;
	s0 =	ssub.s32 $0x2, s0;
	s5 =	smul.u32 $0x500, s2  }
0xb: {  	s9 =	sshrl.u32 s6, $0x3;
	s24 =	sshrl.u32 s0, $0x1;
	s16 =	sadd.s32 s6, s3  }
0xc: {  	s6 =	sadd.s32 s6, s4;
	p0 =	seq.s32 s2, $0x1F;
	s7 =	sadd.s32 s7, s23  }
0xd: {  	s9 =	sadd.s32 s9, s1;
	s0 =	ssub.s32 s0, s24;
	s16 =	sshrl.u32 s16, $0x3  }
0xe: {  	s18 =	sshrl.u32 s6, $0x3;
	s23 =	simm.s32 $0x6000;
	s24 =	simm.s32 $0x1  }
0xf: {  	s5 =	sadd.s32 s5, s1;
	s14 =	sadd.s32 s7, s1;
	s25 =	sadd.s32 $0x1C200, s9  }
0x10: {  	s7 =	sshll.u32 s10, $0x6;
	s9 =	sadd.s32 $0x26200, s9;
	s15 =	smax.u32 s0, $0x1  }
0x11: {  	s1 =	simm.s32 $0x8000;
	s0 =	simm.s32 $0x7;
	[dreg:$0x5] =	wrdreg s25  }
0x12: {  	s26 =	sor.u32 $0x1C03, s7;
	s10 =	sadd.s32 $0x12400, s5;
	s11 =	sadd.s32 $0x8600, s5  }
0x13: {  	s14 =	sadd.s32 $0x30200, s14;
	s17 =	sor.u32 $0x1C04, s7;
	s5 =	simm.s32 $0x5  }
0x14: {  	s25 =	simm.s32 $0x8;
	[dreg:$0x6] =	wrdreg s26;
	s26 =	simm.s32 $0x9  }
.LBB2_1:
0x15: {  	s2 =	rddreg [dreg:$0x5]  }
0x16: {  	s6 =	rddreg [dreg:$0x6]  }
0x17: {  	[spmem:s16], [sflag:s6] =	dma.local [hbm:s2], $0xA00  }
0x18: {  	s2 =	simm.s32 @p0 $0x0  }
0x19: {  	[spmem:s18], [sflag:s17] =	dma.local [hbm:s9], $0xA00  }
0x1a: {  	[tilespmem:s2], [sflag:$0x1] =	stream.linear.gather @p0 [hbm4b:s12+s2], $0xA00, $0x38;
	[tilespmem:$0x13000] =	vst v63  }
0x1b: {  	s6 =	simm.s32 @p0 $0x2800  }
0x1c: {  	[tilespmem:s6], [sflag:$0x2] =	stream.linear.gather @p0 [hbm4b:s13+s2], $0xA00, $0x38;
	[tilespmem:$0x13000] =	vst v63  }
0x1d: {  	s8 =	rddreg [dreg:$0x1];
	s6 =	simm.s32 @p0 $0xA00  }
0x1e: {  	[tilespmem:s6], [sflag:$0x5] =	stream.linear.gather @p0 [hbm4b:s8+s2], $0x1E00, $0x38;
	[tilespmem:$0x13000] =	vst v63  }
0x1f: {  	s6 =	simm.s32 @p0 $0x3200  }
0x20: {  	[tilespmem:s6], [sflag:$0x6] =	stream.linear.gather @p0 [hbm4b:s8+s2], $0x1E00, $0x38;
	[tilespmem:$0x13000] =	vst v63  }
0x21: {  	s2 =	simm.s32 @p0 $0x1  }
0x22: {  	_ =	swait.ge @p0 [sflag:s2], $0xA00  }
0x23: {  	[sflag:s2] =	ssyncset.done @p0 $0x0  }
0x24: {  	[sflag:s2] =	ssyncadd.s32 @p0 $0xFFFFF600;
	s2 =	simm.s32 @p0 $0x2  }
0x25: {  	_ =	swait.ge @p0 [sflag:s2], $0xA00  }
0x26: {  	[sflag:s2] =	ssyncset.done @p0 $0x0  }
0x27: {  	[sflag:s2] =	ssyncadd.s32 @p0 $0xFFFFF600;
	s2 =	simm.s32 @p0 $0x5  }
0x28: {  	_ =	swait.ge @p0 [sflag:s2], $0x1E00  }
0x29: {  	[sflag:s2] =	ssyncset.done @p0 $0x0  }
0x2a: {  	[sflag:s2] =	ssyncadd.s32 @p0 $0xFFFFE200;
	s2 =	simm.s32 @p0 $0x6  }
0x2b: {  	_ =	swait.ge @p0 [sflag:s2], $0x1E00  }
0x2c: {  	[sflag:s2] =	ssyncset.done @p0 $0x0  }
0x2d: {  	[sflag:s2] =	ssyncadd.s32 @p0 $0xFFFFE200;
	s2 =	simm.s32 @!p0 $0x0  }
0x2e: {  	[tilespmem:s2], [sflag:$0x1] =	stream.linear.gather @!p0 [hbm4b:s10+s2], $0x2800, $0x38;
	[tilespmem:$0x13000] =	vst v63  }
0x2f: {  	s6 =	simm.s32 @!p0 $0x2800  }
0x30: {  	[tilespmem:s6], [sflag:$0x2] =	stream.linear.gather @!p0 [hbm4b:s11+s2], $0x2800, $0x38;
	[tilespmem:$0x13000] =	vst v63  }
0x31: {  	s2 =	simm.s32 @!p0 $0x1  }
0x32: {  	_ =	swait.ge @!p0 [sflag:s2], $0x2800  }
0x33: {  	[sflag:s2] =	ssyncset.done @!p0 $0x0  }
0x34: {  	[sflag:s2] =	ssyncadd.s32 @!p0 $0xFFFFD800;
	s2 =	simm.s32 @!p0 $0x2  }
0x35: {  	_ =	swait.ge @!p0 [sflag:s2], $0x2800  }
0x36: {  	[sflag:s2] =	ssyncset.done @!p0 $0x0  }
0x37: {  	[sflag:s2] =	ssyncadd.s32 @!p0 $0xFFFFD800  }
0x38: {  	_ =	swait.ge [sflag:s19], $0xA00  }
0x39: {  	[sflag:s19] =	ssyncset.done $0x0  }
0x3a: {  	[sflag:s19] =	ssyncadd.s32 $0xFFFFF600  }
0x3b: {  	_ =	swait.ge [sflag:s20], $0xA00  }
0x3c: {  	[sflag:s20] =	ssyncset.done $0x0  }
0x3d: {  	[sflag:s20] =	ssyncadd.s32 $0xFFFFF600  }
0x3e: {  	s6 =	simm.s32 $0x0;
	[bflag:$0x0] =	sbarrier.arrive $0xFFFF  }
0x3f: {  	[tilespmem:s22], [sflag:$0x1] =	stream.indirect.gather [spmem:s3], $0x20, s6, s21, $0xb8;
	[tilespmem:$0x13000] =	vst v63  }
0x40: {  	_ = 	snop  }
0x41: {  	[tilespmem:s23], [sflag:$0x2] =	stream.indirect.gather [spmem:s3], $0x20, s21, s21, $0xb8;
	[tilespmem:$0x13000] =	vst v63  }
0x42: {  	_ =	swait.ge [sflag:s24], $0x1000  }
0x43: {  	[sflag:s24] =	ssyncset.done $0x0  }
0x44: {  	s8 =	simm.s32 $0x2800;
	[sflag:s24] =	ssyncadd.s32 $0xFFFFF000  }
0x45: {  	[spmem:s4] =	stream.indirect.scatter.add.f32 [tilespmem:s22], [sflag:$0x5], $0x20, s8, s21, $0xb8;
	[tilespmem:$0x13000] =	vst v63  }
0x46: {  	s6 =	simm.s32 $0x100  }
0x47: {  	[tilespmem:s28], [sflag:$0x3] =	stream.indirect.gather [spmem:s3], $0x20, s6, s21, $0xb8;
	[tilespmem:$0x13000] =	vst v63  }
0x48: {  	_ =	swait.ge [sflag:s29], $0x1000  }
0x49: {  	[sflag:s29] =	ssyncset.done $0x0  }
0x4a: {  	s8 =	simm.s32 $0x2880;
	[sflag:s29] =	ssyncadd.s32 $0xFFFFF000  }
0x4b: {  	[spmem:s4] =	stream.indirect.scatter.add.f32 [tilespmem:s23], [sflag:$0x6], $0x20, s8, s21, $0xb8;
	[tilespmem:$0x13000] =	vst v63  }
0x4c: {  	s6 =	simm.s32 $0x180  }
0x4d: {  	[tilespmem:s1], [sflag:$0x4] =	stream.indirect.gather [spmem:s3], $0x20, s6, s21, $0xb8;
	[tilespmem:$0x13000] =	vst v63  }
0x4e: {  	_ =	swait.ge [sflag:s19], $0x1000  }
0x4f: {  	[sflag:s19] =	ssyncset.done $0x0  }
0x50: {  	s8 =	simm.s32 $0x2900;
	[sflag:s19] =	ssyncadd.s32 $0xFFFFF000  }
0x51: {  	[spmem:s4] =	stream.indirect.scatter.add.f32 [tilespmem:s28], [sflag:$0x7], $0x20, s8, s21, $0xb8;
	[tilespmem:$0x13000] =	vst v63  }
0x52: {  	_ =	swait.ge [sflag:s5], $0x1000  }
0x53: {  	[sflag:s5] =	ssyncset.done $0x0  }
0x54: {  	s6 =	simm.s32 $0x200;
	[sflag:s5] =	ssyncadd.s32 $0xFFFFF000  }
0x55: {  	[tilespmem:s22], [sflag:$0x1] =	stream.indirect.gather [spmem:s3], $0x20, s6, s21, $0xb8;
	[tilespmem:$0x13000] =	vst v63  }
0x56: {  	_ =	swait.ge [sflag:s20], $0x1000  }
0x57: {  	[sflag:s20] =	ssyncset.done $0x0  }
0x58: {  	s8 =	simm.s32 $0x2980;
	[sflag:s20] =	ssyncadd.s32 $0xFFFFF000  }
0x59: {  	[spmem:s4] =	stream.indirect.scatter.add.f32 [tilespmem:s1], [sflag:$0x8], $0x20, s8, s21, $0xb8;
	[tilespmem:$0x13000] =	vst v63  }
0x5a: {  	_ =	swait.ge [sflag:s30], $0x1000  }
0x5b: {  	[sflag:s30] =	ssyncset.done $0x0  }
0x5c: {  	s6 =	simm.s32 $0x280;
	[sflag:s30] =	ssyncadd.s32 $0xFFFFF000  }
0x5d: {  	[tilespmem:s23], [sflag:$0x2] =	stream.indirect.gather [spmem:s3], $0x20, s6, s21, $0xb8;
	[tilespmem:$0x13000] =	vst v63  }
0x5e: {  	_ =	swait.ge [sflag:s24], $0x1000  }
0x5f: {  	[sflag:s24] =	ssyncset.done $0x0  }
0x60: {  	s8 =	simm.s32 $0x2A00;
	[sflag:s24] =	ssyncadd.s32 $0xFFFFF000  }
0x61: {  	[spmem:s4] =	stream.indirect.scatter.add.f32 [tilespmem:s22], [sflag:$0x5], $0x20, s8, s21, $0xb8;
	[tilespmem:$0x13000] =	vst v63  }
0x62: {  	_ =	swait.ge [sflag:s0], $0x1000  }
0x63: {  	[sflag:s0] =	ssyncset.done $0x0  }
0x64: {  	s6 =	simm.s32 $0x300;
	[sflag:s0] =	ssyncadd.s32 $0xFFFFF000  }
0x65: {  	[tilespmem:s28], [sflag:$0x3] =	stream.indirect.gather [spmem:s3], $0x20, s6, s21, $0xb8;
	[tilespmem:$0x13000] =	vst v63  }
0x66: {  	_ =	swait.ge [sflag:s29], $0x1000  }
0x67: {  	[sflag:s29] =	ssyncset.done $0x0  }
0x68: {  	s8 =	simm.s32 $0x2A80;
	[sflag:s29] =	ssyncadd.s32 $0xFFFFF000  }
0x69: {  	[spmem:s4] =	stream.indirect.scatter.add.f32 [tilespmem:s23], [sflag:$0x6], $0x20, s8, s21, $0xb8;
	[tilespmem:$0x13000] =	vst v63  }
0x6a: {  	_ =	swait.ge [sflag:s25], $0x1000  }
0x6b: {  	[sflag:s25] =	ssyncset.done $0x0  }
0x6c: {  	s6 =	simm.s32 $0x380;
	[sflag:s25] =	ssyncadd.s32 $0xFFFFF000  }
0x6d: {  	[tilespmem:s1], [sflag:$0x4] =	stream.indirect.gather [spmem:s3], $0x20, s6, s21, $0xb8;
	[tilespmem:$0x13000] =	vst v63  }
0x6e: {  	_ =	swait.ge [sflag:s19], $0x1000  }
0x6f: {  	[sflag:s19] =	ssyncset.done $0x0  }
0x70: {  	s8 =	simm.s32 $0x2B00;
	[sflag:s19] =	ssyncadd.s32 $0xFFFFF000  }
0x71: {  	[spmem:s4] =	stream.indirect.scatter.add.f32 [tilespmem:s28], [sflag:$0x7], $0x20, s8, s21, $0xb8;
	[tilespmem:$0x13000] =	vst v63  }
0x72: {  	_ =	swait.ge [sflag:s5], $0x1000  }
0x73: {  	[sflag:s5] =	ssyncset.done $0x0  }
0x74: {  	s6 =	simm.s32 $0x400;
	[sflag:s5] =	ssyncadd.s32 $0xFFFFF000  }
0x75: {  	[tilespmem:s22], [sflag:$0x1] =	stream.indirect.gather [spmem:s3], $0x20, s6, s21, $0xb8;
	[tilespmem:$0x13000] =	vst v63  }
0x76: {  	_ =	swait.ge [sflag:s20], $0x1000  }
0x77: {  	[sflag:s20] =	ssyncset.done $0x0  }
0x78: {  	s8 =	simm.s32 $0x2B80;
	[sflag:s20] =	ssyncadd.s32 $0xFFFFF000  }
0x79: {  	[spmem:s4] =	stream.indirect.scatter.add.f32 [tilespmem:s1], [sflag:$0x8], $0x20, s8, s21, $0xb8;
	[tilespmem:$0x13000] =	vst v63  }
0x7a: {  	_ =	swait.ge [sflag:s30], $0x1000  }
0x7b: {  	[sflag:s30] =	ssyncset.done $0x0  }
0x7c: {  	s2 =	simm.s32 $0x800;
	s6 =	simm.s32 $0x480;
	[sflag:s30] =	ssyncadd.s32 $0xFFFFF000  }
.LBB2_2:
0x7d: {  	[tilespmem:s23], [sflag:$0x2] =	stream.indirect.gather [spmem:s3], $0x20, s6, s21, $0xb8;
	[tilespmem:$0x13000] =	vst v63  }
0x7e: {  	s6 =	smov.u32 s2  }
0x7f: {  	p1 =	sne.s32 s2, $0x8800;
	s2 =	sadd.s32 $0x800, s2;
	_ =	swait.ge [sflag:s24], $0x1000  }
0x80: {  	s6 =	sshra.s32 s6, $0x2;
	[sflag:s24] =	ssyncset.done $0x0  }
0x81: {  	s8 =	sadd.s32 $0x2A00, s6;
	[sflag:s24] =	ssyncadd.s32 $0xFFFFF000  }
0x82: {  	[spmem:s4] =	stream.indirect.scatter.add.f32 [tilespmem:s22], [sflag:$0x5], $0x20, s8, s21, $0xb8;
	[tilespmem:$0x13000] =	vst v63  }
0x83: {  	_ =	swait.ge [sflag:s0], $0x1000  }
0x84: {  	[sflag:s0] =	ssyncset.done $0x0  }
0x85: {  	s8 =	sadd.s32 $0x300, s6;
	[sflag:s0] =	ssyncadd.s32 $0xFFFFF000  }
0x86: {  	[tilespmem:s28], [sflag:$0x3] =	stream.indirect.gather [spmem:s3], $0x20, s8, s21, $0xb8;
	[tilespmem:$0x13000] =	vst v63  }
0x87: {  	_ =	swait.ge [sflag:s29], $0x1000  }
0x88: {  	[sflag:s29] =	ssyncset.done $0x0  }
0x89: {  	s8 =	sadd.s32 $0x2A80, s6;
	[sflag:s29] =	ssyncadd.s32 $0xFFFFF000  }
0x8a: {  	[spmem:s4] =	stream.indirect.scatter.add.f32 [tilespmem:s23], [sflag:$0x6], $0x20, s8, s21, $0xb8;
	[tilespmem:$0x13000] =	vst v63  }
0x8b: {  	_ =	swait.ge [sflag:s25], $0x1000  }
0x8c: {  	[sflag:s25] =	ssyncset.done $0x0  }
0x8d: {  	s8 =	sadd.s32 $0x380, s6;
	[sflag:s25] =	ssyncadd.s32 $0xFFFFF000  }
0x8e: {  	[tilespmem:s1], [sflag:$0x4] =	stream.indirect.gather [spmem:s3], $0x20, s8, s21, $0xb8;
	[tilespmem:$0x13000] =	vst v63  }
0x8f: {  	_ =	swait.ge [sflag:s19], $0x1000  }
0x90: {  	[sflag:s19] =	ssyncset.done $0x0  }
0x91: {  	s8 =	sadd.s32 $0x2B00, s6;
	[sflag:s19] =	ssyncadd.s32 $0xFFFFF000  }
0x92: {  	[spmem:s4] =	stream.indirect.scatter.add.f32 [tilespmem:s28], [sflag:$0x7], $0x20, s8, s21, $0xb8;
	[tilespmem:$0x13000] =	vst v63  }
0x93: {  	_ =	swait.ge [sflag:s5], $0x1000  }
0x94: {  	[sflag:s5] =	ssyncset.done $0x0  }
0x95: {  	s8 =	sadd.s32 $0x400, s6;
	[sflag:s5] =	ssyncadd.s32 $0xFFFFF000  }
0x96: {  	[tilespmem:s22], [sflag:$0x1] =	stream.indirect.gather [spmem:s3], $0x20, s8, s21, $0xb8;
	[tilespmem:$0x13000] =	vst v63  }
0x97: {  	_ =	swait.ge [sflag:s20], $0x1000  }
0x98: {  	[sflag:s20] =	ssyncset.done $0x0  }
.Ltmp0:
0x99: {  	s8 =	sadd.s32 $0x2B80, s6;
	[sflag:s20] =	ssyncadd.s32 $0xFFFFF000;
	(pc) =	sbr.rel @p1 .LBB2_2-.Ltmp0, $4  }
0x9a: {  	[spmem:s4] =	stream.indirect.scatter.add.f32 [tilespmem:s1], [sflag:$0x8], $0x20, s8, s21, $0xb8;
	[tilespmem:$0x13000] =	vst v63  }
0x9b: {  	_ =	swait.ge [sflag:s30], $0x1000  }
0x9c: {  	[sflag:s30] =	ssyncset.done $0x0  }
0x9d: {  	s6 =	sadd.s32 $0x480, s6;
	[sflag:s30] =	ssyncadd.s32 $0xFFFFF000  }
0x9e: {  	[tilespmem:s23], [sflag:$0x2] =	stream.indirect.gather [spmem:s3], $0x20, s6, s21, $0xb8;
	[tilespmem:$0x13000] =	vst v63  }
0x9f: {  	_ =	swait.ge [sflag:s24], $0x1000  }
0xa0: {  	[sflag:s24] =	ssyncset.done $0x0  }
0xa1: {  	s2 =	simm.s32 $0x4E00;
	[sflag:s24] =	ssyncadd.s32 $0xFFFFF000  }
0xa2: {  	[spmem:s4] =	stream.indirect.scatter.add.f32 [tilespmem:s22], [sflag:$0x5], $0x20, s2, s21, $0xb8;
	[tilespmem:$0x13000] =	vst v63  }
0xa3: {  	_ =	swait.ge [sflag:s0], $0x1000  }
0xa4: {  	[sflag:s0] =	ssyncset.done $0x0  }
0xa5: {  	s6 =	simm.s32 $0x2700;
	[sflag:s0] =	ssyncadd.s32 $0xFFFFF000  }
0xa6: {  	[tilespmem:s28], [sflag:$0x3] =	stream.indirect.gather [spmem:s3], $0x20, s6, s21, $0xb8;
	[tilespmem:$0x13000] =	vst v63  }
0xa7: {  	_ =	swait.ge [sflag:s29], $0x1000  }
0xa8: {  	[sflag:s29] =	ssyncset.done $0x0  }
0xa9: {  	s8 =	simm.s32 $0x4E80;
	[sflag:s29] =	ssyncadd.s32 $0xFFFFF000  }
0xaa: {  	[spmem:s4] =	stream.indirect.scatter.add.f32 [tilespmem:s23], [sflag:$0x6], $0x20, s8, s21, $0xb8;
	[tilespmem:$0x13000] =	vst v63  }
0xab: {  	_ =	swait.ge [sflag:s25], $0x1000  }
0xac: {  	[sflag:s25] =	ssyncset.done $0x0  }
0xad: {  	s6 =	simm.s32 $0x2780;
	[sflag:s25] =	ssyncadd.s32 $0xFFFFF000  }
0xae: {  	[tilespmem:s1], [sflag:$0x4] =	stream.indirect.gather [spmem:s3], $0x20, s6, s21, $0xb8;
	[tilespmem:$0x13000] =	vst v63  }
0xaf: {  	_ =	swait.ge [sflag:s19], $0x1000  }
0xb0: {  	[sflag:s19] =	ssyncset.done $0x0  }
0xb1: {  	s8 =	simm.s32 $0x4F00;
	[sflag:s19] =	ssyncadd.s32 $0xFFFFF000  }
0xb2: {  	[spmem:s4] =	stream.indirect.scatter.add.f32 [tilespmem:s28], [sflag:$0x7], $0x20, s8, s21, $0xb8;
	[tilespmem:$0x13000] =	vst v63  }
0xb3: {  	_ =	swait.ge [sflag:s20], $0x1000  }
0xb4: {  	[sflag:s20] =	ssyncset.done $0x0  }
0xb5: {  	s6 =	simm.s32 $0x4F80;
	[sflag:s20] =	ssyncadd.s32 $0xFFFFF000  }
0xb6: {  	[spmem:s4] =	stream.indirect.scatter.add.f32 [tilespmem:s1], [sflag:$0x8], $0x20, s6, s21, $0xb8;
	[tilespmem:$0x13000] =	vst v63  }
0xb7: {  	_ =	swait.ge [sflag:s5], $0x1000  }
0xb8: {  	[sflag:s5] =	ssyncset.done $0x0  }
0xb9: {  	[sflag:s5] =	ssyncadd.s32 $0xFFFFF000  }
0xba: {  	_ =	swait.ge [sflag:s30], $0x1000  }
0xbb: {  	[sflag:s30] =	ssyncset.done $0x0  }
0xbc: {  	[sflag:s30] =	ssyncadd.s32 $0xFFFFF000  }
0xbd: {  	_ =	swait.ge [sflag:s0], $0x1000  }
0xbe: {  	[sflag:s0] =	ssyncset.done $0x0  }
0xbf: {  	[sflag:s0] =	ssyncadd.s32 $0xFFFFF000  }
0xc0: {  	_ =	swait.ge [sflag:s25], $0x1000  }
0xc1: {  	s31 =	sadd.s32 $0x1, s31;
	[sflag:s25] =	ssyncset.done $0x0  }
0xc2: {  	p1 =	sne.s32 s31, s15;
	[sflag:s25] =	ssyncadd.s32 $0xFFFFF000  }
.Ltmp1:
0xc3: {  	s8 =	sor.u32 $0x1C09, s7;
	[bflag:$0x0] =	sbarrier.arrive $0xFFFF;
	(pc) =	sbr.rel @p1 .LBB2_1-.Ltmp1, $4  }
0xc4: {  	[hbm:s14], [sflag:s8] =	dma.local [spmem:s18], $0xA00  }
0xc5: {  	_ =	swait.ge [sflag:s26], $0xA00  }
0xc6: {  	[sflag:s26] =	ssyncset.done $0x0  }
0xc7: {  	[sflag:s26] =	ssyncadd.s32 $0xFFFFF600  }
0xc8: {  	_ =	sfence.sel $0x180000  }
0xc9: {  	[bflag:$0x0] =	sbarrier.arrive $0xFFFF  }
0xca: {  	_ =	strace $0x90000047  }
0xcb: {  	s0 =	stileid.u32;
	[bflag:$0x2] =	sbarrier.arrive $0xFFFF  }
0xcc: {  	p0 =	sne.s32 s0, $0x0;
	s0 =	rddreg [dreg:$0x4]  }
0xcd: {  	s0 =	sadd.s32 @!p0 $0x100000, s0  }
0xce: {  	[sflag:s0] =	ssyncadd.tile.s32 @!p0 $0x1;
	_ =	shalt  }
.Lfunc_end2:
_tile_overlayer_lowered:
.L_overlay_start_2:
0xcf: {  	(tag) =	ssettag $0x2  }
0xd0: {  	s0 =	rddreg [dreg:$0x0];
	s2 =	stileid.u32  }
0xd1: {  	s1 =	rddreg [dreg:$0x1];
	p0 =	sne.s32 s2, $0x0  }
0xd2: {  	s3 =	rddreg [dreg:$0x2];
	[bflag:$0x3] =	sbarrier.arrive $0xFFFF;
	s2 =	simm.s32 @!p0 $0x1C09  }
0xd3: {  	[timem:s3], [sflag:s2] =	dma.local @!p0 [hbm:s0], s1  }
0xd4: {  	s0 =	simm.s32 @!p0 $0x9  }
0xd5: {  	_ =	swait.ge @!p0 [sflag:s0], s1  }
0xd6: {  	s1 =	ssub.s32 @!p0 $0x0, s1;
	[sflag:s0] =	ssyncset.done @!p0 $0x0  }
0xd7: {  	[sflag:s0] =	ssyncadd.s32 @!p0 s1  }
0xd8: {  	[bflag:$0x3] =	sbarrier.arrive $0xFFFF  }
0xd9: {  	_ =	shalt  }

// kernel: kernel.16.cloned.1.call-start
scs
__scs_entry_jumppad:
0x0: {  	(pc) =	sbr.rel $0x88, $3  }
0x1: {  	(tag) =	ssettag $0x0;
	lr =	simm.s32 $0x1  }
0x2: {  	[smem:$0x3F7C] =	sst lr;
	_ =	strace $0xD0000000  }
0x3: {  	_ = 	snop  }
0x4: {  	_ = 	snop  }
0x5: {  	_ = 	snop  }
0x6: {  	_ = 	snop  }
0x7: {  	_ = 	snop  }
__scs_overlays_trampoline_lowered:
0x8: {  	[smem:$0x3F8B] =	sst s0  }
0x9: {  	[smem:$0x3F8C] =	sst s1  }
0xa: {  	[smem:$0x3F8D] =	sst s2  }
0xb: {  	[smem:$0x3F8E] =	sst s3  }
0xc: {  	[smem:$0x3F8F] =	sst s4  }
0xd: {  	[smem:$0x3F90] =	sst s5  }
0xe: {  	[smem:$0x3F91] =	sst s6  }
0xf: {  	[smem:$0x3F92] =	sst s7  }
0x10: {  	[smem:$0x3F93] =	sst s8  }
0x11: {  	[smem:$0x3F94] =	sst s9;
	s0 =	simm.s32 @!p0 $0x0  }
0x12: {  	s1 =	sld [smem:$0x3F7A];
	s0 =	simm.s32 @p0 $0x1  }
0x13: {  	[smem:$0x3F95] =	sst s0;
	s0 =	simm.s32 @!p1 $0x0  }
0x14: {  	s2 =	sld [smem:$0x3F79];
	s0 =	simm.s32 @p1 $0x1  }
0x15: {  	[smem:$0x3F96] =	sst s0;
	s0 =	simm.s32 @!p2 $0x0  }
0x16: {  	s3 =	sld [smem:$0x3FDB];
	s0 =	simm.s32 @p2 $0x1  }
0x17: {  	s4 =	simm.s32 $0x1BF5;
	[smem:$0x3F98] =	sst s0  }
0x18: {  	s0 =	sld [smem:$0x3F7B];
	_ =	swait.ge [sflag:s4], $0x0  }
0x19: {  	s7 =	sld [smem:$0x3F7C]  }
0x1a: {  	s8 =	sadd.s32 $0xFFFFE003, lr  }
0x1b: {  	s9 =	sadd.s32 $0xFFFFFEF7, lr;
	s5 =	simm.s32 $0xFFFFFFFF;
	p2 =	slt.u32 s8, $0xFFFFF086  }
0x1c: {  	p1 =	slt.u32 s9, $0xF7A;
	s5 =	simm.s32 @!p2 $0x0  }
0x1d: {  	s5 =	simm.s32 @p1 $0x1;
	p0 =	seq.s32 s7, s2  }
0x1e: {  	s7 =	smul.u32 @!p0 $0xF7A, s2;
	p2 =	seq.s32 @!p0 s5, $0x0  }
0x1f: {  	s9 =	smul.u32 $0xF7A, s1;
	s8 =	simm.s32 @!p0 $0x1BF5;
	p2 =	por !p2, p0  }
0x20: {  	[sflag:s8] =	ssyncset.s32 @!p0 $0xFFFFF086;
	s6 =	sadd.s32 @!p0 s3, s7;
	s7 =	simm.s32 @!p0 $0x108  }
0x21: {  	s3 =	sadd.s32 s3, s9;
	s6 =	sadd.s32 @!p0 $0x88, s6;
	s7 =	simm.s32 @p2 $0x1082  }
0x22: {  	[simem:s7], [sflag:s8] =	dma.local @!p0 [hbm:s6], $0xF7A  }
0x23: {  	s9 =	sor.u32 $0xD0000000, s2;
	s6 =	simm.s32 $0x108;
	_ =	swait.ge @!p0 [sflag:s8], $0x0  }
0x24: {  	s3 =	sadd.s32 $0x88, s3;
	s6 =	simm.s32 @!p1 $0x1082;
	[sflag:s4] =	ssyncset.s32 $0xFFFFF086  }
0x25: {  	[simem:s6], [sflag:s4] =	dma.local [hbm:s3], $0xF7A  }
0x26: {  	[smem:$0x3F7C] =	sst s1;
	(tag) =	ssettag s2;
	_ =	strace s9  }
0x27: {  	s1 =	sld [smem:$0x3F8C]  }
0x28: {  	s2 =	sld [smem:$0x3F8D]  }
0x29: {  	s4 =	sld [smem:$0x3F8F]  }
0x2a: {  	p0 =	seq.s32 s5, $0x0;
	s5 =	sld [smem:$0x3F90]  }
0x2b: {  	s6 =	sld [smem:$0x3F91]  }
0x2c: {  	s7 =	sld [smem:$0x3F92]  }
0x2d: {  	s3 =	simm.s32 $0x108;
	s8 =	sld [smem:$0x3F93]  }
0x2e: {  	s3 =	simm.s32 @!p0 $0x1082;
	s9 =	sld [smem:$0x3F94]  }
0x2f: {  	lr =	sadd.s32 s0, s3;
	s0 =	sld [smem:$0x3F8B]  }
0x30: {  	s3 =	sld [smem:$0x3F8E]  }
0x31: {  	[smem:$0x3F97] =	sst s10  }
0x32: {  	s10 =	sld [smem:$0x3F95];
	_ =	sdelay $0x3  }
0x33: {  	p0 =	seq.s32 s10, $0x1;
	s10 =	sld [smem:$0x3F97];
	_ =	sdelay $0x3  }
0x34: {  	[smem:$0x3F97] =	sst s10  }
0x35: {  	s10 =	sld [smem:$0x3F96];
	_ =	sdelay $0x3  }
0x36: {  	p1 =	seq.s32 s10, $0x1;
	s10 =	sld [smem:$0x3F97];
	_ =	sdelay $0x3  }
0x37: {  	[smem:$0x3F97] =	sst s10  }
0x38: {  	s10 =	sld [smem:$0x3F98]  }
0x39: {  	_ = 	snop;
	(pc) =	sbr.ind lr, $3  }
0x3a: {  	_ = 	snop  }
0x3b: {  	_ = 	snop  }
0x3c: {  	p2 =	seq.s32 s10, $0x1;
	s10 =	sld [smem:$0x3F97]  }
0x3d: {  	_ =	shalt  }
0x3e: {  	_ =	shalt  }
0x3f: {  	_ =	shalt  }
0x40: {  	_ =	shalt  }
0x41: {  	_ =	shalt  }
0x42: {  	_ =	shalt  }
0x43: {  	_ =	shalt  }
0x44: {  	_ =	shalt  }
0x45: {  	_ =	shalt  }
0x46: {  	_ =	shalt  }
0x47: {  	_ =	shalt  }
0x48: {  	_ =	shalt  }
0x49: {  	_ =	shalt  }
0x4a: {  	_ =	shalt  }
0x4b: {  	_ =	shalt  }
0x4c: {  	_ =	shalt  }
0x4d: {  	_ =	shalt  }
0x4e: {  	_ =	shalt  }
0x4f: {  	_ =	shalt  }
0x50: {  	_ =	shalt  }
0x51: {  	_ =	shalt  }
0x52: {  	_ =	shalt  }
0x53: {  	_ =	shalt  }
0x54: {  	_ =	shalt  }
0x55: {  	_ =	shalt  }
0x56: {  	_ =	shalt  }
0x57: {  	_ =	shalt  }
0x58: {  	_ =	shalt  }
0x59: {  	_ =	shalt  }
0x5a: {  	_ =	shalt  }
0x5b: {  	_ =	shalt  }
0x5c: {  	_ =	shalt  }
0x5d: {  	_ =	shalt  }
0x5e: {  	_ =	shalt  }
0x5f: {  	_ =	shalt  }
0x60: {  	_ =	shalt  }
0x61: {  	_ =	shalt  }
0x62: {  	_ =	shalt  }
0x63: {  	_ =	shalt  }
0x64: {  	_ =	shalt  }
0x65: {  	_ =	shalt  }
0x66: {  	_ =	shalt  }
0x67: {  	_ =	shalt  }
0x68: {  	_ =	shalt  }
0x69: {  	_ =	shalt  }
0x6a: {  	_ =	shalt  }
0x6b: {  	_ =	shalt  }
0x6c: {  	_ =	shalt  }
0x6d: {  	_ =	shalt  }
0x6e: {  	_ =	shalt  }
0x6f: {  	_ =	shalt  }
0x70: {  	_ =	shalt  }
0x71: {  	_ =	shalt  }
0x72: {  	_ =	shalt  }
0x73: {  	_ =	shalt  }
0x74: {  	_ =	shalt  }
0x75: {  	_ =	shalt  }
0x76: {  	_ =	shalt  }
0x77: {  	_ =	shalt  }
0x78: {  	_ =	shalt  }
0x79: {  	_ =	shalt  }
0x7a: {  	_ =	shalt  }
0x7b: {  	_ =	shalt  }
0x7c: {  	_ =	shalt  }
0x7d: {  	_ =	shalt  }
0x7e: {  	_ =	shalt  }
0x7f: {  	_ =	shalt  }
0x80: {  	_ =	shalt  }
0x81: {  	_ =	shalt  }
0x82: {  	_ =	shalt  }
0x83: {  	_ =	shalt  }
0x84: {  	_ =	shalt  }
0x85: {  	_ =	shalt  }
0x86: {  	_ =	shalt  }
0x87: {  	_ =	shalt  }
.Lfunc_end0:
.L_simem_size_0:
called_computation.1_lowered:
.L_overlay_start_0:
0x88: {  	s2 =	sld [smem:$0x3FD9]  }
0x89: {  	s3 =	sld [smem:$0x3FFE];
	_ =	sdelay $0x1  }
0x8a: {  	s1 =	srdreg.scid  }
0x8b: {  	s0 =	sand.u32 $0x1, s1  }
0x8c: {  	s17 =	sshll.u32 s0, $0xA;
	s2 =	sadd.s32 s3, s2  }
0x8d: {  	s2 =	sadd.s32 s2, s17  }
0x8e: {  	[smem:$0x3FA3] =	sst s2  }
0x8f: {  	_ = 	snop  }
0x90: {  	s2 =	sld [smem:$0x3FD0];
	(tm) =	ssettm $0x1  }
0x91: {  	s18 =	sld [smem:$0x3FFB];
	_ =	sdelay $0x3  }
0x92: {  	_ =	strace s18  }
0x93: {  	s3 =	sld [smem:$0x3FFC];
	_ =	sdelay $0x3  }
0x94: {  	_ =	strace s3  }
0x95: {  	s3 =	sld [smem:$0x3FFD];
	_ =	sdelay $0x3  }
0x96: {  	_ =	strace s3  }
0x97: {  	_ =	strace $0x8FFFFFFF  }
0x98: {  	s19 =	sld [smem:$0x3FDB];
	_ =	sdelay $0x1  }
0x99: {  	s4 =	simm.s32 $_scs_section_size  }
0x9a: {  	s5 =	simm.s32 $_size__tile_overlayer_lowered;
	s6 =	simm.s32 $_tile_overlayer_lowered  }
0x9b: {  	s22 =	simm.s32 $0x1BFF;
	s21 =	sshll.u32 s6, $0x1;
	s3 =	sadd.s32 s4, s19  }
0x9c: {  	s7 =	simm.s32 $0x0;
	s20 =	sshll.u32 s5, $0x1;
	s5 =	sadd.s32 s21, s3  }
0x9d: {  	[timem:s7], [sflag:s22] =	dma.local [hbm:s5], s20  }
0x9e: {  	_ =	swait.ge [sflag:s22], s20  }
0x9f: {  	s4 =	ssub.s32 $0x0, s20;
	[sflag:s22] =	ssyncset.done $0x0  }
0xa0: {  	[sflag:s22] =	ssyncadd.s32 s4;
	_ =	sdelay $0x1  }
0xa1: {  	s23 =	simm.s32 $0x1B8B  }
0xa2: {  	_ =	swait.ge [sflag:s23], $0x1  }
0xa3: {  	[sflag:s23] =	ssyncset.done $0x0  }
0xa4: {  	s25 =	simm.s32 $0x1B8E;
	s24 =	sld [smem:$0x3FFE];
	[sflag:s23] =	ssyncadd.s32 $0xFFFFFFFF  }
0xa5: {  	s26 =	simm.s32 $execute0_lowered;
	[smem:$0x3FD2] =	sst s25  }
0xa6: {  	s5 =	sshll.u32 s26, $0x1;
	_ =	strace $0x80000049;
	[dreg:$0x1] =	wrdreg $0xFFFFFFFF  }
0xa7: {  	s28 =	simm.s32 $_size_execute0_lowered;
	s3 =	sadd.s32 s3, s5;
	[dreg:$0x0] =	wrdreg $0x0  }
0xa8: {  	s5 =	sshll.u32 s28, $0x1;
	[dreg:$0x2] =	wrdreg s3  }
0xa9: {  	[dreg:$0x3] =	wrdreg s5  }
0xaa: {  	[dreg:$0x4] =	wrdreg $0xC0  }
0xab: {  	_ =	task [dreg:s7], $0x5FFFF  }
0xac: {  	[dreg:$0x1] =	wrdreg $0xFFFFFFFF  }
0xad: {  	[dreg:$0x0] =	wrdreg $0x60  }
0xae: {  	[dreg:$0x2] =	wrdreg s24  }
0xaf: {  	[dreg:$0x3] =	wrdreg s2  }
0xb0: {  	[dreg:$0x4] =	wrdreg $0x90000  }
0xb1: {  	[dreg:$0x5] =	wrdreg $0xE0000  }
0xb2: {  	[dreg:$0x6] =	wrdreg $0x9  }
0xb3: {  	_ =	task.clear_ibuf [dreg:s7], $0x7FFFF;
	_ =	strace $0x90000049  }
0xb4: {  	s29 =	simm.s32 $0x9;
	_ =	strace $0x8000004B  }
0xb5: {  	_ =	swait.ge [sflag:s29], $0x1  }
0xb6: {  	[sflag:s29] =	ssyncadd.s32 $0xFFFFFFFF  }
0xb7: {  	_ =	strace $0x9000004B  }
0xb8: {  	_ =	sfence  }
0xb9: {  	s30 =	sld [smem:$0x0];
	_ =	sdelay $0x2  }
0xba: {  	s31 =	sshll.u32 s1, $0xD;
	s1 =	sshrl.u32 s1, $0x2  }
0xbb: {  	s3 =	sand.u32 $0x4000, s31;
	s1 =	sadd.s32 s1, s30  }
0xbc: {  	s0 =	sor.u32 s3, s0;
	s1 =	sshll.u32 s1, $0x11  }
0xbd: {  	s0 =	sor.u32 s1, s0  }
0xbe: {  	s0 =	sadd.s32 $0x8F2B, s0  }
0xbf: {  	[sflag:s0] =	ssyncadd.remote.s32 $0x1  }
0xc0: {  	_ =	sfence.sel $0xFFFF  }
0xc1: {  	[dreg:$0x0] =	wrdreg $0xFFFFFFFF;
	(pc) =	sbr.abs _section_cstart, $3  }
0xc2: {  	[dreg:$0x1] =	wrdreg $0xFFFFFFFF  }
0xc3: {  	_ =	task.clear_ibuf [dreg:s7], $0x2FFFF;
	_ =	strace $0x9FFFFFFF  }
0xc4: {  	(tm) =	ssettm $0x7FFFFFFF  }
0xc5: {  	_ =	shalt  }
tec
execute0_lowered:
.L_overlay_start_1:
0x0: {  	(tag) =	ssettag $0x1  }
0x1: {  	s1 =	rddreg [dreg:$0x0]  }
0x2: {  	s0 =	srdreg.scid;
	s3 =	rddreg [dreg:$0x2]  }
0x3: {  	s10 =	stileid.u32;
	s4 =	rddreg [dreg:$0x3]  }
0x4: {  	s8 =	simm.s32 $0x0;
	s19 =	simm.s32 $0x3;
	s20 =	simm.s32 $0x4  }
0x5: {  	s21 =	simm.s32 $0x80;
	s22 =	simm.s32 $0x5000;
	s28 =	simm.s32 $0x7000  }
0x6: {  	s29 =	simm.s32 $0x2;
	s30 =	simm.s32 $0x6;
	s31 =	simm.s32 $0x0  }
0x7: {  	s0 =	sand.u32 $0x1, s0;
	s2 =	sshll.u32 s10, $0x1;
	s6 =	smul.u32 $0x5000, s10  }
0x8: {  	s7 =	smul.u32 $0xA00, s10;
	[smem:$0x7FF] =	sst s8;
	s12 =	sadd.s32 $0x1BF00, s1  }
0x9: {  	s13 =	sadd.s32 $0x12100, s1;
	s2 =	sor.u32 s0, s2;
	s23 =	smul.u32 $0xA000, s0  }
0xa: {  	_ =	strace $0x8000004A;
	s0 =	ssub.s32 $0x2, s0;
	s5 =	smul.u32 $0x500, s2  }
0xb: {  	s9 =	sshrl.u32 s6, $0x3;
	s24 =	sshrl.u32 s0, $0x1;
	s16 =	sadd.s32 s6, s3  }
0xc: {  	s6 =	sadd.s32 s6, s4;
	p0 =	seq.s32 s2, $0x1F;
	s7 =	sadd.s32 s7, s23  }
0xd: {  	s9 =	sadd.s32 s9, s1;
	s0 =	ssub.s32 s0, s24;
	s16 =	sshrl.u32 s16, $0x3  }
0xe: {  	s18 =	sshrl.u32 s6, $0x3;
	s23 =	simm.s32 $0x6000;
	s24 =	simm.s32 $0x1  }
0xf: {  	s5 =	sadd.s32 s5, s1;
	s14 =	sadd.s32 s7, s1;
	s25 =	sadd.s32 $0x1C200, s9  }
0x10: {  	s7 =	sshll.u32 s10, $0x6;
	s9 =	sadd.s32 $0x26200, s9;
	s15 =	smax.u32 s0, $0x1  }
0x11: {  	s1 =	simm.s32 $0x8000;
	s0 =	simm.s32 $0x7;
	[dreg:$0x5] =	wrdreg s25  }
0x12: {  	s26 =	sor.u32 $0x1C03, s7;
	s10 =	sadd.s32 $0x12400, s5;
	s11 =	sadd.s32 $0x8600, s5  }
0x13: {  	s14 =	sadd.s32 $0x30200, s14;
	s17 =	sor.u32 $0x1C04, s7;
	s5 =	simm.s32 $0x5  }
0x14: {  	s25 =	simm.s32 $0x8;
	[dreg:$0x6] =	wrdreg s26;
	s26 =	simm.s32 $0x9  }
.LBB2_1:
0x15: {  	s2 =	rddreg [dreg:$0x5]  }
0x16: {  	s6 =	rddreg [dreg:$0x6]  }
0x17: {  	[spmem:s16], [sflag:s6] =	dma.local [hbm:s2], $0xA00  }
0x18: {  	s2 =	simm.s32 @p0 $0x0  }
0x19: {  	[spmem:s18], [sflag:s17] =	dma.local [hbm:s9], $0xA00  }
0x1a: {  	[tilespmem:s2], [sflag:$0x1] =	stream.linear.gather @p0 [hbm4b:s12+s2], $0xA00, $0x38;
	[tilespmem:$0x13000] =	vst v63  }
0x1b: {  	s6 =	simm.s32 @p0 $0x2800  }
0x1c: {  	[tilespmem:s6], [sflag:$0x2] =	stream.linear.gather @p0 [hbm4b:s13+s2], $0xA00, $0x38;
	[tilespmem:$0x13000] =	vst v63  }
0x1d: {  	s8 =	rddreg [dreg:$0x1];
	s6 =	simm.s32 @p0 $0xA00  }
0x1e: {  	[tilespmem:s6], [sflag:$0x5] =	stream.linear.gather @p0 [hbm4b:s8+s2], $0x1E00, $0x38;
	[tilespmem:$0x13000] =	vst v63  }
0x1f: {  	s6 =	simm.s32 @p0 $0x3200  }
0x20: {  	[tilespmem:s6], [sflag:$0x6] =	stream.linear.gather @p0 [hbm4b:s8+s2], $0x1E00, $0x38;
	[tilespmem:$0x13000] =	vst v63  }
0x21: {  	s2 =	simm.s32 @p0 $0x1  }
0x22: {  	_ =	swait.ge @p0 [sflag:s2], $0xA00  }
0x23: {  	[sflag:s2] =	ssyncset.done @p0 $0x0  }
0x24: {  	[sflag:s2] =	ssyncadd.s32 @p0 $0xFFFFF600;
	s2 =	simm.s32 @p0 $0x2  }
0x25: {  	_ =	swait.ge @p0 [sflag:s2], $0xA00  }
0x26: {  	[sflag:s2] =	ssyncset.done @p0 $0x0  }
0x27: {  	[sflag:s2] =	ssyncadd.s32 @p0 $0xFFFFF600;
	s2 =	simm.s32 @p0 $0x5  }
0x28: {  	_ =	swait.ge @p0 [sflag:s2], $0x1E00  }
0x29: {  	[sflag:s2] =	ssyncset.done @p0 $0x0  }
0x2a: {  	[sflag:s2] =	ssyncadd.s32 @p0 $0xFFFFE200;
	s2 =	simm.s32 @p0 $0x6  }
0x2b: {  	_ =	swait.ge @p0 [sflag:s2], $0x1E00  }
0x2c: {  	[sflag:s2] =	ssyncset.done @p0 $0x0  }
0x2d: {  	[sflag:s2] =	ssyncadd.s32 @p0 $0xFFFFE200;
	s2 =	simm.s32 @!p0 $0x0  }
0x2e: {  	[tilespmem:s2], [sflag:$0x1] =	stream.linear.gather @!p0 [hbm4b:s10+s2], $0x2800, $0x38;
	[tilespmem:$0x13000] =	vst v63  }
0x2f: {  	s6 =	simm.s32 @!p0 $0x2800  }
0x30: {  	[tilespmem:s6], [sflag:$0x2] =	stream.linear.gather @!p0 [hbm4b:s11+s2], $0x2800, $0x38;
	[tilespmem:$0x13000] =	vst v63  }
0x31: {  	s2 =	simm.s32 @!p0 $0x1  }
0x32: {  	_ =	swait.ge @!p0 [sflag:s2], $0x2800  }
0x33: {  	[sflag:s2] =	ssyncset.done @!p0 $0x0  }
0x34: {  	[sflag:s2] =	ssyncadd.s32 @!p0 $0xFFFFD800;
	s2 =	simm.s32 @!p0 $0x2  }
0x35: {  	_ =	swait.ge @!p0 [sflag:s2], $0x2800  }
0x36: {  	[sflag:s2] =	ssyncset.done @!p0 $0x0  }
0x37: {  	[sflag:s2] =	ssyncadd.s32 @!p0 $0xFFFFD800  }
0x38: {  	_ =	swait.ge [sflag:s19], $0xA00  }
0x39: {  	[sflag:s19] =	ssyncset.done $0x0  }
0x3a: {  	[sflag:s19] =	ssyncadd.s32 $0xFFFFF600  }
0x3b: {  	_ =	swait.ge [sflag:s20], $0xA00  }
0x3c: {  	[sflag:s20] =	ssyncset.done $0x0  }
0x3d: {  	[sflag:s20] =	ssyncadd.s32 $0xFFFFF600  }
0x3e: {  	s6 =	simm.s32 $0x0;
	[bflag:$0x0] =	sbarrier.arrive $0xFFFF  }
0x3f: {  	[tilespmem:s22], [sflag:$0x1] =	stream.indirect.gather [spmem:s3], $0x20, s6, s21, $0xb8;
	[tilespmem:$0x13000] =	vst v63  }
0x40: {  	_ = 	snop  }
0x41: {  	[tilespmem:s23], [sflag:$0x2] =	stream.indirect.gather [spmem:s3], $0x20, s21, s21, $0xb8;
	[tilespmem:$0x13000] =	vst v63  }
0x42: {  	_ =	swait.ge [sflag:s24], $0x1000  }
0x43: {  	[sflag:s24] =	ssyncset.done $0x0  }
0x44: {  	s8 =	simm.s32 $0x2800;
	[sflag:s24] =	ssyncadd.s32 $0xFFFFF000  }
0x45: {  	[spmem:s4] =	stream.indirect.scatter.add.f32 [tilespmem:s22], [sflag:$0x5], $0x20, s8, s21, $0xb8;
	[tilespmem:$0x13000] =	vst v63  }
0x46: {  	s6 =	simm.s32 $0x100  }
0x47: {  	[tilespmem:s28], [sflag:$0x3] =	stream.indirect.gather [spmem:s3], $0x20, s6, s21, $0xb8;
	[tilespmem:$0x13000] =	vst v63  }
0x48: {  	_ =	swait.ge [sflag:s29], $0x1000  }
0x49: {  	[sflag:s29] =	ssyncset.done $0x0  }
0x4a: {  	s8 =	simm.s32 $0x2880;
	[sflag:s29] =	ssyncadd.s32 $0xFFFFF000  }
0x4b: {  	[spmem:s4] =	stream.indirect.scatter.add.f32 [tilespmem:s23], [sflag:$0x6], $0x20, s8, s21, $0xb8;
	[tilespmem:$0x13000] =	vst v63  }
0x4c: {  	s6 =	simm.s32 $0x180  }
0x4d: {  	[tilespmem:s1], [sflag:$0x4] =	stream.indirect.gather [spmem:s3], $0x20, s6, s21, $0xb8;
	[tilespmem:$0x13000] =	vst v63  }
0x4e: {  	_ =	swait.ge [sflag:s19], $0x1000  }
0x4f: {  	[sflag:s19] =	ssyncset.done $0x0  }
0x50: {  	s8 =	simm.s32 $0x2900;
	[sflag:s19] =	ssyncadd.s32 $0xFFFFF000  }
0x51: {  	[spmem:s4] =	stream.indirect.scatter.add.f32 [tilespmem:s28], [sflag:$0x7], $0x20, s8, s21, $0xb8;
	[tilespmem:$0x13000] =	vst v63  }
0x52: {  	_ =	swait.ge [sflag:s5], $0x1000  }
0x53: {  	[sflag:s5] =	ssyncset.done $0x0  }
0x54: {  	s6 =	simm.s32 $0x200;
	[sflag:s5] =	ssyncadd.s32 $0xFFFFF000  }
0x55: {  	[tilespmem:s22], [sflag:$0x1] =	stream.indirect.gather [spmem:s3], $0x20, s6, s21, $0xb8;
	[tilespmem:$0x13000] =	vst v63  }
0x56: {  	_ =	swait.ge [sflag:s20], $0x1000  }
0x57: {  	[sflag:s20] =	ssyncset.done $0x0  }
0x58: {  	s8 =	simm.s32 $0x2980;
	[sflag:s20] =	ssyncadd.s32 $0xFFFFF000  }
0x59: {  	[spmem:s4] =	stream.indirect.scatter.add.f32 [tilespmem:s1], [sflag:$0x8], $0x20, s8, s21, $0xb8;
	[tilespmem:$0x13000] =	vst v63  }
0x5a: {  	_ =	swait.ge [sflag:s30], $0x1000  }
0x5b: {  	[sflag:s30] =	ssyncset.done $0x0  }
0x5c: {  	s6 =	simm.s32 $0x280;
	[sflag:s30] =	ssyncadd.s32 $0xFFFFF000  }
0x5d: {  	[tilespmem:s23], [sflag:$0x2] =	stream.indirect.gather [spmem:s3], $0x20, s6, s21, $0xb8;
	[tilespmem:$0x13000] =	vst v63  }
0x5e: {  	_ =	swait.ge [sflag:s24], $0x1000  }
0x5f: {  	[sflag:s24] =	ssyncset.done $0x0  }
0x60: {  	s8 =	simm.s32 $0x2A00;
	[sflag:s24] =	ssyncadd.s32 $0xFFFFF000  }
0x61: {  	[spmem:s4] =	stream.indirect.scatter.add.f32 [tilespmem:s22], [sflag:$0x5], $0x20, s8, s21, $0xb8;
	[tilespmem:$0x13000] =	vst v63  }
0x62: {  	_ =	swait.ge [sflag:s0], $0x1000  }
0x63: {  	[sflag:s0] =	ssyncset.done $0x0  }
0x64: {  	s6 =	simm.s32 $0x300;
	[sflag:s0] =	ssyncadd.s32 $0xFFFFF000  }
0x65: {  	[tilespmem:s28], [sflag:$0x3] =	stream.indirect.gather [spmem:s3], $0x20, s6, s21, $0xb8;
	[tilespmem:$0x13000] =	vst v63  }
0x66: {  	_ =	swait.ge [sflag:s29], $0x1000  }
0x67: {  	[sflag:s29] =	ssyncset.done $0x0  }
0x68: {  	s8 =	simm.s32 $0x2A80;
	[sflag:s29] =	ssyncadd.s32 $0xFFFFF000  }
0x69: {  	[spmem:s4] =	stream.indirect.scatter.add.f32 [tilespmem:s23], [sflag:$0x6], $0x20, s8, s21, $0xb8;
	[tilespmem:$0x13000] =	vst v63  }
0x6a: {  	_ =	swait.ge [sflag:s25], $0x1000  }
0x6b: {  	[sflag:s25] =	ssyncset.done $0x0  }
0x6c: {  	s6 =	simm.s32 $0x380;
	[sflag:s25] =	ssyncadd.s32 $0xFFFFF000  }
0x6d: {  	[tilespmem:s1], [sflag:$0x4] =	stream.indirect.gather [spmem:s3], $0x20, s6, s21, $0xb8;
	[tilespmem:$0x13000] =	vst v63  }
0x6e: {  	_ =	swait.ge [sflag:s19], $0x1000  }
0x6f: {  	[sflag:s19] =	ssyncset.done $0x0  }
0x70: {  	s8 =	simm.s32 $0x2B00;
	[sflag:s19] =	ssyncadd.s32 $0xFFFFF000  }
0x71: {  	[spmem:s4] =	stream.indirect.scatter.add.f32 [tilespmem:s28], [sflag:$0x7], $0x20, s8, s21, $0xb8;
	[tilespmem:$0x13000] =	vst v63  }
0x72: {  	_ =	swait.ge [sflag:s5], $0x1000  }
0x73: {  	[sflag:s5] =	ssyncset.done $0x0  }
0x74: {  	s6 =	simm.s32 $0x400;
	[sflag:s5] =	ssyncadd.s32 $0xFFFFF000  }
0x75: {  	[tilespmem:s22], [sflag:$0x1] =	stream.indirect.gather [spmem:s3], $0x20, s6, s21, $0xb8;
	[tilespmem:$0x13000] =	vst v63  }
0x76: {  	_ =	swait.ge [sflag:s20], $0x1000  }
0x77: {  	[sflag:s20] =	ssyncset.done $0x0  }
0x78: {  	s8 =	simm.s32 $0x2B80;
	[sflag:s20] =	ssyncadd.s32 $0xFFFFF000  }
0x79: {  	[spmem:s4] =	stream.indirect.scatter.add.f32 [tilespmem:s1], [sflag:$0x8], $0x20, s8, s21, $0xb8;
	[tilespmem:$0x13000] =	vst v63  }
0x7a: {  	_ =	swait.ge [sflag:s30], $0x1000  }
0x7b: {  	[sflag:s30] =	ssyncset.done $0x0  }
0x7c: {  	s2 =	simm.s32 $0x800;
	s6 =	simm.s32 $0x480;
	[sflag:s30] =	ssyncadd.s32 $0xFFFFF000  }
.LBB2_2:
0x7d: {  	[tilespmem:s23], [sflag:$0x2] =	stream.indirect.gather [spmem:s3], $0x20, s6, s21, $0xb8;
	[tilespmem:$0x13000] =	vst v63  }
0x7e: {  	s6 =	smov.u32 s2  }
0x7f: {  	p1 =	sne.s32 s2, $0x8800;
	s2 =	sadd.s32 $0x800, s2;
	_ =	swait.ge [sflag:s24], $0x1000  }
0x80: {  	s6 =	sshra.s32 s6, $0x2;
	[sflag:s24] =	ssyncset.done $0x0  }
0x81: {  	s8 =	sadd.s32 $0x2A00, s6;
	[sflag:s24] =	ssyncadd.s32 $0xFFFFF000  }
0x82: {  	[spmem:s4] =	stream.indirect.scatter.add.f32 [tilespmem:s22], [sflag:$0x5], $0x20, s8, s21, $0xb8;
	[tilespmem:$0x13000] =	vst v63  }
0x83: {  	_ =	swait.ge [sflag:s0], $0x1000  }
0x84: {  	[sflag:s0] =	ssyncset.done $0x0  }
0x85: {  	s8 =	sadd.s32 $0x300, s6;
	[sflag:s0] =	ssyncadd.s32 $0xFFFFF000  }
0x86: {  	[tilespmem:s28], [sflag:$0x3] =	stream.indirect.gather [spmem:s3], $0x20, s8, s21, $0xb8;
	[tilespmem:$0x13000] =	vst v63  }
0x87: {  	_ =	swait.ge [sflag:s29], $0x1000  }
0x88: {  	[sflag:s29] =	ssyncset.done $0x0  }
0x89: {  	s8 =	sadd.s32 $0x2A80, s6;
	[sflag:s29] =	ssyncadd.s32 $0xFFFFF000  }
0x8a: {  	[spmem:s4] =	stream.indirect.scatter.add.f32 [tilespmem:s23], [sflag:$0x6], $0x20, s8, s21, $0xb8;
	[tilespmem:$0x13000] =	vst v63  }
0x8b: {  	_ =	swait.ge [sflag:s25], $0x1000  }
0x8c: {  	[sflag:s25] =	ssyncset.done $0x0  }
0x8d: {  	s8 =	sadd.s32 $0x380, s6;
	[sflag:s25] =	ssyncadd.s32 $0xFFFFF000  }
0x8e: {  	[tilespmem:s1], [sflag:$0x4] =	stream.indirect.gather [spmem:s3], $0x20, s8, s21, $0xb8;
	[tilespmem:$0x13000] =	vst v63  }
0x8f: {  	_ =	swait.ge [sflag:s19], $0x1000  }
0x90: {  	[sflag:s19] =	ssyncset.done $0x0  }
0x91: {  	s8 =	sadd.s32 $0x2B00, s6;
	[sflag:s19] =	ssyncadd.s32 $0xFFFFF000  }
0x92: {  	[spmem:s4] =	stream.indirect.scatter.add.f32 [tilespmem:s28], [sflag:$0x7], $0x20, s8, s21, $0xb8;
	[tilespmem:$0x13000] =	vst v63  }
0x93: {  	_ =	swait.ge [sflag:s5], $0x1000  }
0x94: {  	[sflag:s5] =	ssyncset.done $0x0  }
0x95: {  	s8 =	sadd.s32 $0x400, s6;
	[sflag:s5] =	ssyncadd.s32 $0xFFFFF000  }
0x96: {  	[tilespmem:s22], [sflag:$0x1] =	stream.indirect.gather [spmem:s3], $0x20, s8, s21, $0xb8;
	[tilespmem:$0x13000] =	vst v63  }
0x97: {  	_ =	swait.ge [sflag:s20], $0x1000  }
0x98: {  	[sflag:s20] =	ssyncset.done $0x0  }
.Ltmp0:
0x99: {  	s8 =	sadd.s32 $0x2B80, s6;
	[sflag:s20] =	ssyncadd.s32 $0xFFFFF000;
	(pc) =	sbr.rel @p1 .LBB2_2-.Ltmp0, $4  }
0x9a: {  	[spmem:s4] =	stream.indirect.scatter.add.f32 [tilespmem:s1], [sflag:$0x8], $0x20, s8, s21, $0xb8;
	[tilespmem:$0x13000] =	vst v63  }
0x9b: {  	_ =	swait.ge [sflag:s30], $0x1000  }
0x9c: {  	[sflag:s30] =	ssyncset.done $0x0  }
0x9d: {  	s6 =	sadd.s32 $0x480, s6;
	[sflag:s30] =	ssyncadd.s32 $0xFFFFF000  }
0x9e: {  	[tilespmem:s23], [sflag:$0x2] =	stream.indirect.gather [spmem:s3], $0x20, s6, s21, $0xb8;
	[tilespmem:$0x13000] =	vst v63  }
0x9f: {  	_ =	swait.ge [sflag:s24], $0x1000  }
0xa0: {  	[sflag:s24] =	ssyncset.done $0x0  }
0xa1: {  	s2 =	simm.s32 $0x4E00;
	[sflag:s24] =	ssyncadd.s32 $0xFFFFF000  }
0xa2: {  	[spmem:s4] =	stream.indirect.scatter.add.f32 [tilespmem:s22], [sflag:$0x5], $0x20, s2, s21, $0xb8;
	[tilespmem:$0x13000] =	vst v63  }
0xa3: {  	_ =	swait.ge [sflag:s0], $0x1000  }
0xa4: {  	[sflag:s0] =	ssyncset.done $0x0  }
0xa5: {  	s6 =	simm.s32 $0x2700;
	[sflag:s0] =	ssyncadd.s32 $0xFFFFF000  }
0xa6: {  	[tilespmem:s28], [sflag:$0x3] =	stream.indirect.gather [spmem:s3], $0x20, s6, s21, $0xb8;
	[tilespmem:$0x13000] =	vst v63  }
0xa7: {  	_ =	swait.ge [sflag:s29], $0x1000  }
0xa8: {  	[sflag:s29] =	ssyncset.done $0x0  }
0xa9: {  	s8 =	simm.s32 $0x4E80;
	[sflag:s29] =	ssyncadd.s32 $0xFFFFF000  }
0xaa: {  	[spmem:s4] =	stream.indirect.scatter.add.f32 [tilespmem:s23], [sflag:$0x6], $0x20, s8, s21, $0xb8;
	[tilespmem:$0x13000] =	vst v63  }
0xab: {  	_ =	swait.ge [sflag:s25], $0x1000  }
0xac: {  	[sflag:s25] =	ssyncset.done $0x0  }
0xad: {  	s6 =	simm.s32 $0x2780;
	[sflag:s25] =	ssyncadd.s32 $0xFFFFF000  }
0xae: {  	[tilespmem:s1], [sflag:$0x4] =	stream.indirect.gather [spmem:s3], $0x20, s6, s21, $0xb8;
	[tilespmem:$0x13000] =	vst v63  }
0xaf: {  	_ =	swait.ge [sflag:s19], $0x1000  }
0xb0: {  	[sflag:s19] =	ssyncset.done $0x0  }
0xb1: {  	s8 =	simm.s32 $0x4F00;
	[sflag:s19] =	ssyncadd.s32 $0xFFFFF000  }
0xb2: {  	[spmem:s4] =	stream.indirect.scatter.add.f32 [tilespmem:s28], [sflag:$0x7], $0x20, s8, s21, $0xb8;
	[tilespmem:$0x13000] =	vst v63  }
0xb3: {  	_ =	swait.ge [sflag:s20], $0x1000  }
0xb4: {  	[sflag:s20] =	ssyncset.done $0x0  }
0xb5: {  	s6 =	simm.s32 $0x4F80;
	[sflag:s20] =	ssyncadd.s32 $0xFFFFF000  }
0xb6: {  	[spmem:s4] =	stream.indirect.scatter.add.f32 [tilespmem:s1], [sflag:$0x8], $0x20, s6, s21, $0xb8;
	[tilespmem:$0x13000] =	vst v63  }
0xb7: {  	_ =	swait.ge [sflag:s5], $0x1000  }
0xb8: {  	[sflag:s5] =	ssyncset.done $0x0  }
0xb9: {  	[sflag:s5] =	ssyncadd.s32 $0xFFFFF000  }
0xba: {  	_ =	swait.ge [sflag:s30], $0x1000  }
0xbb: {  	[sflag:s30] =	ssyncset.done $0x0  }
0xbc: {  	[sflag:s30] =	ssyncadd.s32 $0xFFFFF000  }
0xbd: {  	_ =	swait.ge [sflag:s0], $0x1000  }
0xbe: {  	[sflag:s0] =	ssyncset.done $0x0  }
0xbf: {  	[sflag:s0] =	ssyncadd.s32 $0xFFFFF000  }
0xc0: {  	_ =	swait.ge [sflag:s25], $0x1000  }
0xc1: {  	s31 =	sadd.s32 $0x1, s31;
	[sflag:s25] =	ssyncset.done $0x0  }
0xc2: {  	p1 =	sne.s32 s31, s15;
	[sflag:s25] =	ssyncadd.s32 $0xFFFFF000  }
.Ltmp1:
0xc3: {  	s8 =	sor.u32 $0x1C09, s7;
	[bflag:$0x0] =	sbarrier.arrive $0xFFFF;
	(pc) =	sbr.rel @p1 .LBB2_1-.Ltmp1, $4  }
0xc4: {  	[hbm:s14], [sflag:s8] =	dma.local [spmem:s18], $0xA00  }
0xc5: {  	_ =	swait.ge [sflag:s26], $0xA00  }
0xc6: {  	[sflag:s26] =	ssyncset.done $0x0  }
0xc7: {  	[sflag:s26] =	ssyncadd.s32 $0xFFFFF600  }
0xc8: {  	_ =	sfence.sel $0x180000  }
0xc9: {  	[bflag:$0x0] =	sbarrier.arrive $0xFFFF  }
0xca: {  	_ =	strace $0x9000004A  }
0xcb: {  	s0 =	stileid.u32;
	[bflag:$0x2] =	sbarrier.arrive $0xFFFF  }
0xcc: {  	p0 =	sne.s32 s0, $0x0;
	s0 =	rddreg [dreg:$0x4]  }
0xcd: {  	s0 =	sadd.s32 @!p0 $0x100000, s0  }
0xce: {  	[sflag:s0] =	ssyncadd.tile.s32 @!p0 $0x1;
	_ =	shalt  }
.Lfunc_end2:
_tile_overlayer_lowered:
.L_overlay_start_2:
0xcf: {  	(tag) =	ssettag $0x2  }
0xd0: {  	s0 =	rddreg [dreg:$0x0];
	s2 =	stileid.u32  }
0xd1: {  	s1 =	rddreg [dreg:$0x1];
	p0 =	sne.s32 s2, $0x0  }
0xd2: {  	s3 =	rddreg [dreg:$0x2];
	[bflag:$0x3] =	sbarrier.arrive $0xFFFF;
	s2 =	simm.s32 @!p0 $0x1C09  }
0xd3: {  	[timem:s3], [sflag:s2] =	dma.local @!p0 [hbm:s0], s1  }
0xd4: {  	s0 =	simm.s32 @!p0 $0x9  }
0xd5: {  	_ =	swait.ge @!p0 [sflag:s0], s1  }
0xd6: {  	s1 =	ssub.s32 @!p0 $0x0, s1;
	[sflag:s0] =	ssyncset.done @!p0 $0x0  }
0xd7: {  	[sflag:s0] =	ssyncadd.s32 @!p0 s1  }
0xd8: {  	[bflag:$0x3] =	sbarrier.arrive $0xFFFF  }
0xd9: {  	_ =	shalt  }

// kernel: kernel.19.cloned.1.call-start
scs
__scs_entry_jumppad:
0x0: {  	(pc) =	sbr.rel $0x88, $3  }
0x1: {  	(tag) =	ssettag $0x0;
	lr =	simm.s32 $0x1  }
0x2: {  	[smem:$0x3F7C] =	sst lr;
	_ =	strace $0xD0000000  }
0x3: {  	_ = 	snop  }
0x4: {  	_ = 	snop  }
0x5: {  	_ = 	snop  }
0x6: {  	_ = 	snop  }
0x7: {  	_ = 	snop  }
__scs_overlays_trampoline_lowered:
0x8: {  	[smem:$0x3F8B] =	sst s0  }
0x9: {  	[smem:$0x3F8C] =	sst s1  }
0xa: {  	[smem:$0x3F8D] =	sst s2  }
0xb: {  	[smem:$0x3F8E] =	sst s3  }
0xc: {  	[smem:$0x3F8F] =	sst s4  }
0xd: {  	[smem:$0x3F90] =	sst s5  }
0xe: {  	[smem:$0x3F91] =	sst s6  }
0xf: {  	[smem:$0x3F92] =	sst s7  }
0x10: {  	[smem:$0x3F93] =	sst s8  }
0x11: {  	[smem:$0x3F94] =	sst s9;
	s0 =	simm.s32 @!p0 $0x0  }
0x12: {  	s1 =	sld [smem:$0x3F7A];
	s0 =	simm.s32 @p0 $0x1  }
0x13: {  	[smem:$0x3F95] =	sst s0;
	s0 =	simm.s32 @!p1 $0x0  }
0x14: {  	s2 =	sld [smem:$0x3F79];
	s0 =	simm.s32 @p1 $0x1  }
0x15: {  	[smem:$0x3F96] =	sst s0;
	s0 =	simm.s32 @!p2 $0x0  }
0x16: {  	s3 =	sld [smem:$0x3FDB];
	s0 =	simm.s32 @p2 $0x1  }
0x17: {  	s4 =	simm.s32 $0x1BF5;
	[smem:$0x3F98] =	sst s0  }
0x18: {  	s0 =	sld [smem:$0x3F7B];
	_ =	swait.ge [sflag:s4], $0x0  }
0x19: {  	s7 =	sld [smem:$0x3F7C]  }
0x1a: {  	s8 =	sadd.s32 $0xFFFFE003, lr  }
0x1b: {  	s9 =	sadd.s32 $0xFFFFFEF7, lr;
	s5 =	simm.s32 $0xFFFFFFFF;
	p2 =	slt.u32 s8, $0xFFFFF086  }
0x1c: {  	p1 =	slt.u32 s9, $0xF7A;
	s5 =	simm.s32 @!p2 $0x0  }
0x1d: {  	s5 =	simm.s32 @p1 $0x1;
	p0 =	seq.s32 s7, s2  }
0x1e: {  	s7 =	smul.u32 @!p0 $0xF7A, s2;
	p2 =	seq.s32 @!p0 s5, $0x0  }
0x1f: {  	s9 =	smul.u32 $0xF7A, s1;
	s8 =	simm.s32 @!p0 $0x1BF5;
	p2 =	por !p2, p0  }
0x20: {  	[sflag:s8] =	ssyncset.s32 @!p0 $0xFFFFF086;
	s6 =	sadd.s32 @!p0 s3, s7;
	s7 =	simm.s32 @!p0 $0x108  }
0x21: {  	s3 =	sadd.s32 s3, s9;
	s6 =	sadd.s32 @!p0 $0x88, s6;
	s7 =	simm.s32 @p2 $0x1082  }
0x22: {  	[simem:s7], [sflag:s8] =	dma.local @!p0 [hbm:s6], $0xF7A  }
0x23: {  	s9 =	sor.u32 $0xD0000000, s2;
	s6 =	simm.s32 $0x108;
	_ =	swait.ge @!p0 [sflag:s8], $0x0  }
0x24: {  	s3 =	sadd.s32 $0x88, s3;
	s6 =	simm.s32 @!p1 $0x1082;
	[sflag:s4] =	ssyncset.s32 $0xFFFFF086  }
0x25: {  	[simem:s6], [sflag:s4] =	dma.local [hbm:s3], $0xF7A  }
0x26: {  	[smem:$0x3F7C] =	sst s1;
	(tag) =	ssettag s2;
	_ =	strace s9  }
0x27: {  	s1 =	sld [smem:$0x3F8C]  }
0x28: {  	s2 =	sld [smem:$0x3F8D]  }
0x29: {  	s4 =	sld [smem:$0x3F8F]  }
0x2a: {  	p0 =	seq.s32 s5, $0x0;
	s5 =	sld [smem:$0x3F90]  }
0x2b: {  	s6 =	sld [smem:$0x3F91]  }
0x2c: {  	s7 =	sld [smem:$0x3F92]  }
0x2d: {  	s3 =	simm.s32 $0x108;
	s8 =	sld [smem:$0x3F93]  }
0x2e: {  	s3 =	simm.s32 @!p0 $0x1082;
	s9 =	sld [smem:$0x3F94]  }
0x2f: {  	lr =	sadd.s32 s0, s3;
	s0 =	sld [smem:$0x3F8B]  }
0x30: {  	s3 =	sld [smem:$0x3F8E]  }
0x31: {  	[smem:$0x3F97] =	sst s10  }
0x32: {  	s10 =	sld [smem:$0x3F95];
	_ =	sdelay $0x3  }
0x33: {  	p0 =	seq.s32 s10, $0x1;
	s10 =	sld [smem:$0x3F97];
	_ =	sdelay $0x3  }
0x34: {  	[smem:$0x3F97] =	sst s10  }
0x35: {  	s10 =	sld [smem:$0x3F96];
	_ =	sdelay $0x3  }
0x36: {  	p1 =	seq.s32 s10, $0x1;
	s10 =	sld [smem:$0x3F97];
	_ =	sdelay $0x3  }
0x37: {  	[smem:$0x3F97] =	sst s10  }
0x38: {  	s10 =	sld [smem:$0x3F98]  }
0x39: {  	_ = 	snop;
	(pc) =	sbr.ind lr, $3  }
0x3a: {  	_ = 	snop  }
0x3b: {  	_ = 	snop  }
0x3c: {  	p2 =	seq.s32 s10, $0x1;
	s10 =	sld [smem:$0x3F97]  }
0x3d: {  	_ =	shalt  }
0x3e: {  	_ =	shalt  }
0x3f: {  	_ =	shalt  }
0x40: {  	_ =	shalt  }
0x41: {  	_ =	shalt  }
0x42: {  	_ =	shalt  }
0x43: {  	_ =	shalt  }
0x44: {  	_ =	shalt  }
0x45: {  	_ =	shalt  }
0x46: {  	_ =	shalt  }
0x47: {  	_ =	shalt  }
0x48: {  	_ =	shalt  }
0x49: {  	_ =	shalt  }
0x4a: {  	_ =	shalt  }
0x4b: {  	_ =	shalt  }
0x4c: {  	_ =	shalt  }
0x4d: {  	_ =	shalt  }
0x4e: {  	_ =	shalt  }
0x4f: {  	_ =	shalt  }
0x50: {  	_ =	shalt  }
0x51: {  	_ =	shalt  }
0x52: {  	_ =	shalt  }
0x53: {  	_ =	shalt  }
0x54: {  	_ =	shalt  }
0x55: {  	_ =	shalt  }
0x56: {  	_ =	shalt  }
0x57: {  	_ =	shalt  }
0x58: {  	_ =	shalt  }
0x59: {  	_ =	shalt  }
0x5a: {  	_ =	shalt  }
0x5b: {  	_ =	shalt  }
0x5c: {  	_ =	shalt  }
0x5d: {  	_ =	shalt  }
0x5e: {  	_ =	shalt  }
0x5f: {  	_ =	shalt  }
0x60: {  	_ =	shalt  }
0x61: {  	_ =	shalt  }
0x62: {  	_ =	shalt  }
0x63: {  	_ =	shalt  }
0x64: {  	_ =	shalt  }
0x65: {  	_ =	shalt  }
0x66: {  	_ =	shalt  }
0x67: {  	_ =	shalt  }
0x68: {  	_ =	shalt  }
0x69: {  	_ =	shalt  }
0x6a: {  	_ =	shalt  }
0x6b: {  	_ =	shalt  }
0x6c: {  	_ =	shalt  }
0x6d: {  	_ =	shalt  }
0x6e: {  	_ =	shalt  }
0x6f: {  	_ =	shalt  }
0x70: {  	_ =	shalt  }
0x71: {  	_ =	shalt  }
0x72: {  	_ =	shalt  }
0x73: {  	_ =	shalt  }
0x74: {  	_ =	shalt  }
0x75: {  	_ =	shalt  }
0x76: {  	_ =	shalt  }
0x77: {  	_ =	shalt  }
0x78: {  	_ =	shalt  }
0x79: {  	_ =	shalt  }
0x7a: {  	_ =	shalt  }
0x7b: {  	_ =	shalt  }
0x7c: {  	_ =	shalt  }
0x7d: {  	_ =	shalt  }
0x7e: {  	_ =	shalt  }
0x7f: {  	_ =	shalt  }
0x80: {  	_ =	shalt  }
0x81: {  	_ =	shalt  }
0x82: {  	_ =	shalt  }
0x83: {  	_ =	shalt  }
0x84: {  	_ =	shalt  }
0x85: {  	_ =	shalt  }
0x86: {  	_ =	shalt  }
0x87: {  	_ =	shalt  }
.Lfunc_end0:
.L_simem_size_0:
called_computation.2_lowered:
.L_overlay_start_0:
0x88: {  	s2 =	sld [smem:$0x3FD9]  }
0x89: {  	s3 =	sld [smem:$0x3FFE];
	_ =	sdelay $0x1  }
0x8a: {  	s1 =	srdreg.scid  }
0x8b: {  	s0 =	sand.u32 $0x1, s1  }
0x8c: {  	s17 =	sshll.u32 s0, $0xA;
	s2 =	sadd.s32 s3, s2  }
0x8d: {  	s2 =	sadd.s32 s2, s17  }
0x8e: {  	[smem:$0x3FA3] =	sst s2  }
0x8f: {  	_ = 	snop  }
0x90: {  	s2 =	sld [smem:$0x3FD0];
	(tm) =	ssettm $0x1  }
0x91: {  	s18 =	sld [smem:$0x3FFB];
	_ =	sdelay $0x3  }
0x92: {  	_ =	strace s18  }
0x93: {  	s3 =	sld [smem:$0x3FFC];
	_ =	sdelay $0x3  }
0x94: {  	_ =	strace s3  }
0x95: {  	s3 =	sld [smem:$0x3FFD];
	_ =	sdelay $0x3  }
0x96: {  	_ =	strace s3  }
0x97: {  	_ =	strace $0x8FFFFFFF  }
0x98: {  	s19 =	sld [smem:$0x3FDB];
	_ =	sdelay $0x1  }
0x99: {  	s4 =	simm.s32 $_scs_section_size  }
0x9a: {  	s5 =	simm.s32 $_size__tile_overlayer_lowered;
	s6 =	simm.s32 $_tile_overlayer_lowered  }
0x9b: {  	s22 =	simm.s32 $0x1BFF;
	s21 =	sshll.u32 s6, $0x1;
	s3 =	sadd.s32 s4, s19  }
0x9c: {  	s7 =	simm.s32 $0x0;
	s20 =	sshll.u32 s5, $0x1;
	s5 =	sadd.s32 s21, s3  }
0x9d: {  	[timem:s7], [sflag:s22] =	dma.local [hbm:s5], s20  }
0x9e: {  	_ =	swait.ge [sflag:s22], s20  }
0x9f: {  	s4 =	ssub.s32 $0x0, s20;
	[sflag:s22] =	ssyncset.done $0x0  }
0xa0: {  	[sflag:s22] =	ssyncadd.s32 s4;
	_ =	sdelay $0x1  }
0xa1: {  	s23 =	simm.s32 $0x1B8B  }
0xa2: {  	_ =	swait.ge [sflag:s23], $0x1  }
0xa3: {  	[sflag:s23] =	ssyncset.done $0x0  }
0xa4: {  	s25 =	simm.s32 $0x1B8E;
	s24 =	sld [smem:$0x3FFE];
	[sflag:s23] =	ssyncadd.s32 $0xFFFFFFFF  }
0xa5: {  	s26 =	simm.s32 $execute0_lowered;
	[smem:$0x3FD2] =	sst s25  }
0xa6: {  	s5 =	sshll.u32 s26, $0x1;
	_ =	strace $0x8000004C;
	[dreg:$0x1] =	wrdreg $0xFFFFFFFF  }
0xa7: {  	s28 =	simm.s32 $_size_execute0_lowered;
	s3 =	sadd.s32 s3, s5;
	[dreg:$0x0] =	wrdreg $0x0  }
0xa8: {  	s5 =	sshll.u32 s28, $0x1;
	[dreg:$0x2] =	wrdreg s3  }
0xa9: {  	[dreg:$0x3] =	wrdreg s5  }
0xaa: {  	[dreg:$0x4] =	wrdreg $0xC0  }
0xab: {  	_ =	task [dreg:s7], $0x5FFFF  }
0xac: {  	[dreg:$0x1] =	wrdreg $0xFFFFFFFF  }
0xad: {  	[dreg:$0x0] =	wrdreg $0x60  }
0xae: {  	[dreg:$0x2] =	wrdreg s24  }
0xaf: {  	[dreg:$0x3] =	wrdreg s2  }
0xb0: {  	[dreg:$0x4] =	wrdreg $0x90000  }
0xb1: {  	[dreg:$0x5] =	wrdreg $0xE0000  }
0xb2: {  	[dreg:$0x6] =	wrdreg $0x9  }
0xb3: {  	_ =	task.clear_ibuf [dreg:s7], $0x7FFFF;
	_ =	strace $0x9000004C  }
0xb4: {  	s29 =	simm.s32 $0x9;
	_ =	strace $0x8000004E  }
0xb5: {  	_ =	swait.ge [sflag:s29], $0x1  }
0xb6: {  	[sflag:s29] =	ssyncadd.s32 $0xFFFFFFFF  }
0xb7: {  	_ =	strace $0x9000004E  }
0xb8: {  	_ =	sfence  }
0xb9: {  	s30 =	sld [smem:$0x0];
	_ =	sdelay $0x2  }
0xba: {  	s31 =	sshll.u32 s1, $0xD;
	s1 =	sshrl.u32 s1, $0x2  }
0xbb: {  	s3 =	sand.u32 $0x4000, s31;
	s1 =	sadd.s32 s1, s30  }
0xbc: {  	s0 =	sor.u32 s3, s0;
	s1 =	sshll.u32 s1, $0x11  }
0xbd: {  	s0 =	sor.u32 s1, s0  }
0xbe: {  	s0 =	sadd.s32 $0x8F2B, s0  }
0xbf: {  	[sflag:s0] =	ssyncadd.remote.s32 $0x1  }
0xc0: {  	_ =	sfence.sel $0xFFFF  }
0xc1: {  	[dreg:$0x0] =	wrdreg $0xFFFFFFFF;
	(pc) =	sbr.abs _section_cstart, $3  }
0xc2: {  	[dreg:$0x1] =	wrdreg $0xFFFFFFFF  }
0xc3: {  	_ =	task.clear_ibuf [dreg:s7], $0x2FFFF;
	_ =	strace $0x9FFFFFFF  }
0xc4: {  	(tm) =	ssettm $0x7FFFFFFF  }
0xc5: {  	_ =	shalt  }
tec
execute0_lowered:
.L_overlay_start_1:
0x0: {  	(tag) =	ssettag $0x1  }
0x1: {  	s1 =	rddreg [dreg:$0x0]  }
0x2: {  	s0 =	srdreg.scid;
	s3 =	rddreg [dreg:$0x2]  }
0x3: {  	s10 =	stileid.u32;
	s4 =	rddreg [dreg:$0x3]  }
0x4: {  	s8 =	simm.s32 $0x0;
	s19 =	simm.s32 $0x3;
	s20 =	simm.s32 $0x4  }
0x5: {  	s21 =	simm.s32 $0x80;
	s22 =	simm.s32 $0x5000;
	s28 =	simm.s32 $0x7000  }
0x6: {  	s29 =	simm.s32 $0x2;
	s30 =	simm.s32 $0x6;
	s31 =	simm.s32 $0x0  }
0x7: {  	s0 =	sand.u32 $0x1, s0;
	s2 =	sshll.u32 s10, $0x1;
	s6 =	smul.u32 $0x5000, s10  }
0x8: {  	s7 =	smul.u32 $0xA00, s10;
	[smem:$0x7FF] =	sst s8;
	s12 =	sadd.s32 $0x1BF00, s1  }
0x9: {  	s13 =	sadd.s32 $0x12100, s1;
	s2 =	sor.u32 s0, s2;
	s23 =	smul.u32 $0xA000, s0  }
0xa: {  	_ =	strace $0x8000004D;
	s0 =	ssub.s32 $0x2, s0;
	s5 =	smul.u32 $0x500, s2  }
0xb: {  	s9 =	sshrl.u32 s6, $0x3;
	s24 =	sshrl.u32 s0, $0x1;
	s16 =	sadd.s32 s6, s3  }
0xc: {  	s6 =	sadd.s32 s6, s4;
	p0 =	seq.s32 s2, $0x1F;
	s7 =	sadd.s32 s7, s23  }
0xd: {  	s9 =	sadd.s32 s9, s1;
	s0 =	ssub.s32 s0, s24;
	s16 =	sshrl.u32 s16, $0x3  }
0xe: {  	s18 =	sshrl.u32 s6, $0x3;
	s23 =	simm.s32 $0x6000;
	s24 =	simm.s32 $0x1  }
0xf: {  	s5 =	sadd.s32 s5, s1;
	s14 =	sadd.s32 s7, s1;
	s25 =	sadd.s32 $0x1C200, s9  }
0x10: {  	s7 =	sshll.u32 s10, $0x6;
	s9 =	sadd.s32 $0x26200, s9;
	s15 =	smax.u32 s0, $0x1  }
0x11: {  	s1 =	simm.s32 $0x8000;
	s0 =	simm.s32 $0x7;
	[dreg:$0x5] =	wrdreg s25  }
0x12: {  	s26 =	sor.u32 $0x1C03, s7;
	s10 =	sadd.s32 $0x12400, s5;
	s11 =	sadd.s32 $0x8600, s5  }
0x13: {  	s14 =	sadd.s32 $0x30200, s14;
	s17 =	sor.u32 $0x1C04, s7;
	s5 =	simm.s32 $0x5  }
0x14: {  	s25 =	simm.s32 $0x8;
	[dreg:$0x6] =	wrdreg s26;
	s26 =	simm.s32 $0x9  }
.LBB2_1:
0x15: {  	s2 =	rddreg [dreg:$0x5]  }
0x16: {  	s6 =	rddreg [dreg:$0x6]  }
0x17: {  	[spmem:s16], [sflag:s6] =	dma.local [hbm:s2], $0xA00  }
0x18: {  	s2 =	simm.s32 @p0 $0x0  }
0x19: {  	[spmem:s18], [sflag:s17] =	dma.local [hbm:s9], $0xA00  }
0x1a: {  	[tilespmem:s2], [sflag:$0x1] =	stream.linear.gather @p0 [hbm4b:s12+s2], $0xA00, $0x38;
	[tilespmem:$0x13000] =	vst v63  }
0x1b: {  	s6 =	simm.s32 @p0 $0x2800  }
0x1c: {  	[tilespmem:s6], [sflag:$0x2] =	stream.linear.gather @p0 [hbm4b:s13+s2], $0xA00, $0x38;
	[tilespmem:$0x13000] =	vst v63  }
0x1d: {  	s8 =	rddreg [dreg:$0x1];
	s6 =	simm.s32 @p0 $0xA00  }
0x1e: {  	[tilespmem:s6], [sflag:$0x5] =	stream.linear.gather @p0 [hbm4b:s8+s2], $0x1E00, $0x38;
	[tilespmem:$0x13000] =	vst v63  }
0x1f: {  	s6 =	simm.s32 @p0 $0x3200  }
0x20: {  	[tilespmem:s6], [sflag:$0x6] =	stream.linear.gather @p0 [hbm4b:s8+s2], $0x1E00, $0x38;
	[tilespmem:$0x13000] =	vst v63  }
0x21: {  	s2 =	simm.s32 @p0 $0x1  }
0x22: {  	_ =	swait.ge @p0 [sflag:s2], $0xA00  }
0x23: {  	[sflag:s2] =	ssyncset.done @p0 $0x0  }
0x24: {  	[sflag:s2] =	ssyncadd.s32 @p0 $0xFFFFF600;
	s2 =	simm.s32 @p0 $0x2  }
0x25: {  	_ =	swait.ge @p0 [sflag:s2], $0xA00  }
0x26: {  	[sflag:s2] =	ssyncset.done @p0 $0x0  }
0x27: {  	[sflag:s2] =	ssyncadd.s32 @p0 $0xFFFFF600;
	s2 =	simm.s32 @p0 $0x5  }
0x28: {  	_ =	swait.ge @p0 [sflag:s2], $0x1E00  }
0x29: {  	[sflag:s2] =	ssyncset.done @p0 $0x0  }
0x2a: {  	[sflag:s2] =	ssyncadd.s32 @p0 $0xFFFFE200;
	s2 =	simm.s32 @p0 $0x6  }
0x2b: {  	_ =	swait.ge @p0 [sflag:s2], $0x1E00  }
0x2c: {  	[sflag:s2] =	ssyncset.done @p0 $0x0  }
0x2d: {  	[sflag:s2] =	ssyncadd.s32 @p0 $0xFFFFE200;
	s2 =	simm.s32 @!p0 $0x0  }
0x2e: {  	[tilespmem:s2], [sflag:$0x1] =	stream.linear.gather @!p0 [hbm4b:s10+s2], $0x2800, $0x38;
	[tilespmem:$0x13000] =	vst v63  }
0x2f: {  	s6 =	simm.s32 @!p0 $0x2800  }
0x30: {  	[tilespmem:s6], [sflag:$0x2] =	stream.linear.gather @!p0 [hbm4b:s11+s2], $0x2800, $0x38;
	[tilespmem:$0x13000] =	vst v63  }
0x31: {  	s2 =	simm.s32 @!p0 $0x1  }
0x32: {  	_ =	swait.ge @!p0 [sflag:s2], $0x2800  }
0x33: {  	[sflag:s2] =	ssyncset.done @!p0 $0x0  }
0x34: {  	[sflag:s2] =	ssyncadd.s32 @!p0 $0xFFFFD800;
	s2 =	simm.s32 @!p0 $0x2  }
0x35: {  	_ =	swait.ge @!p0 [sflag:s2], $0x2800  }
0x36: {  	[sflag:s2] =	ssyncset.done @!p0 $0x0  }
0x37: {  	[sflag:s2] =	ssyncadd.s32 @!p0 $0xFFFFD800  }
0x38: {  	_ =	swait.ge [sflag:s19], $0xA00  }
0x39: {  	[sflag:s19] =	ssyncset.done $0x0  }
0x3a: {  	[sflag:s19] =	ssyncadd.s32 $0xFFFFF600  }
0x3b: {  	_ =	swait.ge [sflag:s20], $0xA00  }
0x3c: {  	[sflag:s20] =	ssyncset.done $0x0  }
0x3d: {  	[sflag:s20] =	ssyncadd.s32 $0xFFFFF600  }
0x3e: {  	s6 =	simm.s32 $0x0;
	[bflag:$0x0] =	sbarrier.arrive $0xFFFF  }
0x3f: {  	[tilespmem:s22], [sflag:$0x1] =	stream.indirect.gather [spmem:s3], $0x20, s6, s21, $0xb8;
	[tilespmem:$0x13000] =	vst v63  }
0x40: {  	_ = 	snop  }
0x41: {  	[tilespmem:s23], [sflag:$0x2] =	stream.indirect.gather [spmem:s3], $0x20, s21, s21, $0xb8;
	[tilespmem:$0x13000] =	vst v63  }
0x42: {  	_ =	swait.ge [sflag:s24], $0x1000  }
0x43: {  	[sflag:s24] =	ssyncset.done $0x0  }
0x44: {  	s8 =	simm.s32 $0x2800;
	[sflag:s24] =	ssyncadd.s32 $0xFFFFF000  }
0x45: {  	[spmem:s4] =	stream.indirect.scatter.add.f32 [tilespmem:s22], [sflag:$0x5], $0x20, s8, s21, $0xb8;
	[tilespmem:$0x13000] =	vst v63  }
0x46: {  	s6 =	simm.s32 $0x100  }
0x47: {  	[tilespmem:s28], [sflag:$0x3] =	stream.indirect.gather [spmem:s3], $0x20, s6, s21, $0xb8;
	[tilespmem:$0x13000] =	vst v63  }
0x48: {  	_ =	swait.ge [sflag:s29], $0x1000  }
0x49: {  	[sflag:s29] =	ssyncset.done $0x0  }
0x4a: {  	s8 =	simm.s32 $0x2880;
	[sflag:s29] =	ssyncadd.s32 $0xFFFFF000  }
0x4b: {  	[spmem:s4] =	stream.indirect.scatter.add.f32 [tilespmem:s23], [sflag:$0x6], $0x20, s8, s21, $0xb8;
	[tilespmem:$0x13000] =	vst v63  }
0x4c: {  	s6 =	simm.s32 $0x180  }
0x4d: {  	[tilespmem:s1], [sflag:$0x4] =	stream.indirect.gather [spmem:s3], $0x20, s6, s21, $0xb8;
	[tilespmem:$0x13000] =	vst v63  }
0x4e: {  	_ =	swait.ge [sflag:s19], $0x1000  }
0x4f: {  	[sflag:s19] =	ssyncset.done $0x0  }
0x50: {  	s8 =	simm.s32 $0x2900;
	[sflag:s19] =	ssyncadd.s32 $0xFFFFF000  }
0x51: {  	[spmem:s4] =	stream.indirect.scatter.add.f32 [tilespmem:s28], [sflag:$0x7], $0x20, s8, s21, $0xb8;
	[tilespmem:$0x13000] =	vst v63  }
0x52: {  	_ =	swait.ge [sflag:s5], $0x1000  }
0x53: {  	[sflag:s5] =	ssyncset.done $0x0  }
0x54: {  	s6 =	simm.s32 $0x200;
	[sflag:s5] =	ssyncadd.s32 $0xFFFFF000  }
0x55: {  	[tilespmem:s22], [sflag:$0x1] =	stream.indirect.gather [spmem:s3], $0x20, s6, s21, $0xb8;
	[tilespmem:$0x13000] =	vst v63  }
0x56: {  	_ =	swait.ge [sflag:s20], $0x1000  }
0x57: {  	[sflag:s20] =	ssyncset.done $0x0  }
0x58: {  	s8 =	simm.s32 $0x2980;
	[sflag:s20] =	ssyncadd.s32 $0xFFFFF000  }
0x59: {  	[spmem:s4] =	stream.indirect.scatter.add.f32 [tilespmem:s1], [sflag:$0x8], $0x20, s8, s21, $0xb8;
	[tilespmem:$0x13000] =	vst v63  }
0x5a: {  	_ =	swait.ge [sflag:s30], $0x1000  }
0x5b: {  	[sflag:s30] =	ssyncset.done $0x0  }
0x5c: {  	s6 =	simm.s32 $0x280;
	[sflag:s30] =	ssyncadd.s32 $0xFFFFF000  }
0x5d: {  	[tilespmem:s23], [sflag:$0x2] =	stream.indirect.gather [spmem:s3], $0x20, s6, s21, $0xb8;
	[tilespmem:$0x13000] =	vst v63  }
0x5e: {  	_ =	swait.ge [sflag:s24], $0x1000  }
0x5f: {  	[sflag:s24] =	ssyncset.done $0x0  }
0x60: {  	s8 =	simm.s32 $0x2A00;
	[sflag:s24] =	ssyncadd.s32 $0xFFFFF000  }
0x61: {  	[spmem:s4] =	stream.indirect.scatter.add.f32 [tilespmem:s22], [sflag:$0x5], $0x20, s8, s21, $0xb8;
	[tilespmem:$0x13000] =	vst v63  }
0x62: {  	_ =	swait.ge [sflag:s0], $0x1000  }
0x63: {  	[sflag:s0] =	ssyncset.done $0x0  }
0x64: {  	s6 =	simm.s32 $0x300;
	[sflag:s0] =	ssyncadd.s32 $0xFFFFF000  }
0x65: {  	[tilespmem:s28], [sflag:$0x3] =	stream.indirect.gather [spmem:s3], $0x20, s6, s21, $0xb8;
	[tilespmem:$0x13000] =	vst v63  }
0x66: {  	_ =	swait.ge [sflag:s29], $0x1000  }
0x67: {  	[sflag:s29] =	ssyncset.done $0x0  }
0x68: {  	s8 =	simm.s32 $0x2A80;
	[sflag:s29] =	ssyncadd.s32 $0xFFFFF000  }
0x69: {  	[spmem:s4] =	stream.indirect.scatter.add.f32 [tilespmem:s23], [sflag:$0x6], $0x20, s8, s21, $0xb8;
	[tilespmem:$0x13000] =	vst v63  }
0x6a: {  	_ =	swait.ge [sflag:s25], $0x1000  }
0x6b: {  	[sflag:s25] =	ssyncset.done $0x0  }
0x6c: {  	s6 =	simm.s32 $0x380;
	[sflag:s25] =	ssyncadd.s32 $0xFFFFF000  }
0x6d: {  	[tilespmem:s1], [sflag:$0x4] =	stream.indirect.gather [spmem:s3], $0x20, s6, s21, $0xb8;
	[tilespmem:$0x13000] =	vst v63  }
0x6e: {  	_ =	swait.ge [sflag:s19], $0x1000  }
0x6f: {  	[sflag:s19] =	ssyncset.done $0x0  }
0x70: {  	s8 =	simm.s32 $0x2B00;
	[sflag:s19] =	ssyncadd.s32 $0xFFFFF000  }
0x71: {  	[spmem:s4] =	stream.indirect.scatter.add.f32 [tilespmem:s28], [sflag:$0x7], $0x20, s8, s21, $0xb8;
	[tilespmem:$0x13000] =	vst v63  }
0x72: {  	_ =	swait.ge [sflag:s5], $0x1000  }
0x73: {  	[sflag:s5] =	ssyncset.done $0x0  }
0x74: {  	s6 =	simm.s32 $0x400;
	[sflag:s5] =	ssyncadd.s32 $0xFFFFF000  }
0x75: {  	[tilespmem:s22], [sflag:$0x1] =	stream.indirect.gather [spmem:s3], $0x20, s6, s21, $0xb8;
	[tilespmem:$0x13000] =	vst v63  }
0x76: {  	_ =	swait.ge [sflag:s20], $0x1000  }
0x77: {  	[sflag:s20] =	ssyncset.done $0x0  }
0x78: {  	s8 =	simm.s32 $0x2B80;
	[sflag:s20] =	ssyncadd.s32 $0xFFFFF000  }
0x79: {  	[spmem:s4] =	stream.indirect.scatter.add.f32 [tilespmem:s1], [sflag:$0x8], $0x20, s8, s21, $0xb8;
	[tilespmem:$0x13000] =	vst v63  }
0x7a: {  	_ =	swait.ge [sflag:s30], $0x1000  }
0x7b: {  	[sflag:s30] =	ssyncset.done $0x0  }
0x7c: {  	s2 =	simm.s32 $0x800;
	s6 =	simm.s32 $0x480;
	[sflag:s30] =	ssyncadd.s32 $0xFFFFF000  }
.LBB2_2:
0x7d: {  	[tilespmem:s23], [sflag:$0x2] =	stream.indirect.gather [spmem:s3], $0x20, s6, s21, $0xb8;
	[tilespmem:$0x13000] =	vst v63  }
0x7e: {  	s6 =	smov.u32 s2  }
0x7f: {  	p1 =	sne.s32 s2, $0x8800;
	s2 =	sadd.s32 $0x800, s2;
	_ =	swait.ge [sflag:s24], $0x1000  }
0x80: {  	s6 =	sshra.s32 s6, $0x2;
	[sflag:s24] =	ssyncset.done $0x0  }
0x81: {  	s8 =	sadd.s32 $0x2A00, s6;
	[sflag:s24] =	ssyncadd.s32 $0xFFFFF000  }
0x82: {  	[spmem:s4] =	stream.indirect.scatter.add.f32 [tilespmem:s22], [sflag:$0x5], $0x20, s8, s21, $0xb8;
	[tilespmem:$0x13000] =	vst v63  }
0x83: {  	_ =	swait.ge [sflag:s0], $0x1000  }
0x84: {  	[sflag:s0] =	ssyncset.done $0x0  }
0x85: {  	s8 =	sadd.s32 $0x300, s6;
	[sflag:s0] =	ssyncadd.s32 $0xFFFFF000  }
0x86: {  	[tilespmem:s28], [sflag:$0x3] =	stream.indirect.gather [spmem:s3], $0x20, s8, s21, $0xb8;
	[tilespmem:$0x13000] =	vst v63  }
0x87: {  	_ =	swait.ge [sflag:s29], $0x1000  }
0x88: {  	[sflag:s29] =	ssyncset.done $0x0  }
0x89: {  	s8 =	sadd.s32 $0x2A80, s6;
	[sflag:s29] =	ssyncadd.s32 $0xFFFFF000  }
0x8a: {  	[spmem:s4] =	stream.indirect.scatter.add.f32 [tilespmem:s23], [sflag:$0x6], $0x20, s8, s21, $0xb8;
	[tilespmem:$0x13000] =	vst v63  }
0x8b: {  	_ =	swait.ge [sflag:s25], $0x1000  }
0x8c: {  	[sflag:s25] =	ssyncset.done $0x0  }
0x8d: {  	s8 =	sadd.s32 $0x380, s6;
	[sflag:s25] =	ssyncadd.s32 $0xFFFFF000  }
0x8e: {  	[tilespmem:s1], [sflag:$0x4] =	stream.indirect.gather [spmem:s3], $0x20, s8, s21, $0xb8;
	[tilespmem:$0x13000] =	vst v63  }
0x8f: {  	_ =	swait.ge [sflag:s19], $0x1000  }
0x90: {  	[sflag:s19] =	ssyncset.done $0x0  }
0x91: {  	s8 =	sadd.s32 $0x2B00, s6;
	[sflag:s19] =	ssyncadd.s32 $0xFFFFF000  }
0x92: {  	[spmem:s4] =	stream.indirect.scatter.add.f32 [tilespmem:s28], [sflag:$0x7], $0x20, s8, s21, $0xb8;
	[tilespmem:$0x13000] =	vst v63  }
0x93: {  	_ =	swait.ge [sflag:s5], $0x1000  }
0x94: {  	[sflag:s5] =	ssyncset.done $0x0  }
0x95: {  	s8 =	sadd.s32 $0x400, s6;
	[sflag:s5] =	ssyncadd.s32 $0xFFFFF000  }
0x96: {  	[tilespmem:s22], [sflag:$0x1] =	stream.indirect.gather [spmem:s3], $0x20, s8, s21, $0xb8;
	[tilespmem:$0x13000] =	vst v63  }
0x97: {  	_ =	swait.ge [sflag:s20], $0x1000  }
0x98: {  	[sflag:s20] =	ssyncset.done $0x0  }
.Ltmp0:
0x99: {  	s8 =	sadd.s32 $0x2B80, s6;
	[sflag:s20] =	ssyncadd.s32 $0xFFFFF000;
	(pc) =	sbr.rel @p1 .LBB2_2-.Ltmp0, $4  }
0x9a: {  	[spmem:s4] =	stream.indirect.scatter.add.f32 [tilespmem:s1], [sflag:$0x8], $0x20, s8, s21, $0xb8;
	[tilespmem:$0x13000] =	vst v63  }
0x9b: {  	_ =	swait.ge [sflag:s30], $0x1000  }
0x9c: {  	[sflag:s30] =	ssyncset.done $0x0  }
0x9d: {  	s6 =	sadd.s32 $0x480, s6;
	[sflag:s30] =	ssyncadd.s32 $0xFFFFF000  }
0x9e: {  	[tilespmem:s23], [sflag:$0x2] =	stream.indirect.gather [spmem:s3], $0x20, s6, s21, $0xb8;
	[tilespmem:$0x13000] =	vst v63  }
0x9f: {  	_ =	swait.ge [sflag:s24], $0x1000  }
0xa0: {  	[sflag:s24] =	ssyncset.done $0x0  }
0xa1: {  	s2 =	simm.s32 $0x4E00;
	[sflag:s24] =	ssyncadd.s32 $0xFFFFF000  }
0xa2: {  	[spmem:s4] =	stream.indirect.scatter.add.f32 [tilespmem:s22], [sflag:$0x5], $0x20, s2, s21, $0xb8;
	[tilespmem:$0x13000] =	vst v63  }
0xa3: {  	_ =	swait.ge [sflag:s0], $0x1000  }
0xa4: {  	[sflag:s0] =	ssyncset.done $0x0  }
0xa5: {  	s6 =	simm.s32 $0x2700;
	[sflag:s0] =	ssyncadd.s32 $0xFFFFF000  }
0xa6: {  	[tilespmem:s28], [sflag:$0x3] =	stream.indirect.gather [spmem:s3], $0x20, s6, s21, $0xb8;
	[tilespmem:$0x13000] =	vst v63  }
0xa7: {  	_ =	swait.ge [sflag:s29], $0x1000  }
0xa8: {  	[sflag:s29] =	ssyncset.done $0x0  }
0xa9: {  	s8 =	simm.s32 $0x4E80;
	[sflag:s29] =	ssyncadd.s32 $0xFFFFF000  }
0xaa: {  	[spmem:s4] =	stream.indirect.scatter.add.f32 [tilespmem:s23], [sflag:$0x6], $0x20, s8, s21, $0xb8;
	[tilespmem:$0x13000] =	vst v63  }
0xab: {  	_ =	swait.ge [sflag:s25], $0x1000  }
0xac: {  	[sflag:s25] =	ssyncset.done $0x0  }
0xad: {  	s6 =	simm.s32 $0x2780;
	[sflag:s25] =	ssyncadd.s32 $0xFFFFF000  }
0xae: {  	[tilespmem:s1], [sflag:$0x4] =	stream.indirect.gather [spmem:s3], $0x20, s6, s21, $0xb8;
	[tilespmem:$0x13000] =	vst v63  }
0xaf: {  	_ =	swait.ge [sflag:s19], $0x1000  }
0xb0: {  	[sflag:s19] =	ssyncset.done $0x0  }
0xb1: {  	s8 =	simm.s32 $0x4F00;
	[sflag:s19] =	ssyncadd.s32 $0xFFFFF000  }
0xb2: {  	[spmem:s4] =	stream.indirect.scatter.add.f32 [tilespmem:s28], [sflag:$0x7], $0x20, s8, s21, $0xb8;
	[tilespmem:$0x13000] =	vst v63  }
0xb3: {  	_ =	swait.ge [sflag:s20], $0x1000  }
0xb4: {  	[sflag:s20] =	ssyncset.done $0x0  }
0xb5: {  	s6 =	simm.s32 $0x4F80;
	[sflag:s20] =	ssyncadd.s32 $0xFFFFF000  }
0xb6: {  	[spmem:s4] =	stream.indirect.scatter.add.f32 [tilespmem:s1], [sflag:$0x8], $0x20, s6, s21, $0xb8;
	[tilespmem:$0x13000] =	vst v63  }
0xb7: {  	_ =	swait.ge [sflag:s5], $0x1000  }
0xb8: {  	[sflag:s5] =	ssyncset.done $0x0  }
0xb9: {  	[sflag:s5] =	ssyncadd.s32 $0xFFFFF000  }
0xba: {  	_ =	swait.ge [sflag:s30], $0x1000  }
0xbb: {  	[sflag:s30] =	ssyncset.done $0x0  }
0xbc: {  	[sflag:s30] =	ssyncadd.s32 $0xFFFFF000  }
0xbd: {  	_ =	swait.ge [sflag:s0], $0x1000  }
0xbe: {  	[sflag:s0] =	ssyncset.done $0x0  }
0xbf: {  	[sflag:s0] =	ssyncadd.s32 $0xFFFFF000  }
0xc0: {  	_ =	swait.ge [sflag:s25], $0x1000  }
0xc1: {  	s31 =	sadd.s32 $0x1, s31;
	[sflag:s25] =	ssyncset.done $0x0  }
0xc2: {  	p1 =	sne.s32 s31, s15;
	[sflag:s25] =	ssyncadd.s32 $0xFFFFF000  }
.Ltmp1:
0xc3: {  	s8 =	sor.u32 $0x1C09, s7;
	[bflag:$0x0] =	sbarrier.arrive $0xFFFF;
	(pc) =	sbr.rel @p1 .LBB2_1-.Ltmp1, $4  }
0xc4: {  	[hbm:s14], [sflag:s8] =	dma.local [spmem:s18], $0xA00  }
0xc5: {  	_ =	swait.ge [sflag:s26], $0xA00  }
0xc6: {  	[sflag:s26] =	ssyncset.done $0x0  }
0xc7: {  	[sflag:s26] =	ssyncadd.s32 $0xFFFFF600  }
0xc8: {  	_ =	sfence.sel $0x180000  }
0xc9: {  	[bflag:$0x0] =	sbarrier.arrive $0xFFFF  }
0xca: {  	_ =	strace $0x9000004D  }
0xcb: {  	s0 =	stileid.u32;
	[bflag:$0x2] =	sbarrier.arrive $0xFFFF  }
0xcc: {  	p0 =	sne.s32 s0, $0x0;
	s0 =	rddreg [dreg:$0x4]  }
0xcd: {  	s0 =	sadd.s32 @!p0 $0x100000, s0  }
0xce: {  	[sflag:s0] =	ssyncadd.tile.s32 @!p0 $0x1;
	_ =	shalt  }
.Lfunc_end2:
_tile_overlayer_lowered:
.L_overlay_start_2:
0xcf: {  	(tag) =	ssettag $0x2  }
0xd0: {  	s0 =	rddreg [dreg:$0x0];
	s2 =	stileid.u32  }
0xd1: {  	s1 =	rddreg [dreg:$0x1];
	p0 =	sne.s32 s2, $0x0  }
0xd2: {  	s3 =	rddreg [dreg:$0x2];
	[bflag:$0x3] =	sbarrier.arrive $0xFFFF;
	s2 =	simm.s32 @!p0 $0x1C09  }
0xd3: {  	[timem:s3], [sflag:s2] =	dma.local @!p0 [hbm:s0], s1  }
0xd4: {  	s0 =	simm.s32 @!p0 $0x9  }
0xd5: {  	_ =	swait.ge @!p0 [sflag:s0], s1  }
0xd6: {  	s1 =	ssub.s32 @!p0 $0x0, s1;
	[sflag:s0] =	ssyncset.done @!p0 $0x0  }
0xd7: {  	[sflag:s0] =	ssyncadd.s32 @!p0 s1  }
0xd8: {  	[bflag:$0x3] =	sbarrier.arrive $0xFFFF  }
0xd9: {  	_ =	shalt  }

// kernel: kernel.22.cloned.1.call-start
scs
__scs_entry_jumppad:
0x0: {  	(pc) =	sbr.rel $0x88, $3  }
0x1: {  	(tag) =	ssettag $0x0;
	lr =	simm.s32 $0x1  }
0x2: {  	[smem:$0x3F7C] =	sst lr;
	_ =	strace $0xD0000000  }
0x3: {  	_ = 	snop  }
0x4: {  	_ = 	snop  }
0x5: {  	_ = 	snop  }
0x6: {  	_ = 	snop  }
0x7: {  	_ = 	snop  }
__scs_overlays_trampoline_lowered:
0x8: {  	[smem:$0x3F8B] =	sst s0  }
0x9: {  	[smem:$0x3F8C] =	sst s1  }
0xa: {  	[smem:$0x3F8D] =	sst s2  }
0xb: {  	[smem:$0x3F8E] =	sst s3  }
0xc: {  	[smem:$0x3F8F] =	sst s4  }
0xd: {  	[smem:$0x3F90] =	sst s5  }
0xe: {  	[smem:$0x3F91] =	sst s6  }
0xf: {  	[smem:$0x3F92] =	sst s7  }
0x10: {  	[smem:$0x3F93] =	sst s8  }
0x11: {  	[smem:$0x3F94] =	sst s9;
	s0 =	simm.s32 @!p0 $0x0  }
0x12: {  	s1 =	sld [smem:$0x3F7A];
	s0 =	simm.s32 @p0 $0x1  }
0x13: {  	[smem:$0x3F95] =	sst s0;
	s0 =	simm.s32 @!p1 $0x0  }
0x14: {  	s2 =	sld [smem:$0x3F79];
	s0 =	simm.s32 @p1 $0x1  }
0x15: {  	[smem:$0x3F96] =	sst s0;
	s0 =	simm.s32 @!p2 $0x0  }
0x16: {  	s3 =	sld [smem:$0x3FDB];
	s0 =	simm.s32 @p2 $0x1  }
0x17: {  	s4 =	simm.s32 $0x1BF5;
	[smem:$0x3F98] =	sst s0  }
0x18: {  	s0 =	sld [smem:$0x3F7B];
	_ =	swait.ge [sflag:s4], $0x0  }
0x19: {  	s7 =	sld [smem:$0x3F7C]  }
0x1a: {  	s8 =	sadd.s32 $0xFFFFE003, lr  }
0x1b: {  	s9 =	sadd.s32 $0xFFFFFEF7, lr;
	s5 =	simm.s32 $0xFFFFFFFF;
	p2 =	slt.u32 s8, $0xFFFFF086  }
0x1c: {  	p1 =	slt.u32 s9, $0xF7A;
	s5 =	simm.s32 @!p2 $0x0  }
0x1d: {  	s5 =	simm.s32 @p1 $0x1;
	p0 =	seq.s32 s7, s2  }
0x1e: {  	s7 =	smul.u32 @!p0 $0xF7A, s2;
	p2 =	seq.s32 @!p0 s5, $0x0  }
0x1f: {  	s9 =	smul.u32 $0xF7A, s1;
	s8 =	simm.s32 @!p0 $0x1BF5;
	p2 =	por !p2, p0  }
0x20: {  	[sflag:s8] =	ssyncset.s32 @!p0 $0xFFFFF086;
	s6 =	sadd.s32 @!p0 s3, s7;
	s7 =	simm.s32 @!p0 $0x108  }
0x21: {  	s3 =	sadd.s32 s3, s9;
	s6 =	sadd.s32 @!p0 $0x88, s6;
	s7 =	simm.s32 @p2 $0x1082  }
0x22: {  	[simem:s7], [sflag:s8] =	dma.local @!p0 [hbm:s6], $0xF7A  }
0x23: {  	s9 =	sor.u32 $0xD0000000, s2;
	s6 =	simm.s32 $0x108;
	_ =	swait.ge @!p0 [sflag:s8], $0x0  }
0x24: {  	s3 =	sadd.s32 $0x88, s3;
	s6 =	simm.s32 @!p1 $0x1082;
	[sflag:s4] =	ssyncset.s32 $0xFFFFF086  }
0x25: {  	[simem:s6], [sflag:s4] =	dma.local [hbm:s3], $0xF7A  }
0x26: {  	[smem:$0x3F7C] =	sst s1;
	(tag) =	ssettag s2;
	_ =	strace s9  }
0x27: {  	s1 =	sld [smem:$0x3F8C]  }
0x28: {  	s2 =	sld [smem:$0x3F8D]  }
0x29: {  	s4 =	sld [smem:$0x3F8F]  }
0x2a: {  	p0 =	seq.s32 s5, $0x0;
	s5 =	sld [smem:$0x3F90]  }
0x2b: {  	s6 =	sld [smem:$0x3F91]  }
0x2c: {  	s7 =	sld [smem:$0x3F92]  }
0x2d: {  	s3 =	simm.s32 $0x108;
	s8 =	sld [smem:$0x3F93]  }
0x2e: {  	s3 =	simm.s32 @!p0 $0x1082;
	s9 =	sld [smem:$0x3F94]  }
0x2f: {  	lr =	sadd.s32 s0, s3;
	s0 =	sld [smem:$0x3F8B]  }
0x30: {  	s3 =	sld [smem:$0x3F8E]  }
0x31: {  	[smem:$0x3F97] =	sst s10  }
0x32: {  	s10 =	sld [smem:$0x3F95];
	_ =	sdelay $0x3  }
0x33: {  	p0 =	seq.s32 s10, $0x1;
	s10 =	sld [smem:$0x3F97];
	_ =	sdelay $0x3  }
0x34: {  	[smem:$0x3F97] =	sst s10  }
0x35: {  	s10 =	sld [smem:$0x3F96];
	_ =	sdelay $0x3  }
0x36: {  	p1 =	seq.s32 s10, $0x1;
	s10 =	sld [smem:$0x3F97];
	_ =	sdelay $0x3  }
0x37: {  	[smem:$0x3F97] =	sst s10  }
0x38: {  	s10 =	sld [smem:$0x3F98]  }
0x39: {  	_ = 	snop;
	(pc) =	sbr.ind lr, $3  }
0x3a: {  	_ = 	snop  }
0x3b: {  	_ = 	snop  }
0x3c: {  	p2 =	seq.s32 s10, $0x1;
	s10 =	sld [smem:$0x3F97]  }
0x3d: {  	_ =	shalt  }
0x3e: {  	_ =	shalt  }
0x3f: {  	_ =	shalt  }
0x40: {  	_ =	shalt  }
0x41: {  	_ =	shalt  }
0x42: {  	_ =	shalt  }
0x43: {  	_ =	shalt  }
0x44: {  	_ =	shalt  }
0x45: {  	_ =	shalt  }
0x46: {  	_ =	shalt  }
0x47: {  	_ =	shalt  }
0x48: {  	_ =	shalt  }
0x49: {  	_ =	shalt  }
0x4a: {  	_ =	shalt  }
0x4b: {  	_ =	shalt  }
0x4c: {  	_ =	shalt  }
0x4d: {  	_ =	shalt  }
0x4e: {  	_ =	shalt  }
0x4f: {  	_ =	shalt  }
0x50: {  	_ =	shalt  }
0x51: {  	_ =	shalt  }
0x52: {  	_ =	shalt  }
0x53: {  	_ =	shalt  }
0x54: {  	_ =	shalt  }
0x55: {  	_ =	shalt  }
0x56: {  	_ =	shalt  }
0x57: {  	_ =	shalt  }
0x58: {  	_ =	shalt  }
0x59: {  	_ =	shalt  }
0x5a: {  	_ =	shalt  }
0x5b: {  	_ =	shalt  }
0x5c: {  	_ =	shalt  }
0x5d: {  	_ =	shalt  }
0x5e: {  	_ =	shalt  }
0x5f: {  	_ =	shalt  }
0x60: {  	_ =	shalt  }
0x61: {  	_ =	shalt  }
0x62: {  	_ =	shalt  }
0x63: {  	_ =	shalt  }
0x64: {  	_ =	shalt  }
0x65: {  	_ =	shalt  }
0x66: {  	_ =	shalt  }
0x67: {  	_ =	shalt  }
0x68: {  	_ =	shalt  }
0x69: {  	_ =	shalt  }
0x6a: {  	_ =	shalt  }
0x6b: {  	_ =	shalt  }
0x6c: {  	_ =	shalt  }
0x6d: {  	_ =	shalt  }
0x6e: {  	_ =	shalt  }
0x6f: {  	_ =	shalt  }
0x70: {  	_ =	shalt  }
0x71: {  	_ =	shalt  }
0x72: {  	_ =	shalt  }
0x73: {  	_ =	shalt  }
0x74: {  	_ =	shalt  }
0x75: {  	_ =	shalt  }
0x76: {  	_ =	shalt  }
0x77: {  	_ =	shalt  }
0x78: {  	_ =	shalt  }
0x79: {  	_ =	shalt  }
0x7a: {  	_ =	shalt  }
0x7b: {  	_ =	shalt  }
0x7c: {  	_ =	shalt  }
0x7d: {  	_ =	shalt  }
0x7e: {  	_ =	shalt  }
0x7f: {  	_ =	shalt  }
0x80: {  	_ =	shalt  }
0x81: {  	_ =	shalt  }
0x82: {  	_ =	shalt  }
0x83: {  	_ =	shalt  }
0x84: {  	_ =	shalt  }
0x85: {  	_ =	shalt  }
0x86: {  	_ =	shalt  }
0x87: {  	_ =	shalt  }
.Lfunc_end0:
.L_simem_size_0:
called_computation.3_lowered:
.L_overlay_start_0:
0x88: {  	s2 =	sld [smem:$0x3FD9]  }
0x89: {  	s3 =	sld [smem:$0x3FFE];
	_ =	sdelay $0x1  }
0x8a: {  	s1 =	srdreg.scid  }
0x8b: {  	s0 =	sand.u32 $0x1, s1  }
0x8c: {  	s17 =	sshll.u32 s0, $0xA;
	s2 =	sadd.s32 s3, s2  }
0x8d: {  	s2 =	sadd.s32 s2, s17  }
0x8e: {  	[smem:$0x3FA3] =	sst s2  }
0x8f: {  	_ = 	snop  }
0x90: {  	s2 =	sld [smem:$0x3FD0];
	(tm) =	ssettm $0x1  }
0x91: {  	s18 =	sld [smem:$0x3FFB];
	_ =	sdelay $0x3  }
0x92: {  	_ =	strace s18  }
0x93: {  	s3 =	sld [smem:$0x3FFC];
	_ =	sdelay $0x3  }
0x94: {  	_ =	strace s3  }
0x95: {  	s3 =	sld [smem:$0x3FFD];
	_ =	sdelay $0x3  }
0x96: {  	_ =	strace s3  }
0x97: {  	_ =	strace $0x8FFFFFFF  }
0x98: {  	s19 =	sld [smem:$0x3FDB];
	_ =	sdelay $0x1  }
0x99: {  	s4 =	simm.s32 $_scs_section_size  }
0x9a: {  	s5 =	simm.s32 $_size__tile_overlayer_lowered;
	s6 =	simm.s32 $_tile_overlayer_lowered  }
0x9b: {  	s22 =	simm.s32 $0x1BFF;
	s21 =	sshll.u32 s6, $0x1;
	s3 =	sadd.s32 s4, s19  }
0x9c: {  	s7 =	simm.s32 $0x0;
	s20 =	sshll.u32 s5, $0x1;
	s5 =	sadd.s32 s21, s3  }
0x9d: {  	[timem:s7], [sflag:s22] =	dma.local [hbm:s5], s20  }
0x9e: {  	_ =	swait.ge [sflag:s22], s20  }
0x9f: {  	s4 =	ssub.s32 $0x0, s20;
	[sflag:s22] =	ssyncset.done $0x0  }
0xa0: {  	[sflag:s22] =	ssyncadd.s32 s4;
	_ =	sdelay $0x1  }
0xa1: {  	s23 =	simm.s32 $0x1B8B  }
0xa2: {  	_ =	swait.ge [sflag:s23], $0x1  }
0xa3: {  	[sflag:s23] =	ssyncset.done $0x0  }
0xa4: {  	s25 =	simm.s32 $0x1B8E;
	s24 =	sld [smem:$0x3FFE];
	[sflag:s23] =	ssyncadd.s32 $0xFFFFFFFF  }
0xa5: {  	s26 =	simm.s32 $execute0_lowered;
	[smem:$0x3FD2] =	sst s25  }
0xa6: {  	s5 =	sshll.u32 s26, $0x1;
	_ =	strace $0x8000004F;
	[dreg:$0x1] =	wrdreg $0xFFFFFFFF  }
0xa7: {  	s28 =	simm.s32 $_size_execute0_lowered;
	s3 =	sadd.s32 s3, s5;
	[dreg:$0x0] =	wrdreg $0x0  }
0xa8: {  	s5 =	sshll.u32 s28, $0x1;
	[dreg:$0x2] =	wrdreg s3  }
0xa9: {  	[dreg:$0x3] =	wrdreg s5  }
0xaa: {  	[dreg:$0x4] =	wrdreg $0xC0  }
0xab: {  	_ =	task [dreg:s7], $0x5FFFF  }
0xac: {  	[dreg:$0x1] =	wrdreg $0xFFFFFFFF  }
0xad: {  	[dreg:$0x0] =	wrdreg $0x60  }
0xae: {  	[dreg:$0x2] =	wrdreg s24  }
0xaf: {  	[dreg:$0x3] =	wrdreg s2  }
0xb0: {  	[dreg:$0x4] =	wrdreg $0x90000  }
0xb1: {  	[dreg:$0x5] =	wrdreg $0xE0000  }
0xb2: {  	[dreg:$0x6] =	wrdreg $0x9  }
0xb3: {  	_ =	task.clear_ibuf [dreg:s7], $0x7FFFF;
	_ =	strace $0x9000004F  }
0xb4: {  	s29 =	simm.s32 $0x9;
	_ =	strace $0x80000051  }
0xb5: {  	_ =	swait.ge [sflag:s29], $0x1  }
0xb6: {  	[sflag:s29] =	ssyncadd.s32 $0xFFFFFFFF  }
0xb7: {  	_ =	strace $0x90000051  }
0xb8: {  	_ =	sfence  }
0xb9: {  	s30 =	sld [smem:$0x0];
	_ =	sdelay $0x2  }
0xba: {  	s31 =	sshll.u32 s1, $0xD;
	s1 =	sshrl.u32 s1, $0x2  }
0xbb: {  	s3 =	sand.u32 $0x4000, s31;
	s1 =	sadd.s32 s1, s30  }
0xbc: {  	s0 =	sor.u32 s3, s0;
	s1 =	sshll.u32 s1, $0x11  }
0xbd: {  	s0 =	sor.u32 s1, s0  }
0xbe: {  	s0 =	sadd.s32 $0x8F2B, s0  }
0xbf: {  	[sflag:s0] =	ssyncadd.remote.s32 $0x1  }
0xc0: {  	_ =	sfence.sel $0xFFFF  }
0xc1: {  	[dreg:$0x0] =	wrdreg $0xFFFFFFFF;
	(pc) =	sbr.abs _section_cstart, $3  }
0xc2: {  	[dreg:$0x1] =	wrdreg $0xFFFFFFFF  }
0xc3: {  	_ =	task.clear_ibuf [dreg:s7], $0x2FFFF;
	_ =	strace $0x9FFFFFFF  }
0xc4: {  	(tm) =	ssettm $0x7FFFFFFF  }
0xc5: {  	_ =	shalt  }
tec
execute0_lowered:
.L_overlay_start_1:
0x0: {  	(tag) =	ssettag $0x1  }
0x1: {  	s1 =	rddreg [dreg:$0x0]  }
0x2: {  	s0 =	srdreg.scid;
	s3 =	rddreg [dreg:$0x2]  }
0x3: {  	s10 =	stileid.u32;
	s4 =	rddreg [dreg:$0x3]  }
0x4: {  	s8 =	simm.s32 $0x0;
	s19 =	simm.s32 $0x3;
	s20 =	simm.s32 $0x4  }
0x5: {  	s21 =	simm.s32 $0x80;
	s22 =	simm.s32 $0x5000;
	s28 =	simm.s32 $0x7000  }
0x6: {  	s29 =	simm.s32 $0x2;
	s30 =	simm.s32 $0x6;
	s31 =	simm.s32 $0x0  }
0x7: {  	s0 =	sand.u32 $0x1, s0;
	s2 =	sshll.u32 s10, $0x1;
	s6 =	smul.u32 $0x5000, s10  }
0x8: {  	s7 =	smul.u32 $0xA00, s10;
	[smem:$0x7FF] =	sst s8;
	s12 =	sadd.s32 $0x1BF00, s1  }
0x9: {  	s13 =	sadd.s32 $0x12100, s1;
	s2 =	sor.u32 s0, s2;
	s23 =	smul.u32 $0xA000, s0  }
0xa: {  	_ =	strace $0x80000050;
	s0 =	ssub.s32 $0x2, s0;
	s5 =	smul.u32 $0x500, s2  }
0xb: {  	s9 =	sshrl.u32 s6, $0x3;
	s24 =	sshrl.u32 s0, $0x1;
	s16 =	sadd.s32 s6, s3  }
0xc: {  	s6 =	sadd.s32 s6, s4;
	p0 =	seq.s32 s2, $0x1F;
	s7 =	sadd.s32 s7, s23  }
0xd: {  	s9 =	sadd.s32 s9, s1;
	s0 =	ssub.s32 s0, s24;
	s16 =	sshrl.u32 s16, $0x3  }
0xe: {  	s18 =	sshrl.u32 s6, $0x3;
	s23 =	simm.s32 $0x6000;
	s24 =	simm.s32 $0x1  }
0xf: {  	s5 =	sadd.s32 s5, s1;
	s14 =	sadd.s32 s7, s1;
	s25 =	sadd.s32 $0x1C200, s9  }
0x10: {  	s7 =	sshll.u32 s10, $0x6;
	s9 =	sadd.s32 $0x26200, s9;
	s15 =	smax.u32 s0, $0x1  }
0x11: {  	s1 =	simm.s32 $0x8000;
	s0 =	simm.s32 $0x7;
	[dreg:$0x5] =	wrdreg s25  }
0x12: {  	s26 =	sor.u32 $0x1C03, s7;
	s10 =	sadd.s32 $0x12400, s5;
	s11 =	sadd.s32 $0x8600, s5  }
0x13: {  	s14 =	sadd.s32 $0x30200, s14;
	s17 =	sor.u32 $0x1C04, s7;
	s5 =	simm.s32 $0x5  }
0x14: {  	s25 =	simm.s32 $0x8;
	[dreg:$0x6] =	wrdreg s26;
	s26 =	simm.s32 $0x9  }
.LBB2_1:
0x15: {  	s2 =	rddreg [dreg:$0x5]  }
0x16: {  	s6 =	rddreg [dreg:$0x6]  }
0x17: {  	[spmem:s16], [sflag:s6] =	dma.local [hbm:s2], $0xA00  }
0x18: {  	s2 =	simm.s32 @p0 $0x0  }
0x19: {  	[spmem:s18], [sflag:s17] =	dma.local [hbm:s9], $0xA00  }
0x1a: {  	[tilespmem:s2], [sflag:$0x1] =	stream.linear.gather @p0 [hbm4b:s12+s2], $0xA00, $0x38;
	[tilespmem:$0x13000] =	vst v63  }
0x1b: {  	s6 =	simm.s32 @p0 $0x2800  }
0x1c: {  	[tilespmem:s6], [sflag:$0x2] =	stream.linear.gather @p0 [hbm4b:s13+s2], $0xA00, $0x38;
	[tilespmem:$0x13000] =	vst v63  }
0x1d: {  	s8 =	rddreg [dreg:$0x1];
	s6 =	simm.s32 @p0 $0xA00  }
0x1e: {  	[tilespmem:s6], [sflag:$0x5] =	stream.linear.gather @p0 [hbm4b:s8+s2], $0x1E00, $0x38;
	[tilespmem:$0x13000] =	vst v63  }
0x1f: {  	s6 =	simm.s32 @p0 $0x3200  }
0x20: {  	[tilespmem:s6], [sflag:$0x6] =	stream.linear.gather @p0 [hbm4b:s8+s2], $0x1E00, $0x38;
	[tilespmem:$0x13000] =	vst v63  }
0x21: {  	s2 =	simm.s32 @p0 $0x1  }
0x22: {  	_ =	swait.ge @p0 [sflag:s2], $0xA00  }
0x23: {  	[sflag:s2] =	ssyncset.done @p0 $0x0  }
0x24: {  	[sflag:s2] =	ssyncadd.s32 @p0 $0xFFFFF600;
	s2 =	simm.s32 @p0 $0x2  }
0x25: {  	_ =	swait.ge @p0 [sflag:s2], $0xA00  }
0x26: {  	[sflag:s2] =	ssyncset.done @p0 $0x0  }
0x27: {  	[sflag:s2] =	ssyncadd.s32 @p0 $0xFFFFF600;
	s2 =	simm.s32 @p0 $0x5  }
0x28: {  	_ =	swait.ge @p0 [sflag:s2], $0x1E00  }
0x29: {  	[sflag:s2] =	ssyncset.done @p0 $0x0  }
0x2a: {  	[sflag:s2] =	ssyncadd.s32 @p0 $0xFFFFE200;
	s2 =	simm.s32 @p0 $0x6  }
0x2b: {  	_ =	swait.ge @p0 [sflag:s2], $0x1E00  }
0x2c: {  	[sflag:s2] =	ssyncset.done @p0 $0x0  }
0x2d: {  	[sflag:s2] =	ssyncadd.s32 @p0 $0xFFFFE200;
	s2 =	simm.s32 @!p0 $0x0  }
0x2e: {  	[tilespmem:s2], [sflag:$0x1] =	stream.linear.gather @!p0 [hbm4b:s10+s2], $0x2800, $0x38;
	[tilespmem:$0x13000] =	vst v63  }
0x2f: {  	s6 =	simm.s32 @!p0 $0x2800  }
0x30: {  	[tilespmem:s6], [sflag:$0x2] =	stream.linear.gather @!p0 [hbm4b:s11+s2], $0x2800, $0x38;
	[tilespmem:$0x13000] =	vst v63  }
0x31: {  	s2 =	simm.s32 @!p0 $0x1  }
0x32: {  	_ =	swait.ge @!p0 [sflag:s2], $0x2800  }
0x33: {  	[sflag:s2] =	ssyncset.done @!p0 $0x0  }
0x34: {  	[sflag:s2] =	ssyncadd.s32 @!p0 $0xFFFFD800;
	s2 =	simm.s32 @!p0 $0x2  }
0x35: {  	_ =	swait.ge @!p0 [sflag:s2], $0x2800  }
0x36: {  	[sflag:s2] =	ssyncset.done @!p0 $0x0  }
0x37: {  	[sflag:s2] =	ssyncadd.s32 @!p0 $0xFFFFD800  }
0x38: {  	_ =	swait.ge [sflag:s19], $0xA00  }
0x39: {  	[sflag:s19] =	ssyncset.done $0x0  }
0x3a: {  	[sflag:s19] =	ssyncadd.s32 $0xFFFFF600  }
0x3b: {  	_ =	swait.ge [sflag:s20], $0xA00  }
0x3c: {  	[sflag:s20] =	ssyncset.done $0x0  }
0x3d: {  	[sflag:s20] =	ssyncadd.s32 $0xFFFFF600  }
0x3e: {  	s6 =	simm.s32 $0x0;
	[bflag:$0x0] =	sbarrier.arrive $0xFFFF  }
0x3f: {  	[tilespmem:s22], [sflag:$0x1] =	stream.indirect.gather [spmem:s3], $0x20, s6, s21, $0xb8;
	[tilespmem:$0x13000] =	vst v63  }
0x40: {  	_ = 	snop  }
0x41: {  	[tilespmem:s23], [sflag:$0x2] =	stream.indirect.gather [spmem:s3], $0x20, s21, s21, $0xb8;
	[tilespmem:$0x13000] =	vst v63  }
0x42: {  	_ =	swait.ge [sflag:s24], $0x1000  }
0x43: {  	[sflag:s24] =	ssyncset.done $0x0  }
0x44: {  	s8 =	simm.s32 $0x2800;
	[sflag:s24] =	ssyncadd.s32 $0xFFFFF000  }
0x45: {  	[spmem:s4] =	stream.indirect.scatter.add.f32 [tilespmem:s22], [sflag:$0x5], $0x20, s8, s21, $0xb8;
	[tilespmem:$0x13000] =	vst v63  }
0x46: {  	s6 =	simm.s32 $0x100  }
0x47: {  	[tilespmem:s28], [sflag:$0x3] =	stream.indirect.gather [spmem:s3], $0x20, s6, s21, $0xb8;
	[tilespmem:$0x13000] =	vst v63  }
0x48: {  	_ =	swait.ge [sflag:s29], $0x1000  }
0x49: {  	[sflag:s29] =	ssyncset.done $0x0  }
0x4a: {  	s8 =	simm.s32 $0x2880;
	[sflag:s29] =	ssyncadd.s32 $0xFFFFF000  }
0x4b: {  	[spmem:s4] =	stream.indirect.scatter.add.f32 [tilespmem:s23], [sflag:$0x6], $0x20, s8, s21, $0xb8;
	[tilespmem:$0x13000] =	vst v63  }
0x4c: {  	s6 =	simm.s32 $0x180  }
0x4d: {  	[tilespmem:s1], [sflag:$0x4] =	stream.indirect.gather [spmem:s3], $0x20, s6, s21, $0xb8;
	[tilespmem:$0x13000] =	vst v63  }
0x4e: {  	_ =	swait.ge [sflag:s19], $0x1000  }
0x4f: {  	[sflag:s19] =	ssyncset.done $0x0  }
0x50: {  	s8 =	simm.s32 $0x2900;
	[sflag:s19] =	ssyncadd.s32 $0xFFFFF000  }
0x51: {  	[spmem:s4] =	stream.indirect.scatter.add.f32 [tilespmem:s28], [sflag:$0x7], $0x20, s8, s21, $0xb8;
	[tilespmem:$0x13000] =	vst v63  }
0x52: {  	_ =	swait.ge [sflag:s5], $0x1000  }
0x53: {  	[sflag:s5] =	ssyncset.done $0x0  }
0x54: {  	s6 =	simm.s32 $0x200;
	[sflag:s5] =	ssyncadd.s32 $0xFFFFF000  }
0x55: {  	[tilespmem:s22], [sflag:$0x1] =	stream.indirect.gather [spmem:s3], $0x20, s6, s21, $0xb8;
	[tilespmem:$0x13000] =	vst v63  }
0x56: {  	_ =	swait.ge [sflag:s20], $0x1000  }
0x57: {  	[sflag:s20] =	ssyncset.done $0x0  }
0x58: {  	s8 =	simm.s32 $0x2980;
	[sflag:s20] =	ssyncadd.s32 $0xFFFFF000  }
0x59: {  	[spmem:s4] =	stream.indirect.scatter.add.f32 [tilespmem:s1], [sflag:$0x8], $0x20, s8, s21, $0xb8;
	[tilespmem:$0x13000] =	vst v63  }
0x5a: {  	_ =	swait.ge [sflag:s30], $0x1000  }
0x5b: {  	[sflag:s30] =	ssyncset.done $0x0  }
0x5c: {  	s6 =	simm.s32 $0x280;
	[sflag:s30] =	ssyncadd.s32 $0xFFFFF000  }
0x5d: {  	[tilespmem:s23], [sflag:$0x2] =	stream.indirect.gather [spmem:s3], $0x20, s6, s21, $0xb8;
	[tilespmem:$0x13000] =	vst v63  }
0x5e: {  	_ =	swait.ge [sflag:s24], $0x1000  }
0x5f: {  	[sflag:s24] =	ssyncset.done $0x0  }
0x60: {  	s8 =	simm.s32 $0x2A00;
	[sflag:s24] =	ssyncadd.s32 $0xFFFFF000  }
0x61: {  	[spmem:s4] =	stream.indirect.scatter.add.f32 [tilespmem:s22], [sflag:$0x5], $0x20, s8, s21, $0xb8;
	[tilespmem:$0x13000] =	vst v63  }
0x62: {  	_ =	swait.ge [sflag:s0], $0x1000  }
0x63: {  	[sflag:s0] =	ssyncset.done $0x0  }
0x64: {  	s6 =	simm.s32 $0x300;
	[sflag:s0] =	ssyncadd.s32 $0xFFFFF000  }
0x65: {  	[tilespmem:s28], [sflag:$0x3] =	stream.indirect.gather [spmem:s3], $0x20, s6, s21, $0xb8;
	[tilespmem:$0x13000] =	vst v63  }
0x66: {  	_ =	swait.ge [sflag:s29], $0x1000  }
0x67: {  	[sflag:s29] =	ssyncset.done $0x0  }
0x68: {  	s8 =	simm.s32 $0x2A80;
	[sflag:s29] =	ssyncadd.s32 $0xFFFFF000  }
0x69: {  	[spmem:s4] =	stream.indirect.scatter.add.f32 [tilespmem:s23], [sflag:$0x6], $0x20, s8, s21, $0xb8;
	[tilespmem:$0x13000] =	vst v63  }
0x6a: {  	_ =	swait.ge [sflag:s25], $0x1000  }
0x6b: {  	[sflag:s25] =	ssyncset.done $0x0  }
0x6c: {  	s6 =	simm.s32 $0x380;
	[sflag:s25] =	ssyncadd.s32 $0xFFFFF000  }
0x6d: {  	[tilespmem:s1], [sflag:$0x4] =	stream.indirect.gather [spmem:s3], $0x20, s6, s21, $0xb8;
	[tilespmem:$0x13000] =	vst v63  }
0x6e: {  	_ =	swait.ge [sflag:s19], $0x1000  }
0x6f: {  	[sflag:s19] =	ssyncset.done $0x0  }
0x70: {  	s8 =	simm.s32 $0x2B00;
	[sflag:s19] =	ssyncadd.s32 $0xFFFFF000  }
0x71: {  	[spmem:s4] =	stream.indirect.scatter.add.f32 [tilespmem:s28], [sflag:$0x7], $0x20, s8, s21, $0xb8;
	[tilespmem:$0x13000] =	vst v63  }
0x72: {  	_ =	swait.ge [sflag:s5], $0x1000  }
0x73: {  	[sflag:s5] =	ssyncset.done $0x0  }
0x74: {  	s6 =	simm.s32 $0x400;
	[sflag:s5] =	ssyncadd.s32 $0xFFFFF000  }
0x75: {  	[tilespmem:s22], [sflag:$0x1] =	stream.indirect.gather [spmem:s3], $0x20, s6, s21, $0xb8;
	[tilespmem:$0x13000] =	vst v63  }
0x76: {  	_ =	swait.ge [sflag:s20], $0x1000  }
0x77: {  	[sflag:s20] =	ssyncset.done $0x0  }
0x78: {  	s8 =	simm.s32 $0x2B80;
	[sflag:s20] =	ssyncadd.s32 $0xFFFFF000  }
0x79: {  	[spmem:s4] =	stream.indirect.scatter.add.f32 [tilespmem:s1], [sflag:$0x8], $0x20, s8, s21, $0xb8;
	[tilespmem:$0x13000] =	vst v63  }
0x7a: {  	_ =	swait.ge [sflag:s30], $0x1000  }
0x7b: {  	[sflag:s30] =	ssyncset.done $0x0  }
0x7c: {  	s2 =	simm.s32 $0x800;
	s6 =	simm.s32 $0x480;
	[sflag:s30] =	ssyncadd.s32 $0xFFFFF000  }
.LBB2_2:
0x7d: {  	[tilespmem:s23], [sflag:$0x2] =	stream.indirect.gather [spmem:s3], $0x20, s6, s21, $0xb8;
	[tilespmem:$0x13000] =	vst v63  }
0x7e: {  	s6 =	smov.u32 s2  }
0x7f: {  	p1 =	sne.s32 s2, $0x8800;
	s2 =	sadd.s32 $0x800, s2;
	_ =	swait.ge [sflag:s24], $0x1000  }
0x80: {  	s6 =	sshra.s32 s6, $0x2;
	[sflag:s24] =	ssyncset.done $0x0  }
0x81: {  	s8 =	sadd.s32 $0x2A00, s6;
	[sflag:s24] =	ssyncadd.s32 $0xFFFFF000  }
0x82: {  	[spmem:s4] =	stream.indirect.scatter.add.f32 [tilespmem:s22], [sflag:$0x5], $0x20, s8, s21, $0xb8;
	[tilespmem:$0x13000] =	vst v63  }
0x83: {  	_ =	swait.ge [sflag:s0], $0x1000  }
0x84: {  	[sflag:s0] =	ssyncset.done $0x0  }
0x85: {  	s8 =	sadd.s32 $0x300, s6;
	[sflag:s0] =	ssyncadd.s32 $0xFFFFF000  }
0x86: {  	[tilespmem:s28], [sflag:$0x3] =	stream.indirect.gather [spmem:s3], $0x20, s8, s21, $0xb8;
	[tilespmem:$0x13000] =	vst v63  }
0x87: {  	_ =	swait.ge [sflag:s29], $0x1000  }
0x88: {  	[sflag:s29] =	ssyncset.done $0x0  }
0x89: {  	s8 =	sadd.s32 $0x2A80, s6;
	[sflag:s29] =	ssyncadd.s32 $0xFFFFF000  }
0x8a: {  	[spmem:s4] =	stream.indirect.scatter.add.f32 [tilespmem:s23], [sflag:$0x6], $0x20, s8, s21, $0xb8;
	[tilespmem:$0x13000] =	vst v63  }
0x8b: {  	_ =	swait.ge [sflag:s25], $0x1000  }
0x8c: {  	[sflag:s25] =	ssyncset.done $0x0  }
0x8d: {  	s8 =	sadd.s32 $0x380, s6;
	[sflag:s25] =	ssyncadd.s32 $0xFFFFF000  }
0x8e: {  	[tilespmem:s1], [sflag:$0x4] =	stream.indirect.gather [spmem:s3], $0x20, s8, s21, $0xb8;
	[tilespmem:$0x13000] =	vst v63  }
0x8f: {  	_ =	swait.ge [sflag:s19], $0x1000  }
0x90: {  	[sflag:s19] =	ssyncset.done $0x0  }
0x91: {  	s8 =	sadd.s32 $0x2B00, s6;
	[sflag:s19] =	ssyncadd.s32 $0xFFFFF000  }
0x92: {  	[spmem:s4] =	stream.indirect.scatter.add.f32 [tilespmem:s28], [sflag:$0x7], $0x20, s8, s21, $0xb8;
	[tilespmem:$0x13000] =	vst v63  }
0x93: {  	_ =	swait.ge [sflag:s5], $0x1000  }
0x94: {  	[sflag:s5] =	ssyncset.done $0x0  }
0x95: {  	s8 =	sadd.s32 $0x400, s6;
	[sflag:s5] =	ssyncadd.s32 $0xFFFFF000  }
0x96: {  	[tilespmem:s22], [sflag:$0x1] =	stream.indirect.gather [spmem:s3], $0x20, s8, s21, $0xb8;
	[tilespmem:$0x13000] =	vst v63  }
0x97: {  	_ =	swait.ge [sflag:s20], $0x1000  }
0x98: {  	[sflag:s20] =	ssyncset.done $0x0  }
.Ltmp0:
0x99: {  	s8 =	sadd.s32 $0x2B80, s6;
	[sflag:s20] =	ssyncadd.s32 $0xFFFFF000;
	(pc) =	sbr.rel @p1 .LBB2_2-.Ltmp0, $4  }
0x9a: {  	[spmem:s4] =	stream.indirect.scatter.add.f32 [tilespmem:s1], [sflag:$0x8], $0x20, s8, s21, $0xb8;
	[tilespmem:$0x13000] =	vst v63  }
0x9b: {  	_ =	swait.ge [sflag:s30], $0x1000  }
0x9c: {  	[sflag:s30] =	ssyncset.done $0x0  }
0x9d: {  	s6 =	sadd.s32 $0x480, s6;
	[sflag:s30] =	ssyncadd.s32 $0xFFFFF000  }
0x9e: {  	[tilespmem:s23], [sflag:$0x2] =	stream.indirect.gather [spmem:s3], $0x20, s6, s21, $0xb8;
	[tilespmem:$0x13000] =	vst v63  }
0x9f: {  	_ =	swait.ge [sflag:s24], $0x1000  }
0xa0: {  	[sflag:s24] =	ssyncset.done $0x0  }
0xa1: {  	s2 =	simm.s32 $0x4E00;
	[sflag:s24] =	ssyncadd.s32 $0xFFFFF000  }
0xa2: {  	[spmem:s4] =	stream.indirect.scatter.add.f32 [tilespmem:s22], [sflag:$0x5], $0x20, s2, s21, $0xb8;
	[tilespmem:$0x13000] =	vst v63  }
0xa3: {  	_ =	swait.ge [sflag:s0], $0x1000  }
0xa4: {  	[sflag:s0] =	ssyncset.done $0x0  }
0xa5: {  	s6 =	simm.s32 $0x2700;
	[sflag:s0] =	ssyncadd.s32 $0xFFFFF000  }
0xa6: {  	[tilespmem:s28], [sflag:$0x3] =	stream.indirect.gather [spmem:s3], $0x20, s6, s21, $0xb8;
	[tilespmem:$0x13000] =	vst v63  }
0xa7: {  	_ =	swait.ge [sflag:s29], $0x1000  }
0xa8: {  	[sflag:s29] =	ssyncset.done $0x0  }
0xa9: {  	s8 =	simm.s32 $0x4E80;
	[sflag:s29] =	ssyncadd.s32 $0xFFFFF000  }
0xaa: {  	[spmem:s4] =	stream.indirect.scatter.add.f32 [tilespmem:s23], [sflag:$0x6], $0x20, s8, s21, $0xb8;
	[tilespmem:$0x13000] =	vst v63  }
0xab: {  	_ =	swait.ge [sflag:s25], $0x1000  }
0xac: {  	[sflag:s25] =	ssyncset.done $0x0  }
0xad: {  	s6 =	simm.s32 $0x2780;
	[sflag:s25] =	ssyncadd.s32 $0xFFFFF000  }
0xae: {  	[tilespmem:s1], [sflag:$0x4] =	stream.indirect.gather [spmem:s3], $0x20, s6, s21, $0xb8;
	[tilespmem:$0x13000] =	vst v63  }
0xaf: {  	_ =	swait.ge [sflag:s19], $0x1000  }
0xb0: {  	[sflag:s19] =	ssyncset.done $0x0  }
0xb1: {  	s8 =	simm.s32 $0x4F00;
	[sflag:s19] =	ssyncadd.s32 $0xFFFFF000  }
0xb2: {  	[spmem:s4] =	stream.indirect.scatter.add.f32 [tilespmem:s28], [sflag:$0x7], $0x20, s8, s21, $0xb8;
	[tilespmem:$0x13000] =	vst v63  }
0xb3: {  	_ =	swait.ge [sflag:s20], $0x1000  }
0xb4: {  	[sflag:s20] =	ssyncset.done $0x0  }
0xb5: {  	s6 =	simm.s32 $0x4F80;
	[sflag:s20] =	ssyncadd.s32 $0xFFFFF000  }
0xb6: {  	[spmem:s4] =	stream.indirect.scatter.add.f32 [tilespmem:s1], [sflag:$0x8], $0x20, s6, s21, $0xb8;
	[tilespmem:$0x13000] =	vst v63  }
0xb7: {  	_ =	swait.ge [sflag:s5], $0x1000  }
0xb8: {  	[sflag:s5] =	ssyncset.done $0x0  }
0xb9: {  	[sflag:s5] =	ssyncadd.s32 $0xFFFFF000  }
0xba: {  	_ =	swait.ge [sflag:s30], $0x1000  }
0xbb: {  	[sflag:s30] =	ssyncset.done $0x0  }
0xbc: {  	[sflag:s30] =	ssyncadd.s32 $0xFFFFF000  }
0xbd: {  	_ =	swait.ge [sflag:s0], $0x1000  }
0xbe: {  	[sflag:s0] =	ssyncset.done $0x0  }
0xbf: {  	[sflag:s0] =	ssyncadd.s32 $0xFFFFF000  }
0xc0: {  	_ =	swait.ge [sflag:s25], $0x1000  }
0xc1: {  	s31 =	sadd.s32 $0x1, s31;
	[sflag:s25] =	ssyncset.done $0x0  }
0xc2: {  	p1 =	sne.s32 s31, s15;
	[sflag:s25] =	ssyncadd.s32 $0xFFFFF000  }
.Ltmp1:
0xc3: {  	s8 =	sor.u32 $0x1C09, s7;
	[bflag:$0x0] =	sbarrier.arrive $0xFFFF;
	(pc) =	sbr.rel @p1 .LBB2_1-.Ltmp1, $4  }
0xc4: {  	[hbm:s14], [sflag:s8] =	dma.local [spmem:s18], $0xA00  }
0xc5: {  	_ =	swait.ge [sflag:s26], $0xA00  }
0xc6: {  	[sflag:s26] =	ssyncset.done $0x0  }
0xc7: {  	[sflag:s26] =	ssyncadd.s32 $0xFFFFF600  }
0xc8: {  	_ =	sfence.sel $0x180000  }
0xc9: {  	[bflag:$0x0] =	sbarrier.arrive $0xFFFF  }
0xca: {  	_ =	strace $0x90000050  }
0xcb: {  	s0 =	stileid.u32;
	[bflag:$0x2] =	sbarrier.arrive $0xFFFF  }
0xcc: {  	p0 =	sne.s32 s0, $0x0;
	s0 =	rddreg [dreg:$0x4]  }
0xcd: {  	s0 =	sadd.s32 @!p0 $0x100000, s0  }
0xce: {  	[sflag:s0] =	ssyncadd.tile.s32 @!p0 $0x1;
	_ =	shalt  }
.Lfunc_end2:
_tile_overlayer_lowered:
.L_overlay_start_2:
0xcf: {  	(tag) =	ssettag $0x2  }
0xd0: {  	s0 =	rddreg [dreg:$0x0];
	s2 =	stileid.u32  }
0xd1: {  	s1 =	rddreg [dreg:$0x1];
	p0 =	sne.s32 s2, $0x0  }
0xd2: {  	s3 =	rddreg [dreg:$0x2];
	[bflag:$0x3] =	sbarrier.arrive $0xFFFF;
	s2 =	simm.s32 @!p0 $0x1C09  }
0xd3: {  	[timem:s3], [sflag:s2] =	dma.local @!p0 [hbm:s0], s1  }
0xd4: {  	s0 =	simm.s32 @!p0 $0x9  }
0xd5: {  	_ =	swait.ge @!p0 [sflag:s0], s1  }
0xd6: {  	s1 =	ssub.s32 @!p0 $0x0, s1;
	[sflag:s0] =	ssyncset.done @!p0 $0x0  }
0xd7: {  	[sflag:s0] =	ssyncadd.s32 @!p0 s1  }
0xd8: {  	[bflag:$0x3] =	sbarrier.arrive $0xFFFF  }
0xd9: {  	_ =	shalt  }

// kernel: kernel.25.cloned.1.call-start
scs
__scs_entry_jumppad:
0x0: {  	(pc) =	sbr.rel $0x88, $3  }
0x1: {  	(tag) =	ssettag $0x0;
	lr =	simm.s32 $0x1  }
0x2: {  	[smem:$0x3F7C] =	sst lr;
	_ =	strace $0xD0000000  }
0x3: {  	_ = 	snop  }
0x4: {  	_ = 	snop  }
0x5: {  	_ = 	snop  }
0x6: {  	_ = 	snop  }
0x7: {  	_ = 	snop  }
__scs_overlays_trampoline_lowered:
0x8: {  	[smem:$0x3F8B] =	sst s0  }
0x9: {  	[smem:$0x3F8C] =	sst s1  }
0xa: {  	[smem:$0x3F8D] =	sst s2  }
0xb: {  	[smem:$0x3F8E] =	sst s3  }
0xc: {  	[smem:$0x3F8F] =	sst s4  }
0xd: {  	[smem:$0x3F90] =	sst s5  }
0xe: {  	[smem:$0x3F91] =	sst s6  }
0xf: {  	[smem:$0x3F92] =	sst s7  }
0x10: {  	[smem:$0x3F93] =	sst s8  }
0x11: {  	[smem:$0x3F94] =	sst s9;
	s0 =	simm.s32 @!p0 $0x0  }
0x12: {  	s1 =	sld [smem:$0x3F7A];
	s0 =	simm.s32 @p0 $0x1  }
0x13: {  	[smem:$0x3F95] =	sst s0;
	s0 =	simm.s32 @!p1 $0x0  }
0x14: {  	s2 =	sld [smem:$0x3F79];
	s0 =	simm.s32 @p1 $0x1  }
0x15: {  	[smem:$0x3F96] =	sst s0;
	s0 =	simm.s32 @!p2 $0x0  }
0x16: {  	s3 =	sld [smem:$0x3FDB];
	s0 =	simm.s32 @p2 $0x1  }
0x17: {  	s4 =	simm.s32 $0x1BF5;
	[smem:$0x3F98] =	sst s0  }
0x18: {  	s0 =	sld [smem:$0x3F7B];
	_ =	swait.ge [sflag:s4], $0x0  }
0x19: {  	s7 =	sld [smem:$0x3F7C]  }
0x1a: {  	s8 =	sadd.s32 $0xFFFFE003, lr  }
0x1b: {  	s9 =	sadd.s32 $0xFFFFFEF7, lr;
	s5 =	simm.s32 $0xFFFFFFFF;
	p2 =	slt.u32 s8, $0xFFFFF086  }
0x1c: {  	p1 =	slt.u32 s9, $0xF7A;
	s5 =	simm.s32 @!p2 $0x0  }
0x1d: {  	s5 =	simm.s32 @p1 $0x1;
	p0 =	seq.s32 s7, s2  }
0x1e: {  	s7 =	smul.u32 @!p0 $0xF7A, s2;
	p2 =	seq.s32 @!p0 s5, $0x0  }
0x1f: {  	s9 =	smul.u32 $0xF7A, s1;
	s8 =	simm.s32 @!p0 $0x1BF5;
	p2 =	por !p2, p0  }
0x20: {  	[sflag:s8] =	ssyncset.s32 @!p0 $0xFFFFF086;
	s6 =	sadd.s32 @!p0 s3, s7;
	s7 =	simm.s32 @!p0 $0x108  }
0x21: {  	s3 =	sadd.s32 s3, s9;
	s6 =	sadd.s32 @!p0 $0x88, s6;
	s7 =	simm.s32 @p2 $0x1082  }
0x22: {  	[simem:s7], [sflag:s8] =	dma.local @!p0 [hbm:s6], $0xF7A  }
0x23: {  	s9 =	sor.u32 $0xD0000000, s2;
	s6 =	simm.s32 $0x108;
	_ =	swait.ge @!p0 [sflag:s8], $0x0  }
0x24: {  	s3 =	sadd.s32 $0x88, s3;
	s6 =	simm.s32 @!p1 $0x1082;
	[sflag:s4] =	ssyncset.s32 $0xFFFFF086  }
0x25: {  	[simem:s6], [sflag:s4] =	dma.local [hbm:s3], $0xF7A  }
0x26: {  	[smem:$0x3F7C] =	sst s1;
	(tag) =	ssettag s2;
	_ =	strace s9  }
0x27: {  	s1 =	sld [smem:$0x3F8C]  }
0x28: {  	s2 =	sld [smem:$0x3F8D]  }
0x29: {  	s4 =	sld [smem:$0x3F8F]  }
0x2a: {  	p0 =	seq.s32 s5, $0x0;
	s5 =	sld [smem:$0x3F90]  }
0x2b: {  	s6 =	sld [smem:$0x3F91]  }
0x2c: {  	s7 =	sld [smem:$0x3F92]  }
0x2d: {  	s3 =	simm.s32 $0x108;
	s8 =	sld [smem:$0x3F93]  }
0x2e: {  	s3 =	simm.s32 @!p0 $0x1082;
	s9 =	sld [smem:$0x3F94]  }
0x2f: {  	lr =	sadd.s32 s0, s3;
	s0 =	sld [smem:$0x3F8B]  }
0x30: {  	s3 =	sld [smem:$0x3F8E]  }
0x31: {  	[smem:$0x3F97] =	sst s10  }
0x32: {  	s10 =	sld [smem:$0x3F95];
	_ =	sdelay $0x3  }
0x33: {  	p0 =	seq.s32 s10, $0x1;
	s10 =	sld [smem:$0x3F97];
	_ =	sdelay $0x3  }
0x34: {  	[smem:$0x3F97] =	sst s10  }
0x35: {  	s10 =	sld [smem:$0x3F96];
	_ =	sdelay $0x3  }
0x36: {  	p1 =	seq.s32 s10, $0x1;
	s10 =	sld [smem:$0x3F97];
	_ =	sdelay $0x3  }
0x37: {  	[smem:$0x3F97] =	sst s10  }
0x38: {  	s10 =	sld [smem:$0x3F98]  }
0x39: {  	_ = 	snop;
	(pc) =	sbr.ind lr, $3  }
0x3a: {  	_ = 	snop  }
0x3b: {  	_ = 	snop  }
0x3c: {  	p2 =	seq.s32 s10, $0x1;
	s10 =	sld [smem:$0x3F97]  }
0x3d: {  	_ =	shalt  }
0x3e: {  	_ =	shalt  }
0x3f: {  	_ =	shalt  }
0x40: {  	_ =	shalt  }
0x41: {  	_ =	shalt  }
0x42: {  	_ =	shalt  }
0x43: {  	_ =	shalt  }
0x44: {  	_ =	shalt  }
0x45: {  	_ =	shalt  }
0x46: {  	_ =	shalt  }
0x47: {  	_ =	shalt  }
0x48: {  	_ =	shalt  }
0x49: {  	_ =	shalt  }
0x4a: {  	_ =	shalt  }
0x4b: {  	_ =	shalt  }
0x4c: {  	_ =	shalt  }
0x4d: {  	_ =	shalt  }
0x4e: {  	_ =	shalt  }
0x4f: {  	_ =	shalt  }
0x50: {  	_ =	shalt  }
0x51: {  	_ =	shalt  }
0x52: {  	_ =	shalt  }
0x53: {  	_ =	shalt  }
0x54: {  	_ =	shalt  }
0x55: {  	_ =	shalt  }
0x56: {  	_ =	shalt  }
0x57: {  	_ =	shalt  }
0x58: {  	_ =	shalt  }
0x59: {  	_ =	shalt  }
0x5a: {  	_ =	shalt  }
0x5b: {  	_ =	shalt  }
0x5c: {  	_ =	shalt  }
0x5d: {  	_ =	shalt  }
0x5e: {  	_ =	shalt  }
0x5f: {  	_ =	shalt  }
0x60: {  	_ =	shalt  }
0x61: {  	_ =	shalt  }
0x62: {  	_ =	shalt  }
0x63: {  	_ =	shalt  }
0x64: {  	_ =	shalt  }
0x65: {  	_ =	shalt  }
0x66: {  	_ =	shalt  }
0x67: {  	_ =	shalt  }
0x68: {  	_ =	shalt  }
0x69: {  	_ =	shalt  }
0x6a: {  	_ =	shalt  }
0x6b: {  	_ =	shalt  }
0x6c: {  	_ =	shalt  }
0x6d: {  	_ =	shalt  }
0x6e: {  	_ =	shalt  }
0x6f: {  	_ =	shalt  }
0x70: {  	_ =	shalt  }
0x71: {  	_ =	shalt  }
0x72: {  	_ =	shalt  }
0x73: {  	_ =	shalt  }
0x74: {  	_ =	shalt  }
0x75: {  	_ =	shalt  }
0x76: {  	_ =	shalt  }
0x77: {  	_ =	shalt  }
0x78: {  	_ =	shalt  }
0x79: {  	_ =	shalt  }
0x7a: {  	_ =	shalt  }
0x7b: {  	_ =	shalt  }
0x7c: {  	_ =	shalt  }
0x7d: {  	_ =	shalt  }
0x7e: {  	_ =	shalt  }
0x7f: {  	_ =	shalt  }
0x80: {  	_ =	shalt  }
0x81: {  	_ =	shalt  }
0x82: {  	_ =	shalt  }
0x83: {  	_ =	shalt  }
0x84: {  	_ =	shalt  }
0x85: {  	_ =	shalt  }
0x86: {  	_ =	shalt  }
0x87: {  	_ =	shalt  }
.Lfunc_end0:
.L_simem_size_0:
called_computation.4_lowered:
.L_overlay_start_0:
0x88: {  	s2 =	sld [smem:$0x3FD9]  }
0x89: {  	s3 =	sld [smem:$0x3FFE];
	_ =	sdelay $0x1  }
0x8a: {  	s1 =	srdreg.scid  }
0x8b: {  	s0 =	sand.u32 $0x1, s1  }
0x8c: {  	s17 =	sshll.u32 s0, $0xA;
	s2 =	sadd.s32 s3, s2  }
0x8d: {  	s2 =	sadd.s32 s2, s17  }
0x8e: {  	[smem:$0x3FA3] =	sst s2  }
0x8f: {  	_ = 	snop  }
0x90: {  	s2 =	sld [smem:$0x3FD0];
	(tm) =	ssettm $0x1  }
0x91: {  	s18 =	sld [smem:$0x3FFB];
	_ =	sdelay $0x3  }
0x92: {  	_ =	strace s18  }
0x93: {  	s3 =	sld [smem:$0x3FFC];
	_ =	sdelay $0x3  }
0x94: {  	_ =	strace s3  }
0x95: {  	s3 =	sld [smem:$0x3FFD];
	_ =	sdelay $0x3  }
0x96: {  	_ =	strace s3  }
0x97: {  	_ =	strace $0x8FFFFFFF  }
0x98: {  	s19 =	sld [smem:$0x3FDB];
	_ =	sdelay $0x1  }
0x99: {  	s4 =	simm.s32 $_scs_section_size  }
0x9a: {  	s5 =	simm.s32 $_size__tile_overlayer_lowered;
	s6 =	simm.s32 $_tile_overlayer_lowered  }
0x9b: {  	s22 =	simm.s32 $0x1BFF;
	s21 =	sshll.u32 s6, $0x1;
	s3 =	sadd.s32 s4, s19  }
0x9c: {  	s7 =	simm.s32 $0x0;
	s20 =	sshll.u32 s5, $0x1;
	s5 =	sadd.s32 s21, s3  }
0x9d: {  	[timem:s7], [sflag:s22] =	dma.local [hbm:s5], s20  }
0x9e: {  	_ =	swait.ge [sflag:s22], s20  }
0x9f: {  	s4 =	ssub.s32 $0x0, s20;
	[sflag:s22] =	ssyncset.done $0x0  }
0xa0: {  	[sflag:s22] =	ssyncadd.s32 s4;
	_ =	sdelay $0x1  }
0xa1: {  	s23 =	simm.s32 $0x1B8B  }
0xa2: {  	_ =	swait.ge [sflag:s23], $0x1  }
0xa3: {  	[sflag:s23] =	ssyncset.done $0x0  }
0xa4: {  	s25 =	simm.s32 $0x1B8E;
	s24 =	sld [smem:$0x3FFE];
	[sflag:s23] =	ssyncadd.s32 $0xFFFFFFFF  }
0xa5: {  	s26 =	simm.s32 $execute0_lowered;
	[smem:$0x3FD2] =	sst s25  }
0xa6: {  	s5 =	sshll.u32 s26, $0x1;
	_ =	strace $0x80000052;
	[dreg:$0x1] =	wrdreg $0xFFFFFFFF  }
0xa7: {  	s28 =	simm.s32 $_size_execute0_lowered;
	s3 =	sadd.s32 s3, s5;
	[dreg:$0x0] =	wrdreg $0x0  }
0xa8: {  	s5 =	sshll.u32 s28, $0x1;
	[dreg:$0x2] =	wrdreg s3  }
0xa9: {  	[dreg:$0x3] =	wrdreg s5  }
0xaa: {  	[dreg:$0x4] =	wrdreg $0xC0  }
0xab: {  	_ =	task [dreg:s7], $0x5FFFF  }
0xac: {  	[dreg:$0x1] =	wrdreg $0xFFFFFFFF  }
0xad: {  	[dreg:$0x0] =	wrdreg $0x60  }
0xae: {  	[dreg:$0x2] =	wrdreg s24  }
0xaf: {  	[dreg:$0x3] =	wrdreg s2  }
0xb0: {  	[dreg:$0x4] =	wrdreg $0x90000  }
0xb1: {  	[dreg:$0x5] =	wrdreg $0xE0000  }
0xb2: {  	[dreg:$0x6] =	wrdreg $0x9  }
0xb3: {  	_ =	task.clear_ibuf [dreg:s7], $0x7FFFF;
	_ =	strace $0x90000052  }
0xb4: {  	s29 =	simm.s32 $0x9;
	_ =	strace $0x80000054  }
0xb5: {  	_ =	swait.ge [sflag:s29], $0x1  }
0xb6: {  	[sflag:s29] =	ssyncadd.s32 $0xFFFFFFFF  }
0xb7: {  	_ =	strace $0x90000054  }
0xb8: {  	_ =	sfence  }
0xb9: {  	s30 =	sld [smem:$0x0];
	_ =	sdelay $0x2  }
0xba: {  	s31 =	sshll.u32 s1, $0xD;
	s1 =	sshrl.u32 s1, $0x2  }
0xbb: {  	s3 =	sand.u32 $0x4000, s31;
	s1 =	sadd.s32 s1, s30  }
0xbc: {  	s0 =	sor.u32 s3, s0;
	s1 =	sshll.u32 s1, $0x11  }
0xbd: {  	s0 =	sor.u32 s1, s0  }
0xbe: {  	s0 =	sadd.s32 $0x8F2B, s0  }
0xbf: {  	[sflag:s0] =	ssyncadd.remote.s32 $0x1  }
0xc0: {  	_ =	sfence.sel $0xFFFF  }
0xc1: {  	[dreg:$0x0] =	wrdreg $0xFFFFFFFF;
	(pc) =	sbr.abs _section_cstart, $3  }
0xc2: {  	[dreg:$0x1] =	wrdreg $0xFFFFFFFF  }
0xc3: {  	_ =	task.clear_ibuf [dreg:s7], $0x2FFFF;
	_ =	strace $0x9FFFFFFF  }
0xc4: {  	(tm) =	ssettm $0x7FFFFFFF  }
0xc5: {  	_ =	shalt  }
tec
execute0_lowered:
.L_overlay_start_1:
0x0: {  	(tag) =	ssettag $0x1  }
0x1: {  	s1 =	rddreg [dreg:$0x0]  }
0x2: {  	s0 =	srdreg.scid;
	s3 =	rddreg [dreg:$0x2]  }
0x3: {  	s10 =	stileid.u32;
	s4 =	rddreg [dreg:$0x3]  }
0x4: {  	s8 =	simm.s32 $0x0;
	s19 =	simm.s32 $0x3;
	s20 =	simm.s32 $0x4  }
0x5: {  	s21 =	simm.s32 $0x80;
	s22 =	simm.s32 $0x5000;
	s28 =	simm.s32 $0x7000  }
0x6: {  	s29 =	simm.s32 $0x2;
	s30 =	simm.s32 $0x6;
	s31 =	simm.s32 $0x0  }
0x7: {  	s0 =	sand.u32 $0x1, s0;
	s2 =	sshll.u32 s10, $0x1;
	s6 =	smul.u32 $0x5000, s10  }
0x8: {  	s7 =	smul.u32 $0xA00, s10;
	[smem:$0x7FF] =	sst s8;
	s12 =	sadd.s32 $0x1BF00, s1  }
0x9: {  	s13 =	sadd.s32 $0x12100, s1;
	s2 =	sor.u32 s0, s2;
	s23 =	smul.u32 $0xA000, s0  }
0xa: {  	_ =	strace $0x80000053;
	s0 =	ssub.s32 $0x2, s0;
	s5 =	smul.u32 $0x500, s2  }
0xb: {  	s9 =	sshrl.u32 s6, $0x3;
	s24 =	sshrl.u32 s0, $0x1;
	s16 =	sadd.s32 s6, s3  }
0xc: {  	s6 =	sadd.s32 s6, s4;
	p0 =	seq.s32 s2, $0x1F;
	s7 =	sadd.s32 s7, s23  }
0xd: {  	s9 =	sadd.s32 s9, s1;
	s0 =	ssub.s32 s0, s24;
	s16 =	sshrl.u32 s16, $0x3  }
0xe: {  	s18 =	sshrl.u32 s6, $0x3;
	s23 =	simm.s32 $0x6000;
	s24 =	simm.s32 $0x1  }
0xf: {  	s5 =	sadd.s32 s5, s1;
	s14 =	sadd.s32 s7, s1;
	s25 =	sadd.s32 $0x1C200, s9  }
0x10: {  	s7 =	sshll.u32 s10, $0x6;
	s9 =	sadd.s32 $0x26200, s9;
	s15 =	smax.u32 s0, $0x1  }
0x11: {  	s1 =	simm.s32 $0x8000;
	s0 =	simm.s32 $0x7;
	[dreg:$0x5] =	wrdreg s25  }
0x12: {  	s26 =	sor.u32 $0x1C03, s7;
	s10 =	sadd.s32 $0x12400, s5;
	s11 =	sadd.s32 $0x8600, s5  }
0x13: {  	s14 =	sadd.s32 $0x30200, s14;
	s17 =	sor.u32 $0x1C04, s7;
	s5 =	simm.s32 $0x5  }
0x14: {  	s25 =	simm.s32 $0x8;
	[dreg:$0x6] =	wrdreg s26;
	s26 =	simm.s32 $0x9  }
.LBB2_1:
0x15: {  	s2 =	rddreg [dreg:$0x5]  }
0x16: {  	s6 =	rddreg [dreg:$0x6]  }
0x17: {  	[spmem:s16], [sflag:s6] =	dma.local [hbm:s2], $0xA00  }
0x18: {  	s2 =	simm.s32 @p0 $0x0  }
0x19: {  	[spmem:s18], [sflag:s17] =	dma.local [hbm:s9], $0xA00  }
0x1a: {  	[tilespmem:s2], [sflag:$0x1] =	stream.linear.gather @p0 [hbm4b:s12+s2], $0xA00, $0x38;
	[tilespmem:$0x13000] =	vst v63  }
0x1b: {  	s6 =	simm.s32 @p0 $0x2800  }
0x1c: {  	[tilespmem:s6], [sflag:$0x2] =	stream.linear.gather @p0 [hbm4b:s13+s2], $0xA00, $0x38;
	[tilespmem:$0x13000] =	vst v63  }
0x1d: {  	s8 =	rddreg [dreg:$0x1];
	s6 =	simm.s32 @p0 $0xA00  }
0x1e: {  	[tilespmem:s6], [sflag:$0x5] =	stream.linear.gather @p0 [hbm4b:s8+s2], $0x1E00, $0x38;
	[tilespmem:$0x13000] =	vst v63  }
0x1f: {  	s6 =	simm.s32 @p0 $0x3200  }
0x20: {  	[tilespmem:s6], [sflag:$0x6] =	stream.linear.gather @p0 [hbm4b:s8+s2], $0x1E00, $0x38;
	[tilespmem:$0x13000] =	vst v63  }
0x21: {  	s2 =	simm.s32 @p0 $0x1  }
0x22: {  	_ =	swait.ge @p0 [sflag:s2], $0xA00  }
0x23: {  	[sflag:s2] =	ssyncset.done @p0 $0x0  }
0x24: {  	[sflag:s2] =	ssyncadd.s32 @p0 $0xFFFFF600;
	s2 =	simm.s32 @p0 $0x2  }
0x25: {  	_ =	swait.ge @p0 [sflag:s2], $0xA00  }
0x26: {  	[sflag:s2] =	ssyncset.done @p0 $0x0  }
0x27: {  	[sflag:s2] =	ssyncadd.s32 @p0 $0xFFFFF600;
	s2 =	simm.s32 @p0 $0x5  }
0x28: {  	_ =	swait.ge @p0 [sflag:s2], $0x1E00  }
0x29: {  	[sflag:s2] =	ssyncset.done @p0 $0x0  }
0x2a: {  	[sflag:s2] =	ssyncadd.s32 @p0 $0xFFFFE200;
	s2 =	simm.s32 @p0 $0x6  }
0x2b: {  	_ =	swait.ge @p0 [sflag:s2], $0x1E00  }
0x2c: {  	[sflag:s2] =	ssyncset.done @p0 $0x0  }
0x2d: {  	[sflag:s2] =	ssyncadd.s32 @p0 $0xFFFFE200;
	s2 =	simm.s32 @!p0 $0x0  }
0x2e: {  	[tilespmem:s2], [sflag:$0x1] =	stream.linear.gather @!p0 [hbm4b:s10+s2], $0x2800, $0x38;
	[tilespmem:$0x13000] =	vst v63  }
0x2f: {  	s6 =	simm.s32 @!p0 $0x2800  }
0x30: {  	[tilespmem:s6], [sflag:$0x2] =	stream.linear.gather @!p0 [hbm4b:s11+s2], $0x2800, $0x38;
	[tilespmem:$0x13000] =	vst v63  }
0x31: {  	s2 =	simm.s32 @!p0 $0x1  }
0x32: {  	_ =	swait.ge @!p0 [sflag:s2], $0x2800  }
0x33: {  	[sflag:s2] =	ssyncset.done @!p0 $0x0  }
0x34: {  	[sflag:s2] =	ssyncadd.s32 @!p0 $0xFFFFD800;
	s2 =	simm.s32 @!p0 $0x2  }
0x35: {  	_ =	swait.ge @!p0 [sflag:s2], $0x2800  }
0x36: {  	[sflag:s2] =	ssyncset.done @!p0 $0x0  }
0x37: {  	[sflag:s2] =	ssyncadd.s32 @!p0 $0xFFFFD800  }
0x38: {  	_ =	swait.ge [sflag:s19], $0xA00  }
0x39: {  	[sflag:s19] =	ssyncset.done $0x0  }
0x3a: {  	[sflag:s19] =	ssyncadd.s32 $0xFFFFF600  }
0x3b: {  	_ =	swait.ge [sflag:s20], $0xA00  }
0x3c: {  	[sflag:s20] =	ssyncset.done $0x0  }
0x3d: {  	[sflag:s20] =	ssyncadd.s32 $0xFFFFF600  }
0x3e: {  	s6 =	simm.s32 $0x0;
	[bflag:$0x0] =	sbarrier.arrive $0xFFFF  }
0x3f: {  	[tilespmem:s22], [sflag:$0x1] =	stream.indirect.gather [spmem:s3], $0x20, s6, s21, $0xb8;
	[tilespmem:$0x13000] =	vst v63  }
0x40: {  	_ = 	snop  }
0x41: {  	[tilespmem:s23], [sflag:$0x2] =	stream.indirect.gather [spmem:s3], $0x20, s21, s21, $0xb8;
	[tilespmem:$0x13000] =	vst v63  }
0x42: {  	_ =	swait.ge [sflag:s24], $0x1000  }
0x43: {  	[sflag:s24] =	ssyncset.done $0x0  }
0x44: {  	s8 =	simm.s32 $0x2800;
	[sflag:s24] =	ssyncadd.s32 $0xFFFFF000  }
0x45: {  	[spmem:s4] =	stream.indirect.scatter.add.f32 [tilespmem:s22], [sflag:$0x5], $0x20, s8, s21, $0xb8;
	[tilespmem:$0x13000] =	vst v63  }
0x46: {  	s6 =	simm.s32 $0x100  }
0x47: {  	[tilespmem:s28], [sflag:$0x3] =	stream.indirect.gather [spmem:s3], $0x20, s6, s21, $0xb8;
	[tilespmem:$0x13000] =	vst v63  }
0x48: {  	_ =	swait.ge [sflag:s29], $0x1000  }
0x49: {  	[sflag:s29] =	ssyncset.done $0x0  }
0x4a: {  	s8 =	simm.s32 $0x2880;
	[sflag:s29] =	ssyncadd.s32 $0xFFFFF000  }
0x4b: {  	[spmem:s4] =	stream.indirect.scatter.add.f32 [tilespmem:s23], [sflag:$0x6], $0x20, s8, s21, $0xb8;
	[tilespmem:$0x13000] =	vst v63  }
0x4c: {  	s6 =	simm.s32 $0x180  }
0x4d: {  	[tilespmem:s1], [sflag:$0x4] =	stream.indirect.gather [spmem:s3], $0x20, s6, s21, $0xb8;
	[tilespmem:$0x13000] =	vst v63  }
0x4e: {  	_ =	swait.ge [sflag:s19], $0x1000  }
0x4f: {  	[sflag:s19] =	ssyncset.done $0x0  }
0x50: {  	s8 =	simm.s32 $0x2900;
	[sflag:s19] =	ssyncadd.s32 $0xFFFFF000  }
0x51: {  	[spmem:s4] =	stream.indirect.scatter.add.f32 [tilespmem:s28], [sflag:$0x7], $0x20, s8, s21, $0xb8;
	[tilespmem:$0x13000] =	vst v63  }
0x52: {  	_ =	swait.ge [sflag:s5], $0x1000  }
0x53: {  	[sflag:s5] =	ssyncset.done $0x0  }
0x54: {  	s6 =	simm.s32 $0x200;
	[sflag:s5] =	ssyncadd.s32 $0xFFFFF000  }
0x55: {  	[tilespmem:s22], [sflag:$0x1] =	stream.indirect.gather [spmem:s3], $0x20, s6, s21, $0xb8;
	[tilespmem:$0x13000] =	vst v63  }
0x56: {  	_ =	swait.ge [sflag:s20], $0x1000  }
0x57: {  	[sflag:s20] =	ssyncset.done $0x0  }
0x58: {  	s8 =	simm.s32 $0x2980;
	[sflag:s20] =	ssyncadd.s32 $0xFFFFF000  }
0x59: {  	[spmem:s4] =	stream.indirect.scatter.add.f32 [tilespmem:s1], [sflag:$0x8], $0x20, s8, s21, $0xb8;
	[tilespmem:$0x13000] =	vst v63  }
0x5a: {  	_ =	swait.ge [sflag:s30], $0x1000  }
0x5b: {  	[sflag:s30] =	ssyncset.done $0x0  }
0x5c: {  	s6 =	simm.s32 $0x280;
	[sflag:s30] =	ssyncadd.s32 $0xFFFFF000  }
0x5d: {  	[tilespmem:s23], [sflag:$0x2] =	stream.indirect.gather [spmem:s3], $0x20, s6, s21, $0xb8;
	[tilespmem:$0x13000] =	vst v63  }
0x5e: {  	_ =	swait.ge [sflag:s24], $0x1000  }
0x5f: {  	[sflag:s24] =	ssyncset.done $0x0  }
0x60: {  	s8 =	simm.s32 $0x2A00;
	[sflag:s24] =	ssyncadd.s32 $0xFFFFF000  }
0x61: {  	[spmem:s4] =	stream.indirect.scatter.add.f32 [tilespmem:s22], [sflag:$0x5], $0x20, s8, s21, $0xb8;
	[tilespmem:$0x13000] =	vst v63  }
0x62: {  	_ =	swait.ge [sflag:s0], $0x1000  }
0x63: {  	[sflag:s0] =	ssyncset.done $0x0  }
0x64: {  	s6 =	simm.s32 $0x300;
	[sflag:s0] =	ssyncadd.s32 $0xFFFFF000  }
0x65: {  	[tilespmem:s28], [sflag:$0x3] =	stream.indirect.gather [spmem:s3], $0x20, s6, s21, $0xb8;
	[tilespmem:$0x13000] =	vst v63  }
0x66: {  	_ =	swait.ge [sflag:s29], $0x1000  }
0x67: {  	[sflag:s29] =	ssyncset.done $0x0  }
0x68: {  	s8 =	simm.s32 $0x2A80;
	[sflag:s29] =	ssyncadd.s32 $0xFFFFF000  }
0x69: {  	[spmem:s4] =	stream.indirect.scatter.add.f32 [tilespmem:s23], [sflag:$0x6], $0x20, s8, s21, $0xb8;
	[tilespmem:$0x13000] =	vst v63  }
0x6a: {  	_ =	swait.ge [sflag:s25], $0x1000  }
0x6b: {  	[sflag:s25] =	ssyncset.done $0x0  }
0x6c: {  	s6 =	simm.s32 $0x380;
	[sflag:s25] =	ssyncadd.s32 $0xFFFFF000  }
0x6d: {  	[tilespmem:s1], [sflag:$0x4] =	stream.indirect.gather [spmem:s3], $0x20, s6, s21, $0xb8;
	[tilespmem:$0x13000] =	vst v63  }
0x6e: {  	_ =	swait.ge [sflag:s19], $0x1000  }
0x6f: {  	[sflag:s19] =	ssyncset.done $0x0  }
0x70: {  	s8 =	simm.s32 $0x2B00;
	[sflag:s19] =	ssyncadd.s32 $0xFFFFF000  }
0x71: {  	[spmem:s4] =	stream.indirect.scatter.add.f32 [tilespmem:s28], [sflag:$0x7], $0x20, s8, s21, $0xb8;
	[tilespmem:$0x13000] =	vst v63  }
0x72: {  	_ =	swait.ge [sflag:s5], $0x1000  }
0x73: {  	[sflag:s5] =	ssyncset.done $0x0  }
0x74: {  	s6 =	simm.s32 $0x400;
	[sflag:s5] =	ssyncadd.s32 $0xFFFFF000  }
0x75: {  	[tilespmem:s22], [sflag:$0x1] =	stream.indirect.gather [spmem:s3], $0x20, s6, s21, $0xb8;
	[tilespmem:$0x13000] =	vst v63  }
0x76: {  	_ =	swait.ge [sflag:s20], $0x1000  }
0x77: {  	[sflag:s20] =	ssyncset.done $0x0  }
0x78: {  	s8 =	simm.s32 $0x2B80;
	[sflag:s20] =	ssyncadd.s32 $0xFFFFF000  }
0x79: {  	[spmem:s4] =	stream.indirect.scatter.add.f32 [tilespmem:s1], [sflag:$0x8], $0x20, s8, s21, $0xb8;
	[tilespmem:$0x13000] =	vst v63  }
0x7a: {  	_ =	swait.ge [sflag:s30], $0x1000  }
0x7b: {  	[sflag:s30] =	ssyncset.done $0x0  }
0x7c: {  	s2 =	simm.s32 $0x800;
	s6 =	simm.s32 $0x480;
	[sflag:s30] =	ssyncadd.s32 $0xFFFFF000  }
.LBB2_2:
0x7d: {  	[tilespmem:s23], [sflag:$0x2] =	stream.indirect.gather [spmem:s3], $0x20, s6, s21, $0xb8;
	[tilespmem:$0x13000] =	vst v63  }
0x7e: {  	s6 =	smov.u32 s2  }
0x7f: {  	p1 =	sne.s32 s2, $0x8800;
	s2 =	sadd.s32 $0x800, s2;
	_ =	swait.ge [sflag:s24], $0x1000  }
0x80: {  	s6 =	sshra.s32 s6, $0x2;
	[sflag:s24] =	ssyncset.done $0x0  }
0x81: {  	s8 =	sadd.s32 $0x2A00, s6;
	[sflag:s24] =	ssyncadd.s32 $0xFFFFF000  }
0x82: {  	[spmem:s4] =	stream.indirect.scatter.add.f32 [tilespmem:s22], [sflag:$0x5], $0x20, s8, s21, $0xb8;
	[tilespmem:$0x13000] =	vst v63  }
0x83: {  	_ =	swait.ge [sflag:s0], $0x1000  }
0x84: {  	[sflag:s0] =	ssyncset.done $0x0  }
0x85: {  	s8 =	sadd.s32 $0x300, s6;
	[sflag:s0] =	ssyncadd.s32 $0xFFFFF000  }
0x86: {  	[tilespmem:s28], [sflag:$0x3] =	stream.indirect.gather [spmem:s3], $0x20, s8, s21, $0xb8;
	[tilespmem:$0x13000] =	vst v63  }
0x87: {  	_ =	swait.ge [sflag:s29], $0x1000  }
0x88: {  	[sflag:s29] =	ssyncset.done $0x0  }
0x89: {  	s8 =	sadd.s32 $0x2A80, s6;
	[sflag:s29] =	ssyncadd.s32 $0xFFFFF000  }
0x8a: {  	[spmem:s4] =	stream.indirect.scatter.add.f32 [tilespmem:s23], [sflag:$0x6], $0x20, s8, s21, $0xb8;
	[tilespmem:$0x13000] =	vst v63  }
0x8b: {  	_ =	swait.ge [sflag:s25], $0x1000  }
0x8c: {  	[sflag:s25] =	ssyncset.done $0x0  }
0x8d: {  	s8 =	sadd.s32 $0x380, s6;
	[sflag:s25] =	ssyncadd.s32 $0xFFFFF000  }
0x8e: {  	[tilespmem:s1], [sflag:$0x4] =	stream.indirect.gather [spmem:s3], $0x20, s8, s21, $0xb8;
	[tilespmem:$0x13000] =	vst v63  }
0x8f: {  	_ =	swait.ge [sflag:s19], $0x1000  }
0x90: {  	[sflag:s19] =	ssyncset.done $0x0  }
0x91: {  	s8 =	sadd.s32 $0x2B00, s6;
	[sflag:s19] =	ssyncadd.s32 $0xFFFFF000  }
0x92: {  	[spmem:s4] =	stream.indirect.scatter.add.f32 [tilespmem:s28], [sflag:$0x7], $0x20, s8, s21, $0xb8;
	[tilespmem:$0x13000] =	vst v63  }
0x93: {  	_ =	swait.ge [sflag:s5], $0x1000  }
0x94: {  	[sflag:s5] =	ssyncset.done $0x0  }
0x95: {  	s8 =	sadd.s32 $0x400, s6;
	[sflag:s5] =	ssyncadd.s32 $0xFFFFF000  }
0x96: {  	[tilespmem:s22], [sflag:$0x1] =	stream.indirect.gather [spmem:s3], $0x20, s8, s21, $0xb8;
	[tilespmem:$0x13000] =	vst v63  }
0x97: {  	_ =	swait.ge [sflag:s20], $0x1000  }
0x98: {  	[sflag:s20] =	ssyncset.done $0x0  }
.Ltmp0:
0x99: {  	s8 =	sadd.s32 $0x2B80, s6;
	[sflag:s20] =	ssyncadd.s32 $0xFFFFF000;
	(pc) =	sbr.rel @p1 .LBB2_2-.Ltmp0, $4  }
0x9a: {  	[spmem:s4] =	stream.indirect.scatter.add.f32 [tilespmem:s1], [sflag:$0x8], $0x20, s8, s21, $0xb8;
	[tilespmem:$0x13000] =	vst v63  }
0x9b: {  	_ =	swait.ge [sflag:s30], $0x1000  }
0x9c: {  	[sflag:s30] =	ssyncset.done $0x0  }
0x9d: {  	s6 =	sadd.s32 $0x480, s6;
	[sflag:s30] =	ssyncadd.s32 $0xFFFFF000  }
0x9e: {  	[tilespmem:s23], [sflag:$0x2] =	stream.indirect.gather [spmem:s3], $0x20, s6, s21, $0xb8;
	[tilespmem:$0x13000] =	vst v63  }
0x9f: {  	_ =	swait.ge [sflag:s24], $0x1000  }
0xa0: {  	[sflag:s24] =	ssyncset.done $0x0  }
0xa1: {  	s2 =	simm.s32 $0x4E00;
	[sflag:s24] =	ssyncadd.s32 $0xFFFFF000  }
0xa2: {  	[spmem:s4] =	stream.indirect.scatter.add.f32 [tilespmem:s22], [sflag:$0x5], $0x20, s2, s21, $0xb8;
	[tilespmem:$0x13000] =	vst v63  }
0xa3: {  	_ =	swait.ge [sflag:s0], $0x1000  }
0xa4: {  	[sflag:s0] =	ssyncset.done $0x0  }
0xa5: {  	s6 =	simm.s32 $0x2700;
	[sflag:s0] =	ssyncadd.s32 $0xFFFFF000  }
0xa6: {  	[tilespmem:s28], [sflag:$0x3] =	stream.indirect.gather [spmem:s3], $0x20, s6, s21, $0xb8;
	[tilespmem:$0x13000] =	vst v63  }
0xa7: {  	_ =	swait.ge [sflag:s29], $0x1000  }
0xa8: {  	[sflag:s29] =	ssyncset.done $0x0  }
0xa9: {  	s8 =	simm.s32 $0x4E80;
	[sflag:s29] =	ssyncadd.s32 $0xFFFFF000  }
0xaa: {  	[spmem:s4] =	stream.indirect.scatter.add.f32 [tilespmem:s23], [sflag:$0x6], $0x20, s8, s21, $0xb8;
	[tilespmem:$0x13000] =	vst v63  }
0xab: {  	_ =	swait.ge [sflag:s25], $0x1000  }
0xac: {  	[sflag:s25] =	ssyncset.done $0x0  }
0xad: {  	s6 =	simm.s32 $0x2780;
	[sflag:s25] =	ssyncadd.s32 $0xFFFFF000  }
0xae: {  	[tilespmem:s1], [sflag:$0x4] =	stream.indirect.gather [spmem:s3], $0x20, s6, s21, $0xb8;
	[tilespmem:$0x13000] =	vst v63  }
0xaf: {  	_ =	swait.ge [sflag:s19], $0x1000  }
0xb0: {  	[sflag:s19] =	ssyncset.done $0x0  }
0xb1: {  	s8 =	simm.s32 $0x4F00;
	[sflag:s19] =	ssyncadd.s32 $0xFFFFF000  }
0xb2: {  	[spmem:s4] =	stream.indirect.scatter.add.f32 [tilespmem:s28], [sflag:$0x7], $0x20, s8, s21, $0xb8;
	[tilespmem:$0x13000] =	vst v63  }
0xb3: {  	_ =	swait.ge [sflag:s20], $0x1000  }
0xb4: {  	[sflag:s20] =	ssyncset.done $0x0  }
0xb5: {  	s6 =	simm.s32 $0x4F80;
	[sflag:s20] =	ssyncadd.s32 $0xFFFFF000  }
0xb6: {  	[spmem:s4] =	stream.indirect.scatter.add.f32 [tilespmem:s1], [sflag:$0x8], $0x20, s6, s21, $0xb8;
	[tilespmem:$0x13000] =	vst v63  }
0xb7: {  	_ =	swait.ge [sflag:s5], $0x1000  }
0xb8: {  	[sflag:s5] =	ssyncset.done $0x0  }
0xb9: {  	[sflag:s5] =	ssyncadd.s32 $0xFFFFF000  }
0xba: {  	_ =	swait.ge [sflag:s30], $0x1000  }
0xbb: {  	[sflag:s30] =	ssyncset.done $0x0  }
0xbc: {  	[sflag:s30] =	ssyncadd.s32 $0xFFFFF000  }
0xbd: {  	_ =	swait.ge [sflag:s0], $0x1000  }
0xbe: {  	[sflag:s0] =	ssyncset.done $0x0  }
0xbf: {  	[sflag:s0] =	ssyncadd.s32 $0xFFFFF000  }
0xc0: {  	_ =	swait.ge [sflag:s25], $0x1000  }
0xc1: {  	s31 =	sadd.s32 $0x1, s31;
	[sflag:s25] =	ssyncset.done $0x0  }
0xc2: {  	p1 =	sne.s32 s31, s15;
	[sflag:s25] =	ssyncadd.s32 $0xFFFFF000  }
.Ltmp1:
0xc3: {  	s8 =	sor.u32 $0x1C09, s7;
	[bflag:$0x0] =	sbarrier.arrive $0xFFFF;
	(pc) =	sbr.rel @p1 .LBB2_1-.Ltmp1, $4  }
0xc4: {  	[hbm:s14], [sflag:s8] =	dma.local [spmem:s18], $0xA00  }
0xc5: {  	_ =	swait.ge [sflag:s26], $0xA00  }
0xc6: {  	[sflag:s26] =	ssyncset.done $0x0  }
0xc7: {  	[sflag:s26] =	ssyncadd.s32 $0xFFFFF600  }
0xc8: {  	_ =	sfence.sel $0x180000  }
0xc9: {  	[bflag:$0x0] =	sbarrier.arrive $0xFFFF  }
0xca: {  	_ =	strace $0x90000053  }
0xcb: {  	s0 =	stileid.u32;
	[bflag:$0x2] =	sbarrier.arrive $0xFFFF  }
0xcc: {  	p0 =	sne.s32 s0, $0x0;
	s0 =	rddreg [dreg:$0x4]  }
0xcd: {  	s0 =	sadd.s32 @!p0 $0x100000, s0  }
0xce: {  	[sflag:s0] =	ssyncadd.tile.s32 @!p0 $0x1;
	_ =	shalt  }
.Lfunc_end2:
_tile_overlayer_lowered:
.L_overlay_start_2:
0xcf: {  	(tag) =	ssettag $0x2  }
0xd0: {  	s0 =	rddreg [dreg:$0x0];
	s2 =	stileid.u32  }
0xd1: {  	s1 =	rddreg [dreg:$0x1];
	p0 =	sne.s32 s2, $0x0  }
0xd2: {  	s3 =	rddreg [dreg:$0x2];
	[bflag:$0x3] =	sbarrier.arrive $0xFFFF;
	s2 =	simm.s32 @!p0 $0x1C09  }
0xd3: {  	[timem:s3], [sflag:s2] =	dma.local @!p0 [hbm:s0], s1  }
0xd4: {  	s0 =	simm.s32 @!p0 $0x9  }
0xd5: {  	_ =	swait.ge @!p0 [sflag:s0], s1  }
0xd6: {  	s1 =	ssub.s32 @!p0 $0x0, s1;
	[sflag:s0] =	ssyncset.done @!p0 $0x0  }
0xd7: {  	[sflag:s0] =	ssyncadd.s32 @!p0 s1  }
0xd8: {  	[bflag:$0x3] =	sbarrier.arrive $0xFFFF  }
0xd9: {  	_ =	shalt  }

</sc_bundles>
